<compile_context>
chip_gen: v7x
topology: tpu7x:2x2x1
jax: 0.10.2.dev20260603
libtpu: 0.0.44.dev20260713+nightly
codegen_flags: <defaults>
</compile_context>

<pallas_src>
import functools

import jax
import jax.numpy as jnp
from jax import lax
from jax.experimental import pallas as pl
from jax.experimental.pallas import tpu as pltpu
from jax.experimental.pallas import tpu_sc as plsc

N = 10000
D = 128
E = 320000
NC = 2
NS = 16
NW = NC * NS
EPW = E // NW
K = 125
C = EPW // K
IB = 8
NB = C // IB
NROWS = 10240
RPT = NROWS // NS
DPT = NROWS // NS
SR = N // NS
ZR = 64

_mesh = plsc.VectorSubcoreMesh(core_axis_name="c", subcore_axis_name="s")
_sc_params = pltpu.CompilerParams(use_tc_tiling_on_sc=False)


@functools.partial(
    pl.kernel,
    out_type=jax.ShapeDtypeStruct((NC * NROWS,), jnp.float32),
    mesh=_mesh,
    compiler_params=_sc_params,
    scratch_types=dict(
        deg=pltpu.VMEM_SHARED((NROWS,), jnp.float32),
        dst_v=pltpu.VMEM((C, K), jnp.int32),
        ones_v=pltpu.VMEM((K,), jnp.float32),
        zbuf=pltpu.VMEM((DPT,), jnp.float32),
    ),
)
def _deg_kernel(ei_hbm, out_hbm, *, deg, dst_v, ones_v, zbuf):
    cid = lax.axis_index("c")
    sid = lax.axis_index("s")
    wid = sid * NC + cid

    def zbody(i, _):
        zbuf[pl.ds(i * 16, 16)] = jnp.zeros((16,), jnp.float32)
        return 0

    lax.fori_loop(0, DPT // 16, zbody, 0)
    pltpu.sync_copy(zbuf, deg.at[pl.ds(sid * DPT, DPT)])

    ones_offs = list(range(0, K - 15, 16))
    if ones_offs[-1] + 16 < K:
        ones_offs.append(K - 16)
    for off in ones_offs:
        ones_v[pl.ds(off, 16)] = jnp.ones((16,), jnp.float32)

    pltpu.sync_copy(ei_hbm.at[1, wid], dst_v)
    plsc.subcore_barrier()

    def chunk(j, _):
        pltpu.sync_copy(ones_v, deg.at[dst_v.at[j]], add=True)
        return 0

    lax.fori_loop(0, C, chunk, 0)
    plsc.subcore_barrier()

    pltpu.sync_copy(deg.at[pl.ds(sid * DPT, DPT)],
                    out_hbm.at[pl.ds(cid * NROWS + sid * DPT, DPT)])


@functools.partial(
    pl.kernel,
    out_type=jax.ShapeDtypeStruct((NC, NROWS, D), jnp.int16),
    mesh=_mesh,
    compiler_params=_sc_params,
    scratch_types=dict(
        acc=pltpu.VMEM_SHARED((NROWS, D), jnp.int16),
        src_v=pltpu.VMEM((2, IB, K), jnp.int32),
        dst_v=pltpu.VMEM((2, IB, K), jnp.int32),
        buf0=pltpu.VMEM((K, D), jnp.int16),
        buf1=pltpu.VMEM((K, D), jnp.int16),
        sbuf=pltpu.VMEM((SR // 5, D), jnp.int16),
        sidx=pltpu.VMEM((SR // 5,), jnp.int32),
        zbuf=pltpu.VMEM((ZR, D), jnp.int16),
        gsem0=pltpu.SemaphoreType.DMA,
        gsem1=pltpu.SemaphoreType.DMA,
        ssem0=pltpu.SemaphoreType.DMA,
        ssem1=pltpu.SemaphoreType.DMA,
        isem=pltpu.SemaphoreType.DMA,
    ),
)
def _agg_kernel(q_hbm, ei_hbm, out_hbm, *,
                acc, src_v, dst_v, buf0, buf1, sbuf, sidx, zbuf,
                gsem0, gsem1, ssem0, ssem1, isem):
    cid = lax.axis_index("c")
    sid = lax.axis_index("s")
    wid = sid * NC + cid
    bufs = (buf0, buf1)
    gsems = (gsem0, gsem1)
    ssems = (ssem0, ssem1)

    def zbody(i, _):
        for c in range(D // 32):
            zbuf[i, pl.ds(c * 32, 32)] = jnp.zeros((32,), jnp.int16)
        return 0

    lax.fori_loop(0, ZR, zbody, 0)
    for t in range(RPT // ZR):
        pltpu.sync_copy(zbuf, acc.at[pl.ds(sid * RPT + t * ZR, ZR)])
    plsc.subcore_barrier()

    SRC = SR // 5
    sidx_offs = list(range(0, SRC - 15, 16))
    if sidx_offs[-1] + 16 < SRC:
        sidx_offs.append(SRC - 16)

    @pl.when(cid == 0)
    def _():
        for t in range(5):
            base = sid * SR + t * SRC
            for off in sidx_offs:
                sidx[pl.ds(off, 16)] = lax.iota(jnp.int32, 16) + (base + off)
            pltpu.sync_copy(q_hbm.at[pl.ds(base, SRC)], sbuf)
            pltpu.sync_copy(sbuf, acc.at[sidx], add=True)

    def fetch_idx(b, slot):
        pltpu.async_copy(ei_hbm.at[0, wid, pl.ds(b * IB, IB)], src_v.at[slot], isem)
        pltpu.async_copy(ei_hbm.at[1, wid, pl.ds(b * IB, IB)], dst_v.at[slot], isem)

    def wait_idx(slot):
        pltpu.make_async_copy(ei_hbm.at[0, wid, pl.ds(0, IB)], src_v.at[slot], isem).wait()
        pltpu.make_async_copy(ei_hbm.at[1, wid, pl.ds(0, IB)], dst_v.at[slot], isem).wait()

    def start_gather(slot, r, p):
        pltpu.async_copy(q_hbm.at[src_v.at[slot, r]], bufs[p], gsems[p])

    def wait_gather(p):
        pltpu.make_async_copy(q_hbm.at[src_v.at[0, 0]], bufs[p], gsems[p]).wait()

    def start_scatter(slot, r, p):
        pltpu.async_copy(bufs[p], acc.at[dst_v.at[slot, r]], ssems[p], add=True)

    def wait_scatter(p):
        pltpu.make_async_copy(bufs[p], acc.at[dst_v.at[0, 0]], ssems[p]).wait()

    fetch_idx(0, 0)
    wait_idx(0)
    start_gather(0, 0, 0)

    def block(b, _):
        slot = lax.rem(b, 2)
        nslot = lax.rem(b + 1, 2)
        for t_ in range(IB):
            p = t_ % 2
            q = 1 - p
            wait_gather(p)
            start_scatter(slot, t_, p)
            if t_ == 0:
                @pl.when(b > 0)
                def _():
                    wait_scatter(q)

                @pl.when(b < NB - 1)
                def _():
                    fetch_idx(b + 1, nslot)
            else:
                wait_scatter(q)
            if t_ == IB - 1:
                @pl.when(b < NB - 1)
                def _():
                    wait_idx(nslot)
                    start_gather(nslot, 0, q)
            else:
                start_gather(slot, t_ + 1, q)
        return 0

    lax.fori_loop(0, NB, block, 0)
    wait_scatter((C - 1) % 2)
    plsc.subcore_barrier()

    pltpu.sync_copy(acc.at[pl.ds(sid * RPT, RPT)],
                    out_hbm.at[cid, pl.ds(sid * RPT, RPT)])


def _dinv_col(degp_ref):
    hist = degp_ref[...].sum(axis=0)
    deg = hist + 1.0
    dinv = lax.rsqrt(deg)
    return hist, dinv[:N, None]


def _scale_for(g, hist):
    cnt_max = jnp.max(hist) + 1.0
    maxg = jnp.max(jnp.abs(g))
    return (32767.0 - 0.5 * cnt_max - 2.0) / jnp.maximum(cnt_max * maxg, 1e-20)


def _tc1_body(degp_ref, x_ref, w_ref, g_ref, sc_ref):
    hist, dv = _dinv_col(degp_ref)
    h = jnp.dot(x_ref[...], w_ref[...], preferred_element_type=jnp.float32)
    g = h * dv
    g_ref[...] = g
    sc_ref[...] = jnp.full((1, 1), _scale_for(g, hist), jnp.float32)


def _tc2_body(accf_ref, degp_ref, b_ref, w_ref, g_ref, sc_ref):
    hist, dv = _dinv_col(degp_ref)
    out = dv * accf_ref[...] + b_ref[...]
    h = jnp.maximum(out, 0.0)
    g = dv * jnp.dot(h, w_ref[...], preferred_element_type=jnp.float32)
    g_ref[...] = g
    sc_ref[...] = jnp.full((1, 1), _scale_for(g, hist), jnp.float32)


def _tc3_body(accf_ref, degp_ref, b_ref, out_ref):
    _, dv = _dinv_col(degp_ref)
    out_ref[...] = dv * accf_ref[...] + b_ref[...]


def _quant_cast(g, sc):
    return jnp.clip(jnp.round(g * sc), -32767.0, 32767.0).astype(jnp.int16)


def _dequant_cast(accp, sc):
    p = jax.lax.bitcast_convert_type(
        accp.reshape(NC, NROWS, D // 2, 2), jnp.int32)
    lo = (p << 16) >> 16
    hi = p >> 16
    lo_s = lo[0, :N] + lo[1, :N]
    hi_s = hi[0, :N] + hi[1, :N]
    s = jnp.stack([lo_s, hi_s], axis=-1).reshape(N, D)
    return s.astype(jnp.float32) * (1.0 / sc)


def kernel(x, edge_index, W0, b0, W1, b1):
    ei4 = edge_index.reshape(2, NW, C, K)

    deg_p = _deg_kernel(ei4).reshape(NC, NROWS)

    g0, sc0 = pl.pallas_call(
        _tc1_body,
        out_shape=(
            jax.ShapeDtypeStruct((N, D), jnp.float32),
            jax.ShapeDtypeStruct((1, 1), jnp.float32),
        ),
    )(deg_p, x, W0)

    acc0 = _agg_kernel(_quant_cast(g0, sc0), ei4)

    g1, sc1 = pl.pallas_call(
        _tc2_body,
        out_shape=(
            jax.ShapeDtypeStruct((N, D), jnp.float32),
            jax.ShapeDtypeStruct((1, 1), jnp.float32),
        ),
    )(_dequant_cast(acc0, sc0), deg_p, b0.reshape(1, D), W1)

    acc1 = _agg_kernel(_quant_cast(g1, sc1), ei4)

    out = pl.pallas_call(
        _tc3_body,
        out_shape=jax.ShapeDtypeStruct((N, D), jnp.float32),
    )(_dequant_cast(acc1, sc1), deg_p, b1.reshape(1, D))

    return out

# --- scband reference (transcript-rebuilt; emitter-appended) ---
"""Pipeline reference for scband-mpgnnencoder-2310692405392 (READ-ONLY COPY).

The authoritative reference and input builder live on the scoring server;
editing this copy changes nothing except your own understanding.
"""

import jax, jax.numpy as jnp
import numpy as np


def gcn_conv(x, edge_index, W, b):
    # Faithful PyG-style GCNConv: linear transform, add self-loops,
    # symmetric normalization, scatter-add aggregation, plus bias.
    n = x.shape[0]
    src = edge_index[0]
    dst = edge_index[1]
    loop = jnp.arange(n, dtype=edge_index.dtype)
    src = jnp.concatenate([src, loop])
    dst = jnp.concatenate([dst, loop])
    deg = jnp.zeros((n,), jnp.float32).at[dst].add(1.0)
    dinv = jnp.where(deg > 0, jax.lax.rsqrt(deg), 0.0)
    norm = dinv[src] * dinv[dst]
    h = x @ W
    msg = jnp.take(h, src, axis=0) * norm[:, None]
    out = jnp.zeros((n, h.shape[1]), jnp.float32).at[dst].add(msg)
    return out + b


def setup_inputs(seed: int = 0):
    key = jax.random.key(seed)
    ks = jax.random.split(key, 8)
    n, d = 10000, 128
    e = 320000
    x = jax.random.normal(ks[0], (n, d), dtype=jnp.float32)
    edge_index = jax.random.randint(ks[1], (2, e), 0, n, dtype=jnp.int32)
    s = float(np.sqrt(6.0 / (d + d)))  # glorot uniform
    W0 = jax.random.uniform(ks[2], (d, d), jnp.float32, -s, s)
    b0 = jnp.zeros((d,), jnp.float32)
    W1 = jax.random.uniform(ks[3], (d, d), jnp.float32, -s, s)
    b1 = jnp.zeros((d,), jnp.float32)
    return {"x": x, "edge_index": edge_index, "W0": W0, "b0": b0, "W1": W1, "b1": b1}


def reference(x, edge_index, W0, b0, W1, b1):
    # MPGNNEncoder.forward in eval mode (dropout p=0.0 -> identity,
    # norm=False -> nn.Identity BN layers).
    h = gcn_conv(x, edge_index, W0, b0)
    h = jax.nn.relu(h)
    out = gcn_conv(h, edge_index, W1, b1)
    return out

if __name__ == "__main__":
    import jax
    _d = setup_inputs()
    print(jax.jit(kernel)(*tuple(_d.values())))

</pallas_src>

<mosaic_0001>
#map = affine_map<(d0, d1) -> (0, 0)>
#map1 = affine_map<(d0, d1) -> (0, 0, 0, 0)>
#map2 = affine_map<(d0, d1) -> (0, 0, 0)>
module attributes {stable_mosaic.version = 14 : i64} {
  func.func @_agg_kernel(%arg0: i32, %arg1: i32, %arg2: memref<10000x128xi16, #tpu.memory_space<hbm>>, %arg3: memref<2x32x80x125xi32, #tpu.memory_space<hbm>>, %arg4: memref<2x10240x128xi16, #tpu.memory_space<hbm>>, %arg5: memref<10240x128xi16, #tpu.memory_space<vmem_shared>>, %arg6: memref<125x128xi16, #tpu.memory_space<vmem>>, %arg7: memref<125x128xi16, #tpu.memory_space<vmem>>, %arg8: memref<2x8x125xi32, #tpu.memory_space<vmem>>, %arg9: memref<!tpu.dma_semaphore, #tpu.memory_space<semaphore_mem>>, %arg10: memref<!tpu.dma_semaphore, #tpu.memory_space<semaphore_mem>>, %arg11: memref<!tpu.dma_semaphore, #tpu.memory_space<semaphore_mem>>, %arg12: memref<125x128xi16, #tpu.memory_space<vmem>>, %arg13: memref<125xi32, #tpu.memory_space<vmem>>, %arg14: memref<2x8x125xi32, #tpu.memory_space<vmem>>, %arg15: memref<!tpu.dma_semaphore, #tpu.memory_space<semaphore_mem>>, %arg16: memref<!tpu.dma_semaphore, #tpu.memory_space<semaphore_mem>>, %arg17: memref<64x128xi16, #tpu.memory_space<vmem>>) attributes {dimension_semantics = [#tpu.dimension_semantics<core_parallel>, #tpu.dimension_semantics<subcore_parallel>], iteration_bounds = array<i64: 2, 16>, scalar_prefetch = 0 : i64, scratch_operands = 13 : i64, tpu.core_type = #tpu.core_type<sc_vector_subcore>, window_params = [{transform_indices = #map}, {transform_indices = #map1}, {transform_indices = #map2}]} {
    %mul3A = arith.constant 2 : i32
    %mul3A_0 = arith.muli %arg1, %mul3A : i32
    %add3A = arith.addi %mul3A_0, %arg0 : i32
    %scan3A = arith.constant 0 : i32
    %scan3A_1 = arith.constant 0 : i32
    %scan3A_2 = arith.constant 64 : i32
    %scan3A_3 = arith.addi %scan3A_1, %scan3A_2 : i32
    %scan3A_4 = arith.constant 1 : i32
    %scan3A_5 = scf.for %scan3A_147 = %scan3A_1 to %scan3A_3 step %scan3A_4 iter_args(%scan3A_148 = %scan3A) -> (i32)  : i32 {
      %broadcast_in_dim3A = arith.constant 0 : i16
      %broadcast_in_dim3A_149 = vector.broadcast %broadcast_in_dim3A : i16 to vector<32xi16>
      %swap3A = arith.index_cast %scan3A_147 : i32 to index
      %swap3A_150 = arith.constant 0 : index
      %swap3A_151 = tpu.vector_load %arg17[%swap3A, %swap3A_150] {strides = array<i32>} : memref<64x128xi16, #tpu.memory_space<vmem>>, vector<1x32xi16>,
      %swap3A_152 = vector.shape_cast %swap3A_151 : vector<1x32xi16> to vector<32xi16>
      %swap3A_153 = vector.shape_cast %broadcast_in_dim3A_149 : vector<32xi16> to vector<1x32xi16>
      tpu.vector_store %arg17[%swap3A, %swap3A_150], %swap3A_153 {strides = array<i32>} : memref<64x128xi16, #tpu.memory_space<vmem>>, vector<1x32xi16>,
      %broadcast_in_dim3A_154 = arith.constant 0 : i16
      %broadcast_in_dim3A_155 = vector.broadcast %broadcast_in_dim3A_154 : i16 to vector<32xi16>
      %swap3A_156 = arith.index_cast %scan3A_147 : i32 to index
      %swap3A_157 = arith.constant 32 : index
      %swap3A_158 = tpu.vector_load %arg17[%swap3A_156, %swap3A_157] {strides = array<i32>} : memref<64x128xi16, #tpu.memory_space<vmem>>, vector<1x32xi16>,
      %swap3A_159 = vector.shape_cast %swap3A_158 : vector<1x32xi16> to vector<32xi16>
      %swap3A_160 = vector.shape_cast %broadcast_in_dim3A_155 : vector<32xi16> to vector<1x32xi16>
      tpu.vector_store %arg17[%swap3A_156, %swap3A_157], %swap3A_160 {strides = array<i32>} : memref<64x128xi16, #tpu.memory_space<vmem>>, vector<1x32xi16>,
      %broadcast_in_dim3A_161 = arith.constant 0 : i16
      %broadcast_in_dim3A_162 = vector.broadcast %broadcast_in_dim3A_161 : i16 to vector<32xi16>
      %swap3A_163 = arith.index_cast %scan3A_147 : i32 to index
      %swap3A_164 = arith.constant 64 : index
      %swap3A_165 = tpu.vector_load %arg17[%swap3A_163, %swap3A_164] {strides = array<i32>} : memref<64x128xi16, #tpu.memory_space<vmem>>, vector<1x32xi16>,
      %swap3A_166 = vector.shape_cast %swap3A_165 : vector<1x32xi16> to vector<32xi16>
      %swap3A_167 = vector.shape_cast %broadcast_in_dim3A_162 : vector<32xi16> to vector<1x32xi16>
      tpu.vector_store %arg17[%swap3A_163, %swap3A_164], %swap3A_167 {strides = array<i32>} : memref<64x128xi16, #tpu.memory_space<vmem>>, vector<1x32xi16>,
      %broadcast_in_dim3A_168 = arith.constant 0 : i16
      %broadcast_in_dim3A_169 = vector.broadcast %broadcast_in_dim3A_168 : i16 to vector<32xi16>
      %swap3A_170 = arith.index_cast %scan3A_147 : i32 to index
      %swap3A_171 = arith.constant 96 : index
      %swap3A_172 = tpu.vector_load %arg17[%swap3A_170, %swap3A_171] {strides = array<i32>} : memref<64x128xi16, #tpu.memory_space<vmem>>, vector<1x32xi16>,
      %swap3A_173 = vector.shape_cast %swap3A_172 : vector<1x32xi16> to vector<32xi16>
      %swap3A_174 = vector.shape_cast %broadcast_in_dim3A_169 : vector<32xi16> to vector<1x32xi16>
      tpu.vector_store %arg17[%swap3A_170, %swap3A_171], %swap3A_174 {strides = array<i32>} : memref<64x128xi16, #tpu.memory_space<vmem>>, vector<1x32xi16>,
      %scan3A_175 = arith.constant 0 : i32
      scf.yield %scan3A_175 : i32
    }
    %scan3A_6 = arith.constant 64 : i32
    %mul3A_7 = arith.constant 640 : i32
    %mul3A_8 = arith.muli %arg1, %mul3A_7 : i32
    %add3A_9 = arith.constant 0 : i32
    %add3A_10 = arith.addi %mul3A_8, %add3A_9 : i32
    "tpu.region"() ({
      %run_scoped3A = tpu.sem_alloc : memref<!tpu.dma_semaphore, #tpu.memory_space<semaphore_mem>>
      %dma_start3A_147 = arith.constant 0 : i32
      %dma_start3A_148 = tpu.memref_slice %arg5[%add3A_10, %dma_start3A_147] : memref<10240x128xi16, #tpu.memory_space<vmem_shared>> -> memref<64x128xi16, #tpu.memory_space<vmem_shared>>
      %dma_start3A_149 = arith.constant 0 : i32
      %dma_start3A_150 = tpu.memref_slice %arg5[%add3A_10, %dma_start3A_149] : memref<10240x128xi16, #tpu.memory_space<vmem_shared>> -> memref<64x128xi16, #tpu.memory_space<vmem_shared>>
      tpu.enqueue_dma source(%arg17 : memref<64x128xi16, #tpu.memory_space<vmem>>) target(%dma_start3A_150 : memref<64x128xi16, #tpu.memory_space<vmem_shared>>) target_semaphore(%run_scoped3A : memref<!tpu.dma_semaphore, #tpu.memory_space<semaphore_mem>>)
      %dma_wait3A_151 = arith.constant 0 : i32
      %dma_wait3A_152 = tpu.memref_slice %arg5[%add3A_10, %dma_wait3A_151] : memref<10240x128xi16, #tpu.memory_space<vmem_shared>> -> memref<64x128xi16, #tpu.memory_space<vmem_shared>>
      %dma_wait3A_153 = arith.constant 0 : i32
      %dma_wait3A_154 = tpu.memref_slice %arg5[%add3A_10, %dma_wait3A_153] : memref<10240x128xi16, #tpu.memory_space<vmem_shared>> -> memref<64x128xi16, #tpu.memory_space<vmem_shared>>
      tpu.wait_dma2 semaphore(%run_scoped3A : memref<!tpu.dma_semaphore, #tpu.memory_space<semaphore_mem>>) src(%arg17 : memref<64x128xi16, #tpu.memory_space<vmem>>) dst(%dma_wait3A_154 : memref<64x128xi16, #tpu.memory_space<vmem_shared>>)
      tpu.yield
    }) : () -> ()
    %mul3A_11 = arith.constant 640 : i32
    %mul3A_12 = arith.muli %arg1, %mul3A_11 : i32
    %add3A_13 = arith.constant 64 : i32
    %add3A_14 = arith.addi %mul3A_12, %add3A_13 : i32
    "tpu.region"() ({
      %run_scoped3A = tpu.sem_alloc : memref<!tpu.dma_semaphore, #tpu.memory_space<semaphore_mem>>
      %dma_start3A_147 = arith.constant 0 : i32
      %dma_start3A_148 = tpu.memref_slice %arg5[%add3A_14, %dma_start3A_147] : memref<10240x128xi16, #tpu.memory_space<vmem_shared>> -> memref<64x128xi16, #tpu.memory_space<vmem_shared>>
      %dma_start3A_149 = arith.constant 0 : i32
      %dma_start3A_150 = tpu.memref_slice %arg5[%add3A_14, %dma_start3A_149] : memref<10240x128xi16, #tpu.memory_space<vmem_shared>> -> memref<64x128xi16, #tpu.memory_space<vmem_shared>>
      tpu.enqueue_dma source(%arg17 : memref<64x128xi16, #tpu.memory_space<vmem>>) target(%dma_start3A_150 : memref<64x128xi16, #tpu.memory_space<vmem_shared>>) target_semaphore(%run_scoped3A : memref<!tpu.dma_semaphore, #tpu.memory_space<semaphore_mem>>)
      %dma_wait3A_151 = arith.constant 0 : i32
      %dma_wait3A_152 = tpu.memref_slice %arg5[%add3A_14, %dma_wait3A_151] : memref<10240x128xi16, #tpu.memory_space<vmem_shared>> -> memref<64x128xi16, #tpu.memory_space<vmem_shared>>
      %dma_wait3A_153 = arith.constant 0 : i32
      %dma_wait3A_154 = tpu.memref_slice %arg5[%add3A_14, %dma_wait3A_153] : memref<10240x128xi16, #tpu.memory_space<vmem_shared>> -> memref<64x128xi16, #tpu.memory_space<vmem_shared>>
      tpu.wait_dma2 semaphore(%run_scoped3A : memref<!tpu.dma_semaphore, #tpu.memory_space<semaphore_mem>>) src(%arg17 : memref<64x128xi16, #tpu.memory_space<vmem>>) dst(%dma_wait3A_154 : memref<64x128xi16, #tpu.memory_space<vmem_shared>>)
      tpu.yield
    }) : () -> ()
    %mul3A_15 = arith.constant 640 : i32
    %mul3A_16 = arith.muli %arg1, %mul3A_15 : i32
    %add3A_17 = arith.constant 128 : i32
    %add3A_18 = arith.addi %mul3A_16, %add3A_17 : i32
    "tpu.region"() ({
      %run_scoped3A = tpu.sem_alloc : memref<!tpu.dma_semaphore, #tpu.memory_space<semaphore_mem>>
      %dma_start3A_147 = arith.constant 0 : i32
      %dma_start3A_148 = tpu.memref_slice %arg5[%add3A_18, %dma_start3A_147] : memref<10240x128xi16, #tpu.memory_space<vmem_shared>> -> memref<64x128xi16, #tpu.memory_space<vmem_shared>>
      %dma_start3A_149 = arith.constant 0 : i32
      %dma_start3A_150 = tpu.memref_slice %arg5[%add3A_18, %dma_start3A_149] : memref<10240x128xi16, #tpu.memory_space<vmem_shared>> -> memref<64x128xi16, #tpu.memory_space<vmem_shared>>
      tpu.enqueue_dma source(%arg17 : memref<64x128xi16, #tpu.memory_space<vmem>>) target(%dma_start3A_150 : memref<64x128xi16, #tpu.memory_space<vmem_shared>>) target_semaphore(%run_scoped3A : memref<!tpu.dma_semaphore, #tpu.memory_space<semaphore_mem>>)
      %dma_wait3A_151 = arith.constant 0 : i32
      %dma_wait3A_152 = tpu.memref_slice %arg5[%add3A_18, %dma_wait3A_151] : memref<10240x128xi16, #tpu.memory_space<vmem_shared>> -> memref<64x128xi16, #tpu.memory_space<vmem_shared>>
      %dma_wait3A_153 = arith.constant 0 : i32
      %dma_wait3A_154 = tpu.memref_slice %arg5[%add3A_18, %dma_wait3A_153] : memref<10240x128xi16, #tpu.memory_space<vmem_shared>> -> memref<64x128xi16, #tpu.memory_space<vmem_shared>>
      tpu.wait_dma2 semaphore(%run_scoped3A : memref<!tpu.dma_semaphore, #tpu.memory_space<semaphore_mem>>) src(%arg17 : memref<64x128xi16, #tpu.memory_space<vmem>>) dst(%dma_wait3A_154 : memref<64x128xi16, #tpu.memory_space<vmem_shared>>)
      tpu.yield
    }) : () -> ()
    %mul3A_19 = arith.constant 640 : i32
    %mul3A_20 = arith.muli %arg1, %mul3A_19 : i32
    %add3A_21 = arith.constant 192 : i32
    %add3A_22 = arith.addi %mul3A_20, %add3A_21 : i32
    "tpu.region"() ({
      %run_scoped3A = tpu.sem_alloc : memref<!tpu.dma_semaphore, #tpu.memory_space<semaphore_mem>>
      %dma_start3A_147 = arith.constant 0 : i32
      %dma_start3A_148 = tpu.memref_slice %arg5[%add3A_22, %dma_start3A_147] : memref<10240x128xi16, #tpu.memory_space<vmem_shared>> -> memref<64x128xi16, #tpu.memory_space<vmem_shared>>
      %dma_start3A_149 = arith.constant 0 : i32
      %dma_start3A_150 = tpu.memref_slice %arg5[%add3A_22, %dma_start3A_149] : memref<10240x128xi16, #tpu.memory_space<vmem_shared>> -> memref<64x128xi16, #tpu.memory_space<vmem_shared>>
      tpu.enqueue_dma source(%arg17 : memref<64x128xi16, #tpu.memory_space<vmem>>) target(%dma_start3A_150 : memref<64x128xi16, #tpu.memory_space<vmem_shared>>) target_semaphore(%run_scoped3A : memref<!tpu.dma_semaphore, #tpu.memory_space<semaphore_mem>>)
      %dma_wait3A_151 = arith.constant 0 : i32
      %dma_wait3A_152 = tpu.memref_slice %arg5[%add3A_22, %dma_wait3A_151] : memref<10240x128xi16, #tpu.memory_space<vmem_shared>> -> memref<64x128xi16, #tpu.memory_space<vmem_shared>>
      %dma_wait3A_153 = arith.constant 0 : i32
      %dma_wait3A_154 = tpu.memref_slice %arg5[%add3A_22, %dma_wait3A_153] : memref<10240x128xi16, #tpu.memory_space<vmem_shared>> -> memref<64x128xi16, #tpu.memory_space<vmem_shared>>
      tpu.wait_dma2 semaphore(%run_scoped3A : memref<!tpu.dma_semaphore, #tpu.memory_space<semaphore_mem>>) src(%arg17 : memref<64x128xi16, #tpu.memory_space<vmem>>) dst(%dma_wait3A_154 : memref<64x128xi16, #tpu.memory_space<vmem_shared>>)
      tpu.yield
    }) : () -> ()
    %mul3A_23 = arith.constant 640 : i32
    %mul3A_24 = arith.muli %arg1, %mul3A_23 : i32
    %add3A_25 = arith.constant 256 : i32
    %add3A_26 = arith.addi %mul3A_24, %add3A_25 : i32
    "tpu.region"() ({
      %run_scoped3A = tpu.sem_alloc : memref<!tpu.dma_semaphore, #tpu.memory_space<semaphore_mem>>
      %dma_start3A_147 = arith.constant 0 : i32
      %dma_start3A_148 = tpu.memref_slice %arg5[%add3A_26, %dma_start3A_147] : memref<10240x128xi16, #tpu.memory_space<vmem_shared>> -> memref<64x128xi16, #tpu.memory_space<vmem_shared>>
      %dma_start3A_149 = arith.constant 0 : i32
      %dma_start3A_150 = tpu.memref_slice %arg5[%add3A_26, %dma_start3A_149] : memref<10240x128xi16, #tpu.memory_space<vmem_shared>> -> memref<64x128xi16, #tpu.memory_space<vmem_shared>>
      tpu.enqueue_dma source(%arg17 : memref<64x128xi16, #tpu.memory_space<vmem>>) target(%dma_start3A_150 : memref<64x128xi16, #tpu.memory_space<vmem_shared>>) target_semaphore(%run_scoped3A : memref<!tpu.dma_semaphore, #tpu.memory_space<semaphore_mem>>)
      %dma_wait3A_151 = arith.constant 0 : i32
      %dma_wait3A_152 = tpu.memref_slice %arg5[%add3A_26, %dma_wait3A_151] : memref<10240x128xi16, #tpu.memory_space<vmem_shared>> -> memref<64x128xi16, #tpu.memory_space<vmem_shared>>
      %dma_wait3A_153 = arith.constant 0 : i32
      %dma_wait3A_154 = tpu.memref_slice %arg5[%add3A_26, %dma_wait3A_153] : memref<10240x128xi16, #tpu.memory_space<vmem_shared>> -> memref<64x128xi16, #tpu.memory_space<vmem_shared>>
      tpu.wait_dma2 semaphore(%run_scoped3A : memref<!tpu.dma_semaphore, #tpu.memory_space<semaphore_mem>>) src(%arg17 : memref<64x128xi16, #tpu.memory_space<vmem>>) dst(%dma_wait3A_154 : memref<64x128xi16, #tpu.memory_space<vmem_shared>>)
      tpu.yield
    }) : () -> ()
    %mul3A_27 = arith.constant 640 : i32
    %mul3A_28 = arith.muli %arg1, %mul3A_27 : i32
    %add3A_29 = arith.constant 320 : i32
    %add3A_30 = arith.addi %mul3A_28, %add3A_29 : i32
    "tpu.region"() ({
      %run_scoped3A = tpu.sem_alloc : memref<!tpu.dma_semaphore, #tpu.memory_space<semaphore_mem>>
      %dma_start3A_147 = arith.constant 0 : i32
      %dma_start3A_148 = tpu.memref_slice %arg5[%add3A_30, %dma_start3A_147] : memref<10240x128xi16, #tpu.memory_space<vmem_shared>> -> memref<64x128xi16, #tpu.memory_space<vmem_shared>>
      %dma_start3A_149 = arith.constant 0 : i32
      %dma_start3A_150 = tpu.memref_slice %arg5[%add3A_30, %dma_start3A_149] : memref<10240x128xi16, #tpu.memory_space<vmem_shared>> -> memref<64x128xi16, #tpu.memory_space<vmem_shared>>
      tpu.enqueue_dma source(%arg17 : memref<64x128xi16, #tpu.memory_space<vmem>>) target(%dma_start3A_150 : memref<64x128xi16, #tpu.memory_space<vmem_shared>>) target_semaphore(%run_scoped3A : memref<!tpu.dma_semaphore, #tpu.memory_space<semaphore_mem>>)
      %dma_wait3A_151 = arith.constant 0 : i32
      %dma_wait3A_152 = tpu.memref_slice %arg5[%add3A_30, %dma_wait3A_151] : memref<10240x128xi16, #tpu.memory_space<vmem_shared>> -> memref<64x128xi16, #tpu.memory_space<vmem_shared>>
      %dma_wait3A_153 = arith.constant 0 : i32
      %dma_wait3A_154 = tpu.memref_slice %arg5[%add3A_30, %dma_wait3A_153] : memref<10240x128xi16, #tpu.memory_space<vmem_shared>> -> memref<64x128xi16, #tpu.memory_space<vmem_shared>>
      tpu.wait_dma2 semaphore(%run_scoped3A : memref<!tpu.dma_semaphore, #tpu.memory_space<semaphore_mem>>) src(%arg17 : memref<64x128xi16, #tpu.memory_space<vmem>>) dst(%dma_wait3A_154 : memref<64x128xi16, #tpu.memory_space<vmem_shared>>)
      tpu.yield
    }) : () -> ()
    %mul3A_31 = arith.constant 640 : i32
    %mul3A_32 = arith.muli %arg1, %mul3A_31 : i32
    %add3A_33 = arith.constant 384 : i32
    %add3A_34 = arith.addi %mul3A_32, %add3A_33 : i32
    "tpu.region"() ({
      %run_scoped3A = tpu.sem_alloc : memref<!tpu.dma_semaphore, #tpu.memory_space<semaphore_mem>>
      %dma_start3A_147 = arith.constant 0 : i32
      %dma_start3A_148 = tpu.memref_slice %arg5[%add3A_34, %dma_start3A_147] : memref<10240x128xi16, #tpu.memory_space<vmem_shared>> -> memref<64x128xi16, #tpu.memory_space<vmem_shared>>
      %dma_start3A_149 = arith.constant 0 : i32
      %dma_start3A_150 = tpu.memref_slice %arg5[%add3A_34, %dma_start3A_149] : memref<10240x128xi16, #tpu.memory_space<vmem_shared>> -> memref<64x128xi16, #tpu.memory_space<vmem_shared>>
      tpu.enqueue_dma source(%arg17 : memref<64x128xi16, #tpu.memory_space<vmem>>) target(%dma_start3A_150 : memref<64x128xi16, #tpu.memory_space<vmem_shared>>) target_semaphore(%run_scoped3A : memref<!tpu.dma_semaphore, #tpu.memory_space<semaphore_mem>>)
      %dma_wait3A_151 = arith.constant 0 : i32
      %dma_wait3A_152 = tpu.memref_slice %arg5[%add3A_34, %dma_wait3A_151] : memref<10240x128xi16, #tpu.memory_space<vmem_shared>> -> memref<64x128xi16, #tpu.memory_space<vmem_shared>>
      %dma_wait3A_153 = arith.constant 0 : i32
      %dma_wait3A_154 = tpu.memref_slice %arg5[%add3A_34, %dma_wait3A_153] : memref<10240x128xi16, #tpu.memory_space<vmem_shared>> -> memref<64x128xi16, #tpu.memory_space<vmem_shared>>
      tpu.wait_dma2 semaphore(%run_scoped3A : memref<!tpu.dma_semaphore, #tpu.memory_space<semaphore_mem>>) src(%arg17 : memref<64x128xi16, #tpu.memory_space<vmem>>) dst(%dma_wait3A_154 : memref<64x128xi16, #tpu.memory_space<vmem_shared>>)
      tpu.yield
    }) : () -> ()
    %mul3A_35 = arith.constant 640 : i32
    %mul3A_36 = arith.muli %arg1, %mul3A_35 : i32
    %add3A_37 = arith.constant 448 : i32
    %add3A_38 = arith.addi %mul3A_36, %add3A_37 : i32
    "tpu.region"() ({
      %run_scoped3A = tpu.sem_alloc : memref<!tpu.dma_semaphore, #tpu.memory_space<semaphore_mem>>
      %dma_start3A_147 = arith.constant 0 : i32
      %dma_start3A_148 = tpu.memref_slice %arg5[%add3A_38, %dma_start3A_147] : memref<10240x128xi16, #tpu.memory_space<vmem_shared>> -> memref<64x128xi16, #tpu.memory_space<vmem_shared>>
      %dma_start3A_149 = arith.constant 0 : i32
      %dma_start3A_150 = tpu.memref_slice %arg5[%add3A_38, %dma_start3A_149] : memref<10240x128xi16, #tpu.memory_space<vmem_shared>> -> memref<64x128xi16, #tpu.memory_space<vmem_shared>>
      tpu.enqueue_dma source(%arg17 : memref<64x128xi16, #tpu.memory_space<vmem>>) target(%dma_start3A_150 : memref<64x128xi16, #tpu.memory_space<vmem_shared>>) target_semaphore(%run_scoped3A : memref<!tpu.dma_semaphore, #tpu.memory_space<semaphore_mem>>)
      %dma_wait3A_151 = arith.constant 0 : i32
      %dma_wait3A_152 = tpu.memref_slice %arg5[%add3A_38, %dma_wait3A_151] : memref<10240x128xi16, #tpu.memory_space<vmem_shared>> -> memref<64x128xi16, #tpu.memory_space<vmem_shared>>
      %dma_wait3A_153 = arith.constant 0 : i32
      %dma_wait3A_154 = tpu.memref_slice %arg5[%add3A_38, %dma_wait3A_153] : memref<10240x128xi16, #tpu.memory_space<vmem_shared>> -> memref<64x128xi16, #tpu.memory_space<vmem_shared>>
      tpu.wait_dma2 semaphore(%run_scoped3A : memref<!tpu.dma_semaphore, #tpu.memory_space<semaphore_mem>>) src(%arg17 : memref<64x128xi16, #tpu.memory_space<vmem>>) dst(%dma_wait3A_154 : memref<64x128xi16, #tpu.memory_space<vmem_shared>>)
      tpu.yield
    }) : () -> ()
    %mul3A_39 = arith.constant 640 : i32
    %mul3A_40 = arith.muli %arg1, %mul3A_39 : i32
    %add3A_41 = arith.constant 512 : i32
    %add3A_42 = arith.addi %mul3A_40, %add3A_41 : i32
    "tpu.region"() ({
      %run_scoped3A = tpu.sem_alloc : memref<!tpu.dma_semaphore, #tpu.memory_space<semaphore_mem>>
      %dma_start3A_147 = arith.constant 0 : i32
      %dma_start3A_148 = tpu.memref_slice %arg5[%add3A_42, %dma_start3A_147] : memref<10240x128xi16, #tpu.memory_space<vmem_shared>> -> memref<64x128xi16, #tpu.memory_space<vmem_shared>>
      %dma_start3A_149 = arith.constant 0 : i32
      %dma_start3A_150 = tpu.memref_slice %arg5[%add3A_42, %dma_start3A_149] : memref<10240x128xi16, #tpu.memory_space<vmem_shared>> -> memref<64x128xi16, #tpu.memory_space<vmem_shared>>
      tpu.enqueue_dma source(%arg17 : memref<64x128xi16, #tpu.memory_space<vmem>>) target(%dma_start3A_150 : memref<64x128xi16, #tpu.memory_space<vmem_shared>>) target_semaphore(%run_scoped3A : memref<!tpu.dma_semaphore, #tpu.memory_space<semaphore_mem>>)
      %dma_wait3A_151 = arith.constant 0 : i32
      %dma_wait3A_152 = tpu.memref_slice %arg5[%add3A_42, %dma_wait3A_151] : memref<10240x128xi16, #tpu.memory_space<vmem_shared>> -> memref<64x128xi16, #tpu.memory_space<vmem_shared>>
      %dma_wait3A_153 = arith.constant 0 : i32
      %dma_wait3A_154 = tpu.memref_slice %arg5[%add3A_42, %dma_wait3A_153] : memref<10240x128xi16, #tpu.memory_space<vmem_shared>> -> memref<64x128xi16, #tpu.memory_space<vmem_shared>>
      tpu.wait_dma2 semaphore(%run_scoped3A : memref<!tpu.dma_semaphore, #tpu.memory_space<semaphore_mem>>) src(%arg17 : memref<64x128xi16, #tpu.memory_space<vmem>>) dst(%dma_wait3A_154 : memref<64x128xi16, #tpu.memory_space<vmem_shared>>)
      tpu.yield
    }) : () -> ()
    %mul3A_43 = arith.constant 640 : i32
    %mul3A_44 = arith.muli %arg1, %mul3A_43 : i32
    %add3A_45 = arith.constant 576 : i32
    %add3A_46 = arith.addi %mul3A_44, %add3A_45 : i32
    "tpu.region"() ({
      %run_scoped3A = tpu.sem_alloc : memref<!tpu.dma_semaphore, #tpu.memory_space<semaphore_mem>>
      %dma_start3A_147 = arith.constant 0 : i32
      %dma_start3A_148 = tpu.memref_slice %arg5[%add3A_46, %dma_start3A_147] : memref<10240x128xi16, #tpu.memory_space<vmem_shared>> -> memref<64x128xi16, #tpu.memory_space<vmem_shared>>
      %dma_start3A_149 = arith.constant 0 : i32
      %dma_start3A_150 = tpu.memref_slice %arg5[%add3A_46, %dma_start3A_149] : memref<10240x128xi16, #tpu.memory_space<vmem_shared>> -> memref<64x128xi16, #tpu.memory_space<vmem_shared>>
      tpu.enqueue_dma source(%arg17 : memref<64x128xi16, #tpu.memory_space<vmem>>) target(%dma_start3A_150 : memref<64x128xi16, #tpu.memory_space<vmem_shared>>) target_semaphore(%run_scoped3A : memref<!tpu.dma_semaphore, #tpu.memory_space<semaphore_mem>>)
      %dma_wait3A_151 = arith.constant 0 : i32
      %dma_wait3A_152 = tpu.memref_slice %arg5[%add3A_46, %dma_wait3A_151] : memref<10240x128xi16, #tpu.memory_space<vmem_shared>> -> memref<64x128xi16, #tpu.memory_space<vmem_shared>>
      %dma_wait3A_153 = arith.constant 0 : i32
      %dma_wait3A_154 = tpu.memref_slice %arg5[%add3A_46, %dma_wait3A_153] : memref<10240x128xi16, #tpu.memory_space<vmem_shared>> -> memref<64x128xi16, #tpu.memory_space<vmem_shared>>
      tpu.wait_dma2 semaphore(%run_scoped3A : memref<!tpu.dma_semaphore, #tpu.memory_space<semaphore_mem>>) src(%arg17 : memref<64x128xi16, #tpu.memory_space<vmem>>) dst(%dma_wait3A_154 : memref<64x128xi16, #tpu.memory_space<vmem_shared>>)
      tpu.yield
    }) : () -> ()
    %barrier3A = arith.constant 0 : index
    tpu.barrier barrier_id(%barrier3A)
    %eq3A = arith.constant 0 : i32
    %eq3A_47 = arith.cmpi eq, %arg0, %eq3A : i32
    %convert_element_type3A = arith.extui %eq3A_47 : i1 to i32
    %cond3A = arith.constant 0 : i32
    %cond3A_48 = arith.cmpi ne, %convert_element_type3A, %cond3A : i32
    scf.if %cond3A_48 {
      %mul3A_147 = arith.constant 625 : i32
      %mul3A_148 = arith.muli %arg1, %mul3A_147 : i32
      %add3A_149 = arith.constant 0 : i32
      %add3A_150 = arith.addi %mul3A_148, %add3A_149 : i32
      %iota3A = tpu.iota {dimensions = array<i32: 0>} : vector<16xi32>
      %add3A_151 = arith.constant 0 : i32
      %add3A_152 = arith.addi %add3A_150, %add3A_151 : i32
      %add3A_153 = vector.broadcast %add3A_152 : i32 to vector<16xi32>
      %add3A_154 = arith.addi %iota3A, %add3A_153 : vector<16xi32>
      %swap3A = arith.constant 0 : index
      %swap3A_155 = tpu.vector_load %arg13[%swap3A] {strides = array<i32>} : memref<125xi32, #tpu.memory_space<vmem>>, vector<16xi32>,
      %swap3A_156 = vector.shape_cast %swap3A_155 : vector<16xi32> to vector<16xi32>
      %swap3A_157 = vector.shape_cast %add3A_154 : vector<16xi32> to vector<16xi32>
      tpu.vector_store %arg13[%swap3A], %swap3A_157 {strides = array<i32>} : memref<125xi32, #tpu.memory_space<vmem>>, vector<16xi32>,
      %iota3A_158 = tpu.iota {dimensions = array<i32: 0>} : vector<16xi32>
      %add3A_159 = arith.constant 16 : i32
      %add3A_160 = arith.addi %add3A_150, %add3A_159 : i32
      %add3A_161 = vector.broadcast %add3A_160 : i32 to vector<16xi32>
      %add3A_162 = arith.addi %iota3A_158, %add3A_161 : vector<16xi32>
      %swap3A_163 = arith.constant 16 : index
      %swap3A_164 = tpu.vector_load %arg13[%swap3A_163] {strides = array<i32>} : memref<125xi32, #tpu.memory_space<vmem>>, vector<16xi32>,
      %swap3A_165 = vector.shape_cast %swap3A_164 : vector<16xi32> to vector<16xi32>
      %swap3A_166 = vector.shape_cast %add3A_162 : vector<16xi32> to vector<16xi32>
      tpu.vector_store %arg13[%swap3A_163], %swap3A_166 {strides = array<i32>} : memref<125xi32, #tpu.memory_space<vmem>>, vector<16xi32>,
      %iota3A_167 = tpu.iota {dimensions = array<i32: 0>} : vector<16xi32>
      %add3A_168 = arith.constant 32 : i32
      %add3A_169 = arith.addi %add3A_150, %add3A_168 : i32
      %add3A_170 = vector.broadcast %add3A_169 : i32 to vector<16xi32>
      %add3A_171 = arith.addi %iota3A_167, %add3A_170 : vector<16xi32>
      %swap3A_172 = arith.constant 32 : index
      %swap3A_173 = tpu.vector_load %arg13[%swap3A_172] {strides = array<i32>} : memref<125xi32, #tpu.memory_space<vmem>>, vector<16xi32>,
      %swap3A_174 = vector.shape_cast %swap3A_173 : vector<16xi32> to vector<16xi32>
      %swap3A_175 = vector.shape_cast %add3A_171 : vector<16xi32> to vector<16xi32>
      tpu.vector_store %arg13[%swap3A_172], %swap3A_175 {strides = array<i32>} : memref<125xi32, #tpu.memory_space<vmem>>, vector<16xi32>,
      %iota3A_176 = tpu.iota {dimensions = array<i32: 0>} : vector<16xi32>
      %add3A_177 = arith.constant 48 : i32
      %add3A_178 = arith.addi %add3A_150, %add3A_177 : i32
      %add3A_179 = vector.broadcast %add3A_178 : i32 to vector<16xi32>
      %add3A_180 = arith.addi %iota3A_176, %add3A_179 : vector<16xi32>
      %swap3A_181 = arith.constant 48 : index
      %swap3A_182 = tpu.vector_load %arg13[%swap3A_181] {strides = array<i32>} : memref<125xi32, #tpu.memory_space<vmem>>, vector<16xi32>,
      %swap3A_183 = vector.shape_cast %swap3A_182 : vector<16xi32> to vector<16xi32>
      %swap3A_184 = vector.shape_cast %add3A_180 : vector<16xi32> to vector<16xi32>
      tpu.vector_store %arg13[%swap3A_181], %swap3A_184 {strides = array<i32>} : memref<125xi32, #tpu.memory_space<vmem>>, vector<16xi32>,
      %iota3A_185 = tpu.iota {dimensions = array<i32: 0>} : vector<16xi32>
      %add3A_186 = arith.constant 64 : i32
      %add3A_187 = arith.addi %add3A_150, %add3A_186 : i32
      %add3A_188 = vector.broadcast %add3A_187 : i32 to vector<16xi32>
      %add3A_189 = arith.addi %iota3A_185, %add3A_188 : vector<16xi32>
      %swap3A_190 = arith.constant 64 : index
      %swap3A_191 = tpu.vector_load %arg13[%swap3A_190] {strides = array<i32>} : memref<125xi32, #tpu.memory_space<vmem>>, vector<16xi32>,
      %swap3A_192 = vector.shape_cast %swap3A_191 : vector<16xi32> to vector<16xi32>
      %swap3A_193 = vector.shape_cast %add3A_189 : vector<16xi32> to vector<16xi32>
      tpu.vector_store %arg13[%swap3A_190], %swap3A_193 {strides = array<i32>} : memref<125xi32, #tpu.memory_space<vmem>>, vector<16xi32>,
      %iota3A_194 = tpu.iota {dimensions = array<i32: 0>} : vector<16xi32>
      %add3A_195 = arith.constant 80 : i32
      %add3A_196 = arith.addi %add3A_150, %add3A_195 : i32
      %add3A_197 = vector.broadcast %add3A_196 : i32 to vector<16xi32>
      %add3A_198 = arith.addi %iota3A_194, %add3A_197 : vector<16xi32>
      %swap3A_199 = arith.constant 80 : index
      %swap3A_200 = tpu.vector_load %arg13[%swap3A_199] {strides = array<i32>} : memref<125xi32, #tpu.memory_space<vmem>>, vector<16xi32>,
      %swap3A_201 = vector.shape_cast %swap3A_200 : vector<16xi32> to vector<16xi32>
      %swap3A_202 = vector.shape_cast %add3A_198 : vector<16xi32> to vector<16xi32>
      tpu.vector_store %arg13[%swap3A_199], %swap3A_202 {strides = array<i32>} : memref<125xi32, #tpu.memory_space<vmem>>, vector<16xi32>,
      %iota3A_203 = tpu.iota {dimensions = array<i32: 0>} : vector<16xi32>
      %add3A_204 = arith.constant 96 : i32
      %add3A_205 = arith.addi %add3A_150, %add3A_204 : i32
      %add3A_206 = vector.broadcast %add3A_205 : i32 to vector<16xi32>
      %add3A_207 = arith.addi %iota3A_203, %add3A_206 : vector<16xi32>
      %swap3A_208 = arith.constant 96 : index
      %swap3A_209 = tpu.vector_load %arg13[%swap3A_208] {strides = array<i32>} : memref<125xi32, #tpu.memory_space<vmem>>, vector<16xi32>,
      %swap3A_210 = vector.shape_cast %swap3A_209 : vector<16xi32> to vector<16xi32>
      %swap3A_211 = vector.shape_cast %add3A_207 : vector<16xi32> to vector<16xi32>
      tpu.vector_store %arg13[%swap3A_208], %swap3A_211 {strides = array<i32>} : memref<125xi32, #tpu.memory_space<vmem>>, vector<16xi32>,
      %iota3A_212 = tpu.iota {dimensions = array<i32: 0>} : vector<16xi32>
      %add3A_213 = arith.constant 109 : i32
      %add3A_214 = arith.addi %add3A_150, %add3A_213 : i32
      %add3A_215 = vector.broadcast %add3A_214 : i32 to vector<16xi32>
      %add3A_216 = arith.addi %iota3A_212, %add3A_215 : vector<16xi32>
      %swap3A_217 = arith.constant 109 : index
      %swap3A_218 = tpu.vector_load %arg13[%swap3A_217] {strides = array<i32>} : memref<125xi32, #tpu.memory_space<vmem>>, vector<16xi32>,
      %swap3A_219 = vector.shape_cast %swap3A_218 : vector<16xi32> to vector<16xi32>
      %swap3A_220 = vector.shape_cast %add3A_216 : vector<16xi32> to vector<16xi32>
      tpu.vector_store %arg13[%swap3A_217], %swap3A_220 {strides = array<i32>} : memref<125xi32, #tpu.memory_space<vmem>>, vector<16xi32>,
      "tpu.region"() ({
        %run_scoped3A = tpu.sem_alloc : memref<!tpu.dma_semaphore, #tpu.memory_space<semaphore_mem>>
        %dma_start3A_525 = arith.constant 0 : i32
        %dma_start3A_526 = tpu.memref_slice %arg2[%add3A_150, %dma_start3A_525] : memref<10000x128xi16, #tpu.memory_space<hbm>> -> memref<125x128xi16, #tpu.memory_space<hbm>>
        %dma_start3A_527 = arith.constant 0 : i32
        %dma_start3A_528 = tpu.memref_slice %arg2[%add3A_150, %dma_start3A_527] : memref<10000x128xi16, #tpu.memory_space<hbm>> -> memref<125x128xi16, #tpu.memory_space<hbm>>
        tpu.enqueue_dma source(%dma_start3A_528 : memref<125x128xi16, #tpu.memory_space<hbm>>) target(%arg12 : memref<125x128xi16, #tpu.memory_space<vmem>>) target_semaphore(%run_scoped3A : memref<!tpu.dma_semaphore, #tpu.memory_space<semaphore_mem>>)
        %dma_wait3A_529 = arith.constant 0 : i32
        %dma_wait3A_530 = tpu.memref_slice %arg2[%add3A_150, %dma_wait3A_529] : memref<10000x128xi16, #tpu.memory_space<hbm>> -> memref<125x128xi16, #tpu.memory_space<hbm>>
        %dma_wait3A_531 = arith.constant 0 : i32
        %dma_wait3A_532 = tpu.memref_slice %arg2[%add3A_150, %dma_wait3A_531] : memref<10000x128xi16, #tpu.memory_space<hbm>> -> memref<125x128xi16, #tpu.memory_space<hbm>>
        tpu.wait_dma2 semaphore(%run_scoped3A : memref<!tpu.dma_semaphore, #tpu.memory_space<semaphore_mem>>) src(%dma_wait3A_532 : memref<125x128xi16, #tpu.memory_space<hbm>>) dst(%arg12 : memref<125x128xi16, #tpu.memory_space<vmem>>)
        tpu.yield
      }) : () -> ()
      "tpu.region"() ({
        %run_scoped3A = tpu.sem_alloc : memref<!tpu.dma_semaphore, #tpu.memory_space<semaphore_mem>>
        %dma_start3A_525 = arith.constant 0 : i32
        %dma_start3A_526 = arith.constant 0 : i32
        %dma_start3A_527 = tpu.memref_slice %arg5[%dma_start3A_525, %dma_start3A_526] : memref<10240x128xi16, #tpu.memory_space<vmem_shared>> -> memref<10240x128xi16, #tpu.memory_space<vmem_shared>>
        tpu.enqueue_indirect_dma source(%arg12 : memref<125x128xi16, #tpu.memory_space<vmem>>) target(%dma_start3A_527 : memref<10240x128xi16, #tpu.memory_space<vmem_shared>>) offsets(%arg13 : memref<125xi32, #tpu.memory_space<vmem>>) semaphore(%run_scoped3A : memref<!tpu.dma_semaphore, #tpu.memory_space<semaphore_mem>>) {add = true}
        %dma_wait3A_528 = arith.constant 0 : i32
        %dma_wait3A_529 = arith.constant 0 : i32
        %dma_wait3A_530 = tpu.memref_slice %arg5[%dma_wait3A_528, %dma_wait3A_529] : memref<10240x128xi16, #tpu.memory_space<vmem_shared>> -> memref<10240x128xi16, #tpu.memory_space<vmem_shared>>
        tpu.wait_indirect_dma semaphore(%run_scoped3A : memref<!tpu.dma_semaphore, #tpu.memory_space<semaphore_mem>>) src(%arg12 : memref<125x128xi16, #tpu.memory_space<vmem>>) dst(%dma_wait3A_530 : memref<10240x128xi16, #tpu.memory_space<vmem_shared>>)
        tpu.yield
      }) : () -> ()
      %mul3A_221 = arith.constant 625 : i32
      %mul3A_222 = arith.muli %arg1, %mul3A_221 : i32
      %add3A_223 = arith.constant 125 : i32
      %add3A_224 = arith.addi %mul3A_222, %add3A_223 : i32
      %iota3A_225 = tpu.iota {dimensions = array<i32: 0>} : vector<16xi32>
      %add3A_226 = arith.constant 0 : i32
      %add3A_227 = arith.addi %add3A_224, %add3A_226 : i32
      %add3A_228 = vector.broadcast %add3A_227 : i32 to vector<16xi32>
      %add3A_229 = arith.addi %iota3A_225, %add3A_228 : vector<16xi32>
      %swap3A_230 = arith.constant 0 : index
      %swap3A_231 = tpu.vector_load %arg13[%swap3A_230] {strides = array<i32>} : memref<125xi32, #tpu.memory_space<vmem>>, vector<16xi32>,
      %swap3A_232 = vector.shape_cast %swap3A_231 : vector<16xi32> to vector<16xi32>
      %swap3A_233 = vector.shape_cast %add3A_229 : vector<16xi32> to vector<16xi32>
      tpu.vector_store %arg13[%swap3A_230], %swap3A_233 {strides = array<i32>} : memref<125xi32, #tpu.memory_space<vmem>>, vector<16xi32>,
      %iota3A_234 = tpu.iota {dimensions = array<i32: 0>} : vector<16xi32>
      %add3A_235 = arith.constant 16 : i32
      %add3A_236 = arith.addi %add3A_224, %add3A_235 : i32
      %add3A_237 = vector.broadcast %add3A_236 : i32 to vector<16xi32>
      %add3A_238 = arith.addi %iota3A_234, %add3A_237 : vector<16xi32>
      %swap3A_239 = arith.constant 16 : index
      %swap3A_240 = tpu.vector_load %arg13[%swap3A_239] {strides = array<i32>} : memref<125xi32, #tpu.memory_space<vmem>>, vector<16xi32>,
      %swap3A_241 = vector.shape_cast %swap3A_240 : vector<16xi32> to vector<16xi32>
      %swap3A_242 = vector.shape_cast %add3A_238 : vector<16xi32> to vector<16xi32>
      tpu.vector_store %arg13[%swap3A_239], %swap3A_242 {strides = array<i32>} : memref<125xi32, #tpu.memory_space<vmem>>, vector<16xi32>,
      %iota3A_243 = tpu.iota {dimensions = array<i32: 0>} : vector<16xi32>
      %add3A_244 = arith.constant 32 : i32
      %add3A_245 = arith.addi %add3A_224, %add3A_244 : i32
      %add3A_246 = vector.broadcast %add3A_245 : i32 to vector<16xi32>
      %add3A_247 = arith.addi %iota3A_243, %add3A_246 : vector<16xi32>
      %swap3A_248 = arith.constant 32 : index
      %swap3A_249 = tpu.vector_load %arg13[%swap3A_248] {strides = array<i32>} : memref<125xi32, #tpu.memory_space<vmem>>, vector<16xi32>,
      %swap3A_250 = vector.shape_cast %swap3A_249 : vector<16xi32> to vector<16xi32>
      %swap3A_251 = vector.shape_cast %add3A_247 : vector<16xi32> to vector<16xi32>
      tpu.vector_store %arg13[%swap3A_248], %swap3A_251 {strides = array<i32>} : memref<125xi32, #tpu.memory_space<vmem>>, vector<16xi32>,
      %iota3A_252 = tpu.iota {dimensions = array<i32: 0>} : vector<16xi32>
      %add3A_253 = arith.constant 48 : i32
      %add3A_254 = arith.addi %add3A_224, %add3A_253 : i32
      %add3A_255 = vector.broadcast %add3A_254 : i32 to vector<16xi32>
      %add3A_256 = arith.addi %iota3A_252, %add3A_255 : vector<16xi32>
      %swap3A_257 = arith.constant 48 : index
      %swap3A_258 = tpu.vector_load %arg13[%swap3A_257] {strides = array<i32>} : memref<125xi32, #tpu.memory_space<vmem>>, vector<16xi32>,
      %swap3A_259 = vector.shape_cast %swap3A_258 : vector<16xi32> to vector<16xi32>
      %swap3A_260 = vector.shape_cast %add3A_256 : vector<16xi32> to vector<16xi32>
      tpu.vector_store %arg13[%swap3A_257], %swap3A_260 {strides = array<i32>} : memref<125xi32, #tpu.memory_space<vmem>>, vector<16xi32>,
      %iota3A_261 = tpu.iota {dimensions = array<i32: 0>} : vector<16xi32>
      %add3A_262 = arith.constant 64 : i32
      %add3A_263 = arith.addi %add3A_224, %add3A_262 : i32
      %add3A_264 = vector.broadcast %add3A_263 : i32 to vector<16xi32>
      %add3A_265 = arith.addi %iota3A_261, %add3A_264 : vector<16xi32>
      %swap3A_266 = arith.constant 64 : index
      %swap3A_267 = tpu.vector_load %arg13[%swap3A_266] {strides = array<i32>} : memref<125xi32, #tpu.memory_space<vmem>>, vector<16xi32>,
      %swap3A_268 = vector.shape_cast %swap3A_267 : vector<16xi32> to vector<16xi32>
      %swap3A_269 = vector.shape_cast %add3A_265 : vector<16xi32> to vector<16xi32>
      tpu.vector_store %arg13[%swap3A_266], %swap3A_269 {strides = array<i32>} : memref<125xi32, #tpu.memory_space<vmem>>, vector<16xi32>,
      %iota3A_270 = tpu.iota {dimensions = array<i32: 0>} : vector<16xi32>
      %add3A_271 = arith.constant 80 : i32
      %add3A_272 = arith.addi %add3A_224, %add3A_271 : i32
      %add3A_273 = vector.broadcast %add3A_272 : i32 to vector<16xi32>
      %add3A_274 = arith.addi %iota3A_270, %add3A_273 : vector<16xi32>
      %swap3A_275 = arith.constant 80 : index
      %swap3A_276 = tpu.vector_load %arg13[%swap3A_275] {strides = array<i32>} : memref<125xi32, #tpu.memory_space<vmem>>, vector<16xi32>,
      %swap3A_277 = vector.shape_cast %swap3A_276 : vector<16xi32> to vector<16xi32>
      %swap3A_278 = vector.shape_cast %add3A_274 : vector<16xi32> to vector<16xi32>
      tpu.vector_store %arg13[%swap3A_275], %swap3A_278 {strides = array<i32>} : memref<125xi32, #tpu.memory_space<vmem>>, vector<16xi32>,
      %iota3A_279 = tpu.iota {dimensions = array<i32: 0>} : vector<16xi32>
      %add3A_280 = arith.constant 96 : i32
      %add3A_281 = arith.addi %add3A_224, %add3A_280 : i32
      %add3A_282 = vector.broadcast %add3A_281 : i32 to vector<16xi32>
      %add3A_283 = arith.addi %iota3A_279, %add3A_282 : vector<16xi32>
      %swap3A_284 = arith.constant 96 : index
      %swap3A_285 = tpu.vector_load %arg13[%swap3A_284] {strides = array<i32>} : memref<125xi32, #tpu.memory_space<vmem>>, vector<16xi32>,
      %swap3A_286 = vector.shape_cast %swap3A_285 : vector<16xi32> to vector<16xi32>
      %swap3A_287 = vector.shape_cast %add3A_283 : vector<16xi32> to vector<16xi32>
      tpu.vector_store %arg13[%swap3A_284], %swap3A_287 {strides = array<i32>} : memref<125xi32, #tpu.memory_space<vmem>>, vector<16xi32>,
      %iota3A_288 = tpu.iota {dimensions = array<i32: 0>} : vector<16xi32>
      %add3A_289 = arith.constant 109 : i32
      %add3A_290 = arith.addi %add3A_224, %add3A_289 : i32
      %add3A_291 = vector.broadcast %add3A_290 : i32 to vector<16xi32>
      %add3A_292 = arith.addi %iota3A_288, %add3A_291 : vector<16xi32>
      %swap3A_293 = arith.constant 109 : index
      %swap3A_294 = tpu.vector_load %arg13[%swap3A_293] {strides = array<i32>} : memref<125xi32, #tpu.memory_space<vmem>>, vector<16xi32>,
      %swap3A_295 = vector.shape_cast %swap3A_294 : vector<16xi32> to vector<16xi32>
      %swap3A_296 = vector.shape_cast %add3A_292 : vector<16xi32> to vector<16xi32>
      tpu.vector_store %arg13[%swap3A_293], %swap3A_296 {strides = array<i32>} : memref<125xi32, #tpu.memory_space<vmem>>, vector<16xi32>,
      "tpu.region"() ({
        %run_scoped3A = tpu.sem_alloc : memref<!tpu.dma_semaphore, #tpu.memory_space<semaphore_mem>>
        %dma_start3A_525 = arith.constant 0 : i32
        %dma_start3A_526 = tpu.memref_slice %arg2[%add3A_224, %dma_start3A_525] : memref<10000x128xi16, #tpu.memory_space<hbm>> -> memref<125x128xi16, #tpu.memory_space<hbm>>
        %dma_start3A_527 = arith.constant 0 : i32
        %dma_start3A_528 = tpu.memref_slice %arg2[%add3A_224, %dma_start3A_527] : memref<10000x128xi16, #tpu.memory_space<hbm>> -> memref<125x128xi16, #tpu.memory_space<hbm>>
        tpu.enqueue_dma source(%dma_start3A_528 : memref<125x128xi16, #tpu.memory_space<hbm>>) target(%arg12 : memref<125x128xi16, #tpu.memory_space<vmem>>) target_semaphore(%run_scoped3A : memref<!tpu.dma_semaphore, #tpu.memory_space<semaphore_mem>>)
        %dma_wait3A_529 = arith.constant 0 : i32
        %dma_wait3A_530 = tpu.memref_slice %arg2[%add3A_224, %dma_wait3A_529] : memref<10000x128xi16, #tpu.memory_space<hbm>> -> memref<125x128xi16, #tpu.memory_space<hbm>>
        %dma_wait3A_531 = arith.constant 0 : i32
        %dma_wait3A_532 = tpu.memref_slice %arg2[%add3A_224, %dma_wait3A_531] : memref<10000x128xi16, #tpu.memory_space<hbm>> -> memref<125x128xi16, #tpu.memory_space<hbm>>
        tpu.wait_dma2 semaphore(%run_scoped3A : memref<!tpu.dma_semaphore, #tpu.memory_space<semaphore_mem>>) src(%dma_wait3A_532 : memref<125x128xi16, #tpu.memory_space<hbm>>) dst(%arg12 : memref<125x128xi16, #tpu.memory_space<vmem>>)
        tpu.yield
      }) : () -> ()
      "tpu.region"() ({
        %run_scoped3A = tpu.sem_alloc : memref<!tpu.dma_semaphore, #tpu.memory_space<semaphore_mem>>
        %dma_start3A_525 = arith.constant 0 : i32
        %dma_start3A_526 = arith.constant 0 : i32
        %dma_start3A_527 = tpu.memref_slice %arg5[%dma_start3A_525, %dma_start3A_526] : memref<10240x128xi16, #tpu.memory_space<vmem_shared>> -> memref<10240x128xi16, #tpu.memory_space<vmem_shared>>
        tpu.enqueue_indirect_dma source(%arg12 : memref<125x128xi16, #tpu.memory_space<vmem>>) target(%dma_start3A_527 : memref<10240x128xi16, #tpu.memory_space<vmem_shared>>) offsets(%arg13 : memref<125xi32, #tpu.memory_space<vmem>>) semaphore(%run_scoped3A : memref<!tpu.dma_semaphore, #tpu.memory_space<semaphore_mem>>) {add = true}
        %dma_wait3A_528 = arith.constant 0 : i32
        %dma_wait3A_529 = arith.constant 0 : i32
        %dma_wait3A_530 = tpu.memref_slice %arg5[%dma_wait3A_528, %dma_wait3A_529] : memref<10240x128xi16, #tpu.memory_space<vmem_shared>> -> memref<10240x128xi16, #tpu.memory_space<vmem_shared>>
        tpu.wait_indirect_dma semaphore(%run_scoped3A : memref<!tpu.dma_semaphore, #tpu.memory_space<semaphore_mem>>) src(%arg12 : memref<125x128xi16, #tpu.memory_space<vmem>>) dst(%dma_wait3A_530 : memref<10240x128xi16, #tpu.memory_space<vmem_shared>>)
        tpu.yield
      }) : () -> ()
      %mul3A_297 = arith.constant 625 : i32
      %mul3A_298 = arith.muli %arg1, %mul3A_297 : i32
      %add3A_299 = arith.constant 250 : i32
      %add3A_300 = arith.addi %mul3A_298, %add3A_299 : i32
      %iota3A_301 = tpu.iota {dimensions = array<i32: 0>} : vector<16xi32>
      %add3A_302 = arith.constant 0 : i32
      %add3A_303 = arith.addi %add3A_300, %add3A_302 : i32
      %add3A_304 = vector.broadcast %add3A_303 : i32 to vector<16xi32>
      %add3A_305 = arith.addi %iota3A_301, %add3A_304 : vector<16xi32>
      %swap3A_306 = arith.constant 0 : index
      %swap3A_307 = tpu.vector_load %arg13[%swap3A_306] {strides = array<i32>} : memref<125xi32, #tpu.memory_space<vmem>>, vector<16xi32>,
      %swap3A_308 = vector.shape_cast %swap3A_307 : vector<16xi32> to vector<16xi32>
      %swap3A_309 = vector.shape_cast %add3A_305 : vector<16xi32> to vector<16xi32>
      tpu.vector_store %arg13[%swap3A_306], %swap3A_309 {strides = array<i32>} : memref<125xi32, #tpu.memory_space<vmem>>, vector<16xi32>,
      %iota3A_310 = tpu.iota {dimensions = array<i32: 0>} : vector<16xi32>
      %add3A_311 = arith.constant 16 : i32
      %add3A_312 = arith.addi %add3A_300, %add3A_311 : i32
      %add3A_313 = vector.broadcast %add3A_312 : i32 to vector<16xi32>
      %add3A_314 = arith.addi %iota3A_310, %add3A_313 : vector<16xi32>
      %swap3A_315 = arith.constant 16 : index
      %swap3A_316 = tpu.vector_load %arg13[%swap3A_315] {strides = array<i32>} : memref<125xi32, #tpu.memory_space<vmem>>, vector<16xi32>,
      %swap3A_317 = vector.shape_cast %swap3A_316 : vector<16xi32> to vector<16xi32>
      %swap3A_318 = vector.shape_cast %add3A_314 : vector<16xi32> to vector<16xi32>
      tpu.vector_store %arg13[%swap3A_315], %swap3A_318 {strides = array<i32>} : memref<125xi32, #tpu.memory_space<vmem>>, vector<16xi32>,
      %iota3A_319 = tpu.iota {dimensions = array<i32: 0>} : vector<16xi32>
      %add3A_320 = arith.constant 32 : i32
      %add3A_321 = arith.addi %add3A_300, %add3A_320 : i32
      %add3A_322 = vector.broadcast %add3A_321 : i32 to vector<16xi32>
      %add3A_323 = arith.addi %iota3A_319, %add3A_322 : vector<16xi32>
      %swap3A_324 = arith.constant 32 : index
      %swap3A_325 = tpu.vector_load %arg13[%swap3A_324] {strides = array<i32>} : memref<125xi32, #tpu.memory_space<vmem>>, vector<16xi32>,
      %swap3A_326 = vector.shape_cast %swap3A_325 : vector<16xi32> to vector<16xi32>
      %swap3A_327 = vector.shape_cast %add3A_323 : vector<16xi32> to vector<16xi32>
      tpu.vector_store %arg13[%swap3A_324], %swap3A_327 {strides = array<i32>} : memref<125xi32, #tpu.memory_space<vmem>>, vector<16xi32>,
      %iota3A_328 = tpu.iota {dimensions = array<i32: 0>} : vector<16xi32>
      %add3A_329 = arith.constant 48 : i32
      %add3A_330 = arith.addi %add3A_300, %add3A_329 : i32
      %add3A_331 = vector.broadcast %add3A_330 : i32 to vector<16xi32>
      %add3A_332 = arith.addi %iota3A_328, %add3A_331 : vector<16xi32>
      %swap3A_333 = arith.constant 48 : index
      %swap3A_334 = tpu.vector_load %arg13[%swap3A_333] {strides = array<i32>} : memref<125xi32, #tpu.memory_space<vmem>>, vector<16xi32>,
      %swap3A_335 = vector.shape_cast %swap3A_334 : vector<16xi32> to vector<16xi32>
      %swap3A_336 = vector.shape_cast %add3A_332 : vector<16xi32> to vector<16xi32>
      tpu.vector_store %arg13[%swap3A_333], %swap3A_336 {strides = array<i32>} : memref<125xi32, #tpu.memory_space<vmem>>, vector<16xi32>,
      %iota3A_337 = tpu.iota {dimensions = array<i32: 0>} : vector<16xi32>
      %add3A_338 = arith.constant 64 : i32
      %add3A_339 = arith.addi %add3A_300, %add3A_338 : i32
      %add3A_340 = vector.broadcast %add3A_339 : i32 to vector<16xi32>
      %add3A_341 = arith.addi %iota3A_337, %add3A_340 : vector<16xi32>
      %swap3A_342 = arith.constant 64 : index
      %swap3A_343 = tpu.vector_load %arg13[%swap3A_342] {strides = array<i32>} : memref<125xi32, #tpu.memory_space<vmem>>, vector<16xi32>,
      %swap3A_344 = vector.shape_cast %swap3A_343 : vector<16xi32> to vector<16xi32>
      %swap3A_345 = vector.shape_cast %add3A_341 : vector<16xi32> to vector<16xi32>
      tpu.vector_store %arg13[%swap3A_342], %swap3A_345 {strides = array<i32>} : memref<125xi32, #tpu.memory_space<vmem>>, vector<16xi32>,
      %iota3A_346 = tpu.iota {dimensions = array<i32: 0>} : vector<16xi32>
      %add3A_347 = arith.constant 80 : i32
      %add3A_348 = arith.addi %add3A_300, %add3A_347 : i32
      %add3A_349 = vector.broadcast %add3A_348 : i32 to vector<16xi32>
      %add3A_350 = arith.addi %iota3A_346, %add3A_349 : vector<16xi32>
      %swap3A_351 = arith.constant 80 : index
      %swap3A_352 = tpu.vector_load %arg13[%swap3A_351] {strides = array<i32>} : memref<125xi32, #tpu.memory_space<vmem>>, vector<16xi32>,
      %swap3A_353 = vector.shape_cast %swap3A_352 : vector<16xi32> to vector<16xi32>
      %swap3A_354 = vector.shape_cast %add3A_350 : vector<16xi32> to vector<16xi32>
      tpu.vector_store %arg13[%swap3A_351], %swap3A_354 {strides = array<i32>} : memref<125xi32, #tpu.memory_space<vmem>>, vector<16xi32>,
      %iota3A_355 = tpu.iota {dimensions = array<i32: 0>} : vector<16xi32>
      %add3A_356 = arith.constant 96 : i32
      %add3A_357 = arith.addi %add3A_300, %add3A_356 : i32
      %add3A_358 = vector.broadcast %add3A_357 : i32 to vector<16xi32>
      %add3A_359 = arith.addi %iota3A_355, %add3A_358 : vector<16xi32>
      %swap3A_360 = arith.constant 96 : index
      %swap3A_361 = tpu.vector_load %arg13[%swap3A_360] {strides = array<i32>} : memref<125xi32, #tpu.memory_space<vmem>>, vector<16xi32>,
      %swap3A_362 = vector.shape_cast %swap3A_361 : vector<16xi32> to vector<16xi32>
      %swap3A_363 = vector.shape_cast %add3A_359 : vector<16xi32> to vector<16xi32>
      tpu.vector_store %arg13[%swap3A_360], %swap3A_363 {strides = array<i32>} : memref<125xi32, #tpu.memory_space<vmem>>, vector<16xi32>,
      %iota3A_364 = tpu.iota {dimensions = array<i32: 0>} : vector<16xi32>
      %add3A_365 = arith.constant 109 : i32
      %add3A_366 = arith.addi %add3A_300, %add3A_365 : i32
      %add3A_367 = vector.broadcast %add3A_366 : i32 to vector<16xi32>
      %add3A_368 = arith.addi %iota3A_364, %add3A_367 : vector<16xi32>
      %swap3A_369 = arith.constant 109 : index
      %swap3A_370 = tpu.vector_load %arg13[%swap3A_369] {strides = array<i32>} : memref<125xi32, #tpu.memory_space<vmem>>, vector<16xi32>,
      %swap3A_371 = vector.shape_cast %swap3A_370 : vector<16xi32> to vector<16xi32>
      %swap3A_372 = vector.shape_cast %add3A_368 : vector<16xi32> to vector<16xi32>
      tpu.vector_store %arg13[%swap3A_369], %swap3A_372 {strides = array<i32>} : memref<125xi32, #tpu.memory_space<vmem>>, vector<16xi32>,
      "tpu.region"() ({
        %run_scoped3A = tpu.sem_alloc : memref<!tpu.dma_semaphore, #tpu.memory_space<semaphore_mem>>
        %dma_start3A_525 = arith.constant 0 : i32
        %dma_start3A_526 = tpu.memref_slice %arg2[%add3A_300, %dma_start3A_525] : memref<10000x128xi16, #tpu.memory_space<hbm>> -> memref<125x128xi16, #tpu.memory_space<hbm>>
        %dma_start3A_527 = arith.constant 0 : i32
        %dma_start3A_528 = tpu.memref_slice %arg2[%add3A_300, %dma_start3A_527] : memref<10000x128xi16, #tpu.memory_space<hbm>> -> memref<125x128xi16, #tpu.memory_space<hbm>>
        tpu.enqueue_dma source(%dma_start3A_528 : memref<125x128xi16, #tpu.memory_space<hbm>>) target(%arg12 : memref<125x128xi16, #tpu.memory_space<vmem>>) target_semaphore(%run_scoped3A : memref<!tpu.dma_semaphore, #tpu.memory_space<semaphore_mem>>)
        %dma_wait3A_529 = arith.constant 0 : i32
        %dma_wait3A_530 = tpu.memref_slice %arg2[%add3A_300, %dma_wait3A_529] : memref<10000x128xi16, #tpu.memory_space<hbm>> -> memref<125x128xi16, #tpu.memory_space<hbm>>
        %dma_wait3A_531 = arith.constant 0 : i32
        %dma_wait3A_532 = tpu.memref_slice %arg2[%add3A_300, %dma_wait3A_531] : memref<10000x128xi16, #tpu.memory_space<hbm>> -> memref<125x128xi16, #tpu.memory_space<hbm>>
        tpu.wait_dma2 semaphore(%run_scoped3A : memref<!tpu.dma_semaphore, #tpu.memory_space<semaphore_mem>>) src(%dma_wait3A_532 : memref<125x128xi16, #tpu.memory_space<hbm>>) dst(%arg12 : memref<125x128xi16, #tpu.memory_space<vmem>>)
        tpu.yield
      }) : () -> ()
      "tpu.region"() ({
        %run_scoped3A = tpu.sem_alloc : memref<!tpu.dma_semaphore, #tpu.memory_space<semaphore_mem>>
        %dma_start3A_525 = arith.constant 0 : i32
        %dma_start3A_526 = arith.constant 0 : i32
        %dma_start3A_527 = tpu.memref_slice %arg5[%dma_start3A_525, %dma_start3A_526] : memref<10240x128xi16, #tpu.memory_space<vmem_shared>> -> memref<10240x128xi16, #tpu.memory_space<vmem_shared>>
        tpu.enqueue_indirect_dma source(%arg12 : memref<125x128xi16, #tpu.memory_space<vmem>>) target(%dma_start3A_527 : memref<10240x128xi16, #tpu.memory_space<vmem_shared>>) offsets(%arg13 : memref<125xi32, #tpu.memory_space<vmem>>) semaphore(%run_scoped3A : memref<!tpu.dma_semaphore, #tpu.memory_space<semaphore_mem>>) {add = true}
        %dma_wait3A_528 = arith.constant 0 : i32
        %dma_wait3A_529 = arith.constant 0 : i32
        %dma_wait3A_530 = tpu.memref_slice %arg5[%dma_wait3A_528, %dma_wait3A_529] : memref<10240x128xi16, #tpu.memory_space<vmem_shared>> -> memref<10240x128xi16, #tpu.memory_space<vmem_shared>>
        tpu.wait_indirect_dma semaphore(%run_scoped3A : memref<!tpu.dma_semaphore, #tpu.memory_space<semaphore_mem>>) src(%arg12 : memref<125x128xi16, #tpu.memory_space<vmem>>) dst(%dma_wait3A_530 : memref<10240x128xi16, #tpu.memory_space<vmem_shared>>)
        tpu.yield
      }) : () -> ()
      %mul3A_373 = arith.constant 625 : i32
      %mul3A_374 = arith.muli %arg1, %mul3A_373 : i32
      %add3A_375 = arith.constant 375 : i32
      %add3A_376 = arith.addi %mul3A_374, %add3A_375 : i32
      %iota3A_377 = tpu.iota {dimensions = array<i32: 0>} : vector<16xi32>
      %add3A_378 = arith.constant 0 : i32
      %add3A_379 = arith.addi %add3A_376, %add3A_378 : i32
      %add3A_380 = vector.broadcast %add3A_379 : i32 to vector<16xi32>
      %add3A_381 = arith.addi %iota3A_377, %add3A_380 : vector<16xi32>
      %swap3A_382 = arith.constant 0 : index
      %swap3A_383 = tpu.vector_load %arg13[%swap3A_382] {strides = array<i32>} : memref<125xi32, #tpu.memory_space<vmem>>, vector<16xi32>,
      %swap3A_384 = vector.shape_cast %swap3A_383 : vector<16xi32> to vector<16xi32>
      %swap3A_385 = vector.shape_cast %add3A_381 : vector<16xi32> to vector<16xi32>
      tpu.vector_store %arg13[%swap3A_382], %swap3A_385 {strides = array<i32>} : memref<125xi32, #tpu.memory_space<vmem>>, vector<16xi32>,
      %iota3A_386 = tpu.iota {dimensions = array<i32: 0>} : vector<16xi32>
      %add3A_387 = arith.constant 16 : i32
      %add3A_388 = arith.addi %add3A_376, %add3A_387 : i32
      %add3A_389 = vector.broadcast %add3A_388 : i32 to vector<16xi32>
      %add3A_390 = arith.addi %iota3A_386, %add3A_389 : vector<16xi32>
      %swap3A_391 = arith.constant 16 : index
      %swap3A_392 = tpu.vector_load %arg13[%swap3A_391] {strides = array<i32>} : memref<125xi32, #tpu.memory_space<vmem>>, vector<16xi32>,
      %swap3A_393 = vector.shape_cast %swap3A_392 : vector<16xi32> to vector<16xi32>
      %swap3A_394 = vector.shape_cast %add3A_390 : vector<16xi32> to vector<16xi32>
      tpu.vector_store %arg13[%swap3A_391], %swap3A_394 {strides = array<i32>} : memref<125xi32, #tpu.memory_space<vmem>>, vector<16xi32>,
      %iota3A_395 = tpu.iota {dimensions = array<i32: 0>} : vector<16xi32>
      %add3A_396 = arith.constant 32 : i32
      %add3A_397 = arith.addi %add3A_376, %add3A_396 : i32
      %add3A_398 = vector.broadcast %add3A_397 : i32 to vector<16xi32>
      %add3A_399 = arith.addi %iota3A_395, %add3A_398 : vector<16xi32>
      %swap3A_400 = arith.constant 32 : index
      %swap3A_401 = tpu.vector_load %arg13[%swap3A_400] {strides = array<i32>} : memref<125xi32, #tpu.memory_space<vmem>>, vector<16xi32>,
      %swap3A_402 = vector.shape_cast %swap3A_401 : vector<16xi32> to vector<16xi32>
      %swap3A_403 = vector.shape_cast %add3A_399 : vector<16xi32> to vector<16xi32>
      tpu.vector_store %arg13[%swap3A_400], %swap3A_403 {strides = array<i32>} : memref<125xi32, #tpu.memory_space<vmem>>, vector<16xi32>,
      %iota3A_404 = tpu.iota {dimensions = array<i32: 0>} : vector<16xi32>
      %add3A_405 = arith.constant 48 : i32
      %add3A_406 = arith.addi %add3A_376, %add3A_405 : i32
      %add3A_407 = vector.broadcast %add3A_406 : i32 to vector<16xi32>
      %add3A_408 = arith.addi %iota3A_404, %add3A_407 : vector<16xi32>
      %swap3A_409 = arith.constant 48 : index
      %swap3A_410 = tpu.vector_load %arg13[%swap3A_409] {strides = array<i32>} : memref<125xi32, #tpu.memory_space<vmem>>, vector<16xi32>,
      %swap3A_411 = vector.shape_cast %swap3A_410 : vector<16xi32> to vector<16xi32>
      %swap3A_412 = vector.shape_cast %add3A_408 : vector<16xi32> to vector<16xi32>
      tpu.vector_store %arg13[%swap3A_409], %swap3A_412 {strides = array<i32>} : memref<125xi32, #tpu.memory_space<vmem>>, vector<16xi32>,
      %iota3A_413 = tpu.iota {dimensions = array<i32: 0>} : vector<16xi32>
      %add3A_414 = arith.constant 64 : i32
      %add3A_415 = arith.addi %add3A_376, %add3A_414 : i32
      %add3A_416 = vector.broadcast %add3A_415 : i32 to vector<16xi32>
      %add3A_417 = arith.addi %iota3A_413, %add3A_416 : vector<16xi32>
      %swap3A_418 = arith.constant 64 : index
      %swap3A_419 = tpu.vector_load %arg13[%swap3A_418] {strides = array<i32>} : memref<125xi32, #tpu.memory_space<vmem>>, vector<16xi32>,
      %swap3A_420 = vector.shape_cast %swap3A_419 : vector<16xi32> to vector<16xi32>
      %swap3A_421 = vector.shape_cast %add3A_417 : vector<16xi32> to vector<16xi32>
      tpu.vector_store %arg13[%swap3A_418], %swap3A_421 {strides = array<i32>} : memref<125xi32, #tpu.memory_space<vmem>>, vector<16xi32>,
      %iota3A_422 = tpu.iota {dimensions = array<i32: 0>} : vector<16xi32>
      %add3A_423 = arith.constant 80 : i32
      %add3A_424 = arith.addi %add3A_376, %add3A_423 : i32
      %add3A_425 = vector.broadcast %add3A_424 : i32 to vector<16xi32>
      %add3A_426 = arith.addi %iota3A_422, %add3A_425 : vector<16xi32>
      %swap3A_427 = arith.constant 80 : index
      %swap3A_428 = tpu.vector_load %arg13[%swap3A_427] {strides = array<i32>} : memref<125xi32, #tpu.memory_space<vmem>>, vector<16xi32>,
      %swap3A_429 = vector.shape_cast %swap3A_428 : vector<16xi32> to vector<16xi32>
      %swap3A_430 = vector.shape_cast %add3A_426 : vector<16xi32> to vector<16xi32>
      tpu.vector_store %arg13[%swap3A_427], %swap3A_430 {strides = array<i32>} : memref<125xi32, #tpu.memory_space<vmem>>, vector<16xi32>,
      %iota3A_431 = tpu.iota {dimensions = array<i32: 0>} : vector<16xi32>
      %add3A_432 = arith.constant 96 : i32
      %add3A_433 = arith.addi %add3A_376, %add3A_432 : i32
      %add3A_434 = vector.broadcast %add3A_433 : i32 to vector<16xi32>
      %add3A_435 = arith.addi %iota3A_431, %add3A_434 : vector<16xi32>
      %swap3A_436 = arith.constant 96 : index
      %swap3A_437 = tpu.vector_load %arg13[%swap3A_436] {strides = array<i32>} : memref<125xi32, #tpu.memory_space<vmem>>, vector<16xi32>,
      %swap3A_438 = vector.shape_cast %swap3A_437 : vector<16xi32> to vector<16xi32>
      %swap3A_439 = vector.shape_cast %add3A_435 : vector<16xi32> to vector<16xi32>
      tpu.vector_store %arg13[%swap3A_436], %swap3A_439 {strides = array<i32>} : memref<125xi32, #tpu.memory_space<vmem>>, vector<16xi32>,
      %iota3A_440 = tpu.iota {dimensions = array<i32: 0>} : vector<16xi32>
      %add3A_441 = arith.constant 109 : i32
      %add3A_442 = arith.addi %add3A_376, %add3A_441 : i32
      %add3A_443 = vector.broadcast %add3A_442 : i32 to vector<16xi32>
      %add3A_444 = arith.addi %iota3A_440, %add3A_443 : vector<16xi32>
      %swap3A_445 = arith.constant 109 : index
      %swap3A_446 = tpu.vector_load %arg13[%swap3A_445] {strides = array<i32>} : memref<125xi32, #tpu.memory_space<vmem>>, vector<16xi32>,
      %swap3A_447 = vector.shape_cast %swap3A_446 : vector<16xi32> to vector<16xi32>
      %swap3A_448 = vector.shape_cast %add3A_444 : vector<16xi32> to vector<16xi32>
      tpu.vector_store %arg13[%swap3A_445], %swap3A_448 {strides = array<i32>} : memref<125xi32, #tpu.memory_space<vmem>>, vector<16xi32>,
      "tpu.region"() ({
        %run_scoped3A = tpu.sem_alloc : memref<!tpu.dma_semaphore, #tpu.memory_space<semaphore_mem>>
        %dma_start3A_525 = arith.constant 0 : i32
        %dma_start3A_526 = tpu.memref_slice %arg2[%add3A_376, %dma_start3A_525] : memref<10000x128xi16, #tpu.memory_space<hbm>> -> memref<125x128xi16, #tpu.memory_space<hbm>>
        %dma_start3A_527 = arith.constant 0 : i32
        %dma_start3A_528 = tpu.memref_slice %arg2[%add3A_376, %dma_start3A_527] : memref<10000x128xi16, #tpu.memory_space<hbm>> -> memref<125x128xi16, #tpu.memory_space<hbm>>
        tpu.enqueue_dma source(%dma_start3A_528 : memref<125x128xi16, #tpu.memory_space<hbm>>) target(%arg12 : memref<125x128xi16, #tpu.memory_space<vmem>>) target_semaphore(%run_scoped3A : memref<!tpu.dma_semaphore, #tpu.memory_space<semaphore_mem>>)
        %dma_wait3A_529 = arith.constant 0 : i32
        %dma_wait3A_530 = tpu.memref_slice %arg2[%add3A_376, %dma_wait3A_529] : memref<10000x128xi16, #tpu.memory_space<hbm>> -> memref<125x128xi16, #tpu.memory_space<hbm>>
        %dma_wait3A_531 = arith.constant 0 : i32
        %dma_wait3A_532 = tpu.memref_slice %arg2[%add3A_376, %dma_wait3A_531] : memref<10000x128xi16, #tpu.memory_space<hbm>> -> memref<125x128xi16, #tpu.memory_space<hbm>>
        tpu.wait_dma2 semaphore(%run_scoped3A : memref<!tpu.dma_semaphore, #tpu.memory_space<semaphore_mem>>) src(%dma_wait3A_532 : memref<125x128xi16, #tpu.memory_space<hbm>>) dst(%arg12 : memref<125x128xi16, #tpu.memory_space<vmem>>)
        tpu.yield
      }) : () -> ()
      "tpu.region"() ({
        %run_scoped3A = tpu.sem_alloc : memref<!tpu.dma_semaphore, #tpu.memory_space<semaphore_mem>>
        %dma_start3A_525 = arith.constant 0 : i32
        %dma_start3A_526 = arith.constant 0 : i32
        %dma_start3A_527 = tpu.memref_slice %arg5[%dma_start3A_525, %dma_start3A_526] : memref<10240x128xi16, #tpu.memory_space<vmem_shared>> -> memref<10240x128xi16, #tpu.memory_space<vmem_shared>>
        tpu.enqueue_indirect_dma source(%arg12 : memref<125x128xi16, #tpu.memory_space<vmem>>) target(%dma_start3A_527 : memref<10240x128xi16, #tpu.memory_space<vmem_shared>>) offsets(%arg13 : memref<125xi32, #tpu.memory_space<vmem>>) semaphore(%run_scoped3A : memref<!tpu.dma_semaphore, #tpu.memory_space<semaphore_mem>>) {add = true}
        %dma_wait3A_528 = arith.constant 0 : i32
        %dma_wait3A_529 = arith.constant 0 : i32
        %dma_wait3A_530 = tpu.memref_slice %arg5[%dma_wait3A_528, %dma_wait3A_529] : memref<10240x128xi16, #tpu.memory_space<vmem_shared>> -> memref<10240x128xi16, #tpu.memory_space<vmem_shared>>
        tpu.wait_indirect_dma semaphore(%run_scoped3A : memref<!tpu.dma_semaphore, #tpu.memory_space<semaphore_mem>>) src(%arg12 : memref<125x128xi16, #tpu.memory_space<vmem>>) dst(%dma_wait3A_530 : memref<10240x128xi16, #tpu.memory_space<vmem_shared>>)
        tpu.yield
      }) : () -> ()
      %mul3A_449 = arith.constant 625 : i32
      %mul3A_450 = arith.muli %arg1, %mul3A_449 : i32
      %add3A_451 = arith.constant 500 : i32
      %add3A_452 = arith.addi %mul3A_450, %add3A_451 : i32
      %iota3A_453 = tpu.iota {dimensions = array<i32: 0>} : vector<16xi32>
      %add3A_454 = arith.constant 0 : i32
      %add3A_455 = arith.addi %add3A_452, %add3A_454 : i32
      %add3A_456 = vector.broadcast %add3A_455 : i32 to vector<16xi32>
      %add3A_457 = arith.addi %iota3A_453, %add3A_456 : vector<16xi32>
      %swap3A_458 = arith.constant 0 : index
      %swap3A_459 = tpu.vector_load %arg13[%swap3A_458] {strides = array<i32>} : memref<125xi32, #tpu.memory_space<vmem>>, vector<16xi32>,
      %swap3A_460 = vector.shape_cast %swap3A_459 : vector<16xi32> to vector<16xi32>
      %swap3A_461 = vector.shape_cast %add3A_457 : vector<16xi32> to vector<16xi32>
      tpu.vector_store %arg13[%swap3A_458], %swap3A_461 {strides = array<i32>} : memref<125xi32, #tpu.memory_space<vmem>>, vector<16xi32>,
      %iota3A_462 = tpu.iota {dimensions = array<i32: 0>} : vector<16xi32>
      %add3A_463 = arith.constant 16 : i32
      %add3A_464 = arith.addi %add3A_452, %add3A_463 : i32
      %add3A_465 = vector.broadcast %add3A_464 : i32 to vector<16xi32>
      %add3A_466 = arith.addi %iota3A_462, %add3A_465 : vector<16xi32>
      %swap3A_467 = arith.constant 16 : index
      %swap3A_468 = tpu.vector_load %arg13[%swap3A_467] {strides = array<i32>} : memref<125xi32, #tpu.memory_space<vmem>>, vector<16xi32>,
      %swap3A_469 = vector.shape_cast %swap3A_468 : vector<16xi32> to vector<16xi32>
      %swap3A_470 = vector.shape_cast %add3A_466 : vector<16xi32> to vector<16xi32>
      tpu.vector_store %arg13[%swap3A_467], %swap3A_470 {strides = array<i32>} : memref<125xi32, #tpu.memory_space<vmem>>, vector<16xi32>,
      %iota3A_471 = tpu.iota {dimensions = array<i32: 0>} : vector<16xi32>
      %add3A_472 = arith.constant 32 : i32
      %add3A_473 = arith.addi %add3A_452, %add3A_472 : i32
      %add3A_474 = vector.broadcast %add3A_473 : i32 to vector<16xi32>
      %add3A_475 = arith.addi %iota3A_471, %add3A_474 : vector<16xi32>
      %swap3A_476 = arith.constant 32 : index
      %swap3A_477 = tpu.vector_load %arg13[%swap3A_476] {strides = array<i32>} : memref<125xi32, #tpu.memory_space<vmem>>, vector<16xi32>,
      %swap3A_478 = vector.shape_cast %swap3A_477 : vector<16xi32> to vector<16xi32>
      %swap3A_479 = vector.shape_cast %add3A_475 : vector<16xi32> to vector<16xi32>
      tpu.vector_store %arg13[%swap3A_476], %swap3A_479 {strides = array<i32>} : memref<125xi32, #tpu.memory_space<vmem>>, vector<16xi32>,
      %iota3A_480 = tpu.iota {dimensions = array<i32: 0>} : vector<16xi32>
      %add3A_481 = arith.constant 48 : i32
      %add3A_482 = arith.addi %add3A_452, %add3A_481 : i32
      %add3A_483 = vector.broadcast %add3A_482 : i32 to vector<16xi32>
      %add3A_484 = arith.addi %iota3A_480, %add3A_483 : vector<16xi32>
      %swap3A_485 = arith.constant 48 : index
      %swap3A_486 = tpu.vector_load %arg13[%swap3A_485] {strides = array<i32>} : memref<125xi32, #tpu.memory_space<vmem>>, vector<16xi32>,
      %swap3A_487 = vector.shape_cast %swap3A_486 : vector<16xi32> to vector<16xi32>
      %swap3A_488 = vector.shape_cast %add3A_484 : vector<16xi32> to vector<16xi32>
      tpu.vector_store %arg13[%swap3A_485], %swap3A_488 {strides = array<i32>} : memref<125xi32, #tpu.memory_space<vmem>>, vector<16xi32>,
      %iota3A_489 = tpu.iota {dimensions = array<i32: 0>} : vector<16xi32>
      %add3A_490 = arith.constant 64 : i32
      %add3A_491 = arith.addi %add3A_452, %add3A_490 : i32
      %add3A_492 = vector.broadcast %add3A_491 : i32 to vector<16xi32>
      %add3A_493 = arith.addi %iota3A_489, %add3A_492 : vector<16xi32>
      %swap3A_494 = arith.constant 64 : index
      %swap3A_495 = tpu.vector_load %arg13[%swap3A_494] {strides = array<i32>} : memref<125xi32, #tpu.memory_space<vmem>>, vector<16xi32>,
      %swap3A_496 = vector.shape_cast %swap3A_495 : vector<16xi32> to vector<16xi32>
      %swap3A_497 = vector.shape_cast %add3A_493 : vector<16xi32> to vector<16xi32>
      tpu.vector_store %arg13[%swap3A_494], %swap3A_497 {strides = array<i32>} : memref<125xi32, #tpu.memory_space<vmem>>, vector<16xi32>,
      %iota3A_498 = tpu.iota {dimensions = array<i32: 0>} : vector<16xi32>
      %add3A_499 = arith.constant 80 : i32
      %add3A_500 = arith.addi %add3A_452, %add3A_499 : i32
      %add3A_501 = vector.broadcast %add3A_500 : i32 to vector<16xi32>
      %add3A_502 = arith.addi %iota3A_498, %add3A_501 : vector<16xi32>
      %swap3A_503 = arith.constant 80 : index
      %swap3A_504 = tpu.vector_load %arg13[%swap3A_503] {strides = array<i32>} : memref<125xi32, #tpu.memory_space<vmem>>, vector<16xi32>,
      %swap3A_505 = vector.shape_cast %swap3A_504 : vector<16xi32> to vector<16xi32>
      %swap3A_506 = vector.shape_cast %add3A_502 : vector<16xi32> to vector<16xi32>
      tpu.vector_store %arg13[%swap3A_503], %swap3A_506 {strides = array<i32>} : memref<125xi32, #tpu.memory_space<vmem>>, vector<16xi32>,
      %iota3A_507 = tpu.iota {dimensions = array<i32: 0>} : vector<16xi32>
      %add3A_508 = arith.constant 96 : i32
      %add3A_509 = arith.addi %add3A_452, %add3A_508 : i32
      %add3A_510 = vector.broadcast %add3A_509 : i32 to vector<16xi32>
      %add3A_511 = arith.addi %iota3A_507, %add3A_510 : vector<16xi32>
      %swap3A_512 = arith.constant 96 : index
      %swap3A_513 = tpu.vector_load %arg13[%swap3A_512] {strides = array<i32>} : memref<125xi32, #tpu.memory_space<vmem>>, vector<16xi32>,
      %swap3A_514 = vector.shape_cast %swap3A_513 : vector<16xi32> to vector<16xi32>
      %swap3A_515 = vector.shape_cast %add3A_511 : vector<16xi32> to vector<16xi32>
      tpu.vector_store %arg13[%swap3A_512], %swap3A_515 {strides = array<i32>} : memref<125xi32, #tpu.memory_space<vmem>>, vector<16xi32>,
      %iota3A_516 = tpu.iota {dimensions = array<i32: 0>} : vector<16xi32>
      %add3A_517 = arith.constant 109 : i32
      %add3A_518 = arith.addi %add3A_452, %add3A_517 : i32
      %add3A_519 = vector.broadcast %add3A_518 : i32 to vector<16xi32>
      %add3A_520 = arith.addi %iota3A_516, %add3A_519 : vector<16xi32>
      %swap3A_521 = arith.constant 109 : index
      %swap3A_522 = tpu.vector_load %arg13[%swap3A_521] {strides = array<i32>} : memref<125xi32, #tpu.memory_space<vmem>>, vector<16xi32>,
      %swap3A_523 = vector.shape_cast %swap3A_522 : vector<16xi32> to vector<16xi32>
      %swap3A_524 = vector.shape_cast %add3A_520 : vector<16xi32> to vector<16xi32>
      tpu.vector_store %arg13[%swap3A_521], %swap3A_524 {strides = array<i32>} : memref<125xi32, #tpu.memory_space<vmem>>, vector<16xi32>,
      "tpu.region"() ({
        %run_scoped3A = tpu.sem_alloc : memref<!tpu.dma_semaphore, #tpu.memory_space<semaphore_mem>>
        %dma_start3A_525 = arith.constant 0 : i32
        %dma_start3A_526 = tpu.memref_slice %arg2[%add3A_452, %dma_start3A_525] : memref<10000x128xi16, #tpu.memory_space<hbm>> -> memref<125x128xi16, #tpu.memory_space<hbm>>
        %dma_start3A_527 = arith.constant 0 : i32
        %dma_start3A_528 = tpu.memref_slice %arg2[%add3A_452, %dma_start3A_527] : memref<10000x128xi16, #tpu.memory_space<hbm>> -> memref<125x128xi16, #tpu.memory_space<hbm>>
        tpu.enqueue_dma source(%dma_start3A_528 : memref<125x128xi16, #tpu.memory_space<hbm>>) target(%arg12 : memref<125x128xi16, #tpu.memory_space<vmem>>) target_semaphore(%run_scoped3A : memref<!tpu.dma_semaphore, #tpu.memory_space<semaphore_mem>>)
        %dma_wait3A_529 = arith.constant 0 : i32
        %dma_wait3A_530 = tpu.memref_slice %arg2[%add3A_452, %dma_wait3A_529] : memref<10000x128xi16, #tpu.memory_space<hbm>> -> memref<125x128xi16, #tpu.memory_space<hbm>>
        %dma_wait3A_531 = arith.constant 0 : i32
        %dma_wait3A_532 = tpu.memref_slice %arg2[%add3A_452, %dma_wait3A_531] : memref<10000x128xi16, #tpu.memory_space<hbm>> -> memref<125x128xi16, #tpu.memory_space<hbm>>
        tpu.wait_dma2 semaphore(%run_scoped3A : memref<!tpu.dma_semaphore, #tpu.memory_space<semaphore_mem>>) src(%dma_wait3A_532 : memref<125x128xi16, #tpu.memory_space<hbm>>) dst(%arg12 : memref<125x128xi16, #tpu.memory_space<vmem>>)
        tpu.yield
      }) : () -> ()
      "tpu.region"() ({
        %run_scoped3A = tpu.sem_alloc : memref<!tpu.dma_semaphore, #tpu.memory_space<semaphore_mem>>
        %dma_start3A_525 = arith.constant 0 : i32
        %dma_start3A_526 = arith.constant 0 : i32
        %dma_start3A_527 = tpu.memref_slice %arg5[%dma_start3A_525, %dma_start3A_526] : memref<10240x128xi16, #tpu.memory_space<vmem_shared>> -> memref<10240x128xi16, #tpu.memory_space<vmem_shared>>
        tpu.enqueue_indirect_dma source(%arg12 : memref<125x128xi16, #tpu.memory_space<vmem>>) target(%dma_start3A_527 : memref<10240x128xi16, #tpu.memory_space<vmem_shared>>) offsets(%arg13 : memref<125xi32, #tpu.memory_space<vmem>>) semaphore(%run_scoped3A : memref<!tpu.dma_semaphore, #tpu.memory_space<semaphore_mem>>) {add = true}
        %dma_wait3A_528 = arith.constant 0 : i32
        %dma_wait3A_529 = arith.constant 0 : i32
        %dma_wait3A_530 = tpu.memref_slice %arg5[%dma_wait3A_528, %dma_wait3A_529] : memref<10240x128xi16, #tpu.memory_space<vmem_shared>> -> memref<10240x128xi16, #tpu.memory_space<vmem_shared>>
        tpu.wait_indirect_dma semaphore(%run_scoped3A : memref<!tpu.dma_semaphore, #tpu.memory_space<semaphore_mem>>) src(%arg12 : memref<125x128xi16, #tpu.memory_space<vmem>>) dst(%dma_wait3A_530 : memref<10240x128xi16, #tpu.memory_space<vmem_shared>>)
        tpu.yield
      }) : () -> ()
    } else {
    }
    %dma_start3A = arith.constant 0 : i32
    %dma_start3A_49 = arith.constant 0 : i32
    %dma_start3A_50 = arith.constant 0 : i32
    %dma_start3A_51 = arith.constant 0 : i32
    %dma_start3A_52 = tpu.memref_slice %arg14[%dma_start3A_49, %dma_start3A_50, %dma_start3A_51] : memref<2x8x125xi32, #tpu.memory_space<vmem>> -> memref<1x8x125xi32, #tpu.memory_space<vmem>>
    %dma_start3A_53 = tpu.memref_squeeze %dma_start3A_52 : memref<1x8x125xi32, #tpu.memory_space<vmem>> -> memref<8x125xi32, #tpu.memory_space<vmem>>
    %dma_start3A_54 = arith.constant 0 : i32
    %dma_start3A_55 = arith.constant 0 : i32
    %dma_start3A_56 = tpu.memref_slice %arg3[%dma_start3A, %add3A, %dma_start3A_54, %dma_start3A_55] : memref<2x32x80x125xi32, #tpu.memory_space<hbm>> -> memref<1x1x8x125xi32, #tpu.memory_space<hbm>>
    %dma_start3A_57 = tpu.memref_squeeze %dma_start3A_56 : memref<1x1x8x125xi32, #tpu.memory_space<hbm>> -> memref<8x125xi32, #tpu.memory_space<hbm>>
    %dma_start3A_58 = arith.constant 0 : i32
    %dma_start3A_59 = arith.constant 0 : i32
    %dma_start3A_60 = tpu.memref_slice %arg14[%dma_start3A_49, %dma_start3A_58, %dma_start3A_59] : memref<2x8x125xi32, #tpu.memory_space<vmem>> -> memref<1x8x125xi32, #tpu.memory_space<vmem>>
    %dma_start3A_61 = tpu.memref_squeeze %dma_start3A_60 : memref<1x8x125xi32, #tpu.memory_space<vmem>> -> memref<8x125xi32, #tpu.memory_space<vmem>>
    %dma_start3A_62 = arith.constant 0 : i32
    %dma_start3A_63 = arith.constant 0 : i32
    %dma_start3A_64 = tpu.memref_slice %arg3[%dma_start3A, %add3A, %dma_start3A_62, %dma_start3A_63] : memref<2x32x80x125xi32, #tpu.memory_space<hbm>> -> memref<1x1x8x125xi32, #tpu.memory_space<hbm>>
    %dma_start3A_65 = tpu.memref_squeeze %dma_start3A_64 : memref<1x1x8x125xi32, #tpu.memory_space<hbm>> -> memref<8x125xi32, #tpu.memory_space<hbm>>
    tpu.enqueue_dma source(%dma_start3A_65 : memref<8x125xi32, #tpu.memory_space<hbm>>) target(%dma_start3A_61 : memref<8x125xi32, #tpu.memory_space<vmem>>) target_semaphore(%arg11 : memref<!tpu.dma_semaphore, #tpu.memory_space<semaphore_mem>>)
    %dma_start3A_66 = arith.constant 1 : i32
    %dma_start3A_67 = arith.constant 0 : i32
    %dma_start3A_68 = arith.constant 0 : i32
    %dma_start3A_69 = arith.constant 0 : i32
    %dma_start3A_70 = tpu.memref_slice %arg8[%dma_start3A_67, %dma_start3A_68, %dma_start3A_69] : memref<2x8x125xi32, #tpu.memory_space<vmem>> -> memref<1x8x125xi32, #tpu.memory_space<vmem>>
    %dma_start3A_71 = tpu.memref_squeeze %dma_start3A_70 : memref<1x8x125xi32, #tpu.memory_space<vmem>> -> memref<8x125xi32, #tpu.memory_space<vmem>>
    %dma_start3A_72 = arith.constant 0 : i32
    %dma_start3A_73 = arith.constant 0 : i32
    %dma_start3A_74 = tpu.memref_slice %arg3[%dma_start3A_66, %add3A, %dma_start3A_72, %dma_start3A_73] : memref<2x32x80x125xi32, #tpu.memory_space<hbm>> -> memref<1x1x8x125xi32, #tpu.memory_space<hbm>>
    %dma_start3A_75 = tpu.memref_squeeze %dma_start3A_74 : memref<1x1x8x125xi32, #tpu.memory_space<hbm>> -> memref<8x125xi32, #tpu.memory_space<hbm>>
    %dma_start3A_76 = arith.constant 0 : i32
    %dma_start3A_77 = arith.constant 0 : i32
    %dma_start3A_78 = tpu.memref_slice %arg8[%dma_start3A_67, %dma_start3A_76, %dma_start3A_77] : memref<2x8x125xi32, #tpu.memory_space<vmem>> -> memref<1x8x125xi32, #tpu.memory_space<vmem>>
    %dma_start3A_79 = tpu.memref_squeeze %dma_start3A_78 : memref<1x8x125xi32, #tpu.memory_space<vmem>> -> memref<8x125xi32, #tpu.memory_space<vmem>>
    %dma_start3A_80 = arith.constant 0 : i32
    %dma_start3A_81 = arith.constant 0 : i32
    %dma_start3A_82 = tpu.memref_slice %arg3[%dma_start3A_66, %add3A, %dma_start3A_80, %dma_start3A_81] : memref<2x32x80x125xi32, #tpu.memory_space<hbm>> -> memref<1x1x8x125xi32, #tpu.memory_space<hbm>>
    %dma_start3A_83 = tpu.memref_squeeze %dma_start3A_82 : memref<1x1x8x125xi32, #tpu.memory_space<hbm>> -> memref<8x125xi32, #tpu.memory_space<hbm>>
    tpu.enqueue_dma source(%dma_start3A_83 : memref<8x125xi32, #tpu.memory_space<hbm>>) target(%dma_start3A_79 : memref<8x125xi32, #tpu.memory_space<vmem>>) target_semaphore(%arg11 : memref<!tpu.dma_semaphore, #tpu.memory_space<semaphore_mem>>)
    %dma_wait3A = arith.constant 0 : i32
    %dma_wait3A_84 = arith.constant 0 : i32
    %dma_wait3A_85 = arith.constant 0 : i32
    %dma_wait3A_86 = arith.constant 0 : i32
    %dma_wait3A_87 = tpu.memref_slice %arg14[%dma_wait3A_84, %dma_wait3A_85, %dma_wait3A_86] : memref<2x8x125xi32, #tpu.memory_space<vmem>> -> memref<1x8x125xi32, #tpu.memory_space<vmem>>
    %dma_wait3A_88 = tpu.memref_squeeze %dma_wait3A_87 : memref<1x8x125xi32, #tpu.memory_space<vmem>> -> memref<8x125xi32, #tpu.memory_space<vmem>>
    %dma_wait3A_89 = arith.constant 0 : i32
    %dma_wait3A_90 = arith.constant 0 : i32
    %dma_wait3A_91 = tpu.memref_slice %arg3[%dma_wait3A, %add3A, %dma_wait3A_89, %dma_wait3A_90] : memref<2x32x80x125xi32, #tpu.memory_space<hbm>> -> memref<1x1x8x125xi32, #tpu.memory_space<hbm>>
    %dma_wait3A_92 = tpu.memref_squeeze %dma_wait3A_91 : memref<1x1x8x125xi32, #tpu.memory_space<hbm>> -> memref<8x125xi32, #tpu.memory_space<hbm>>
    %dma_wait3A_93 = arith.constant 0 : i32
    %dma_wait3A_94 = arith.constant 0 : i32
    %dma_wait3A_95 = tpu.memref_slice %arg14[%dma_wait3A_84, %dma_wait3A_93, %dma_wait3A_94] : memref<2x8x125xi32, #tpu.memory_space<vmem>> -> memref<1x8x125xi32, #tpu.memory_space<vmem>>
    %dma_wait3A_96 = tpu.memref_squeeze %dma_wait3A_95 : memref<1x8x125xi32, #tpu.memory_space<vmem>> -> memref<8x125xi32, #tpu.memory_space<vmem>>
    %dma_wait3A_97 = arith.constant 0 : i32
    %dma_wait3A_98 = arith.constant 0 : i32
    %dma_wait3A_99 = tpu.memref_slice %arg3[%dma_wait3A, %add3A, %dma_wait3A_97, %dma_wait3A_98] : memref<2x32x80x125xi32, #tpu.memory_space<hbm>> -> memref<1x1x8x125xi32, #tpu.memory_space<hbm>>
    %dma_wait3A_100 = tpu.memref_squeeze %dma_wait3A_99 : memref<1x1x8x125xi32, #tpu.memory_space<hbm>> -> memref<8x125xi32, #tpu.memory_space<hbm>>
    tpu.wait_dma2 semaphore(%arg11 : memref<!tpu.dma_semaphore, #tpu.memory_space<semaphore_mem>>) src(%dma_wait3A_100 : memref<8x125xi32, #tpu.memory_space<hbm>>) dst(%dma_wait3A_96 : memref<8x125xi32, #tpu.memory_space<vmem>>)
    %dma_wait3A_101 = arith.constant 1 : i32
    %dma_wait3A_102 = arith.constant 0 : i32
    %dma_wait3A_103 = arith.constant 0 : i32
    %dma_wait3A_104 = arith.constant 0 : i32
    %dma_wait3A_105 = tpu.memref_slice %arg8[%dma_wait3A_102, %dma_wait3A_103, %dma_wait3A_104] : memref<2x8x125xi32, #tpu.memory_space<vmem>> -> memref<1x8x125xi32, #tpu.memory_space<vmem>>
    %dma_wait3A_106 = tpu.memref_squeeze %dma_wait3A_105 : memref<1x8x125xi32, #tpu.memory_space<vmem>> -> memref<8x125xi32, #tpu.memory_space<vmem>>
    %dma_wait3A_107 = arith.constant 0 : i32
    %dma_wait3A_108 = arith.constant 0 : i32
    %dma_wait3A_109 = tpu.memref_slice %arg3[%dma_wait3A_101, %add3A, %dma_wait3A_107, %dma_wait3A_108] : memref<2x32x80x125xi32, #tpu.memory_space<hbm>> -> memref<1x1x8x125xi32, #tpu.memory_space<hbm>>
    %dma_wait3A_110 = tpu.memref_squeeze %dma_wait3A_109 : memref<1x1x8x125xi32, #tpu.memory_space<hbm>> -> memref<8x125xi32, #tpu.memory_space<hbm>>
    %dma_wait3A_111 = arith.constant 0 : i32
    %dma_wait3A_112 = arith.constant 0 : i32
    %dma_wait3A_113 = tpu.memref_slice %arg8[%dma_wait3A_102, %dma_wait3A_111, %dma_wait3A_112] : memref<2x8x125xi32, #tpu.memory_space<vmem>> -> memref<1x8x125xi32, #tpu.memory_space<vmem>>
    %dma_wait3A_114 = tpu.memref_squeeze %dma_wait3A_113 : memref<1x8x125xi32, #tpu.memory_space<vmem>> -> memref<8x125xi32, #tpu.memory_space<vmem>>
    %dma_wait3A_115 = arith.constant 0 : i32
    %dma_wait3A_116 = arith.constant 0 : i32
    %dma_wait3A_117 = tpu.memref_slice %arg3[%dma_wait3A_101, %add3A, %dma_wait3A_115, %dma_wait3A_116] : memref<2x32x80x125xi32, #tpu.memory_space<hbm>> -> memref<1x1x8x125xi32, #tpu.memory_space<hbm>>
    %dma_wait3A_118 = tpu.memref_squeeze %dma_wait3A_117 : memref<1x1x8x125xi32, #tpu.memory_space<hbm>> -> memref<8x125xi32, #tpu.memory_space<hbm>>
    tpu.wait_dma2 semaphore(%arg11 : memref<!tpu.dma_semaphore, #tpu.memory_space<semaphore_mem>>) src(%dma_wait3A_118 : memref<8x125xi32, #tpu.memory_space<hbm>>) dst(%dma_wait3A_114 : memref<8x125xi32, #tpu.memory_space<vmem>>)
    %dma_start3A_119 = arith.constant 0 : i32
    %dma_start3A_120 = arith.constant 0 : i32
    %dma_start3A_121 = arith.constant 0 : i32
    %dma_start3A_122 = tpu.memref_slice %arg14[%dma_start3A_119, %dma_start3A_120, %dma_start3A_121] : memref<2x8x125xi32, #tpu.memory_space<vmem>> -> memref<1x1x125xi32, #tpu.memory_space<vmem>>
    %dma_start3A_123 = tpu.memref_squeeze %dma_start3A_122 : memref<1x1x125xi32, #tpu.memory_space<vmem>> -> memref<125xi32, #tpu.memory_space<vmem>>
    %dma_start3A_124 = arith.constant 0 : i32
    %dma_start3A_125 = arith.constant 0 : i32
    %dma_start3A_126 = tpu.memref_slice %arg2[%dma_start3A_124, %dma_start3A_125] : memref<10000x128xi16, #tpu.memory_space<hbm>> -> memref<10000x128xi16, #tpu.memory_space<hbm>>
    tpu.enqueue_indirect_dma source(%dma_start3A_126 : memref<10000x128xi16, #tpu.memory_space<hbm>>) target(%arg6 : memref<125x128xi16, #tpu.memory_space<vmem>>) offsets(%dma_start3A_123 : memref<125xi32, #tpu.memory_space<vmem>>) semaphore(%arg9 : memref<!tpu.dma_semaphore, #tpu.memory_space<semaphore_mem>>)
    %scan3A_127 = arith.constant 0 : i32
    %scan3A_128 = arith.constant 0 : i32
    %scan3A_129 = arith.constant 10 : i32
    %scan3A_130 = arith.addi %scan3A_128, %scan3A_129 : i32
    %scan3A_131 = arith.constant 1 : i32
    %scan3A_132 = scf.for %scan3A_147 = %scan3A_128 to %scan3A_130 step %scan3A_131 iter_args(%scan3A_148 = %scan3A_127) -> (i32)  : i32 {
      %rem3A = arith.constant 2 : i32
      %rem3A_149 = arith.remsi %scan3A_147, %rem3A : i32
      %add3A_150 = arith.constant 1 : i32
      %add3A_151 = arith.addi %scan3A_147, %add3A_150 : i32
      %rem3A_152 = arith.constant 2 : i32
      %rem3A_153 = arith.remsi %add3A_151, %rem3A_152 : i32
      %dma_wait3A_154 = arith.constant 0 : i32
      %dma_wait3A_155 = arith.constant 0 : i32
      %dma_wait3A_156 = arith.constant 0 : i32
      %dma_wait3A_157 = tpu.memref_slice %arg14[%dma_wait3A_154, %dma_wait3A_155, %dma_wait3A_156] : memref<2x8x125xi32, #tpu.memory_space<vmem>> -> memref<1x1x125xi32, #tpu.memory_space<vmem>>
      %dma_wait3A_158 = tpu.memref_squeeze %dma_wait3A_157 : memref<1x1x125xi32, #tpu.memory_space<vmem>> -> memref<125xi32, #tpu.memory_space<vmem>>
      %dma_wait3A_159 = arith.constant 0 : i32
      %dma_wait3A_160 = arith.constant 0 : i32
      %dma_wait3A_161 = tpu.memref_slice %arg2[%dma_wait3A_159, %dma_wait3A_160] : memref<10000x128xi16, #tpu.memory_space<hbm>> -> memref<10000x128xi16, #tpu.memory_space<hbm>>
      tpu.wait_indirect_dma semaphore(%arg9 : memref<!tpu.dma_semaphore, #tpu.memory_space<semaphore_mem>>) src(%dma_wait3A_161 : memref<10000x128xi16, #tpu.memory_space<hbm>>) dst(%arg6 : memref<125x128xi16, #tpu.memory_space<vmem>>)
      %dma_start3A_162 = arith.constant 0 : i32
      %dma_start3A_163 = arith.constant 0 : i32
      %dma_start3A_164 = tpu.memref_slice %arg8[%rem3A_149, %dma_start3A_162, %dma_start3A_163] : memref<2x8x125xi32, #tpu.memory_space<vmem>> -> memref<1x1x125xi32, #tpu.memory_space<vmem>>
      %dma_start3A_165 = tpu.memref_squeeze %dma_start3A_164 : memref<1x1x125xi32, #tpu.memory_space<vmem>> -> memref<125xi32, #tpu.memory_space<vmem>>
      %dma_start3A_166 = arith.constant 0 : i32
      %dma_start3A_167 = arith.constant 0 : i32
      %dma_start3A_168 = tpu.memref_slice %arg5[%dma_start3A_166, %dma_start3A_167] : memref<10240x128xi16, #tpu.memory_space<vmem_shared>> -> memref<10240x128xi16, #tpu.memory_space<vmem_shared>>
      tpu.enqueue_indirect_dma source(%arg6 : memref<125x128xi16, #tpu.memory_space<vmem>>) target(%dma_start3A_168 : memref<10240x128xi16, #tpu.memory_space<vmem_shared>>) offsets(%dma_start3A_165 : memref<125xi32, #tpu.memory_space<vmem>>) semaphore(%arg15 : memref<!tpu.dma_semaphore, #tpu.memory_space<semaphore_mem>>) {add = true}
      %gt3A = arith.constant 0 : i32
      %gt3A_169 = arith.cmpi sgt, %scan3A_147, %gt3A : i32
      %convert_element_type3A_170 = arith.extui %gt3A_169 : i1 to i32
      %cond3A_171 = arith.constant 0 : i32
      %cond3A_172 = arith.cmpi ne, %convert_element_type3A_170, %cond3A_171 : i32
      scf.if %cond3A_172 {
        %dma_wait3A_393 = arith.constant 0 : i32
        %dma_wait3A_394 = arith.constant 0 : i32
        %dma_wait3A_395 = arith.constant 0 : i32
        %dma_wait3A_396 = tpu.memref_slice %arg8[%dma_wait3A_393, %dma_wait3A_394, %dma_wait3A_395] : memref<2x8x125xi32, #tpu.memory_space<vmem>> -> memref<1x1x125xi32, #tpu.memory_space<vmem>>
        %dma_wait3A_397 = tpu.memref_squeeze %dma_wait3A_396 : memref<1x1x125xi32, #tpu.memory_space<vmem>> -> memref<125xi32, #tpu.memory_space<vmem>>
        %dma_wait3A_398 = arith.constant 0 : i32
        %dma_wait3A_399 = arith.constant 0 : i32
        %dma_wait3A_400 = tpu.memref_slice %arg5[%dma_wait3A_398, %dma_wait3A_399] : memref<10240x128xi16, #tpu.memory_space<vmem_shared>> -> memref<10240x128xi16, #tpu.memory_space<vmem_shared>>
        tpu.wait_indirect_dma semaphore(%arg16 : memref<!tpu.dma_semaphore, #tpu.memory_space<semaphore_mem>>) src(%arg7 : memref<125x128xi16, #tpu.memory_space<vmem>>) dst(%dma_wait3A_400 : memref<10240x128xi16, #tpu.memory_space<vmem_shared>>)
      } else {
      }
      %lt3A = arith.constant 9 : i32
      %lt3A_173 = arith.cmpi slt, %scan3A_147, %lt3A : i32
      %convert_element_type3A_174 = arith.extui %lt3A_173 : i1 to i32
      %cond3A_175 = arith.constant 0 : i32
      %cond3A_176 = arith.cmpi ne, %convert_element_type3A_174, %cond3A_175 : i32
      scf.if %cond3A_176 {
        %add3A_393 = arith.constant 1 : i32
        %add3A_394 = arith.addi %scan3A_147, %add3A_393 : i32
        %mul3A_395 = arith.constant 8 : i32
        %mul3A_396 = arith.muli %add3A_394, %mul3A_395 : i32
        %dma_start3A_397 = arith.constant 0 : i32
        %dma_start3A_398 = arith.constant 0 : i32
        %dma_start3A_399 = arith.constant 0 : i32
        %dma_start3A_400 = tpu.memref_slice %arg14[%rem3A_153, %dma_start3A_398, %dma_start3A_399] : memref<2x8x125xi32, #tpu.memory_space<vmem>> -> memref<1x8x125xi32, #tpu.memory_space<vmem>>
        %dma_start3A_401 = tpu.memref_squeeze %dma_start3A_400 : memref<1x8x125xi32, #tpu.memory_space<vmem>> -> memref<8x125xi32, #tpu.memory_space<vmem>>
        %dma_start3A_402 = arith.constant 0 : i32
        %dma_start3A_403 = tpu.memref_slice %arg3[%dma_start3A_397, %add3A, %mul3A_396, %dma_start3A_402] : memref<2x32x80x125xi32, #tpu.memory_space<hbm>> -> memref<1x1x8x125xi32, #tpu.memory_space<hbm>>
        %dma_start3A_404 = tpu.memref_squeeze %dma_start3A_403 : memref<1x1x8x125xi32, #tpu.memory_space<hbm>> -> memref<8x125xi32, #tpu.memory_space<hbm>>
        %dma_start3A_405 = arith.constant 0 : i32
        %dma_start3A_406 = arith.constant 0 : i32
        %dma_start3A_407 = tpu.memref_slice %arg14[%rem3A_153, %dma_start3A_405, %dma_start3A_406] : memref<2x8x125xi32, #tpu.memory_space<vmem>> -> memref<1x8x125xi32, #tpu.memory_space<vmem>>
        %dma_start3A_408 = tpu.memref_squeeze %dma_start3A_407 : memref<1x8x125xi32, #tpu.memory_space<vmem>> -> memref<8x125xi32, #tpu.memory_space<vmem>>
        %dma_start3A_409 = arith.constant 0 : i32
        %dma_start3A_410 = tpu.memref_slice %arg3[%dma_start3A_397, %add3A, %mul3A_396, %dma_start3A_409] : memref<2x32x80x125xi32, #tpu.memory_space<hbm>> -> memref<1x1x8x125xi32, #tpu.memory_space<hbm>>
        %dma_start3A_411 = tpu.memref_squeeze %dma_start3A_410 : memref<1x1x8x125xi32, #tpu.memory_space<hbm>> -> memref<8x125xi32, #tpu.memory_space<hbm>>
        tpu.enqueue_dma source(%dma_start3A_411 : memref<8x125xi32, #tpu.memory_space<hbm>>) target(%dma_start3A_408 : memref<8x125xi32, #tpu.memory_space<vmem>>) target_semaphore(%arg11 : memref<!tpu.dma_semaphore, #tpu.memory_space<semaphore_mem>>)
        %mul3A_412 = arith.constant 8 : i32
        %mul3A_413 = arith.muli %add3A_394, %mul3A_412 : i32
        %dma_start3A_414 = arith.constant 1 : i32
        %dma_start3A_415 = arith.constant 0 : i32
        %dma_start3A_416 = arith.constant 0 : i32
        %dma_start3A_417 = tpu.memref_slice %arg8[%rem3A_153, %dma_start3A_415, %dma_start3A_416] : memref<2x8x125xi32, #tpu.memory_space<vmem>> -> memref<1x8x125xi32, #tpu.memory_space<vmem>>
        %dma_start3A_418 = tpu.memref_squeeze %dma_start3A_417 : memref<1x8x125xi32, #tpu.memory_space<vmem>> -> memref<8x125xi32, #tpu.memory_space<vmem>>
        %dma_start3A_419 = arith.constant 0 : i32
        %dma_start3A_420 = tpu.memref_slice %arg3[%dma_start3A_414, %add3A, %mul3A_413, %dma_start3A_419] : memref<2x32x80x125xi32, #tpu.memory_space<hbm>> -> memref<1x1x8x125xi32, #tpu.memory_space<hbm>>
        %dma_start3A_421 = tpu.memref_squeeze %dma_start3A_420 : memref<1x1x8x125xi32, #tpu.memory_space<hbm>> -> memref<8x125xi32, #tpu.memory_space<hbm>>
        %dma_start3A_422 = arith.constant 0 : i32
        %dma_start3A_423 = arith.constant 0 : i32
        %dma_start3A_424 = tpu.memref_slice %arg8[%rem3A_153, %dma_start3A_422, %dma_start3A_423] : memref<2x8x125xi32, #tpu.memory_space<vmem>> -> memref<1x8x125xi32, #tpu.memory_space<vmem>>
        %dma_start3A_425 = tpu.memref_squeeze %dma_start3A_424 : memref<1x8x125xi32, #tpu.memory_space<vmem>> -> memref<8x125xi32, #tpu.memory_space<vmem>>
        %dma_start3A_426 = arith.constant 0 : i32
        %dma_start3A_427 = tpu.memref_slice %arg3[%dma_start3A_414, %add3A, %mul3A_413, %dma_start3A_426] : memref<2x32x80x125xi32, #tpu.memory_space<hbm>> -> memref<1x1x8x125xi32, #tpu.memory_space<hbm>>
        %dma_start3A_428 = tpu.memref_squeeze %dma_start3A_427 : memref<1x1x8x125xi32, #tpu.memory_space<hbm>> -> memref<8x125xi32, #tpu.memory_space<hbm>>
        tpu.enqueue_dma source(%dma_start3A_428 : memref<8x125xi32, #tpu.memory_space<hbm>>) target(%dma_start3A_425 : memref<8x125xi32, #tpu.memory_space<vmem>>) target_semaphore(%arg11 : memref<!tpu.dma_semaphore, #tpu.memory_space<semaphore_mem>>)
      } else {
      }
      %dma_start3A_177 = arith.constant 1 : i32
      %dma_start3A_178 = arith.constant 0 : i32
      %dma_start3A_179 = tpu.memref_slice %arg14[%rem3A_149, %dma_start3A_177, %dma_start3A_178] : memref<2x8x125xi32, #tpu.memory_space<vmem>> -> memref<1x1x125xi32, #tpu.memory_space<vmem>>
      %dma_start3A_180 = tpu.memref_squeeze %dma_start3A_179 : memref<1x1x125xi32, #tpu.memory_space<vmem>> -> memref<125xi32, #tpu.memory_space<vmem>>
      %dma_start3A_181 = arith.constant 0 : i32
      %dma_start3A_182 = arith.constant 0 : i32
      %dma_start3A_183 = tpu.memref_slice %arg2[%dma_start3A_181, %dma_start3A_182] : memref<10000x128xi16, #tpu.memory_space<hbm>> -> memref<10000x128xi16, #tpu.memory_space<hbm>>
      tpu.enqueue_indirect_dma source(%dma_start3A_183 : memref<10000x128xi16, #tpu.memory_space<hbm>>) target(%arg7 : memref<125x128xi16, #tpu.memory_space<vmem>>) offsets(%dma_start3A_180 : memref<125xi32, #tpu.memory_space<vmem>>) semaphore(%arg10 : memref<!tpu.dma_semaphore, #tpu.memory_space<semaphore_mem>>)
      %dma_wait3A_184 = arith.constant 0 : i32
      %dma_wait3A_185 = arith.constant 0 : i32
      %dma_wait3A_186 = arith.constant 0 : i32
      %dma_wait3A_187 = tpu.memref_slice %arg14[%dma_wait3A_184, %dma_wait3A_185, %dma_wait3A_186] : memref<2x8x125xi32, #tpu.memory_space<vmem>> -> memref<1x1x125xi32, #tpu.memory_space<vmem>>
      %dma_wait3A_188 = tpu.memref_squeeze %dma_wait3A_187 : memref<1x1x125xi32, #tpu.memory_space<vmem>> -> memref<125xi32, #tpu.memory_space<vmem>>
      %dma_wait3A_189 = arith.constant 0 : i32
      %dma_wait3A_190 = arith.constant 0 : i32
      %dma_wait3A_191 = tpu.memref_slice %arg2[%dma_wait3A_189, %dma_wait3A_190] : memref<10000x128xi16, #tpu.memory_space<hbm>> -> memref<10000x128xi16, #tpu.memory_space<hbm>>
      tpu.wait_indirect_dma semaphore(%arg10 : memref<!tpu.dma_semaphore, #tpu.memory_space<semaphore_mem>>) src(%dma_wait3A_191 : memref<10000x128xi16, #tpu.memory_space<hbm>>) dst(%arg7 : memref<125x128xi16, #tpu.memory_space<vmem>>)
      %dma_start3A_192 = arith.constant 1 : i32
      %dma_start3A_193 = arith.constant 0 : i32
      %dma_start3A_194 = tpu.memref_slice %arg8[%rem3A_149, %dma_start3A_192, %dma_start3A_193] : memref<2x8x125xi32, #tpu.memory_space<vmem>> -> memref<1x1x125xi32, #tpu.memory_space<vmem>>
      %dma_start3A_195 = tpu.memref_squeeze %dma_start3A_194 : memref<1x1x125xi32, #tpu.memory_space<vmem>> -> memref<125xi32, #tpu.memory_space<vmem>>
      %dma_start3A_196 = arith.constant 0 : i32
      %dma_start3A_197 = arith.constant 0 : i32
      %dma_start3A_198 = tpu.memref_slice %arg5[%dma_start3A_196, %dma_start3A_197] : memref<10240x128xi16, #tpu.memory_space<vmem_shared>> -> memref<10240x128xi16, #tpu.memory_space<vmem_shared>>
      tpu.enqueue_indirect_dma source(%arg7 : memref<125x128xi16, #tpu.memory_space<vmem>>) target(%dma_start3A_198 : memref<10240x128xi16, #tpu.memory_space<vmem_shared>>) offsets(%dma_start3A_195 : memref<125xi32, #tpu.memory_space<vmem>>) semaphore(%arg16 : memref<!tpu.dma_semaphore, #tpu.memory_space<semaphore_mem>>) {add = true}
      %dma_wait3A_199 = arith.constant 0 : i32
      %dma_wait3A_200 = arith.constant 0 : i32
      %dma_wait3A_201 = arith.constant 0 : i32
      %dma_wait3A_202 = tpu.memref_slice %arg8[%dma_wait3A_199, %dma_wait3A_200, %dma_wait3A_201] : memref<2x8x125xi32, #tpu.memory_space<vmem>> -> memref<1x1x125xi32, #tpu.memory_space<vmem>>
      %dma_wait3A_203 = tpu.memref_squeeze %dma_wait3A_202 : memref<1x1x125xi32, #tpu.memory_space<vmem>> -> memref<125xi32, #tpu.memory_space<vmem>>
      %dma_wait3A_204 = arith.constant 0 : i32
      %dma_wait3A_205 = arith.constant 0 : i32
      %dma_wait3A_206 = tpu.memref_slice %arg5[%dma_wait3A_204, %dma_wait3A_205] : memref<10240x128xi16, #tpu.memory_space<vmem_shared>> -> memref<10240x128xi16, #tpu.memory_space<vmem_shared>>
      tpu.wait_indirect_dma semaphore(%arg15 : memref<!tpu.dma_semaphore, #tpu.memory_space<semaphore_mem>>) src(%arg6 : memref<125x128xi16, #tpu.memory_space<vmem>>) dst(%dma_wait3A_206 : memref<10240x128xi16, #tpu.memory_space<vmem_shared>>)
      %dma_start3A_207 = arith.constant 2 : i32
      %dma_start3A_208 = arith.constant 0 : i32
      %dma_start3A_209 = tpu.memref_slice %arg14[%rem3A_149, %dma_start3A_207, %dma_start3A_208] : memref<2x8x125xi32, #tpu.memory_space<vmem>> -> memref<1x1x125xi32, #tpu.memory_space<vmem>>
      %dma_start3A_210 = tpu.memref_squeeze %dma_start3A_209 : memref<1x1x125xi32, #tpu.memory_space<vmem>> -> memref<125xi32, #tpu.memory_space<vmem>>
      %dma_start3A_211 = arith.constant 0 : i32
      %dma_start3A_212 = arith.constant 0 : i32
      %dma_start3A_213 = tpu.memref_slice %arg2[%dma_start3A_211, %dma_start3A_212] : memref<10000x128xi16, #tpu.memory_space<hbm>> -> memref<10000x128xi16, #tpu.memory_space<hbm>>
      tpu.enqueue_indirect_dma source(%dma_start3A_213 : memref<10000x128xi16, #tpu.memory_space<hbm>>) target(%arg6 : memref<125x128xi16, #tpu.memory_space<vmem>>) offsets(%dma_start3A_210 : memref<125xi32, #tpu.memory_space<vmem>>) semaphore(%arg9 : memref<!tpu.dma_semaphore, #tpu.memory_space<semaphore_mem>>)
      %dma_wait3A_214 = arith.constant 0 : i32
      %dma_wait3A_215 = arith.constant 0 : i32
      %dma_wait3A_216 = arith.constant 0 : i32
      %dma_wait3A_217 = tpu.memref_slice %arg14[%dma_wait3A_214, %dma_wait3A_215, %dma_wait3A_216] : memref<2x8x125xi32, #tpu.memory_space<vmem>> -> memref<1x1x125xi32, #tpu.memory_space<vmem>>
      %dma_wait3A_218 = tpu.memref_squeeze %dma_wait3A_217 : memref<1x1x125xi32, #tpu.memory_space<vmem>> -> memref<125xi32, #tpu.memory_space<vmem>>
      %dma_wait3A_219 = arith.constant 0 : i32
      %dma_wait3A_220 = arith.constant 0 : i32
      %dma_wait3A_221 = tpu.memref_slice %arg2[%dma_wait3A_219, %dma_wait3A_220] : memref<10000x128xi16, #tpu.memory_space<hbm>> -> memref<10000x128xi16, #tpu.memory_space<hbm>>
      tpu.wait_indirect_dma semaphore(%arg9 : memref<!tpu.dma_semaphore, #tpu.memory_space<semaphore_mem>>) src(%dma_wait3A_221 : memref<10000x128xi16, #tpu.memory_space<hbm>>) dst(%arg6 : memref<125x128xi16, #tpu.memory_space<vmem>>)
      %dma_start3A_222 = arith.constant 2 : i32
      %dma_start3A_223 = arith.constant 0 : i32
      %dma_start3A_224 = tpu.memref_slice %arg8[%rem3A_149, %dma_start3A_222, %dma_start3A_223] : memref<2x8x125xi32, #tpu.memory_space<vmem>> -> memref<1x1x125xi32, #tpu.memory_space<vmem>>
      %dma_start3A_225 = tpu.memref_squeeze %dma_start3A_224 : memref<1x1x125xi32, #tpu.memory_space<vmem>> -> memref<125xi32, #tpu.memory_space<vmem>>
      %dma_start3A_226 = arith.constant 0 : i32
      %dma_start3A_227 = arith.constant 0 : i32
      %dma_start3A_228 = tpu.memref_slice %arg5[%dma_start3A_226, %dma_start3A_227] : memref<10240x128xi16, #tpu.memory_space<vmem_shared>> -> memref<10240x128xi16, #tpu.memory_space<vmem_shared>>
      tpu.enqueue_indirect_dma source(%arg6 : memref<125x128xi16, #tpu.memory_space<vmem>>) target(%dma_start3A_228 : memref<10240x128xi16, #tpu.memory_space<vmem_shared>>) offsets(%dma_start3A_225 : memref<125xi32, #tpu.memory_space<vmem>>) semaphore(%arg15 : memref<!tpu.dma_semaphore, #tpu.memory_space<semaphore_mem>>) {add = true}
      %dma_wait3A_229 = arith.constant 0 : i32
      %dma_wait3A_230 = arith.constant 0 : i32
      %dma_wait3A_231 = arith.constant 0 : i32
      %dma_wait3A_232 = tpu.memref_slice %arg8[%dma_wait3A_229, %dma_wait3A_230, %dma_wait3A_231] : memref<2x8x125xi32, #tpu.memory_space<vmem>> -> memref<1x1x125xi32, #tpu.memory_space<vmem>>
      %dma_wait3A_233 = tpu.memref_squeeze %dma_wait3A_232 : memref<1x1x125xi32, #tpu.memory_space<vmem>> -> memref<125xi32, #tpu.memory_space<vmem>>
      %dma_wait3A_234 = arith.constant 0 : i32
      %dma_wait3A_235 = arith.constant 0 : i32
      %dma_wait3A_236 = tpu.memref_slice %arg5[%dma_wait3A_234, %dma_wait3A_235] : memref<10240x128xi16, #tpu.memory_space<vmem_shared>> -> memref<10240x128xi16, #tpu.memory_space<vmem_shared>>
      tpu.wait_indirect_dma semaphore(%arg16 : memref<!tpu.dma_semaphore, #tpu.memory_space<semaphore_mem>>) src(%arg7 : memref<125x128xi16, #tpu.memory_space<vmem>>) dst(%dma_wait3A_236 : memref<10240x128xi16, #tpu.memory_space<vmem_shared>>)
      %dma_start3A_237 = arith.constant 3 : i32
      %dma_start3A_238 = arith.constant 0 : i32
      %dma_start3A_239 = tpu.memref_slice %arg14[%rem3A_149, %dma_start3A_237, %dma_start3A_238] : memref<2x8x125xi32, #tpu.memory_space<vmem>> -> memref<1x1x125xi32, #tpu.memory_space<vmem>>
      %dma_start3A_240 = tpu.memref_squeeze %dma_start3A_239 : memref<1x1x125xi32, #tpu.memory_space<vmem>> -> memref<125xi32, #tpu.memory_space<vmem>>
      %dma_start3A_241 = arith.constant 0 : i32
      %dma_start3A_242 = arith.constant 0 : i32
      %dma_start3A_243 = tpu.memref_slice %arg2[%dma_start3A_241, %dma_start3A_242] : memref<10000x128xi16, #tpu.memory_space<hbm>> -> memref<10000x128xi16, #tpu.memory_space<hbm>>
      tpu.enqueue_indirect_dma source(%dma_start3A_243 : memref<10000x128xi16, #tpu.memory_space<hbm>>) target(%arg7 : memref<125x128xi16, #tpu.memory_space<vmem>>) offsets(%dma_start3A_240 : memref<125xi32, #tpu.memory_space<vmem>>) semaphore(%arg10 : memref<!tpu.dma_semaphore, #tpu.memory_space<semaphore_mem>>)
      %dma_wait3A_244 = arith.constant 0 : i32
      %dma_wait3A_245 = arith.constant 0 : i32
      %dma_wait3A_246 = arith.constant 0 : i32
      %dma_wait3A_247 = tpu.memref_slice %arg14[%dma_wait3A_244, %dma_wait3A_245, %dma_wait3A_246] : memref<2x8x125xi32, #tpu.memory_space<vmem>> -> memref<1x1x125xi32, #tpu.memory_space<vmem>>
      %dma_wait3A_248 = tpu.memref_squeeze %dma_wait3A_247 : memref<1x1x125xi32, #tpu.memory_space<vmem>> -> memref<125xi32, #tpu.memory_space<vmem>>
      %dma_wait3A_249 = arith.constant 0 : i32
      %dma_wait3A_250 = arith.constant 0 : i32
      %dma_wait3A_251 = tpu.memref_slice %arg2[%dma_wait3A_249, %dma_wait3A_250] : memref<10000x128xi16, #tpu.memory_space<hbm>> -> memref<10000x128xi16, #tpu.memory_space<hbm>>
      tpu.wait_indirect_dma semaphore(%arg10 : memref<!tpu.dma_semaphore, #tpu.memory_space<semaphore_mem>>) src(%dma_wait3A_251 : memref<10000x128xi16, #tpu.memory_space<hbm>>) dst(%arg7 : memref<125x128xi16, #tpu.memory_space<vmem>>)
      %dma_start3A_252 = arith.constant 3 : i32
      %dma_start3A_253 = arith.constant 0 : i32
      %dma_start3A_254 = tpu.memref_slice %arg8[%rem3A_149, %dma_start3A_252, %dma_start3A_253] : memref<2x8x125xi32, #tpu.memory_space<vmem>> -> memref<1x1x125xi32, #tpu.memory_space<vmem>>
      %dma_start3A_255 = tpu.memref_squeeze %dma_start3A_254 : memref<1x1x125xi32, #tpu.memory_space<vmem>> -> memref<125xi32, #tpu.memory_space<vmem>>
      %dma_start3A_256 = arith.constant 0 : i32
      %dma_start3A_257 = arith.constant 0 : i32
      %dma_start3A_258 = tpu.memref_slice %arg5[%dma_start3A_256, %dma_start3A_257] : memref<10240x128xi16, #tpu.memory_space<vmem_shared>> -> memref<10240x128xi16, #tpu.memory_space<vmem_shared>>
      tpu.enqueue_indirect_dma source(%arg7 : memref<125x128xi16, #tpu.memory_space<vmem>>) target(%dma_start3A_258 : memref<10240x128xi16, #tpu.memory_space<vmem_shared>>) offsets(%dma_start3A_255 : memref<125xi32, #tpu.memory_space<vmem>>) semaphore(%arg16 : memref<!tpu.dma_semaphore, #tpu.memory_space<semaphore_mem>>) {add = true}
      %dma_wait3A_259 = arith.constant 0 : i32
      %dma_wait3A_260 = arith.constant 0 : i32
      %dma_wait3A_261 = arith.constant 0 : i32
      %dma_wait3A_262 = tpu.memref_slice %arg8[%dma_wait3A_259, %dma_wait3A_260, %dma_wait3A_261] : memref<2x8x125xi32, #tpu.memory_space<vmem>> -> memref<1x1x125xi32, #tpu.memory_space<vmem>>
      %dma_wait3A_263 = tpu.memref_squeeze %dma_wait3A_262 : memref<1x1x125xi32, #tpu.memory_space<vmem>> -> memref<125xi32, #tpu.memory_space<vmem>>
      %dma_wait3A_264 = arith.constant 0 : i32
      %dma_wait3A_265 = arith.constant 0 : i32
      %dma_wait3A_266 = tpu.memref_slice %arg5[%dma_wait3A_264, %dma_wait3A_265] : memref<10240x128xi16, #tpu.memory_space<vmem_shared>> -> memref<10240x128xi16, #tpu.memory_space<vmem_shared>>
      tpu.wait_indirect_dma semaphore(%arg15 : memref<!tpu.dma_semaphore, #tpu.memory_space<semaphore_mem>>) src(%arg6 : memref<125x128xi16, #tpu.memory_space<vmem>>) dst(%dma_wait3A_266 : memref<10240x128xi16, #tpu.memory_space<vmem_shared>>)
      %dma_start3A_267 = arith.constant 4 : i32
      %dma_start3A_268 = arith.constant 0 : i32
      %dma_start3A_269 = tpu.memref_slice %arg14[%rem3A_149, %dma_start3A_267, %dma_start3A_268] : memref<2x8x125xi32, #tpu.memory_space<vmem>> -> memref<1x1x125xi32, #tpu.memory_space<vmem>>
      %dma_start3A_270 = tpu.memref_squeeze %dma_start3A_269 : memref<1x1x125xi32, #tpu.memory_space<vmem>> -> memref<125xi32, #tpu.memory_space<vmem>>
      %dma_start3A_271 = arith.constant 0 : i32
      %dma_start3A_272 = arith.constant 0 : i32
      %dma_start3A_273 = tpu.memref_slice %arg2[%dma_start3A_271, %dma_start3A_272] : memref<10000x128xi16, #tpu.memory_space<hbm>> -> memref<10000x128xi16, #tpu.memory_space<hbm>>
      tpu.enqueue_indirect_dma source(%dma_start3A_273 : memref<10000x128xi16, #tpu.memory_space<hbm>>) target(%arg6 : memref<125x128xi16, #tpu.memory_space<vmem>>) offsets(%dma_start3A_270 : memref<125xi32, #tpu.memory_space<vmem>>) semaphore(%arg9 : memref<!tpu.dma_semaphore, #tpu.memory_space<semaphore_mem>>)
      %dma_wait3A_274 = arith.constant 0 : i32
      %dma_wait3A_275 = arith.constant 0 : i32
      %dma_wait3A_276 = arith.constant 0 : i32
      %dma_wait3A_277 = tpu.memref_slice %arg14[%dma_wait3A_274, %dma_wait3A_275, %dma_wait3A_276] : memref<2x8x125xi32, #tpu.memory_space<vmem>> -> memref<1x1x125xi32, #tpu.memory_space<vmem>>
      %dma_wait3A_278 = tpu.memref_squeeze %dma_wait3A_277 : memref<1x1x125xi32, #tpu.memory_space<vmem>> -> memref<125xi32, #tpu.memory_space<vmem>>
      %dma_wait3A_279 = arith.constant 0 : i32
      %dma_wait3A_280 = arith.constant 0 : i32
      %dma_wait3A_281 = tpu.memref_slice %arg2[%dma_wait3A_279, %dma_wait3A_280] : memref<10000x128xi16, #tpu.memory_space<hbm>> -> memref<10000x128xi16, #tpu.memory_space<hbm>>
      tpu.wait_indirect_dma semaphore(%arg9 : memref<!tpu.dma_semaphore, #tpu.memory_space<semaphore_mem>>) src(%dma_wait3A_281 : memref<10000x128xi16, #tpu.memory_space<hbm>>) dst(%arg6 : memref<125x128xi16, #tpu.memory_space<vmem>>)
      %dma_start3A_282 = arith.constant 4 : i32
      %dma_start3A_283 = arith.constant 0 : i32
      %dma_start3A_284 = tpu.memref_slice %arg8[%rem3A_149, %dma_start3A_282, %dma_start3A_283] : memref<2x8x125xi32, #tpu.memory_space<vmem>> -> memref<1x1x125xi32, #tpu.memory_space<vmem>>
      %dma_start3A_285 = tpu.memref_squeeze %dma_start3A_284 : memref<1x1x125xi32, #tpu.memory_space<vmem>> -> memref<125xi32, #tpu.memory_space<vmem>>
      %dma_start3A_286 = arith.constant 0 : i32
      %dma_start3A_287 = arith.constant 0 : i32
      %dma_start3A_288 = tpu.memref_slice %arg5[%dma_start3A_286, %dma_start3A_287] : memref<10240x128xi16, #tpu.memory_space<vmem_shared>> -> memref<10240x128xi16, #tpu.memory_space<vmem_shared>>
      tpu.enqueue_indirect_dma source(%arg6 : memref<125x128xi16, #tpu.memory_space<vmem>>) target(%dma_start3A_288 : memref<10240x128xi16, #tpu.memory_space<vmem_shared>>) offsets(%dma_start3A_285 : memref<125xi32, #tpu.memory_space<vmem>>) semaphore(%arg15 : memref<!tpu.dma_semaphore, #tpu.memory_space<semaphore_mem>>) {add = true}
      %dma_wait3A_289 = arith.constant 0 : i32
      %dma_wait3A_290 = arith.constant 0 : i32
      %dma_wait3A_291 = arith.constant 0 : i32
      %dma_wait3A_292 = tpu.memref_slice %arg8[%dma_wait3A_289, %dma_wait3A_290, %dma_wait3A_291] : memref<2x8x125xi32, #tpu.memory_space<vmem>> -> memref<1x1x125xi32, #tpu.memory_space<vmem>>
      %dma_wait3A_293 = tpu.memref_squeeze %dma_wait3A_292 : memref<1x1x125xi32, #tpu.memory_space<vmem>> -> memref<125xi32, #tpu.memory_space<vmem>>
      %dma_wait3A_294 = arith.constant 0 : i32
      %dma_wait3A_295 = arith.constant 0 : i32
      %dma_wait3A_296 = tpu.memref_slice %arg5[%dma_wait3A_294, %dma_wait3A_295] : memref<10240x128xi16, #tpu.memory_space<vmem_shared>> -> memref<10240x128xi16, #tpu.memory_space<vmem_shared>>
      tpu.wait_indirect_dma semaphore(%arg16 : memref<!tpu.dma_semaphore, #tpu.memory_space<semaphore_mem>>) src(%arg7 : memref<125x128xi16, #tpu.memory_space<vmem>>) dst(%dma_wait3A_296 : memref<10240x128xi16, #tpu.memory_space<vmem_shared>>)
      %dma_start3A_297 = arith.constant 5 : i32
      %dma_start3A_298 = arith.constant 0 : i32
      %dma_start3A_299 = tpu.memref_slice %arg14[%rem3A_149, %dma_start3A_297, %dma_start3A_298] : memref<2x8x125xi32, #tpu.memory_space<vmem>> -> memref<1x1x125xi32, #tpu.memory_space<vmem>>
      %dma_start3A_300 = tpu.memref_squeeze %dma_start3A_299 : memref<1x1x125xi32, #tpu.memory_space<vmem>> -> memref<125xi32, #tpu.memory_space<vmem>>
      %dma_start3A_301 = arith.constant 0 : i32
      %dma_start3A_302 = arith.constant 0 : i32
      %dma_start3A_303 = tpu.memref_slice %arg2[%dma_start3A_301, %dma_start3A_302] : memref<10000x128xi16, #tpu.memory_space<hbm>> -> memref<10000x128xi16, #tpu.memory_space<hbm>>
      tpu.enqueue_indirect_dma source(%dma_start3A_303 : memref<10000x128xi16, #tpu.memory_space<hbm>>) target(%arg7 : memref<125x128xi16, #tpu.memory_space<vmem>>) offsets(%dma_start3A_300 : memref<125xi32, #tpu.memory_space<vmem>>) semaphore(%arg10 : memref<!tpu.dma_semaphore, #tpu.memory_space<semaphore_mem>>)
      %dma_wait3A_304 = arith.constant 0 : i32
      %dma_wait3A_305 = arith.constant 0 : i32
      %dma_wait3A_306 = arith.constant 0 : i32
      %dma_wait3A_307 = tpu.memref_slice %arg14[%dma_wait3A_304, %dma_wait3A_305, %dma_wait3A_306] : memref<2x8x125xi32, #tpu.memory_space<vmem>> -> memref<1x1x125xi32, #tpu.memory_space<vmem>>
      %dma_wait3A_308 = tpu.memref_squeeze %dma_wait3A_307 : memref<1x1x125xi32, #tpu.memory_space<vmem>> -> memref<125xi32, #tpu.memory_space<vmem>>
      %dma_wait3A_309 = arith.constant 0 : i32
      %dma_wait3A_310 = arith.constant 0 : i32
      %dma_wait3A_311 = tpu.memref_slice %arg2[%dma_wait3A_309, %dma_wait3A_310] : memref<10000x128xi16, #tpu.memory_space<hbm>> -> memref<10000x128xi16, #tpu.memory_space<hbm>>
      tpu.wait_indirect_dma semaphore(%arg10 : memref<!tpu.dma_semaphore, #tpu.memory_space<semaphore_mem>>) src(%dma_wait3A_311 : memref<10000x128xi16, #tpu.memory_space<hbm>>) dst(%arg7 : memref<125x128xi16, #tpu.memory_space<vmem>>)
      %dma_start3A_312 = arith.constant 5 : i32
      %dma_start3A_313 = arith.constant 0 : i32
      %dma_start3A_314 = tpu.memref_slice %arg8[%rem3A_149, %dma_start3A_312, %dma_start3A_313] : memref<2x8x125xi32, #tpu.memory_space<vmem>> -> memref<1x1x125xi32, #tpu.memory_space<vmem>>
      %dma_start3A_315 = tpu.memref_squeeze %dma_start3A_314 : memref<1x1x125xi32, #tpu.memory_space<vmem>> -> memref<125xi32, #tpu.memory_space<vmem>>
      %dma_start3A_316 = arith.constant 0 : i32
      %dma_start3A_317 = arith.constant 0 : i32
      %dma_start3A_318 = tpu.memref_slice %arg5[%dma_start3A_316, %dma_start3A_317] : memref<10240x128xi16, #tpu.memory_space<vmem_shared>> -> memref<10240x128xi16, #tpu.memory_space<vmem_shared>>
      tpu.enqueue_indirect_dma source(%arg7 : memref<125x128xi16, #tpu.memory_space<vmem>>) target(%dma_start3A_318 : memref<10240x128xi16, #tpu.memory_space<vmem_shared>>) offsets(%dma_start3A_315 : memref<125xi32, #tpu.memory_space<vmem>>) semaphore(%arg16 : memref<!tpu.dma_semaphore, #tpu.memory_space<semaphore_mem>>) {add = true}
      %dma_wait3A_319 = arith.constant 0 : i32
      %dma_wait3A_320 = arith.constant 0 : i32
      %dma_wait3A_321 = arith.constant 0 : i32
      %dma_wait3A_322 = tpu.memref_slice %arg8[%dma_wait3A_319, %dma_wait3A_320, %dma_wait3A_321] : memref<2x8x125xi32, #tpu.memory_space<vmem>> -> memref<1x1x125xi32, #tpu.memory_space<vmem>>
      %dma_wait3A_323 = tpu.memref_squeeze %dma_wait3A_322 : memref<1x1x125xi32, #tpu.memory_space<vmem>> -> memref<125xi32, #tpu.memory_space<vmem>>
      %dma_wait3A_324 = arith.constant 0 : i32
      %dma_wait3A_325 = arith.constant 0 : i32
      %dma_wait3A_326 = tpu.memref_slice %arg5[%dma_wait3A_324, %dma_wait3A_325] : memref<10240x128xi16, #tpu.memory_space<vmem_shared>> -> memref<10240x128xi16, #tpu.memory_space<vmem_shared>>
      tpu.wait_indirect_dma semaphore(%arg15 : memref<!tpu.dma_semaphore, #tpu.memory_space<semaphore_mem>>) src(%arg6 : memref<125x128xi16, #tpu.memory_space<vmem>>) dst(%dma_wait3A_326 : memref<10240x128xi16, #tpu.memory_space<vmem_shared>>)
      %dma_start3A_327 = arith.constant 6 : i32
      %dma_start3A_328 = arith.constant 0 : i32
      %dma_start3A_329 = tpu.memref_slice %arg14[%rem3A_149, %dma_start3A_327, %dma_start3A_328] : memref<2x8x125xi32, #tpu.memory_space<vmem>> -> memref<1x1x125xi32, #tpu.memory_space<vmem>>
      %dma_start3A_330 = tpu.memref_squeeze %dma_start3A_329 : memref<1x1x125xi32, #tpu.memory_space<vmem>> -> memref<125xi32, #tpu.memory_space<vmem>>
      %dma_start3A_331 = arith.constant 0 : i32
      %dma_start3A_332 = arith.constant 0 : i32
      %dma_start3A_333 = tpu.memref_slice %arg2[%dma_start3A_331, %dma_start3A_332] : memref<10000x128xi16, #tpu.memory_space<hbm>> -> memref<10000x128xi16, #tpu.memory_space<hbm>>
      tpu.enqueue_indirect_dma source(%dma_start3A_333 : memref<10000x128xi16, #tpu.memory_space<hbm>>) target(%arg6 : memref<125x128xi16, #tpu.memory_space<vmem>>) offsets(%dma_start3A_330 : memref<125xi32, #tpu.memory_space<vmem>>) semaphore(%arg9 : memref<!tpu.dma_semaphore, #tpu.memory_space<semaphore_mem>>)
      %dma_wait3A_334 = arith.constant 0 : i32
      %dma_wait3A_335 = arith.constant 0 : i32
      %dma_wait3A_336 = arith.constant 0 : i32
      %dma_wait3A_337 = tpu.memref_slice %arg14[%dma_wait3A_334, %dma_wait3A_335, %dma_wait3A_336] : memref<2x8x125xi32, #tpu.memory_space<vmem>> -> memref<1x1x125xi32, #tpu.memory_space<vmem>>
      %dma_wait3A_338 = tpu.memref_squeeze %dma_wait3A_337 : memref<1x1x125xi32, #tpu.memory_space<vmem>> -> memref<125xi32, #tpu.memory_space<vmem>>
      %dma_wait3A_339 = arith.constant 0 : i32
      %dma_wait3A_340 = arith.constant 0 : i32
      %dma_wait3A_341 = tpu.memref_slice %arg2[%dma_wait3A_339, %dma_wait3A_340] : memref<10000x128xi16, #tpu.memory_space<hbm>> -> memref<10000x128xi16, #tpu.memory_space<hbm>>
      tpu.wait_indirect_dma semaphore(%arg9 : memref<!tpu.dma_semaphore, #tpu.memory_space<semaphore_mem>>) src(%dma_wait3A_341 : memref<10000x128xi16, #tpu.memory_space<hbm>>) dst(%arg6 : memref<125x128xi16, #tpu.memory_space<vmem>>)
      %dma_start3A_342 = arith.constant 6 : i32
      %dma_start3A_343 = arith.constant 0 : i32
      %dma_start3A_344 = tpu.memref_slice %arg8[%rem3A_149, %dma_start3A_342, %dma_start3A_343] : memref<2x8x125xi32, #tpu.memory_space<vmem>> -> memref<1x1x125xi32, #tpu.memory_space<vmem>>
      %dma_start3A_345 = tpu.memref_squeeze %dma_start3A_344 : memref<1x1x125xi32, #tpu.memory_space<vmem>> -> memref<125xi32, #tpu.memory_space<vmem>>
      %dma_start3A_346 = arith.constant 0 : i32
      %dma_start3A_347 = arith.constant 0 : i32
      %dma_start3A_348 = tpu.memref_slice %arg5[%dma_start3A_346, %dma_start3A_347] : memref<10240x128xi16, #tpu.memory_space<vmem_shared>> -> memref<10240x128xi16, #tpu.memory_space<vmem_shared>>
      tpu.enqueue_indirect_dma source(%arg6 : memref<125x128xi16, #tpu.memory_space<vmem>>) target(%dma_start3A_348 : memref<10240x128xi16, #tpu.memory_space<vmem_shared>>) offsets(%dma_start3A_345 : memref<125xi32, #tpu.memory_space<vmem>>) semaphore(%arg15 : memref<!tpu.dma_semaphore, #tpu.memory_space<semaphore_mem>>) {add = true}
      %dma_wait3A_349 = arith.constant 0 : i32
      %dma_wait3A_350 = arith.constant 0 : i32
      %dma_wait3A_351 = arith.constant 0 : i32
      %dma_wait3A_352 = tpu.memref_slice %arg8[%dma_wait3A_349, %dma_wait3A_350, %dma_wait3A_351] : memref<2x8x125xi32, #tpu.memory_space<vmem>> -> memref<1x1x125xi32, #tpu.memory_space<vmem>>
      %dma_wait3A_353 = tpu.memref_squeeze %dma_wait3A_352 : memref<1x1x125xi32, #tpu.memory_space<vmem>> -> memref<125xi32, #tpu.memory_space<vmem>>
      %dma_wait3A_354 = arith.constant 0 : i32
      %dma_wait3A_355 = arith.constant 0 : i32
      %dma_wait3A_356 = tpu.memref_slice %arg5[%dma_wait3A_354, %dma_wait3A_355] : memref<10240x128xi16, #tpu.memory_space<vmem_shared>> -> memref<10240x128xi16, #tpu.memory_space<vmem_shared>>
      tpu.wait_indirect_dma semaphore(%arg16 : memref<!tpu.dma_semaphore, #tpu.memory_space<semaphore_mem>>) src(%arg7 : memref<125x128xi16, #tpu.memory_space<vmem>>) dst(%dma_wait3A_356 : memref<10240x128xi16, #tpu.memory_space<vmem_shared>>)
      %dma_start3A_357 = arith.constant 7 : i32
      %dma_start3A_358 = arith.constant 0 : i32
      %dma_start3A_359 = tpu.memref_slice %arg14[%rem3A_149, %dma_start3A_357, %dma_start3A_358] : memref<2x8x125xi32, #tpu.memory_space<vmem>> -> memref<1x1x125xi32, #tpu.memory_space<vmem>>
      %dma_start3A_360 = tpu.memref_squeeze %dma_start3A_359 : memref<1x1x125xi32, #tpu.memory_space<vmem>> -> memref<125xi32, #tpu.memory_space<vmem>>
      %dma_start3A_361 = arith.constant 0 : i32
      %dma_start3A_362 = arith.constant 0 : i32
      %dma_start3A_363 = tpu.memref_slice %arg2[%dma_start3A_361, %dma_start3A_362] : memref<10000x128xi16, #tpu.memory_space<hbm>> -> memref<10000x128xi16, #tpu.memory_space<hbm>>
      tpu.enqueue_indirect_dma source(%dma_start3A_363 : memref<10000x128xi16, #tpu.memory_space<hbm>>) target(%arg7 : memref<125x128xi16, #tpu.memory_space<vmem>>) offsets(%dma_start3A_360 : memref<125xi32, #tpu.memory_space<vmem>>) semaphore(%arg10 : memref<!tpu.dma_semaphore, #tpu.memory_space<semaphore_mem>>)
      %dma_wait3A_364 = arith.constant 0 : i32
      %dma_wait3A_365 = arith.constant 0 : i32
      %dma_wait3A_366 = arith.constant 0 : i32
      %dma_wait3A_367 = tpu.memref_slice %arg14[%dma_wait3A_364, %dma_wait3A_365, %dma_wait3A_366] : memref<2x8x125xi32, #tpu.memory_space<vmem>> -> memref<1x1x125xi32, #tpu.memory_space<vmem>>
      %dma_wait3A_368 = tpu.memref_squeeze %dma_wait3A_367 : memref<1x1x125xi32, #tpu.memory_space<vmem>> -> memref<125xi32, #tpu.memory_space<vmem>>
      %dma_wait3A_369 = arith.constant 0 : i32
      %dma_wait3A_370 = arith.constant 0 : i32
      %dma_wait3A_371 = tpu.memref_slice %arg2[%dma_wait3A_369, %dma_wait3A_370] : memref<10000x128xi16, #tpu.memory_space<hbm>> -> memref<10000x128xi16, #tpu.memory_space<hbm>>
      tpu.wait_indirect_dma semaphore(%arg10 : memref<!tpu.dma_semaphore, #tpu.memory_space<semaphore_mem>>) src(%dma_wait3A_371 : memref<10000x128xi16, #tpu.memory_space<hbm>>) dst(%arg7 : memref<125x128xi16, #tpu.memory_space<vmem>>)
      %dma_start3A_372 = arith.constant 7 : i32
      %dma_start3A_373 = arith.constant 0 : i32
      %dma_start3A_374 = tpu.memref_slice %arg8[%rem3A_149, %dma_start3A_372, %dma_start3A_373] : memref<2x8x125xi32, #tpu.memory_space<vmem>> -> memref<1x1x125xi32, #tpu.memory_space<vmem>>
      %dma_start3A_375 = tpu.memref_squeeze %dma_start3A_374 : memref<1x1x125xi32, #tpu.memory_space<vmem>> -> memref<125xi32, #tpu.memory_space<vmem>>
      %dma_start3A_376 = arith.constant 0 : i32
      %dma_start3A_377 = arith.constant 0 : i32
      %dma_start3A_378 = tpu.memref_slice %arg5[%dma_start3A_376, %dma_start3A_377] : memref<10240x128xi16, #tpu.memory_space<vmem_shared>> -> memref<10240x128xi16, #tpu.memory_space<vmem_shared>>
      tpu.enqueue_indirect_dma source(%arg7 : memref<125x128xi16, #tpu.memory_space<vmem>>) target(%dma_start3A_378 : memref<10240x128xi16, #tpu.memory_space<vmem_shared>>) offsets(%dma_start3A_375 : memref<125xi32, #tpu.memory_space<vmem>>) semaphore(%arg16 : memref<!tpu.dma_semaphore, #tpu.memory_space<semaphore_mem>>) {add = true}
      %dma_wait3A_379 = arith.constant 0 : i32
      %dma_wait3A_380 = arith.constant 0 : i32
      %dma_wait3A_381 = arith.constant 0 : i32
      %dma_wait3A_382 = tpu.memref_slice %arg8[%dma_wait3A_379, %dma_wait3A_380, %dma_wait3A_381] : memref<2x8x125xi32, #tpu.memory_space<vmem>> -> memref<1x1x125xi32, #tpu.memory_space<vmem>>
      %dma_wait3A_383 = tpu.memref_squeeze %dma_wait3A_382 : memref<1x1x125xi32, #tpu.memory_space<vmem>> -> memref<125xi32, #tpu.memory_space<vmem>>
      %dma_wait3A_384 = arith.constant 0 : i32
      %dma_wait3A_385 = arith.constant 0 : i32
      %dma_wait3A_386 = tpu.memref_slice %arg5[%dma_wait3A_384, %dma_wait3A_385] : memref<10240x128xi16, #tpu.memory_space<vmem_shared>> -> memref<10240x128xi16, #tpu.memory_space<vmem_shared>>
      tpu.wait_indirect_dma semaphore(%arg15 : memref<!tpu.dma_semaphore, #tpu.memory_space<semaphore_mem>>) src(%arg6 : memref<125x128xi16, #tpu.memory_space<vmem>>) dst(%dma_wait3A_386 : memref<10240x128xi16, #tpu.memory_space<vmem_shared>>)
      %lt3A_387 = arith.constant 9 : i32
      %lt3A_388 = arith.cmpi slt, %scan3A_147, %lt3A_387 : i32
      %convert_element_type3A_389 = arith.extui %lt3A_388 : i1 to i32
      %cond3A_390 = arith.constant 0 : i32
      %cond3A_391 = arith.cmpi ne, %convert_element_type3A_389, %cond3A_390 : i32
      scf.if %cond3A_391 {
        %dma_wait3A_393 = arith.constant 0 : i32
        %dma_wait3A_394 = arith.constant 0 : i32
        %dma_wait3A_395 = arith.constant 0 : i32
        %dma_wait3A_396 = tpu.memref_slice %arg14[%rem3A_153, %dma_wait3A_394, %dma_wait3A_395] : memref<2x8x125xi32, #tpu.memory_space<vmem>> -> memref<1x8x125xi32, #tpu.memory_space<vmem>>
        %dma_wait3A_397 = tpu.memref_squeeze %dma_wait3A_396 : memref<1x8x125xi32, #tpu.memory_space<vmem>> -> memref<8x125xi32, #tpu.memory_space<vmem>>
        %dma_wait3A_398 = arith.constant 0 : i32
        %dma_wait3A_399 = arith.constant 0 : i32
        %dma_wait3A_400 = tpu.memref_slice %arg3[%dma_wait3A_393, %add3A, %dma_wait3A_398, %dma_wait3A_399] : memref<2x32x80x125xi32, #tpu.memory_space<hbm>> -> memref<1x1x8x125xi32, #tpu.memory_space<hbm>>
        %dma_wait3A_401 = tpu.memref_squeeze %dma_wait3A_400 : memref<1x1x8x125xi32, #tpu.memory_space<hbm>> -> memref<8x125xi32, #tpu.memory_space<hbm>>
        %dma_wait3A_402 = arith.constant 0 : i32
        %dma_wait3A_403 = arith.constant 0 : i32
        %dma_wait3A_404 = tpu.memref_slice %arg14[%rem3A_153, %dma_wait3A_402, %dma_wait3A_403] : memref<2x8x125xi32, #tpu.memory_space<vmem>> -> memref<1x8x125xi32, #tpu.memory_space<vmem>>
        %dma_wait3A_405 = tpu.memref_squeeze %dma_wait3A_404 : memref<1x8x125xi32, #tpu.memory_space<vmem>> -> memref<8x125xi32, #tpu.memory_space<vmem>>
        %dma_wait3A_406 = arith.constant 0 : i32
        %dma_wait3A_407 = arith.constant 0 : i32
        %dma_wait3A_408 = tpu.memref_slice %arg3[%dma_wait3A_393, %add3A, %dma_wait3A_406, %dma_wait3A_407] : memref<2x32x80x125xi32, #tpu.memory_space<hbm>> -> memref<1x1x8x125xi32, #tpu.memory_space<hbm>>
        %dma_wait3A_409 = tpu.memref_squeeze %dma_wait3A_408 : memref<1x1x8x125xi32, #tpu.memory_space<hbm>> -> memref<8x125xi32, #tpu.memory_space<hbm>>
        tpu.wait_dma2 semaphore(%arg11 : memref<!tpu.dma_semaphore, #tpu.memory_space<semaphore_mem>>) src(%dma_wait3A_409 : memref<8x125xi32, #tpu.memory_space<hbm>>) dst(%dma_wait3A_405 : memref<8x125xi32, #tpu.memory_space<vmem>>)
        %dma_wait3A_410 = arith.constant 1 : i32
        %dma_wait3A_411 = arith.constant 0 : i32
        %dma_wait3A_412 = arith.constant 0 : i32
        %dma_wait3A_413 = tpu.memref_slice %arg8[%rem3A_153, %dma_wait3A_411, %dma_wait3A_412] : memref<2x8x125xi32, #tpu.memory_space<vmem>> -> memref<1x8x125xi32, #tpu.memory_space<vmem>>
        %dma_wait3A_414 = tpu.memref_squeeze %dma_wait3A_413 : memref<1x8x125xi32, #tpu.memory_space<vmem>> -> memref<8x125xi32, #tpu.memory_space<vmem>>
        %dma_wait3A_415 = arith.constant 0 : i32
        %dma_wait3A_416 = arith.constant 0 : i32
        %dma_wait3A_417 = tpu.memref_slice %arg3[%dma_wait3A_410, %add3A, %dma_wait3A_415, %dma_wait3A_416] : memref<2x32x80x125xi32, #tpu.memory_space<hbm>> -> memref<1x1x8x125xi32, #tpu.memory_space<hbm>>
        %dma_wait3A_418 = tpu.memref_squeeze %dma_wait3A_417 : memref<1x1x8x125xi32, #tpu.memory_space<hbm>> -> memref<8x125xi32, #tpu.memory_space<hbm>>
        %dma_wait3A_419 = arith.constant 0 : i32
        %dma_wait3A_420 = arith.constant 0 : i32
        %dma_wait3A_421 = tpu.memref_slice %arg8[%rem3A_153, %dma_wait3A_419, %dma_wait3A_420] : memref<2x8x125xi32, #tpu.memory_space<vmem>> -> memref<1x8x125xi32, #tpu.memory_space<vmem>>
        %dma_wait3A_422 = tpu.memref_squeeze %dma_wait3A_421 : memref<1x8x125xi32, #tpu.memory_space<vmem>> -> memref<8x125xi32, #tpu.memory_space<vmem>>
        %dma_wait3A_423 = arith.constant 0 : i32
        %dma_wait3A_424 = arith.constant 0 : i32
        %dma_wait3A_425 = tpu.memref_slice %arg3[%dma_wait3A_410, %add3A, %dma_wait3A_423, %dma_wait3A_424] : memref<2x32x80x125xi32, #tpu.memory_space<hbm>> -> memref<1x1x8x125xi32, #tpu.memory_space<hbm>>
        %dma_wait3A_426 = tpu.memref_squeeze %dma_wait3A_425 : memref<1x1x8x125xi32, #tpu.memory_space<hbm>> -> memref<8x125xi32, #tpu.memory_space<hbm>>
        tpu.wait_dma2 semaphore(%arg11 : memref<!tpu.dma_semaphore, #tpu.memory_space<semaphore_mem>>) src(%dma_wait3A_426 : memref<8x125xi32, #tpu.memory_space<hbm>>) dst(%dma_wait3A_422 : memref<8x125xi32, #tpu.memory_space<vmem>>)
        %dma_start3A_427 = arith.constant 0 : i32
        %dma_start3A_428 = arith.constant 0 : i32
        %dma_start3A_429 = tpu.memref_slice %arg14[%rem3A_153, %dma_start3A_427, %dma_start3A_428] : memref<2x8x125xi32, #tpu.memory_space<vmem>> -> memref<1x1x125xi32, #tpu.memory_space<vmem>>
        %dma_start3A_430 = tpu.memref_squeeze %dma_start3A_429 : memref<1x1x125xi32, #tpu.memory_space<vmem>> -> memref<125xi32, #tpu.memory_space<vmem>>
        %dma_start3A_431 = arith.constant 0 : i32
        %dma_start3A_432 = arith.constant 0 : i32
        %dma_start3A_433 = tpu.memref_slice %arg2[%dma_start3A_431, %dma_start3A_432] : memref<10000x128xi16, #tpu.memory_space<hbm>> -> memref<10000x128xi16, #tpu.memory_space<hbm>>
        tpu.enqueue_indirect_dma source(%dma_start3A_433 : memref<10000x128xi16, #tpu.memory_space<hbm>>) target(%arg6 : memref<125x128xi16, #tpu.memory_space<vmem>>) offsets(%dma_start3A_430 : memref<125xi32, #tpu.memory_space<vmem>>) semaphore(%arg9 : memref<!tpu.dma_semaphore, #tpu.memory_space<semaphore_mem>>)
      } else {
      }
      %scan3A_392 = arith.constant 0 : i32
      scf.yield %scan3A_392 : i32
    }
    %scan3A_133 = arith.constant 10 : i32
    %dma_wait3A_134 = arith.constant 0 : i32
    %dma_wait3A_135 = arith.constant 0 : i32
    %dma_wait3A_136 = arith.constant 0 : i32
    %dma_wait3A_137 = tpu.memref_slice %arg8[%dma_wait3A_134, %dma_wait3A_135, %dma_wait3A_136] : memref<2x8x125xi32, #tpu.memory_space<vmem>> -> memref<1x1x125xi32, #tpu.memory_space<vmem>>
    %dma_wait3A_138 = tpu.memref_squeeze %dma_wait3A_137 : memref<1x1x125xi32, #tpu.memory_space<vmem>> -> memref<125xi32, #tpu.memory_space<vmem>>
    %dma_wait3A_139 = arith.constant 0 : i32
    %dma_wait3A_140 = arith.constant 0 : i32
    %dma_wait3A_141 = tpu.memref_slice %arg5[%dma_wait3A_139, %dma_wait3A_140] : memref<10240x128xi16, #tpu.memory_space<vmem_shared>> -> memref<10240x128xi16, #tpu.memory_space<vmem_shared>>
    tpu.wait_indirect_dma semaphore(%arg16 : memref<!tpu.dma_semaphore, #tpu.memory_space<semaphore_mem>>) src(%arg7 : memref<125x128xi16, #tpu.memory_space<vmem>>) dst(%dma_wait3A_141 : memref<10240x128xi16, #tpu.memory_space<vmem_shared>>)
    %barrier3A_142 = arith.constant 0 : index
    tpu.barrier barrier_id(%barrier3A_142)
    %mul3A_143 = arith.constant 640 : i32
    %mul3A_144 = arith.muli %arg1, %mul3A_143 : i32
    %mul3A_145 = arith.constant 640 : i32
    %mul3A_146 = arith.muli %arg1, %mul3A_145 : i32
    "tpu.region"() ({
      %run_scoped3A = tpu.sem_alloc : memref<!tpu.dma_semaphore, #tpu.memory_space<semaphore_mem>>
      %dma_start3A_147 = arith.constant 0 : i32
      %dma_start3A_148 = tpu.memref_slice %arg4[%arg0, %mul3A_146, %dma_start3A_147] : memref<2x10240x128xi16, #tpu.memory_space<hbm>> -> memref<1x640x128xi16, #tpu.memory_space<hbm>>
      %dma_start3A_149 = tpu.memref_squeeze %dma_start3A_148 : memref<1x640x128xi16, #tpu.memory_space<hbm>> -> memref<640x128xi16, #tpu.memory_space<hbm>>
      %dma_start3A_150 = arith.constant 0 : i32
      %dma_start3A_151 = tpu.memref_slice %arg5[%mul3A_144, %dma_start3A_150] : memref<10240x128xi16, #tpu.memory_space<vmem_shared>> -> memref<640x128xi16, #tpu.memory_space<vmem_shared>>
      tpu.enqueue_dma source(%dma_start3A_151 : memref<640x128xi16, #tpu.memory_space<vmem_shared>>) target(%dma_start3A_149 : memref<640x128xi16, #tpu.memory_space<hbm>>) target_semaphore(%run_scoped3A : memref<!tpu.dma_semaphore, #tpu.memory_space<semaphore_mem>>)
      %dma_wait3A_152 = arith.constant 0 : i32
      %dma_wait3A_153 = tpu.memref_slice %arg4[%arg0, %mul3A_146, %dma_wait3A_152] : memref<2x10240x128xi16, #tpu.memory_space<hbm>> -> memref<1x640x128xi16, #tpu.memory_space<hbm>>
      %dma_wait3A_154 = tpu.memref_squeeze %dma_wait3A_153 : memref<1x640x128xi16, #tpu.memory_space<hbm>> -> memref<640x128xi16, #tpu.memory_space<hbm>>
      %dma_wait3A_155 = arith.constant 0 : i32
      %dma_wait3A_156 = tpu.memref_slice %arg5[%mul3A_144, %dma_wait3A_155] : memref<10240x128xi16, #tpu.memory_space<vmem_shared>> -> memref<640x128xi16, #tpu.memory_space<vmem_shared>>
      tpu.wait_dma2 semaphore(%run_scoped3A : memref<!tpu.dma_semaphore, #tpu.memory_space<semaphore_mem>>) src(%dma_wait3A_156 : memref<640x128xi16, #tpu.memory_space<vmem_shared>>) dst(%dma_wait3A_154 : memref<640x128xi16, #tpu.memory_space<hbm>>)
      tpu.yield
    }) : () -> ()
    return
  }
}

#map = affine_map<(d0, d1) -> (0, 0, 0, 0)>
#map1 = affine_map<(d0, d1) -> (0)>
module attributes {stable_mosaic.version = 14 : i64} {
  func.func @_deg_kernel(%arg0: i32, %arg1: i32, %arg2: memref<2x32x80x125xi32, #tpu.memory_space<hbm>>, %arg3: memref<20480xf32, #tpu.memory_space<hbm>>, %arg4: memref<10240xf32, #tpu.memory_space<vmem_shared>>, %arg5: memref<80x125xi32, #tpu.memory_space<vmem>>, %arg6: memref<125xf32, #tpu.memory_space<vmem>>, %arg7: memref<640xf32, #tpu.memory_space<vmem>>) attributes {dimension_semantics = [#tpu.dimension_semantics<core_parallel>, #tpu.dimension_semantics<subcore_parallel>], iteration_bounds = array<i64: 2, 16>, scalar_prefetch = 0 : i64, scratch_operands = 4 : i64, tpu.core_type = #tpu.core_type<sc_vector_subcore>, window_params = [{transform_indices = #map}, {transform_indices = #map1}]} {
    %mul3A = arith.constant 2 : i32
    %mul3A_0 = arith.muli %arg1, %mul3A : i32
    %add3A = arith.addi %mul3A_0, %arg0 : i32
    %scan3A = arith.constant 0 : i32
    %scan3A_1 = arith.constant 0 : i32
    %scan3A_2 = arith.constant 40 : i32
    %scan3A_3 = arith.addi %scan3A_1, %scan3A_2 : i32
    %scan3A_4 = arith.constant 1 : i32
    %scan3A_5 = scf.for %scan3A_70 = %scan3A_1 to %scan3A_3 step %scan3A_4 iter_args(%scan3A_71 = %scan3A) -> (i32)  : i32 {
      %broadcast_in_dim3A_72 = arith.constant 0.000000e+00 : f32
      %broadcast_in_dim3A_73 = vector.broadcast %broadcast_in_dim3A_72 : f32 to vector<16xf32>
      %mul3A_74 = arith.constant 16 : i32
      %mul3A_75 = arith.muli %scan3A_70, %mul3A_74 : i32
      %swap3A_76 = arith.index_cast %mul3A_75 : i32 to index
      %swap3A_77 = tpu.vector_load %arg7[%swap3A_76] {strides = array<i32>} : memref<640xf32, #tpu.memory_space<vmem>>, vector<16xf32>,
      %swap3A_78 = vector.shape_cast %swap3A_77 : vector<16xf32> to vector<16xf32>
      %swap3A_79 = vector.shape_cast %broadcast_in_dim3A_73 : vector<16xf32> to vector<16xf32>
      tpu.vector_store %arg7[%swap3A_76], %swap3A_79 {strides = array<i32>} : memref<640xf32, #tpu.memory_space<vmem>>, vector<16xf32>,
      %scan3A_80 = arith.constant 0 : i32
      scf.yield %scan3A_80 : i32
    }
    %scan3A_6 = arith.constant 40 : i32
    %mul3A_7 = arith.constant 640 : i32
    %mul3A_8 = arith.muli %arg1, %mul3A_7 : i32
    "tpu.region"() ({
      %run_scoped3A_70 = tpu.sem_alloc : memref<!tpu.dma_semaphore, #tpu.memory_space<semaphore_mem>>
      %dma_start3A = tpu.memref_slice %arg4[%mul3A_8] : memref<10240xf32, #tpu.memory_space<vmem_shared>> -> memref<640xf32, #tpu.memory_space<vmem_shared>>
      %dma_start3A_71 = tpu.memref_slice %arg4[%mul3A_8] : memref<10240xf32, #tpu.memory_space<vmem_shared>> -> memref<640xf32, #tpu.memory_space<vmem_shared>>
      tpu.enqueue_dma source(%arg7 : memref<640xf32, #tpu.memory_space<vmem>>) target(%dma_start3A_71 : memref<640xf32, #tpu.memory_space<vmem_shared>>) target_semaphore(%run_scoped3A_70 : memref<!tpu.dma_semaphore, #tpu.memory_space<semaphore_mem>>)
      %dma_wait3A = tpu.memref_slice %arg4[%mul3A_8] : memref<10240xf32, #tpu.memory_space<vmem_shared>> -> memref<640xf32, #tpu.memory_space<vmem_shared>>
      %dma_wait3A_72 = tpu.memref_slice %arg4[%mul3A_8] : memref<10240xf32, #tpu.memory_space<vmem_shared>> -> memref<640xf32, #tpu.memory_space<vmem_shared>>
      tpu.wait_dma2 semaphore(%run_scoped3A_70 : memref<!tpu.dma_semaphore, #tpu.memory_space<semaphore_mem>>) src(%arg7 : memref<640xf32, #tpu.memory_space<vmem>>) dst(%dma_wait3A_72 : memref<640xf32, #tpu.memory_space<vmem_shared>>)
      tpu.yield
    }) : () -> ()
    %broadcast_in_dim3A = arith.constant 1.000000e+00 : f32
    %broadcast_in_dim3A_9 = vector.broadcast %broadcast_in_dim3A : f32 to vector<16xf32>
    %swap3A = arith.constant 0 : index
    %swap3A_10 = tpu.vector_load %arg6[%swap3A] {strides = array<i32>} : memref<125xf32, #tpu.memory_space<vmem>>, vector<16xf32>,
    %swap3A_11 = vector.shape_cast %swap3A_10 : vector<16xf32> to vector<16xf32>
    %swap3A_12 = vector.shape_cast %broadcast_in_dim3A_9 : vector<16xf32> to vector<16xf32>
    tpu.vector_store %arg6[%swap3A], %swap3A_12 {strides = array<i32>} : memref<125xf32, #tpu.memory_space<vmem>>, vector<16xf32>,
    %broadcast_in_dim3A_13 = arith.constant 1.000000e+00 : f32
    %broadcast_in_dim3A_14 = vector.broadcast %broadcast_in_dim3A_13 : f32 to vector<16xf32>
    %swap3A_15 = arith.constant 16 : index
    %swap3A_16 = tpu.vector_load %arg6[%swap3A_15] {strides = array<i32>} : memref<125xf32, #tpu.memory_space<vmem>>, vector<16xf32>,
    %swap3A_17 = vector.shape_cast %swap3A_16 : vector<16xf32> to vector<16xf32>
    %swap3A_18 = vector.shape_cast %broadcast_in_dim3A_14 : vector<16xf32> to vector<16xf32>
    tpu.vector_store %arg6[%swap3A_15], %swap3A_18 {strides = array<i32>} : memref<125xf32, #tpu.memory_space<vmem>>, vector<16xf32>,
    %broadcast_in_dim3A_19 = arith.constant 1.000000e+00 : f32
    %broadcast_in_dim3A_20 = vector.broadcast %broadcast_in_dim3A_19 : f32 to vector<16xf32>
    %swap3A_21 = arith.constant 32 : index
    %swap3A_22 = tpu.vector_load %arg6[%swap3A_21] {strides = array<i32>} : memref<125xf32, #tpu.memory_space<vmem>>, vector<16xf32>,
    %swap3A_23 = vector.shape_cast %swap3A_22 : vector<16xf32> to vector<16xf32>
    %swap3A_24 = vector.shape_cast %broadcast_in_dim3A_20 : vector<16xf32> to vector<16xf32>
    tpu.vector_store %arg6[%swap3A_21], %swap3A_24 {strides = array<i32>} : memref<125xf32, #tpu.memory_space<vmem>>, vector<16xf32>,
    %broadcast_in_dim3A_25 = arith.constant 1.000000e+00 : f32
    %broadcast_in_dim3A_26 = vector.broadcast %broadcast_in_dim3A_25 : f32 to vector<16xf32>
    %swap3A_27 = arith.constant 48 : index
    %swap3A_28 = tpu.vector_load %arg6[%swap3A_27] {strides = array<i32>} : memref<125xf32, #tpu.memory_space<vmem>>, vector<16xf32>,
    %swap3A_29 = vector.shape_cast %swap3A_28 : vector<16xf32> to vector<16xf32>
    %swap3A_30 = vector.shape_cast %broadcast_in_dim3A_26 : vector<16xf32> to vector<16xf32>
    tpu.vector_store %arg6[%swap3A_27], %swap3A_30 {strides = array<i32>} : memref<125xf32, #tpu.memory_space<vmem>>, vector<16xf32>,
    %broadcast_in_dim3A_31 = arith.constant 1.000000e+00 : f32
    %broadcast_in_dim3A_32 = vector.broadcast %broadcast_in_dim3A_31 : f32 to vector<16xf32>
    %swap3A_33 = arith.constant 64 : index
    %swap3A_34 = tpu.vector_load %arg6[%swap3A_33] {strides = array<i32>} : memref<125xf32, #tpu.memory_space<vmem>>, vector<16xf32>,
    %swap3A_35 = vector.shape_cast %swap3A_34 : vector<16xf32> to vector<16xf32>
    %swap3A_36 = vector.shape_cast %broadcast_in_dim3A_32 : vector<16xf32> to vector<16xf32>
    tpu.vector_store %arg6[%swap3A_33], %swap3A_36 {strides = array<i32>} : memref<125xf32, #tpu.memory_space<vmem>>, vector<16xf32>,
    %broadcast_in_dim3A_37 = arith.constant 1.000000e+00 : f32
    %broadcast_in_dim3A_38 = vector.broadcast %broadcast_in_dim3A_37 : f32 to vector<16xf32>
    %swap3A_39 = arith.constant 80 : index
    %swap3A_40 = tpu.vector_load %arg6[%swap3A_39] {strides = array<i32>} : memref<125xf32, #tpu.memory_space<vmem>>, vector<16xf32>,
    %swap3A_41 = vector.shape_cast %swap3A_40 : vector<16xf32> to vector<16xf32>
    %swap3A_42 = vector.shape_cast %broadcast_in_dim3A_38 : vector<16xf32> to vector<16xf32>
    tpu.vector_store %arg6[%swap3A_39], %swap3A_42 {strides = array<i32>} : memref<125xf32, #tpu.memory_space<vmem>>, vector<16xf32>,
    %broadcast_in_dim3A_43 = arith.constant 1.000000e+00 : f32
    %broadcast_in_dim3A_44 = vector.broadcast %broadcast_in_dim3A_43 : f32 to vector<16xf32>
    %swap3A_45 = arith.constant 96 : index
    %swap3A_46 = tpu.vector_load %arg6[%swap3A_45] {strides = array<i32>} : memref<125xf32, #tpu.memory_space<vmem>>, vector<16xf32>,
    %swap3A_47 = vector.shape_cast %swap3A_46 : vector<16xf32> to vector<16xf32>
    %swap3A_48 = vector.shape_cast %broadcast_in_dim3A_44 : vector<16xf32> to vector<16xf32>
    tpu.vector_store %arg6[%swap3A_45], %swap3A_48 {strides = array<i32>} : memref<125xf32, #tpu.memory_space<vmem>>, vector<16xf32>,
    %broadcast_in_dim3A_49 = arith.constant 1.000000e+00 : f32
    %broadcast_in_dim3A_50 = vector.broadcast %broadcast_in_dim3A_49 : f32 to vector<16xf32>
    %swap3A_51 = arith.constant 109 : index
    %swap3A_52 = tpu.vector_load %arg6[%swap3A_51] {strides = array<i32>} : memref<125xf32, #tpu.memory_space<vmem>>, vector<16xf32>,
    %swap3A_53 = vector.shape_cast %swap3A_52 : vector<16xf32> to vector<16xf32>
    %swap3A_54 = vector.shape_cast %broadcast_in_dim3A_50 : vector<16xf32> to vector<16xf32>
    tpu.vector_store %arg6[%swap3A_51], %swap3A_54 {strides = array<i32>} : memref<125xf32, #tpu.memory_space<vmem>>, vector<16xf32>,
    %run_scoped3A = arith.constant 1 : i32
    "tpu.region"() ({
      %run_scoped3A_70 = tpu.sem_alloc : memref<!tpu.dma_semaphore, #tpu.memory_space<semaphore_mem>>
      %dma_start3A = arith.constant 0 : i32
      %dma_start3A_71 = arith.constant 0 : i32
      %dma_start3A_72 = tpu.memref_slice %arg2[%run_scoped3A, %add3A, %dma_start3A, %dma_start3A_71] : memref<2x32x80x125xi32, #tpu.memory_space<hbm>> -> memref<1x1x80x125xi32, #tpu.memory_space<hbm>>
      %dma_start3A_73 = tpu.memref_squeeze %dma_start3A_72 : memref<1x1x80x125xi32, #tpu.memory_space<hbm>> -> memref<80x125xi32, #tpu.memory_space<hbm>>
      %dma_start3A_74 = arith.constant 0 : i32
      %dma_start3A_75 = arith.constant 0 : i32
      %dma_start3A_76 = tpu.memref_slice %arg2[%run_scoped3A, %add3A, %dma_start3A_74, %dma_start3A_75] : memref<2x32x80x125xi32, #tpu.memory_space<hbm>> -> memref<1x1x80x125xi32, #tpu.memory_space<hbm>>
      %dma_start3A_77 = tpu.memref_squeeze %dma_start3A_76 : memref<1x1x80x125xi32, #tpu.memory_space<hbm>> -> memref<80x125xi32, #tpu.memory_space<hbm>>
      tpu.enqueue_dma source(%dma_start3A_77 : memref<80x125xi32, #tpu.memory_space<hbm>>) target(%arg5 : memref<80x125xi32, #tpu.memory_space<vmem>>) target_semaphore(%run_scoped3A_70 : memref<!tpu.dma_semaphore, #tpu.memory_space<semaphore_mem>>)
      %dma_wait3A = arith.constant 0 : i32
      %dma_wait3A_78 = arith.constant 0 : i32
      %dma_wait3A_79 = tpu.memref_slice %arg2[%run_scoped3A, %add3A, %dma_wait3A, %dma_wait3A_78] : memref<2x32x80x125xi32, #tpu.memory_space<hbm>> -> memref<1x1x80x125xi32, #tpu.memory_space<hbm>>
      %dma_wait3A_80 = tpu.memref_squeeze %dma_wait3A_79 : memref<1x1x80x125xi32, #tpu.memory_space<hbm>> -> memref<80x125xi32, #tpu.memory_space<hbm>>
      %dma_wait3A_81 = arith.constant 0 : i32
      %dma_wait3A_82 = arith.constant 0 : i32
      %dma_wait3A_83 = tpu.memref_slice %arg2[%run_scoped3A, %add3A, %dma_wait3A_81, %dma_wait3A_82] : memref<2x32x80x125xi32, #tpu.memory_space<hbm>> -> memref<1x1x80x125xi32, #tpu.memory_space<hbm>>
      %dma_wait3A_84 = tpu.memref_squeeze %dma_wait3A_83 : memref<1x1x80x125xi32, #tpu.memory_space<hbm>> -> memref<80x125xi32, #tpu.memory_space<hbm>>
      tpu.wait_dma2 semaphore(%run_scoped3A_70 : memref<!tpu.dma_semaphore, #tpu.memory_space<semaphore_mem>>) src(%dma_wait3A_84 : memref<80x125xi32, #tpu.memory_space<hbm>>) dst(%arg5 : memref<80x125xi32, #tpu.memory_space<vmem>>)
      tpu.yield
    }) : () -> ()
    %barrier3A = arith.constant 0 : index
    tpu.barrier barrier_id(%barrier3A)
    %scan3A_55 = arith.constant 0 : i32
    %scan3A_56 = arith.constant 0 : i32
    %scan3A_57 = arith.constant 80 : i32
    %scan3A_58 = arith.addi %scan3A_56, %scan3A_57 : i32
    %scan3A_59 = arith.constant 1 : i32
    %scan3A_60 = scf.for %scan3A_70 = %scan3A_56 to %scan3A_58 step %scan3A_59 iter_args(%scan3A_71 = %scan3A_55) -> (i32)  : i32 {
      "tpu.region"() ({
        %run_scoped3A_73 = tpu.sem_alloc : memref<!tpu.dma_semaphore, #tpu.memory_space<semaphore_mem>>
        %dma_start3A = arith.constant 0 : i32
        %dma_start3A_74 = tpu.memref_slice %arg5[%scan3A_70, %dma_start3A] : memref<80x125xi32, #tpu.memory_space<vmem>> -> memref<1x125xi32, #tpu.memory_space<vmem>>
        %dma_start3A_75 = tpu.memref_squeeze %dma_start3A_74 : memref<1x125xi32, #tpu.memory_space<vmem>> -> memref<125xi32, #tpu.memory_space<vmem>>
        %dma_start3A_76 = arith.constant 0 : i32
        %dma_start3A_77 = tpu.memref_slice %arg4[%dma_start3A_76] : memref<10240xf32, #tpu.memory_space<vmem_shared>> -> memref<10240xf32, #tpu.memory_space<vmem_shared>>
        tpu.enqueue_indirect_dma source(%arg6 : memref<125xf32, #tpu.memory_space<vmem>>) target(%dma_start3A_77 : memref<10240xf32, #tpu.memory_space<vmem_shared>>) offsets(%dma_start3A_75 : memref<125xi32, #tpu.memory_space<vmem>>) semaphore(%run_scoped3A_73 : memref<!tpu.dma_semaphore, #tpu.memory_space<semaphore_mem>>) {add = true}
        %dma_wait3A = arith.constant 0 : i32
        %dma_wait3A_78 = tpu.memref_slice %arg5[%scan3A_70, %dma_wait3A] : memref<80x125xi32, #tpu.memory_space<vmem>> -> memref<1x125xi32, #tpu.memory_space<vmem>>
        %dma_wait3A_79 = tpu.memref_squeeze %dma_wait3A_78 : memref<1x125xi32, #tpu.memory_space<vmem>> -> memref<125xi32, #tpu.memory_space<vmem>>
        %dma_wait3A_80 = arith.constant 0 : i32
        %dma_wait3A_81 = tpu.memref_slice %arg4[%dma_wait3A_80] : memref<10240xf32, #tpu.memory_space<vmem_shared>> -> memref<10240xf32, #tpu.memory_space<vmem_shared>>
        tpu.wait_indirect_dma semaphore(%run_scoped3A_73 : memref<!tpu.dma_semaphore, #tpu.memory_space<semaphore_mem>>) src(%arg6 : memref<125xf32, #tpu.memory_space<vmem>>) dst(%dma_wait3A_81 : memref<10240xf32, #tpu.memory_space<vmem_shared>>)
        tpu.yield
      }) : () -> ()
      %scan3A_72 = arith.constant 0 : i32
      scf.yield %scan3A_72 : i32
    }
    %scan3A_61 = arith.constant 80 : i32
    %barrier3A_62 = arith.constant 0 : index
    tpu.barrier barrier_id(%barrier3A_62)
    %mul3A_63 = arith.constant 640 : i32
    %mul3A_64 = arith.muli %arg1, %mul3A_63 : i32
    %mul3A_65 = arith.constant 10240 : i32
    %mul3A_66 = arith.muli %arg0, %mul3A_65 : i32
    %mul3A_67 = arith.constant 640 : i32
    %mul3A_68 = arith.muli %arg1, %mul3A_67 : i32
    %add3A_69 = arith.addi %mul3A_66, %mul3A_68 : i32
    "tpu.region"() ({
      %run_scoped3A_70 = tpu.sem_alloc : memref<!tpu.dma_semaphore, #tpu.memory_space<semaphore_mem>>
      %dma_start3A = tpu.memref_slice %arg3[%add3A_69] : memref<20480xf32, #tpu.memory_space<hbm>> -> memref<640xf32, #tpu.memory_space<hbm>>
      %dma_start3A_71 = tpu.memref_slice %arg4[%mul3A_64] : memref<10240xf32, #tpu.memory_space<vmem_shared>> -> memref<640xf32, #tpu.memory_space<vmem_shared>>
      tpu.enqueue_dma source(%dma_start3A_71 : memref<640xf32, #tpu.memory_space<vmem_shared>>) target(%dma_start3A : memref<640xf32, #tpu.memory_space<hbm>>) target_semaphore(%run_scoped3A_70 : memref<!tpu.dma_semaphore, #tpu.memory_space<semaphore_mem>>)
      %dma_wait3A = tpu.memref_slice %arg3[%add3A_69] : memref<20480xf32, #tpu.memory_space<hbm>> -> memref<640xf32, #tpu.memory_space<hbm>>
      %dma_wait3A_72 = tpu.memref_slice %arg4[%mul3A_64] : memref<10240xf32, #tpu.memory_space<vmem_shared>> -> memref<640xf32, #tpu.memory_space<vmem_shared>>
      tpu.wait_dma2 semaphore(%run_scoped3A_70 : memref<!tpu.dma_semaphore, #tpu.memory_space<semaphore_mem>>) src(%dma_wait3A_72 : memref<640xf32, #tpu.memory_space<vmem_shared>>) dst(%dma_wait3A : memref<640xf32, #tpu.memory_space<hbm>>)
      tpu.yield
    }) : () -> ()
    return
  }
}

#map = affine_map<(d0, d1) -> (0, 0)>
#map1 = affine_map<(d0, d1) -> (0, 0, 0, 0)>
#map2 = affine_map<(d0, d1) -> (0, 0, 0)>
module attributes {stable_mosaic.version = 14 : i64} {
  func.func @_agg_kernel(%arg0: i32, %arg1: i32, %arg2: memref<10000x128xi16, #tpu.memory_space<hbm>>, %arg3: memref<2x32x80x125xi32, #tpu.memory_space<hbm>>, %arg4: memref<2x10240x128xi16, #tpu.memory_space<hbm>>, %arg5: memref<10240x128xi16, #tpu.memory_space<vmem_shared>>, %arg6: memref<125x128xi16, #tpu.memory_space<vmem>>, %arg7: memref<125x128xi16, #tpu.memory_space<vmem>>, %arg8: memref<2x8x125xi32, #tpu.memory_space<vmem>>, %arg9: memref<!tpu.dma_semaphore, #tpu.memory_space<semaphore_mem>>, %arg10: memref<!tpu.dma_semaphore, #tpu.memory_space<semaphore_mem>>, %arg11: memref<!tpu.dma_semaphore, #tpu.memory_space<semaphore_mem>>, %arg12: memref<125x128xi16, #tpu.memory_space<vmem>>, %arg13: memref<125xi32, #tpu.memory_space<vmem>>, %arg14: memref<2x8x125xi32, #tpu.memory_space<vmem>>, %arg15: memref<!tpu.dma_semaphore, #tpu.memory_space<semaphore_mem>>, %arg16: memref<!tpu.dma_semaphore, #tpu.memory_space<semaphore_mem>>, %arg17: memref<64x128xi16, #tpu.memory_space<vmem>>) attributes {dimension_semantics = [#tpu.dimension_semantics<core_parallel>, #tpu.dimension_semantics<subcore_parallel>], iteration_bounds = array<i64: 2, 16>, scalar_prefetch = 0 : i64, scratch_operands = 13 : i64, tpu.core_type = #tpu.core_type<sc_vector_subcore>, window_params = [{transform_indices = #map}, {transform_indices = #map1}, {transform_indices = #map2}]} {
    %mul3A = arith.constant 2 : i32
    %mul3A_0 = arith.muli %arg1, %mul3A : i32
    %add3A = arith.addi %mul3A_0, %arg0 : i32
    %scan3A = arith.constant 0 : i32
    %scan3A_1 = arith.constant 0 : i32
    %scan3A_2 = arith.constant 64 : i32
    %scan3A_3 = arith.addi %scan3A_1, %scan3A_2 : i32
    %scan3A_4 = arith.constant 1 : i32
    %scan3A_5 = scf.for %scan3A_147 = %scan3A_1 to %scan3A_3 step %scan3A_4 iter_args(%scan3A_148 = %scan3A) -> (i32)  : i32 {
      %broadcast_in_dim3A = arith.constant 0 : i16
      %broadcast_in_dim3A_149 = vector.broadcast %broadcast_in_dim3A : i16 to vector<32xi16>
      %swap3A = arith.index_cast %scan3A_147 : i32 to index
      %swap3A_150 = arith.constant 0 : index
      %swap3A_151 = tpu.vector_load %arg17[%swap3A, %swap3A_150] {strides = array<i32>} : memref<64x128xi16, #tpu.memory_space<vmem>>, vector<1x32xi16>,
      %swap3A_152 = vector.shape_cast %swap3A_151 : vector<1x32xi16> to vector<32xi16>
      %swap3A_153 = vector.shape_cast %broadcast_in_dim3A_149 : vector<32xi16> to vector<1x32xi16>
      tpu.vector_store %arg17[%swap3A, %swap3A_150], %swap3A_153 {strides = array<i32>} : memref<64x128xi16, #tpu.memory_space<vmem>>, vector<1x32xi16>,
      %broadcast_in_dim3A_154 = arith.constant 0 : i16
      %broadcast_in_dim3A_155 = vector.broadcast %broadcast_in_dim3A_154 : i16 to vector<32xi16>
      %swap3A_156 = arith.index_cast %scan3A_147 : i32 to index
      %swap3A_157 = arith.constant 32 : index
      %swap3A_158 = tpu.vector_load %arg17[%swap3A_156, %swap3A_157] {strides = array<i32>} : memref<64x128xi16, #tpu.memory_space<vmem>>, vector<1x32xi16>,
      %swap3A_159 = vector.shape_cast %swap3A_158 : vector<1x32xi16> to vector<32xi16>
      %swap3A_160 = vector.shape_cast %broadcast_in_dim3A_155 : vector<32xi16> to vector<1x32xi16>
      tpu.vector_store %arg17[%swap3A_156, %swap3A_157], %swap3A_160 {strides = array<i32>} : memref<64x128xi16, #tpu.memory_space<vmem>>, vector<1x32xi16>,
      %broadcast_in_dim3A_161 = arith.constant 0 : i16
      %broadcast_in_dim3A_162 = vector.broadcast %broadcast_in_dim3A_161 : i16 to vector<32xi16>
      %swap3A_163 = arith.index_cast %scan3A_147 : i32 to index
      %swap3A_164 = arith.constant 64 : index
      %swap3A_165 = tpu.vector_load %arg17[%swap3A_163, %swap3A_164] {strides = array<i32>} : memref<64x128xi16, #tpu.memory_space<vmem>>, vector<1x32xi16>,
      %swap3A_166 = vector.shape_cast %swap3A_165 : vector<1x32xi16> to vector<32xi16>
      %swap3A_167 = vector.shape_cast %broadcast_in_dim3A_162 : vector<32xi16> to vector<1x32xi16>
      tpu.vector_store %arg17[%swap3A_163, %swap3A_164], %swap3A_167 {strides = array<i32>} : memref<64x128xi16, #tpu.memory_space<vmem>>, vector<1x32xi16>,
      %broadcast_in_dim3A_168 = arith.constant 0 : i16
      %broadcast_in_dim3A_169 = vector.broadcast %broadcast_in_dim3A_168 : i16 to vector<32xi16>
      %swap3A_170 = arith.index_cast %scan3A_147 : i32 to index
      %swap3A_171 = arith.constant 96 : index
      %swap3A_172 = tpu.vector_load %arg17[%swap3A_170, %swap3A_171] {strides = array<i32>} : memref<64x128xi16, #tpu.memory_space<vmem>>, vector<1x32xi16>,
      %swap3A_173 = vector.shape_cast %swap3A_172 : vector<1x32xi16> to vector<32xi16>
      %swap3A_174 = vector.shape_cast %broadcast_in_dim3A_169 : vector<32xi16> to vector<1x32xi16>
      tpu.vector_store %arg17[%swap3A_170, %swap3A_171], %swap3A_174 {strides = array<i32>} : memref<64x128xi16, #tpu.memory_space<vmem>>, vector<1x32xi16>,
      %scan3A_175 = arith.constant 0 : i32
      scf.yield %scan3A_175 : i32
    }
    %scan3A_6 = arith.constant 64 : i32
    %mul3A_7 = arith.constant 640 : i32
    %mul3A_8 = arith.muli %arg1, %mul3A_7 : i32
    %add3A_9 = arith.constant 0 : i32
    %add3A_10 = arith.addi %mul3A_8, %add3A_9 : i32
    "tpu.region"() ({
      %run_scoped3A = tpu.sem_alloc : memref<!tpu.dma_semaphore, #tpu.memory_space<semaphore_mem>>
      %dma_start3A_147 = arith.constant 0 : i32
      %dma_start3A_148 = tpu.memref_slice %arg5[%add3A_10, %dma_start3A_147] : memref<10240x128xi16, #tpu.memory_space<vmem_shared>> -> memref<64x128xi16, #tpu.memory_space<vmem_shared>>
      %dma_start3A_149 = arith.constant 0 : i32
      %dma_start3A_150 = tpu.memref_slice %arg5[%add3A_10, %dma_start3A_149] : memref<10240x128xi16, #tpu.memory_space<vmem_shared>> -> memref<64x128xi16, #tpu.memory_space<vmem_shared>>
      tpu.enqueue_dma source(%arg17 : memref<64x128xi16, #tpu.memory_space<vmem>>) target(%dma_start3A_150 : memref<64x128xi16, #tpu.memory_space<vmem_shared>>) target_semaphore(%run_scoped3A : memref<!tpu.dma_semaphore, #tpu.memory_space<semaphore_mem>>)
      %dma_wait3A_151 = arith.constant 0 : i32
      %dma_wait3A_152 = tpu.memref_slice %arg5[%add3A_10, %dma_wait3A_151] : memref<10240x128xi16, #tpu.memory_space<vmem_shared>> -> memref<64x128xi16, #tpu.memory_space<vmem_shared>>
      %dma_wait3A_153 = arith.constant 0 : i32
      %dma_wait3A_154 = tpu.memref_slice %arg5[%add3A_10, %dma_wait3A_153] : memref<10240x128xi16, #tpu.memory_space<vmem_shared>> -> memref<64x128xi16, #tpu.memory_space<vmem_shared>>
      tpu.wait_dma2 semaphore(%run_scoped3A : memref<!tpu.dma_semaphore, #tpu.memory_space<semaphore_mem>>) src(%arg17 : memref<64x128xi16, #tpu.memory_space<vmem>>) dst(%dma_wait3A_154 : memref<64x128xi16, #tpu.memory_space<vmem_shared>>)
      tpu.yield
    }) : () -> ()
    %mul3A_11 = arith.constant 640 : i32
    %mul3A_12 = arith.muli %arg1, %mul3A_11 : i32
    %add3A_13 = arith.constant 64 : i32
    %add3A_14 = arith.addi %mul3A_12, %add3A_13 : i32
    "tpu.region"() ({
      %run_scoped3A = tpu.sem_alloc : memref<!tpu.dma_semaphore, #tpu.memory_space<semaphore_mem>>
      %dma_start3A_147 = arith.constant 0 : i32
      %dma_start3A_148 = tpu.memref_slice %arg5[%add3A_14, %dma_start3A_147] : memref<10240x128xi16, #tpu.memory_space<vmem_shared>> -> memref<64x128xi16, #tpu.memory_space<vmem_shared>>
      %dma_start3A_149 = arith.constant 0 : i32
      %dma_start3A_150 = tpu.memref_slice %arg5[%add3A_14, %dma_start3A_149] : memref<10240x128xi16, #tpu.memory_space<vmem_shared>> -> memref<64x128xi16, #tpu.memory_space<vmem_shared>>
      tpu.enqueue_dma source(%arg17 : memref<64x128xi16, #tpu.memory_space<vmem>>) target(%dma_start3A_150 : memref<64x128xi16, #tpu.memory_space<vmem_shared>>) target_semaphore(%run_scoped3A : memref<!tpu.dma_semaphore, #tpu.memory_space<semaphore_mem>>)
      %dma_wait3A_151 = arith.constant 0 : i32
      %dma_wait3A_152 = tpu.memref_slice %arg5[%add3A_14, %dma_wait3A_151] : memref<10240x128xi16, #tpu.memory_space<vmem_shared>> -> memref<64x128xi16, #tpu.memory_space<vmem_shared>>
      %dma_wait3A_153 = arith.constant 0 : i32
      %dma_wait3A_154 = tpu.memref_slice %arg5[%add3A_14, %dma_wait3A_153] : memref<10240x128xi16, #tpu.memory_space<vmem_shared>> -> memref<64x128xi16, #tpu.memory_space<vmem_shared>>
      tpu.wait_dma2 semaphore(%run_scoped3A : memref<!tpu.dma_semaphore, #tpu.memory_space<semaphore_mem>>) src(%arg17 : memref<64x128xi16, #tpu.memory_space<vmem>>) dst(%dma_wait3A_154 : memref<64x128xi16, #tpu.memory_space<vmem_shared>>)
      tpu.yield
    }) : () -> ()
    %mul3A_15 = arith.constant 640 : i32
    %mul3A_16 = arith.muli %arg1, %mul3A_15 : i32
    %add3A_17 = arith.constant 128 : i32
    %add3A_18 = arith.addi %mul3A_16, %add3A_17 : i32
    "tpu.region"() ({
      %run_scoped3A = tpu.sem_alloc : memref<!tpu.dma_semaphore, #tpu.memory_space<semaphore_mem>>
      %dma_start3A_147 = arith.constant 0 : i32
      %dma_start3A_148 = tpu.memref_slice %arg5[%add3A_18, %dma_start3A_147] : memref<10240x128xi16, #tpu.memory_space<vmem_shared>> -> memref<64x128xi16, #tpu.memory_space<vmem_shared>>
      %dma_start3A_149 = arith.constant 0 : i32
      %dma_start3A_150 = tpu.memref_slice %arg5[%add3A_18, %dma_start3A_149] : memref<10240x128xi16, #tpu.memory_space<vmem_shared>> -> memref<64x128xi16, #tpu.memory_space<vmem_shared>>
      tpu.enqueue_dma source(%arg17 : memref<64x128xi16, #tpu.memory_space<vmem>>) target(%dma_start3A_150 : memref<64x128xi16, #tpu.memory_space<vmem_shared>>) target_semaphore(%run_scoped3A : memref<!tpu.dma_semaphore, #tpu.memory_space<semaphore_mem>>)
      %dma_wait3A_151 = arith.constant 0 : i32
      %dma_wait3A_152 = tpu.memref_slice %arg5[%add3A_18, %dma_wait3A_151] : memref<10240x128xi16, #tpu.memory_space<vmem_shared>> -> memref<64x128xi16, #tpu.memory_space<vmem_shared>>
      %dma_wait3A_153 = arith.constant 0 : i32
      %dma_wait3A_154 = tpu.memref_slice %arg5[%add3A_18, %dma_wait3A_153] : memref<10240x128xi16, #tpu.memory_space<vmem_shared>> -> memref<64x128xi16, #tpu.memory_space<vmem_shared>>
      tpu.wait_dma2 semaphore(%run_scoped3A : memref<!tpu.dma_semaphore, #tpu.memory_space<semaphore_mem>>) src(%arg17 : memref<64x128xi16, #tpu.memory_space<vmem>>) dst(%dma_wait3A_154 : memref<64x128xi16, #tpu.memory_space<vmem_shared>>)
      tpu.yield
    }) : () -> ()
    %mul3A_19 = arith.constant 640 : i32
    %mul3A_20 = arith.muli %arg1, %mul3A_19 : i32
    %add3A_21 = arith.constant 192 : i32
    %add3A_22 = arith.addi %mul3A_20, %add3A_21 : i32
    "tpu.region"() ({
      %run_scoped3A = tpu.sem_alloc : memref<!tpu.dma_semaphore, #tpu.memory_space<semaphore_mem>>
      %dma_start3A_147 = arith.constant 0 : i32
      %dma_start3A_148 = tpu.memref_slice %arg5[%add3A_22, %dma_start3A_147] : memref<10240x128xi16, #tpu.memory_space<vmem_shared>> -> memref<64x128xi16, #tpu.memory_space<vmem_shared>>
      %dma_start3A_149 = arith.constant 0 : i32
      %dma_start3A_150 = tpu.memref_slice %arg5[%add3A_22, %dma_start3A_149] : memref<10240x128xi16, #tpu.memory_space<vmem_shared>> -> memref<64x128xi16, #tpu.memory_space<vmem_shared>>
      tpu.enqueue_dma source(%arg17 : memref<64x128xi16, #tpu.memory_space<vmem>>) target(%dma_start3A_150 : memref<64x128xi16, #tpu.memory_space<vmem_shared>>) target_semaphore(%run_scoped3A : memref<!tpu.dma_semaphore, #tpu.memory_space<semaphore_mem>>)
      %dma_wait3A_151 = arith.constant 0 : i32
      %dma_wait3A_152 = tpu.memref_slice %arg5[%add3A_22, %dma_wait3A_151] : memref<10240x128xi16, #tpu.memory_space<vmem_shared>> -> memref<64x128xi16, #tpu.memory_space<vmem_shared>>
      %dma_wait3A_153 = arith.constant 0 : i32
      %dma_wait3A_154 = tpu.memref_slice %arg5[%add3A_22, %dma_wait3A_153] : memref<10240x128xi16, #tpu.memory_space<vmem_shared>> -> memref<64x128xi16, #tpu.memory_space<vmem_shared>>
      tpu.wait_dma2 semaphore(%run_scoped3A : memref<!tpu.dma_semaphore, #tpu.memory_space<semaphore_mem>>) src(%arg17 : memref<64x128xi16, #tpu.memory_space<vmem>>) dst(%dma_wait3A_154 : memref<64x128xi16, #tpu.memory_space<vmem_shared>>)
      tpu.yield
    }) : () -> ()
    %mul3A_23 = arith.constant 640 : i32
    %mul3A_24 = arith.muli %arg1, %mul3A_23 : i32
    %add3A_25 = arith.constant 256 : i32
    %add3A_26 = arith.addi %mul3A_24, %add3A_25 : i32
    "tpu.region"() ({
      %run_scoped3A = tpu.sem_alloc : memref<!tpu.dma_semaphore, #tpu.memory_space<semaphore_mem>>
      %dma_start3A_147 = arith.constant 0 : i32
      %dma_start3A_148 = tpu.memref_slice %arg5[%add3A_26, %dma_start3A_147] : memref<10240x128xi16, #tpu.memory_space<vmem_shared>> -> memref<64x128xi16, #tpu.memory_space<vmem_shared>>
      %dma_start3A_149 = arith.constant 0 : i32
      %dma_start3A_150 = tpu.memref_slice %arg5[%add3A_26, %dma_start3A_149] : memref<10240x128xi16, #tpu.memory_space<vmem_shared>> -> memref<64x128xi16, #tpu.memory_space<vmem_shared>>
      tpu.enqueue_dma source(%arg17 : memref<64x128xi16, #tpu.memory_space<vmem>>) target(%dma_start3A_150 : memref<64x128xi16, #tpu.memory_space<vmem_shared>>) target_semaphore(%run_scoped3A : memref<!tpu.dma_semaphore, #tpu.memory_space<semaphore_mem>>)
      %dma_wait3A_151 = arith.constant 0 : i32
      %dma_wait3A_152 = tpu.memref_slice %arg5[%add3A_26, %dma_wait3A_151] : memref<10240x128xi16, #tpu.memory_space<vmem_shared>> -> memref<64x128xi16, #tpu.memory_space<vmem_shared>>
      %dma_wait3A_153 = arith.constant 0 : i32
      %dma_wait3A_154 = tpu.memref_slice %arg5[%add3A_26, %dma_wait3A_153] : memref<10240x128xi16, #tpu.memory_space<vmem_shared>> -> memref<64x128xi16, #tpu.memory_space<vmem_shared>>
      tpu.wait_dma2 semaphore(%run_scoped3A : memref<!tpu.dma_semaphore, #tpu.memory_space<semaphore_mem>>) src(%arg17 : memref<64x128xi16, #tpu.memory_space<vmem>>) dst(%dma_wait3A_154 : memref<64x128xi16, #tpu.memory_space<vmem_shared>>)
      tpu.yield
    }) : () -> ()
    %mul3A_27 = arith.constant 640 : i32
    %mul3A_28 = arith.muli %arg1, %mul3A_27 : i32
    %add3A_29 = arith.constant 320 : i32
    %add3A_30 = arith.addi %mul3A_28, %add3A_29 : i32
    "tpu.region"() ({
      %run_scoped3A = tpu.sem_alloc : memref<!tpu.dma_semaphore, #tpu.memory_space<semaphore_mem>>
      %dma_start3A_147 = arith.constant 0 : i32
      %dma_start3A_148 = tpu.memref_slice %arg5[%add3A_30, %dma_start3A_147] : memref<10240x128xi16, #tpu.memory_space<vmem_shared>> -> memref<64x128xi16, #tpu.memory_space<vmem_shared>>
      %dma_start3A_149 = arith.constant 0 : i32
      %dma_start3A_150 = tpu.memref_slice %arg5[%add3A_30, %dma_start3A_149] : memref<10240x128xi16, #tpu.memory_space<vmem_shared>> -> memref<64x128xi16, #tpu.memory_space<vmem_shared>>
      tpu.enqueue_dma source(%arg17 : memref<64x128xi16, #tpu.memory_space<vmem>>) target(%dma_start3A_150 : memref<64x128xi16, #tpu.memory_space<vmem_shared>>) target_semaphore(%run_scoped3A : memref<!tpu.dma_semaphore, #tpu.memory_space<semaphore_mem>>)
      %dma_wait3A_151 = arith.constant 0 : i32
      %dma_wait3A_152 = tpu.memref_slice %arg5[%add3A_30, %dma_wait3A_151] : memref<10240x128xi16, #tpu.memory_space<vmem_shared>> -> memref<64x128xi16, #tpu.memory_space<vmem_shared>>
      %dma_wait3A_153 = arith.constant 0 : i32
      %dma_wait3A_154 = tpu.memref_slice %arg5[%add3A_30, %dma_wait3A_153] : memref<10240x128xi16, #tpu.memory_space<vmem_shared>> -> memref<64x128xi16, #tpu.memory_space<vmem_shared>>
      tpu.wait_dma2 semaphore(%run_scoped3A : memref<!tpu.dma_semaphore, #tpu.memory_space<semaphore_mem>>) src(%arg17 : memref<64x128xi16, #tpu.memory_space<vmem>>) dst(%dma_wait3A_154 : memref<64x128xi16, #tpu.memory_space<vmem_shared>>)
      tpu.yield
    }) : () -> ()
    %mul3A_31 = arith.constant 640 : i32
    %mul3A_32 = arith.muli %arg1, %mul3A_31 : i32
    %add3A_33 = arith.constant 384 : i32
    %add3A_34 = arith.addi %mul3A_32, %add3A_33 : i32
    "tpu.region"() ({
      %run_scoped3A = tpu.sem_alloc : memref<!tpu.dma_semaphore, #tpu.memory_space<semaphore_mem>>
      %dma_start3A_147 = arith.constant 0 : i32
      %dma_start3A_148 = tpu.memref_slice %arg5[%add3A_34, %dma_start3A_147] : memref<10240x128xi16, #tpu.memory_space<vmem_shared>> -> memref<64x128xi16, #tpu.memory_space<vmem_shared>>
      %dma_start3A_149 = arith.constant 0 : i32
      %dma_start3A_150 = tpu.memref_slice %arg5[%add3A_34, %dma_start3A_149] : memref<10240x128xi16, #tpu.memory_space<vmem_shared>> -> memref<64x128xi16, #tpu.memory_space<vmem_shared>>
      tpu.enqueue_dma source(%arg17 : memref<64x128xi16, #tpu.memory_space<vmem>>) target(%dma_start3A_150 : memref<64x128xi16, #tpu.memory_space<vmem_shared>>) target_semaphore(%run_scoped3A : memref<!tpu.dma_semaphore, #tpu.memory_space<semaphore_mem>>)
      %dma_wait3A_151 = arith.constant 0 : i32
      %dma_wait3A_152 = tpu.memref_slice %arg5[%add3A_34, %dma_wait3A_151] : memref<10240x128xi16, #tpu.memory_space<vmem_shared>> -> memref<64x128xi16, #tpu.memory_space<vmem_shared>>
      %dma_wait3A_153 = arith.constant 0 : i32
      %dma_wait3A_154 = tpu.memref_slice %arg5[%add3A_34, %dma_wait3A_153] : memref<10240x128xi16, #tpu.memory_space<vmem_shared>> -> memref<64x128xi16, #tpu.memory_space<vmem_shared>>
      tpu.wait_dma2 semaphore(%run_scoped3A : memref<!tpu.dma_semaphore, #tpu.memory_space<semaphore_mem>>) src(%arg17 : memref<64x128xi16, #tpu.memory_space<vmem>>) dst(%dma_wait3A_154 : memref<64x128xi16, #tpu.memory_space<vmem_shared>>)
      tpu.yield
    }) : () -> ()
    %mul3A_35 = arith.constant 640 : i32
    %mul3A_36 = arith.muli %arg1, %mul3A_35 : i32
    %add3A_37 = arith.constant 448 : i32
    %add3A_38 = arith.addi %mul3A_36, %add3A_37 : i32
    "tpu.region"() ({
      %run_scoped3A = tpu.sem_alloc : memref<!tpu.dma_semaphore, #tpu.memory_space<semaphore_mem>>
      %dma_start3A_147 = arith.constant 0 : i32
      %dma_start3A_148 = tpu.memref_slice %arg5[%add3A_38, %dma_start3A_147] : memref<10240x128xi16, #tpu.memory_space<vmem_shared>> -> memref<64x128xi16, #tpu.memory_space<vmem_shared>>
      %dma_start3A_149 = arith.constant 0 : i32
      %dma_start3A_150 = tpu.memref_slice %arg5[%add3A_38, %dma_start3A_149] : memref<10240x128xi16, #tpu.memory_space<vmem_shared>> -> memref<64x128xi16, #tpu.memory_space<vmem_shared>>
      tpu.enqueue_dma source(%arg17 : memref<64x128xi16, #tpu.memory_space<vmem>>) target(%dma_start3A_150 : memref<64x128xi16, #tpu.memory_space<vmem_shared>>) target_semaphore(%run_scoped3A : memref<!tpu.dma_semaphore, #tpu.memory_space<semaphore_mem>>)
      %dma_wait3A_151 = arith.constant 0 : i32
      %dma_wait3A_152 = tpu.memref_slice %arg5[%add3A_38, %dma_wait3A_151] : memref<10240x128xi16, #tpu.memory_space<vmem_shared>> -> memref<64x128xi16, #tpu.memory_space<vmem_shared>>
      %dma_wait3A_153 = arith.constant 0 : i32
      %dma_wait3A_154 = tpu.memref_slice %arg5[%add3A_38, %dma_wait3A_153] : memref<10240x128xi16, #tpu.memory_space<vmem_shared>> -> memref<64x128xi16, #tpu.memory_space<vmem_shared>>
      tpu.wait_dma2 semaphore(%run_scoped3A : memref<!tpu.dma_semaphore, #tpu.memory_space<semaphore_mem>>) src(%arg17 : memref<64x128xi16, #tpu.memory_space<vmem>>) dst(%dma_wait3A_154 : memref<64x128xi16, #tpu.memory_space<vmem_shared>>)
      tpu.yield
    }) : () -> ()
    %mul3A_39 = arith.constant 640 : i32
    %mul3A_40 = arith.muli %arg1, %mul3A_39 : i32
    %add3A_41 = arith.constant 512 : i32
    %add3A_42 = arith.addi %mul3A_40, %add3A_41 : i32
    "tpu.region"() ({
      %run_scoped3A = tpu.sem_alloc : memref<!tpu.dma_semaphore, #tpu.memory_space<semaphore_mem>>
      %dma_start3A_147 = arith.constant 0 : i32
      %dma_start3A_148 = tpu.memref_slice %arg5[%add3A_42, %dma_start3A_147] : memref<10240x128xi16, #tpu.memory_space<vmem_shared>> -> memref<64x128xi16, #tpu.memory_space<vmem_shared>>
      %dma_start3A_149 = arith.constant 0 : i32
      %dma_start3A_150 = tpu.memref_slice %arg5[%add3A_42, %dma_start3A_149] : memref<10240x128xi16, #tpu.memory_space<vmem_shared>> -> memref<64x128xi16, #tpu.memory_space<vmem_shared>>
      tpu.enqueue_dma source(%arg17 : memref<64x128xi16, #tpu.memory_space<vmem>>) target(%dma_start3A_150 : memref<64x128xi16, #tpu.memory_space<vmem_shared>>) target_semaphore(%run_scoped3A : memref<!tpu.dma_semaphore, #tpu.memory_space<semaphore_mem>>)
      %dma_wait3A_151 = arith.constant 0 : i32
      %dma_wait3A_152 = tpu.memref_slice %arg5[%add3A_42, %dma_wait3A_151] : memref<10240x128xi16, #tpu.memory_space<vmem_shared>> -> memref<64x128xi16, #tpu.memory_space<vmem_shared>>
      %dma_wait3A_153 = arith.constant 0 : i32
      %dma_wait3A_154 = tpu.memref_slice %arg5[%add3A_42, %dma_wait3A_153] : memref<10240x128xi16, #tpu.memory_space<vmem_shared>> -> memref<64x128xi16, #tpu.memory_space<vmem_shared>>
      tpu.wait_dma2 semaphore(%run_scoped3A : memref<!tpu.dma_semaphore, #tpu.memory_space<semaphore_mem>>) src(%arg17 : memref<64x128xi16, #tpu.memory_space<vmem>>) dst(%dma_wait3A_154 : memref<64x128xi16, #tpu.memory_space<vmem_shared>>)
      tpu.yield
    }) : () -> ()
    %mul3A_43 = arith.constant 640 : i32
    %mul3A_44 = arith.muli %arg1, %mul3A_43 : i32
    %add3A_45 = arith.constant 576 : i32
    %add3A_46 = arith.addi %mul3A_44, %add3A_45 : i32
    "tpu.region"() ({
      %run_scoped3A = tpu.sem_alloc : memref<!tpu.dma_semaphore, #tpu.memory_space<semaphore_mem>>
      %dma_start3A_147 = arith.constant 0 : i32
      %dma_start3A_148 = tpu.memref_slice %arg5[%add3A_46, %dma_start3A_147] : memref<10240x128xi16, #tpu.memory_space<vmem_shared>> -> memref<64x128xi16, #tpu.memory_space<vmem_shared>>
      %dma_start3A_149 = arith.constant 0 : i32
      %dma_start3A_150 = tpu.memref_slice %arg5[%add3A_46, %dma_start3A_149] : memref<10240x128xi16, #tpu.memory_space<vmem_shared>> -> memref<64x128xi16, #tpu.memory_space<vmem_shared>>
      tpu.enqueue_dma source(%arg17 : memref<64x128xi16, #tpu.memory_space<vmem>>) target(%dma_start3A_150 : memref<64x128xi16, #tpu.memory_space<vmem_shared>>) target_semaphore(%run_scoped3A : memref<!tpu.dma_semaphore, #tpu.memory_space<semaphore_mem>>)
      %dma_wait3A_151 = arith.constant 0 : i32
      %dma_wait3A_152 = tpu.memref_slice %arg5[%add3A_46, %dma_wait3A_151] : memref<10240x128xi16, #tpu.memory_space<vmem_shared>> -> memref<64x128xi16, #tpu.memory_space<vmem_shared>>
      %dma_wait3A_153 = arith.constant 0 : i32
      %dma_wait3A_154 = tpu.memref_slice %arg5[%add3A_46, %dma_wait3A_153] : memref<10240x128xi16, #tpu.memory_space<vmem_shared>> -> memref<64x128xi16, #tpu.memory_space<vmem_shared>>
      tpu.wait_dma2 semaphore(%run_scoped3A : memref<!tpu.dma_semaphore, #tpu.memory_space<semaphore_mem>>) src(%arg17 : memref<64x128xi16, #tpu.memory_space<vmem>>) dst(%dma_wait3A_154 : memref<64x128xi16, #tpu.memory_space<vmem_shared>>)
      tpu.yield
    }) : () -> ()
    %barrier3A = arith.constant 0 : index
    tpu.barrier barrier_id(%barrier3A)
    %eq3A = arith.constant 0 : i32
    %eq3A_47 = arith.cmpi eq, %arg0, %eq3A : i32
    %convert_element_type3A = arith.extui %eq3A_47 : i1 to i32
    %cond3A = arith.constant 0 : i32
    %cond3A_48 = arith.cmpi ne, %convert_element_type3A, %cond3A : i32
    scf.if %cond3A_48 {
      %mul3A_147 = arith.constant 625 : i32
      %mul3A_148 = arith.muli %arg1, %mul3A_147 : i32
      %add3A_149 = arith.constant 0 : i32
      %add3A_150 = arith.addi %mul3A_148, %add3A_149 : i32
      %iota3A = tpu.iota {dimensions = array<i32: 0>} : vector<16xi32>
      %add3A_151 = arith.constant 0 : i32
      %add3A_152 = arith.addi %add3A_150, %add3A_151 : i32
      %add3A_153 = vector.broadcast %add3A_152 : i32 to vector<16xi32>
      %add3A_154 = arith.addi %iota3A, %add3A_153 : vector<16xi32>
      %swap3A = arith.constant 0 : index
      %swap3A_155 = tpu.vector_load %arg13[%swap3A] {strides = array<i32>} : memref<125xi32, #tpu.memory_space<vmem>>, vector<16xi32>,
      %swap3A_156 = vector.shape_cast %swap3A_155 : vector<16xi32> to vector<16xi32>
      %swap3A_157 = vector.shape_cast %add3A_154 : vector<16xi32> to vector<16xi32>
      tpu.vector_store %arg13[%swap3A], %swap3A_157 {strides = array<i32>} : memref<125xi32, #tpu.memory_space<vmem>>, vector<16xi32>,
      %iota3A_158 = tpu.iota {dimensions = array<i32: 0>} : vector<16xi32>
      %add3A_159 = arith.constant 16 : i32
      %add3A_160 = arith.addi %add3A_150, %add3A_159 : i32
      %add3A_161 = vector.broadcast %add3A_160 : i32 to vector<16xi32>
      %add3A_162 = arith.addi %iota3A_158, %add3A_161 : vector<16xi32>
      %swap3A_163 = arith.constant 16 : index
      %swap3A_164 = tpu.vector_load %arg13[%swap3A_163] {strides = array<i32>} : memref<125xi32, #tpu.memory_space<vmem>>, vector<16xi32>,
      %swap3A_165 = vector.shape_cast %swap3A_164 : vector<16xi32> to vector<16xi32>
      %swap3A_166 = vector.shape_cast %add3A_162 : vector<16xi32> to vector<16xi32>
      tpu.vector_store %arg13[%swap3A_163], %swap3A_166 {strides = array<i32>} : memref<125xi32, #tpu.memory_space<vmem>>, vector<16xi32>,
      %iota3A_167 = tpu.iota {dimensions = array<i32: 0>} : vector<16xi32>
      %add3A_168 = arith.constant 32 : i32
      %add3A_169 = arith.addi %add3A_150, %add3A_168 : i32
      %add3A_170 = vector.broadcast %add3A_169 : i32 to vector<16xi32>
      %add3A_171 = arith.addi %iota3A_167, %add3A_170 : vector<16xi32>
      %swap3A_172 = arith.constant 32 : index
      %swap3A_173 = tpu.vector_load %arg13[%swap3A_172] {strides = array<i32>} : memref<125xi32, #tpu.memory_space<vmem>>, vector<16xi32>,
      %swap3A_174 = vector.shape_cast %swap3A_173 : vector<16xi32> to vector<16xi32>
      %swap3A_175 = vector.shape_cast %add3A_171 : vector<16xi32> to vector<16xi32>
      tpu.vector_store %arg13[%swap3A_172], %swap3A_175 {strides = array<i32>} : memref<125xi32, #tpu.memory_space<vmem>>, vector<16xi32>,
      %iota3A_176 = tpu.iota {dimensions = array<i32: 0>} : vector<16xi32>
      %add3A_177 = arith.constant 48 : i32
      %add3A_178 = arith.addi %add3A_150, %add3A_177 : i32
      %add3A_179 = vector.broadcast %add3A_178 : i32 to vector<16xi32>
      %add3A_180 = arith.addi %iota3A_176, %add3A_179 : vector<16xi32>
      %swap3A_181 = arith.constant 48 : index
      %swap3A_182 = tpu.vector_load %arg13[%swap3A_181] {strides = array<i32>} : memref<125xi32, #tpu.memory_space<vmem>>, vector<16xi32>,
      %swap3A_183 = vector.shape_cast %swap3A_182 : vector<16xi32> to vector<16xi32>
      %swap3A_184 = vector.shape_cast %add3A_180 : vector<16xi32> to vector<16xi32>
      tpu.vector_store %arg13[%swap3A_181], %swap3A_184 {strides = array<i32>} : memref<125xi32, #tpu.memory_space<vmem>>, vector<16xi32>,
      %iota3A_185 = tpu.iota {dimensions = array<i32: 0>} : vector<16xi32>
      %add3A_186 = arith.constant 64 : i32
      %add3A_187 = arith.addi %add3A_150, %add3A_186 : i32
      %add3A_188 = vector.broadcast %add3A_187 : i32 to vector<16xi32>
      %add3A_189 = arith.addi %iota3A_185, %add3A_188 : vector<16xi32>
      %swap3A_190 = arith.constant 64 : index
      %swap3A_191 = tpu.vector_load %arg13[%swap3A_190] {strides = array<i32>} : memref<125xi32, #tpu.memory_space<vmem>>, vector<16xi32>,
      %swap3A_192 = vector.shape_cast %swap3A_191 : vector<16xi32> to vector<16xi32>
      %swap3A_193 = vector.shape_cast %add3A_189 : vector<16xi32> to vector<16xi32>
      tpu.vector_store %arg13[%swap3A_190], %swap3A_193 {strides = array<i32>} : memref<125xi32, #tpu.memory_space<vmem>>, vector<16xi32>,
      %iota3A_194 = tpu.iota {dimensions = array<i32: 0>} : vector<16xi32>
      %add3A_195 = arith.constant 80 : i32
      %add3A_196 = arith.addi %add3A_150, %add3A_195 : i32
      %add3A_197 = vector.broadcast %add3A_196 : i32 to vector<16xi32>
      %add3A_198 = arith.addi %iota3A_194, %add3A_197 : vector<16xi32>
      %swap3A_199 = arith.constant 80 : index
      %swap3A_200 = tpu.vector_load %arg13[%swap3A_199] {strides = array<i32>} : memref<125xi32, #tpu.memory_space<vmem>>, vector<16xi32>,
      %swap3A_201 = vector.shape_cast %swap3A_200 : vector<16xi32> to vector<16xi32>
      %swap3A_202 = vector.shape_cast %add3A_198 : vector<16xi32> to vector<16xi32>
      tpu.vector_store %arg13[%swap3A_199], %swap3A_202 {strides = array<i32>} : memref<125xi32, #tpu.memory_space<vmem>>, vector<16xi32>,
      %iota3A_203 = tpu.iota {dimensions = array<i32: 0>} : vector<16xi32>
      %add3A_204 = arith.constant 96 : i32
      %add3A_205 = arith.addi %add3A_150, %add3A_204 : i32
      %add3A_206 = vector.broadcast %add3A_205 : i32 to vector<16xi32>
      %add3A_207 = arith.addi %iota3A_203, %add3A_206 : vector<16xi32>
      %swap3A_208 = arith.constant 96 : index
      %swap3A_209 = tpu.vector_load %arg13[%swap3A_208] {strides = array<i32>} : memref<125xi32, #tpu.memory_space<vmem>>, vector<16xi32>,
      %swap3A_210 = vector.shape_cast %swap3A_209 : vector<16xi32> to vector<16xi32>
      %swap3A_211 = vector.shape_cast %add3A_207 : vector<16xi32> to vector<16xi32>
      tpu.vector_store %arg13[%swap3A_208], %swap3A_211 {strides = array<i32>} : memref<125xi32, #tpu.memory_space<vmem>>, vector<16xi32>,
      %iota3A_212 = tpu.iota {dimensions = array<i32: 0>} : vector<16xi32>
      %add3A_213 = arith.constant 109 : i32
      %add3A_214 = arith.addi %add3A_150, %add3A_213 : i32
      %add3A_215 = vector.broadcast %add3A_214 : i32 to vector<16xi32>
      %add3A_216 = arith.addi %iota3A_212, %add3A_215 : vector<16xi32>
      %swap3A_217 = arith.constant 109 : index
      %swap3A_218 = tpu.vector_load %arg13[%swap3A_217] {strides = array<i32>} : memref<125xi32, #tpu.memory_space<vmem>>, vector<16xi32>,
      %swap3A_219 = vector.shape_cast %swap3A_218 : vector<16xi32> to vector<16xi32>
      %swap3A_220 = vector.shape_cast %add3A_216 : vector<16xi32> to vector<16xi32>
      tpu.vector_store %arg13[%swap3A_217], %swap3A_220 {strides = array<i32>} : memref<125xi32, #tpu.memory_space<vmem>>, vector<16xi32>,
      "tpu.region"() ({
        %run_scoped3A = tpu.sem_alloc : memref<!tpu.dma_semaphore, #tpu.memory_space<semaphore_mem>>
        %dma_start3A_525 = arith.constant 0 : i32
        %dma_start3A_526 = tpu.memref_slice %arg2[%add3A_150, %dma_start3A_525] : memref<10000x128xi16, #tpu.memory_space<hbm>> -> memref<125x128xi16, #tpu.memory_space<hbm>>
        %dma_start3A_527 = arith.constant 0 : i32
        %dma_start3A_528 = tpu.memref_slice %arg2[%add3A_150, %dma_start3A_527] : memref<10000x128xi16, #tpu.memory_space<hbm>> -> memref<125x128xi16, #tpu.memory_space<hbm>>
        tpu.enqueue_dma source(%dma_start3A_528 : memref<125x128xi16, #tpu.memory_space<hbm>>) target(%arg12 : memref<125x128xi16, #tpu.memory_space<vmem>>) target_semaphore(%run_scoped3A : memref<!tpu.dma_semaphore, #tpu.memory_space<semaphore_mem>>)
        %dma_wait3A_529 = arith.constant 0 : i32
        %dma_wait3A_530 = tpu.memref_slice %arg2[%add3A_150, %dma_wait3A_529] : memref<10000x128xi16, #tpu.memory_space<hbm>> -> memref<125x128xi16, #tpu.memory_space<hbm>>
        %dma_wait3A_531 = arith.constant 0 : i32
        %dma_wait3A_532 = tpu.memref_slice %arg2[%add3A_150, %dma_wait3A_531] : memref<10000x128xi16, #tpu.memory_space<hbm>> -> memref<125x128xi16, #tpu.memory_space<hbm>>
        tpu.wait_dma2 semaphore(%run_scoped3A : memref<!tpu.dma_semaphore, #tpu.memory_space<semaphore_mem>>) src(%dma_wait3A_532 : memref<125x128xi16, #tpu.memory_space<hbm>>) dst(%arg12 : memref<125x128xi16, #tpu.memory_space<vmem>>)
        tpu.yield
      }) : () -> ()
      "tpu.region"() ({
        %run_scoped3A = tpu.sem_alloc : memref<!tpu.dma_semaphore, #tpu.memory_space<semaphore_mem>>
        %dma_start3A_525 = arith.constant 0 : i32
        %dma_start3A_526 = arith.constant 0 : i32
        %dma_start3A_527 = tpu.memref_slice %arg5[%dma_start3A_525, %dma_start3A_526] : memref<10240x128xi16, #tpu.memory_space<vmem_shared>> -> memref<10240x128xi16, #tpu.memory_space<vmem_shared>>
        tpu.enqueue_indirect_dma source(%arg12 : memref<125x128xi16, #tpu.memory_space<vmem>>) target(%dma_start3A_527 : memref<10240x128xi16, #tpu.memory_space<vmem_shared>>) offsets(%arg13 : memref<125xi32, #tpu.memory_space<vmem>>) semaphore(%run_scoped3A : memref<!tpu.dma_semaphore, #tpu.memory_space<semaphore_mem>>) {add = true}
        %dma_wait3A_528 = arith.constant 0 : i32
        %dma_wait3A_529 = arith.constant 0 : i32
        %dma_wait3A_530 = tpu.memref_slice %arg5[%dma_wait3A_528, %dma_wait3A_529] : memref<10240x128xi16, #tpu.memory_space<vmem_shared>> -> memref<10240x128xi16, #tpu.memory_space<vmem_shared>>
        tpu.wait_indirect_dma semaphore(%run_scoped3A : memref<!tpu.dma_semaphore, #tpu.memory_space<semaphore_mem>>) src(%arg12 : memref<125x128xi16, #tpu.memory_space<vmem>>) dst(%dma_wait3A_530 : memref<10240x128xi16, #tpu.memory_space<vmem_shared>>)
        tpu.yield
      }) : () -> ()
      %mul3A_221 = arith.constant 625 : i32
      %mul3A_222 = arith.muli %arg1, %mul3A_221 : i32
      %add3A_223 = arith.constant 125 : i32
      %add3A_224 = arith.addi %mul3A_222, %add3A_223 : i32
      %iota3A_225 = tpu.iota {dimensions = array<i32: 0>} : vector<16xi32>
      %add3A_226 = arith.constant 0 : i32
      %add3A_227 = arith.addi %add3A_224, %add3A_226 : i32
      %add3A_228 = vector.broadcast %add3A_227 : i32 to vector<16xi32>
      %add3A_229 = arith.addi %iota3A_225, %add3A_228 : vector<16xi32>
      %swap3A_230 = arith.constant 0 : index
      %swap3A_231 = tpu.vector_load %arg13[%swap3A_230] {strides = array<i32>} : memref<125xi32, #tpu.memory_space<vmem>>, vector<16xi32>,
      %swap3A_232 = vector.shape_cast %swap3A_231 : vector<16xi32> to vector<16xi32>
      %swap3A_233 = vector.shape_cast %add3A_229 : vector<16xi32> to vector<16xi32>
      tpu.vector_store %arg13[%swap3A_230], %swap3A_233 {strides = array<i32>} : memref<125xi32, #tpu.memory_space<vmem>>, vector<16xi32>,
      %iota3A_234 = tpu.iota {dimensions = array<i32: 0>} : vector<16xi32>
      %add3A_235 = arith.constant 16 : i32
      %add3A_236 = arith.addi %add3A_224, %add3A_235 : i32
      %add3A_237 = vector.broadcast %add3A_236 : i32 to vector<16xi32>
      %add3A_238 = arith.addi %iota3A_234, %add3A_237 : vector<16xi32>
      %swap3A_239 = arith.constant 16 : index
      %swap3A_240 = tpu.vector_load %arg13[%swap3A_239] {strides = array<i32>} : memref<125xi32, #tpu.memory_space<vmem>>, vector<16xi32>,
      %swap3A_241 = vector.shape_cast %swap3A_240 : vector<16xi32> to vector<16xi32>
      %swap3A_242 = vector.shape_cast %add3A_238 : vector<16xi32> to vector<16xi32>
      tpu.vector_store %arg13[%swap3A_239], %swap3A_242 {strides = array<i32>} : memref<125xi32, #tpu.memory_space<vmem>>, vector<16xi32>,
      %iota3A_243 = tpu.iota {dimensions = array<i32: 0>} : vector<16xi32>
      %add3A_244 = arith.constant 32 : i32
      %add3A_245 = arith.addi %add3A_224, %add3A_244 : i32
      %add3A_246 = vector.broadcast %add3A_245 : i32 to vector<16xi32>
      %add3A_247 = arith.addi %iota3A_243, %add3A_246 : vector<16xi32>
      %swap3A_248 = arith.constant 32 : index
      %swap3A_249 = tpu.vector_load %arg13[%swap3A_248] {strides = array<i32>} : memref<125xi32, #tpu.memory_space<vmem>>, vector<16xi32>,
      %swap3A_250 = vector.shape_cast %swap3A_249 : vector<16xi32> to vector<16xi32>
      %swap3A_251 = vector.shape_cast %add3A_247 : vector<16xi32> to vector<16xi32>
      tpu.vector_store %arg13[%swap3A_248], %swap3A_251 {strides = array<i32>} : memref<125xi32, #tpu.memory_space<vmem>>, vector<16xi32>,
      %iota3A_252 = tpu.iota {dimensions = array<i32: 0>} : vector<16xi32>
      %add3A_253 = arith.constant 48 : i32
      %add3A_254 = arith.addi %add3A_224, %add3A_253 : i32
      %add3A_255 = vector.broadcast %add3A_254 : i32 to vector<16xi32>
      %add3A_256 = arith.addi %iota3A_252, %add3A_255 : vector<16xi32>
      %swap3A_257 = arith.constant 48 : index
      %swap3A_258 = tpu.vector_load %arg13[%swap3A_257] {strides = array<i32>} : memref<125xi32, #tpu.memory_space<vmem>>, vector<16xi32>,
      %swap3A_259 = vector.shape_cast %swap3A_258 : vector<16xi32> to vector<16xi32>
      %swap3A_260 = vector.shape_cast %add3A_256 : vector<16xi32> to vector<16xi32>
      tpu.vector_store %arg13[%swap3A_257], %swap3A_260 {strides = array<i32>} : memref<125xi32, #tpu.memory_space<vmem>>, vector<16xi32>,
      %iota3A_261 = tpu.iota {dimensions = array<i32: 0>} : vector<16xi32>
      %add3A_262 = arith.constant 64 : i32
      %add3A_263 = arith.addi %add3A_224, %add3A_262 : i32
      %add3A_264 = vector.broadcast %add3A_263 : i32 to vector<16xi32>
      %add3A_265 = arith.addi %iota3A_261, %add3A_264 : vector<16xi32>
      %swap3A_266 = arith.constant 64 : index
      %swap3A_267 = tpu.vector_load %arg13[%swap3A_266] {strides = array<i32>} : memref<125xi32, #tpu.memory_space<vmem>>, vector<16xi32>,
      %swap3A_268 = vector.shape_cast %swap3A_267 : vector<16xi32> to vector<16xi32>
      %swap3A_269 = vector.shape_cast %add3A_265 : vector<16xi32> to vector<16xi32>
      tpu.vector_store %arg13[%swap3A_266], %swap3A_269 {strides = array<i32>} : memref<125xi32, #tpu.memory_space<vmem>>, vector<16xi32>,
      %iota3A_270 = tpu.iota {dimensions = array<i32: 0>} : vector<16xi32>
      %add3A_271 = arith.constant 80 : i32
      %add3A_272 = arith.addi %add3A_224, %add3A_271 : i32
      %add3A_273 = vector.broadcast %add3A_272 : i32 to vector<16xi32>
      %add3A_274 = arith.addi %iota3A_270, %add3A_273 : vector<16xi32>
      %swap3A_275 = arith.constant 80 : index
      %swap3A_276 = tpu.vector_load %arg13[%swap3A_275] {strides = array<i32>} : memref<125xi32, #tpu.memory_space<vmem>>, vector<16xi32>,
      %swap3A_277 = vector.shape_cast %swap3A_276 : vector<16xi32> to vector<16xi32>
      %swap3A_278 = vector.shape_cast %add3A_274 : vector<16xi32> to vector<16xi32>
      tpu.vector_store %arg13[%swap3A_275], %swap3A_278 {strides = array<i32>} : memref<125xi32, #tpu.memory_space<vmem>>, vector<16xi32>,
      %iota3A_279 = tpu.iota {dimensions = array<i32: 0>} : vector<16xi32>
      %add3A_280 = arith.constant 96 : i32
      %add3A_281 = arith.addi %add3A_224, %add3A_280 : i32
      %add3A_282 = vector.broadcast %add3A_281 : i32 to vector<16xi32>
      %add3A_283 = arith.addi %iota3A_279, %add3A_282 : vector<16xi32>
      %swap3A_284 = arith.constant 96 : index
      %swap3A_285 = tpu.vector_load %arg13[%swap3A_284] {strides = array<i32>} : memref<125xi32, #tpu.memory_space<vmem>>, vector<16xi32>,
      %swap3A_286 = vector.shape_cast %swap3A_285 : vector<16xi32> to vector<16xi32>
      %swap3A_287 = vector.shape_cast %add3A_283 : vector<16xi32> to vector<16xi32>
      tpu.vector_store %arg13[%swap3A_284], %swap3A_287 {strides = array<i32>} : memref<125xi32, #tpu.memory_space<vmem>>, vector<16xi32>,
      %iota3A_288 = tpu.iota {dimensions = array<i32: 0>} : vector<16xi32>
      %add3A_289 = arith.constant 109 : i32
      %add3A_290 = arith.addi %add3A_224, %add3A_289 : i32
      %add3A_291 = vector.broadcast %add3A_290 : i32 to vector<16xi32>
      %add3A_292 = arith.addi %iota3A_288, %add3A_291 : vector<16xi32>
      %swap3A_293 = arith.constant 109 : index
      %swap3A_294 = tpu.vector_load %arg13[%swap3A_293] {strides = array<i32>} : memref<125xi32, #tpu.memory_space<vmem>>, vector<16xi32>,
      %swap3A_295 = vector.shape_cast %swap3A_294 : vector<16xi32> to vector<16xi32>
      %swap3A_296 = vector.shape_cast %add3A_292 : vector<16xi32> to vector<16xi32>
      tpu.vector_store %arg13[%swap3A_293], %swap3A_296 {strides = array<i32>} : memref<125xi32, #tpu.memory_space<vmem>>, vector<16xi32>,
      "tpu.region"() ({
        %run_scoped3A = tpu.sem_alloc : memref<!tpu.dma_semaphore, #tpu.memory_space<semaphore_mem>>
        %dma_start3A_525 = arith.constant 0 : i32
        %dma_start3A_526 = tpu.memref_slice %arg2[%add3A_224, %dma_start3A_525] : memref<10000x128xi16, #tpu.memory_space<hbm>> -> memref<125x128xi16, #tpu.memory_space<hbm>>
        %dma_start3A_527 = arith.constant 0 : i32
        %dma_start3A_528 = tpu.memref_slice %arg2[%add3A_224, %dma_start3A_527] : memref<10000x128xi16, #tpu.memory_space<hbm>> -> memref<125x128xi16, #tpu.memory_space<hbm>>
        tpu.enqueue_dma source(%dma_start3A_528 : memref<125x128xi16, #tpu.memory_space<hbm>>) target(%arg12 : memref<125x128xi16, #tpu.memory_space<vmem>>) target_semaphore(%run_scoped3A : memref<!tpu.dma_semaphore, #tpu.memory_space<semaphore_mem>>)
        %dma_wait3A_529 = arith.constant 0 : i32
        %dma_wait3A_530 = tpu.memref_slice %arg2[%add3A_224, %dma_wait3A_529] : memref<10000x128xi16, #tpu.memory_space<hbm>> -> memref<125x128xi16, #tpu.memory_space<hbm>>
        %dma_wait3A_531 = arith.constant 0 : i32
        %dma_wait3A_532 = tpu.memref_slice %arg2[%add3A_224, %dma_wait3A_531] : memref<10000x128xi16, #tpu.memory_space<hbm>> -> memref<125x128xi16, #tpu.memory_space<hbm>>
        tpu.wait_dma2 semaphore(%run_scoped3A : memref<!tpu.dma_semaphore, #tpu.memory_space<semaphore_mem>>) src(%dma_wait3A_532 : memref<125x128xi16, #tpu.memory_space<hbm>>) dst(%arg12 : memref<125x128xi16, #tpu.memory_space<vmem>>)
        tpu.yield
      }) : () -> ()
      "tpu.region"() ({
        %run_scoped3A = tpu.sem_alloc : memref<!tpu.dma_semaphore, #tpu.memory_space<semaphore_mem>>
        %dma_start3A_525 = arith.constant 0 : i32
        %dma_start3A_526 = arith.constant 0 : i32
        %dma_start3A_527 = tpu.memref_slice %arg5[%dma_start3A_525, %dma_start3A_526] : memref<10240x128xi16, #tpu.memory_space<vmem_shared>> -> memref<10240x128xi16, #tpu.memory_space<vmem_shared>>
        tpu.enqueue_indirect_dma source(%arg12 : memref<125x128xi16, #tpu.memory_space<vmem>>) target(%dma_start3A_527 : memref<10240x128xi16, #tpu.memory_space<vmem_shared>>) offsets(%arg13 : memref<125xi32, #tpu.memory_space<vmem>>) semaphore(%run_scoped3A : memref<!tpu.dma_semaphore, #tpu.memory_space<semaphore_mem>>) {add = true}
        %dma_wait3A_528 = arith.constant 0 : i32
        %dma_wait3A_529 = arith.constant 0 : i32
        %dma_wait3A_530 = tpu.memref_slice %arg5[%dma_wait3A_528, %dma_wait3A_529] : memref<10240x128xi16, #tpu.memory_space<vmem_shared>> -> memref<10240x128xi16, #tpu.memory_space<vmem_shared>>
        tpu.wait_indirect_dma semaphore(%run_scoped3A : memref<!tpu.dma_semaphore, #tpu.memory_space<semaphore_mem>>) src(%arg12 : memref<125x128xi16, #tpu.memory_space<vmem>>) dst(%dma_wait3A_530 : memref<10240x128xi16, #tpu.memory_space<vmem_shared>>)
        tpu.yield
      }) : () -> ()
      %mul3A_297 = arith.constant 625 : i32
      %mul3A_298 = arith.muli %arg1, %mul3A_297 : i32
      %add3A_299 = arith.constant 250 : i32
      %add3A_300 = arith.addi %mul3A_298, %add3A_299 : i32
      %iota3A_301 = tpu.iota {dimensions = array<i32: 0>} : vector<16xi32>
      %add3A_302 = arith.constant 0 : i32
      %add3A_303 = arith.addi %add3A_300, %add3A_302 : i32
      %add3A_304 = vector.broadcast %add3A_303 : i32 to vector<16xi32>
      %add3A_305 = arith.addi %iota3A_301, %add3A_304 : vector<16xi32>
      %swap3A_306 = arith.constant 0 : index
      %swap3A_307 = tpu.vector_load %arg13[%swap3A_306] {strides = array<i32>} : memref<125xi32, #tpu.memory_space<vmem>>, vector<16xi32>,
      %swap3A_308 = vector.shape_cast %swap3A_307 : vector<16xi32> to vector<16xi32>
      %swap3A_309 = vector.shape_cast %add3A_305 : vector<16xi32> to vector<16xi32>
      tpu.vector_store %arg13[%swap3A_306], %swap3A_309 {strides = array<i32>} : memref<125xi32, #tpu.memory_space<vmem>>, vector<16xi32>,
      %iota3A_310 = tpu.iota {dimensions = array<i32: 0>} : vector<16xi32>
      %add3A_311 = arith.constant 16 : i32
      %add3A_312 = arith.addi %add3A_300, %add3A_311 : i32
      %add3A_313 = vector.broadcast %add3A_312 : i32 to vector<16xi32>
      %add3A_314 = arith.addi %iota3A_310, %add3A_313 : vector<16xi32>
      %swap3A_315 = arith.constant 16 : index
      %swap3A_316 = tpu.vector_load %arg13[%swap3A_315] {strides = array<i32>} : memref<125xi32, #tpu.memory_space<vmem>>, vector<16xi32>,
      %swap3A_317 = vector.shape_cast %swap3A_316 : vector<16xi32> to vector<16xi32>
      %swap3A_318 = vector.shape_cast %add3A_314 : vector<16xi32> to vector<16xi32>
      tpu.vector_store %arg13[%swap3A_315], %swap3A_318 {strides = array<i32>} : memref<125xi32, #tpu.memory_space<vmem>>, vector<16xi32>,
      %iota3A_319 = tpu.iota {dimensions = array<i32: 0>} : vector<16xi32>
      %add3A_320 = arith.constant 32 : i32
      %add3A_321 = arith.addi %add3A_300, %add3A_320 : i32
      %add3A_322 = vector.broadcast %add3A_321 : i32 to vector<16xi32>
      %add3A_323 = arith.addi %iota3A_319, %add3A_322 : vector<16xi32>
      %swap3A_324 = arith.constant 32 : index
      %swap3A_325 = tpu.vector_load %arg13[%swap3A_324] {strides = array<i32>} : memref<125xi32, #tpu.memory_space<vmem>>, vector<16xi32>,
      %swap3A_326 = vector.shape_cast %swap3A_325 : vector<16xi32> to vector<16xi32>
      %swap3A_327 = vector.shape_cast %add3A_323 : vector<16xi32> to vector<16xi32>
      tpu.vector_store %arg13[%swap3A_324], %swap3A_327 {strides = array<i32>} : memref<125xi32, #tpu.memory_space<vmem>>, vector<16xi32>,
      %iota3A_328 = tpu.iota {dimensions = array<i32: 0>} : vector<16xi32>
      %add3A_329 = arith.constant 48 : i32
      %add3A_330 = arith.addi %add3A_300, %add3A_329 : i32
      %add3A_331 = vector.broadcast %add3A_330 : i32 to vector<16xi32>
      %add3A_332 = arith.addi %iota3A_328, %add3A_331 : vector<16xi32>
      %swap3A_333 = arith.constant 48 : index
      %swap3A_334 = tpu.vector_load %arg13[%swap3A_333] {strides = array<i32>} : memref<125xi32, #tpu.memory_space<vmem>>, vector<16xi32>,
      %swap3A_335 = vector.shape_cast %swap3A_334 : vector<16xi32> to vector<16xi32>
      %swap3A_336 = vector.shape_cast %add3A_332 : vector<16xi32> to vector<16xi32>
      tpu.vector_store %arg13[%swap3A_333], %swap3A_336 {strides = array<i32>} : memref<125xi32, #tpu.memory_space<vmem>>, vector<16xi32>,
      %iota3A_337 = tpu.iota {dimensions = array<i32: 0>} : vector<16xi32>
      %add3A_338 = arith.constant 64 : i32
      %add3A_339 = arith.addi %add3A_300, %add3A_338 : i32
      %add3A_340 = vector.broadcast %add3A_339 : i32 to vector<16xi32>
      %add3A_341 = arith.addi %iota3A_337, %add3A_340 : vector<16xi32>
      %swap3A_342 = arith.constant 64 : index
      %swap3A_343 = tpu.vector_load %arg13[%swap3A_342] {strides = array<i32>} : memref<125xi32, #tpu.memory_space<vmem>>, vector<16xi32>,
      %swap3A_344 = vector.shape_cast %swap3A_343 : vector<16xi32> to vector<16xi32>
      %swap3A_345 = vector.shape_cast %add3A_341 : vector<16xi32> to vector<16xi32>
      tpu.vector_store %arg13[%swap3A_342], %swap3A_345 {strides = array<i32>} : memref<125xi32, #tpu.memory_space<vmem>>, vector<16xi32>,
      %iota3A_346 = tpu.iota {dimensions = array<i32: 0>} : vector<16xi32>
      %add3A_347 = arith.constant 80 : i32
      %add3A_348 = arith.addi %add3A_300, %add3A_347 : i32
      %add3A_349 = vector.broadcast %add3A_348 : i32 to vector<16xi32>
      %add3A_350 = arith.addi %iota3A_346, %add3A_349 : vector<16xi32>
      %swap3A_351 = arith.constant 80 : index
      %swap3A_352 = tpu.vector_load %arg13[%swap3A_351] {strides = array<i32>} : memref<125xi32, #tpu.memory_space<vmem>>, vector<16xi32>,
      %swap3A_353 = vector.shape_cast %swap3A_352 : vector<16xi32> to vector<16xi32>
      %swap3A_354 = vector.shape_cast %add3A_350 : vector<16xi32> to vector<16xi32>
      tpu.vector_store %arg13[%swap3A_351], %swap3A_354 {strides = array<i32>} : memref<125xi32, #tpu.memory_space<vmem>>, vector<16xi32>,
      %iota3A_355 = tpu.iota {dimensions = array<i32: 0>} : vector<16xi32>
      %add3A_356 = arith.constant 96 : i32
      %add3A_357 = arith.addi %add3A_300, %add3A_356 : i32
      %add3A_358 = vector.broadcast %add3A_357 : i32 to vector<16xi32>
      %add3A_359 = arith.addi %iota3A_355, %add3A_358 : vector<16xi32>
      %swap3A_360 = arith.constant 96 : index
      %swap3A_361 = tpu.vector_load %arg13[%swap3A_360] {strides = array<i32>} : memref<125xi32, #tpu.memory_space<vmem>>, vector<16xi32>,
      %swap3A_362 = vector.shape_cast %swap3A_361 : vector<16xi32> to vector<16xi32>
      %swap3A_363 = vector.shape_cast %add3A_359 : vector<16xi32> to vector<16xi32>
      tpu.vector_store %arg13[%swap3A_360], %swap3A_363 {strides = array<i32>} : memref<125xi32, #tpu.memory_space<vmem>>, vector<16xi32>,
      %iota3A_364 = tpu.iota {dimensions = array<i32: 0>} : vector<16xi32>
      %add3A_365 = arith.constant 109 : i32
      %add3A_366 = arith.addi %add3A_300, %add3A_365 : i32
      %add3A_367 = vector.broadcast %add3A_366 : i32 to vector<16xi32>
      %add3A_368 = arith.addi %iota3A_364, %add3A_367 : vector<16xi32>
      %swap3A_369 = arith.constant 109 : index
      %swap3A_370 = tpu.vector_load %arg13[%swap3A_369] {strides = array<i32>} : memref<125xi32, #tpu.memory_space<vmem>>, vector<16xi32>,
      %swap3A_371 = vector.shape_cast %swap3A_370 : vector<16xi32> to vector<16xi32>
      %swap3A_372 = vector.shape_cast %add3A_368 : vector<16xi32> to vector<16xi32>
      tpu.vector_store %arg13[%swap3A_369], %swap3A_372 {strides = array<i32>} : memref<125xi32, #tpu.memory_space<vmem>>, vector<16xi32>,
      "tpu.region"() ({
        %run_scoped3A = tpu.sem_alloc : memref<!tpu.dma_semaphore, #tpu.memory_space<semaphore_mem>>
        %dma_start3A_525 = arith.constant 0 : i32
        %dma_start3A_526 = tpu.memref_slice %arg2[%add3A_300, %dma_start3A_525] : memref<10000x128xi16, #tpu.memory_space<hbm>> -> memref<125x128xi16, #tpu.memory_space<hbm>>
        %dma_start3A_527 = arith.constant 0 : i32
        %dma_start3A_528 = tpu.memref_slice %arg2[%add3A_300, %dma_start3A_527] : memref<10000x128xi16, #tpu.memory_space<hbm>> -> memref<125x128xi16, #tpu.memory_space<hbm>>
        tpu.enqueue_dma source(%dma_start3A_528 : memref<125x128xi16, #tpu.memory_space<hbm>>) target(%arg12 : memref<125x128xi16, #tpu.memory_space<vmem>>) target_semaphore(%run_scoped3A : memref<!tpu.dma_semaphore, #tpu.memory_space<semaphore_mem>>)
        %dma_wait3A_529 = arith.constant 0 : i32
        %dma_wait3A_530 = tpu.memref_slice %arg2[%add3A_300, %dma_wait3A_529] : memref<10000x128xi16, #tpu.memory_space<hbm>> -> memref<125x128xi16, #tpu.memory_space<hbm>>
        %dma_wait3A_531 = arith.constant 0 : i32
        %dma_wait3A_532 = tpu.memref_slice %arg2[%add3A_300, %dma_wait3A_531] : memref<10000x128xi16, #tpu.memory_space<hbm>> -> memref<125x128xi16, #tpu.memory_space<hbm>>
        tpu.wait_dma2 semaphore(%run_scoped3A : memref<!tpu.dma_semaphore, #tpu.memory_space<semaphore_mem>>) src(%dma_wait3A_532 : memref<125x128xi16, #tpu.memory_space<hbm>>) dst(%arg12 : memref<125x128xi16, #tpu.memory_space<vmem>>)
        tpu.yield
      }) : () -> ()
      "tpu.region"() ({
        %run_scoped3A = tpu.sem_alloc : memref<!tpu.dma_semaphore, #tpu.memory_space<semaphore_mem>>
        %dma_start3A_525 = arith.constant 0 : i32
        %dma_start3A_526 = arith.constant 0 : i32
        %dma_start3A_527 = tpu.memref_slice %arg5[%dma_start3A_525, %dma_start3A_526] : memref<10240x128xi16, #tpu.memory_space<vmem_shared>> -> memref<10240x128xi16, #tpu.memory_space<vmem_shared>>
        tpu.enqueue_indirect_dma source(%arg12 : memref<125x128xi16, #tpu.memory_space<vmem>>) target(%dma_start3A_527 : memref<10240x128xi16, #tpu.memory_space<vmem_shared>>) offsets(%arg13 : memref<125xi32, #tpu.memory_space<vmem>>) semaphore(%run_scoped3A : memref<!tpu.dma_semaphore, #tpu.memory_space<semaphore_mem>>) {add = true}
        %dma_wait3A_528 = arith.constant 0 : i32
        %dma_wait3A_529 = arith.constant 0 : i32
        %dma_wait3A_530 = tpu.memref_slice %arg5[%dma_wait3A_528, %dma_wait3A_529] : memref<10240x128xi16, #tpu.memory_space<vmem_shared>> -> memref<10240x128xi16, #tpu.memory_space<vmem_shared>>
        tpu.wait_indirect_dma semaphore(%run_scoped3A : memref<!tpu.dma_semaphore, #tpu.memory_space<semaphore_mem>>) src(%arg12 : memref<125x128xi16, #tpu.memory_space<vmem>>) dst(%dma_wait3A_530 : memref<10240x128xi16, #tpu.memory_space<vmem_shared>>)
        tpu.yield
      }) : () -> ()
      %mul3A_373 = arith.constant 625 : i32
      %mul3A_374 = arith.muli %arg1, %mul3A_373 : i32
      %add3A_375 = arith.constant 375 : i32
      %add3A_376 = arith.addi %mul3A_374, %add3A_375 : i32
      %iota3A_377 = tpu.iota {dimensions = array<i32: 0>} : vector<16xi32>
      %add3A_378 = arith.constant 0 : i32
      %add3A_379 = arith.addi %add3A_376, %add3A_378 : i32
      %add3A_380 = vector.broadcast %add3A_379 : i32 to vector<16xi32>
      %add3A_381 = arith.addi %iota3A_377, %add3A_380 : vector<16xi32>
      %swap3A_382 = arith.constant 0 : index
      %swap3A_383 = tpu.vector_load %arg13[%swap3A_382] {strides = array<i32>} : memref<125xi32, #tpu.memory_space<vmem>>, vector<16xi32>,
      %swap3A_384 = vector.shape_cast %swap3A_383 : vector<16xi32> to vector<16xi32>
      %swap3A_385 = vector.shape_cast %add3A_381 : vector<16xi32> to vector<16xi32>
      tpu.vector_store %arg13[%swap3A_382], %swap3A_385 {strides = array<i32>} : memref<125xi32, #tpu.memory_space<vmem>>, vector<16xi32>,
      %iota3A_386 = tpu.iota {dimensions = array<i32: 0>} : vector<16xi32>
      %add3A_387 = arith.constant 16 : i32
      %add3A_388 = arith.addi %add3A_376, %add3A_387 : i32
      %add3A_389 = vector.broadcast %add3A_388 : i32 to vector<16xi32>
      %add3A_390 = arith.addi %iota3A_386, %add3A_389 : vector<16xi32>
      %swap3A_391 = arith.constant 16 : index
      %swap3A_392 = tpu.vector_load %arg13[%swap3A_391] {strides = array<i32>} : memref<125xi32, #tpu.memory_space<vmem>>, vector<16xi32>,
      %swap3A_393 = vector.shape_cast %swap3A_392 : vector<16xi32> to vector<16xi32>
      %swap3A_394 = vector.shape_cast %add3A_390 : vector<16xi32> to vector<16xi32>
      tpu.vector_store %arg13[%swap3A_391], %swap3A_394 {strides = array<i32>} : memref<125xi32, #tpu.memory_space<vmem>>, vector<16xi32>,
      %iota3A_395 = tpu.iota {dimensions = array<i32: 0>} : vector<16xi32>
      %add3A_396 = arith.constant 32 : i32
      %add3A_397 = arith.addi %add3A_376, %add3A_396 : i32
      %add3A_398 = vector.broadcast %add3A_397 : i32 to vector<16xi32>
      %add3A_399 = arith.addi %iota3A_395, %add3A_398 : vector<16xi32>
      %swap3A_400 = arith.constant 32 : index
      %swap3A_401 = tpu.vector_load %arg13[%swap3A_400] {strides = array<i32>} : memref<125xi32, #tpu.memory_space<vmem>>, vector<16xi32>,
      %swap3A_402 = vector.shape_cast %swap3A_401 : vector<16xi32> to vector<16xi32>
      %swap3A_403 = vector.shape_cast %add3A_399 : vector<16xi32> to vector<16xi32>
      tpu.vector_store %arg13[%swap3A_400], %swap3A_403 {strides = array<i32>} : memref<125xi32, #tpu.memory_space<vmem>>, vector<16xi32>,
      %iota3A_404 = tpu.iota {dimensions = array<i32: 0>} : vector<16xi32>
      %add3A_405 = arith.constant 48 : i32
      %add3A_406 = arith.addi %add3A_376, %add3A_405 : i32
      %add3A_407 = vector.broadcast %add3A_406 : i32 to vector<16xi32>
      %add3A_408 = arith.addi %iota3A_404, %add3A_407 : vector<16xi32>
      %swap3A_409 = arith.constant 48 : index
      %swap3A_410 = tpu.vector_load %arg13[%swap3A_409] {strides = array<i32>} : memref<125xi32, #tpu.memory_space<vmem>>, vector<16xi32>,
      %swap3A_411 = vector.shape_cast %swap3A_410 : vector<16xi32> to vector<16xi32>
      %swap3A_412 = vector.shape_cast %add3A_408 : vector<16xi32> to vector<16xi32>
      tpu.vector_store %arg13[%swap3A_409], %swap3A_412 {strides = array<i32>} : memref<125xi32, #tpu.memory_space<vmem>>, vector<16xi32>,
      %iota3A_413 = tpu.iota {dimensions = array<i32: 0>} : vector<16xi32>
      %add3A_414 = arith.constant 64 : i32
      %add3A_415 = arith.addi %add3A_376, %add3A_414 : i32
      %add3A_416 = vector.broadcast %add3A_415 : i32 to vector<16xi32>
      %add3A_417 = arith.addi %iota3A_413, %add3A_416 : vector<16xi32>
      %swap3A_418 = arith.constant 64 : index
      %swap3A_419 = tpu.vector_load %arg13[%swap3A_418] {strides = array<i32>} : memref<125xi32, #tpu.memory_space<vmem>>, vector<16xi32>,
      %swap3A_420 = vector.shape_cast %swap3A_419 : vector<16xi32> to vector<16xi32>
      %swap3A_421 = vector.shape_cast %add3A_417 : vector<16xi32> to vector<16xi32>
      tpu.vector_store %arg13[%swap3A_418], %swap3A_421 {strides = array<i32>} : memref<125xi32, #tpu.memory_space<vmem>>, vector<16xi32>,
      %iota3A_422 = tpu.iota {dimensions = array<i32: 0>} : vector<16xi32>
      %add3A_423 = arith.constant 80 : i32
      %add3A_424 = arith.addi %add3A_376, %add3A_423 : i32
      %add3A_425 = vector.broadcast %add3A_424 : i32 to vector<16xi32>
      %add3A_426 = arith.addi %iota3A_422, %add3A_425 : vector<16xi32>
      %swap3A_427 = arith.constant 80 : index
      %swap3A_428 = tpu.vector_load %arg13[%swap3A_427] {strides = array<i32>} : memref<125xi32, #tpu.memory_space<vmem>>, vector<16xi32>,
      %swap3A_429 = vector.shape_cast %swap3A_428 : vector<16xi32> to vector<16xi32>
      %swap3A_430 = vector.shape_cast %add3A_426 : vector<16xi32> to vector<16xi32>
      tpu.vector_store %arg13[%swap3A_427], %swap3A_430 {strides = array<i32>} : memref<125xi32, #tpu.memory_space<vmem>>, vector<16xi32>,
      %iota3A_431 = tpu.iota {dimensions = array<i32: 0>} : vector<16xi32>
      %add3A_432 = arith.constant 96 : i32
      %add3A_433 = arith.addi %add3A_376, %add3A_432 : i32
      %add3A_434 = vector.broadcast %add3A_433 : i32 to vector<16xi32>
      %add3A_435 = arith.addi %iota3A_431, %add3A_434 : vector<16xi32>
      %swap3A_436 = arith.constant 96 : index
      %swap3A_437 = tpu.vector_load %arg13[%swap3A_436] {strides = array<i32>} : memref<125xi32, #tpu.memory_space<vmem>>, vector<16xi32>,
      %swap3A_438 = vector.shape_cast %swap3A_437 : vector<16xi32> to vector<16xi32>
      %swap3A_439 = vector.shape_cast %add3A_435 : vector<16xi32> to vector<16xi32>
      tpu.vector_store %arg13[%swap3A_436], %swap3A_439 {strides = array<i32>} : memref<125xi32, #tpu.memory_space<vmem>>, vector<16xi32>,
      %iota3A_440 = tpu.iota {dimensions = array<i32: 0>} : vector<16xi32>
      %add3A_441 = arith.constant 109 : i32
      %add3A_442 = arith.addi %add3A_376, %add3A_441 : i32
      %add3A_443 = vector.broadcast %add3A_442 : i32 to vector<16xi32>
      %add3A_444 = arith.addi %iota3A_440, %add3A_443 : vector<16xi32>
      %swap3A_445 = arith.constant 109 : index
      %swap3A_446 = tpu.vector_load %arg13[%swap3A_445] {strides = array<i32>} : memref<125xi32, #tpu.memory_space<vmem>>, vector<16xi32>,
      %swap3A_447 = vector.shape_cast %swap3A_446 : vector<16xi32> to vector<16xi32>
      %swap3A_448 = vector.shape_cast %add3A_444 : vector<16xi32> to vector<16xi32>
      tpu.vector_store %arg13[%swap3A_445], %swap3A_448 {strides = array<i32>} : memref<125xi32, #tpu.memory_space<vmem>>, vector<16xi32>,
      "tpu.region"() ({
        %run_scoped3A = tpu.sem_alloc : memref<!tpu.dma_semaphore, #tpu.memory_space<semaphore_mem>>
        %dma_start3A_525 = arith.constant 0 : i32
        %dma_start3A_526 = tpu.memref_slice %arg2[%add3A_376, %dma_start3A_525] : memref<10000x128xi16, #tpu.memory_space<hbm>> -> memref<125x128xi16, #tpu.memory_space<hbm>>
        %dma_start3A_527 = arith.constant 0 : i32
        %dma_start3A_528 = tpu.memref_slice %arg2[%add3A_376, %dma_start3A_527] : memref<10000x128xi16, #tpu.memory_space<hbm>> -> memref<125x128xi16, #tpu.memory_space<hbm>>
        tpu.enqueue_dma source(%dma_start3A_528 : memref<125x128xi16, #tpu.memory_space<hbm>>) target(%arg12 : memref<125x128xi16, #tpu.memory_space<vmem>>) target_semaphore(%run_scoped3A : memref<!tpu.dma_semaphore, #tpu.memory_space<semaphore_mem>>)
        %dma_wait3A_529 = arith.constant 0 : i32
        %dma_wait3A_530 = tpu.memref_slice %arg2[%add3A_376, %dma_wait3A_529] : memref<10000x128xi16, #tpu.memory_space<hbm>> -> memref<125x128xi16, #tpu.memory_space<hbm>>
        %dma_wait3A_531 = arith.constant 0 : i32
        %dma_wait3A_532 = tpu.memref_slice %arg2[%add3A_376, %dma_wait3A_531] : memref<10000x128xi16, #tpu.memory_space<hbm>> -> memref<125x128xi16, #tpu.memory_space<hbm>>
        tpu.wait_dma2 semaphore(%run_scoped3A : memref<!tpu.dma_semaphore, #tpu.memory_space<semaphore_mem>>) src(%dma_wait3A_532 : memref<125x128xi16, #tpu.memory_space<hbm>>) dst(%arg12 : memref<125x128xi16, #tpu.memory_space<vmem>>)
        tpu.yield
      }) : () -> ()
      "tpu.region"() ({
        %run_scoped3A = tpu.sem_alloc : memref<!tpu.dma_semaphore, #tpu.memory_space<semaphore_mem>>
        %dma_start3A_525 = arith.constant 0 : i32
        %dma_start3A_526 = arith.constant 0 : i32
        %dma_start3A_527 = tpu.memref_slice %arg5[%dma_start3A_525, %dma_start3A_526] : memref<10240x128xi16, #tpu.memory_space<vmem_shared>> -> memref<10240x128xi16, #tpu.memory_space<vmem_shared>>
        tpu.enqueue_indirect_dma source(%arg12 : memref<125x128xi16, #tpu.memory_space<vmem>>) target(%dma_start3A_527 : memref<10240x128xi16, #tpu.memory_space<vmem_shared>>) offsets(%arg13 : memref<125xi32, #tpu.memory_space<vmem>>) semaphore(%run_scoped3A : memref<!tpu.dma_semaphore, #tpu.memory_space<semaphore_mem>>) {add = true}
        %dma_wait3A_528 = arith.constant 0 : i32
        %dma_wait3A_529 = arith.constant 0 : i32
        %dma_wait3A_530 = tpu.memref_slice %arg5[%dma_wait3A_528, %dma_wait3A_529] : memref<10240x128xi16, #tpu.memory_space<vmem_shared>> -> memref<10240x128xi16, #tpu.memory_space<vmem_shared>>
        tpu.wait_indirect_dma semaphore(%run_scoped3A : memref<!tpu.dma_semaphore, #tpu.memory_space<semaphore_mem>>) src(%arg12 : memref<125x128xi16, #tpu.memory_space<vmem>>) dst(%dma_wait3A_530 : memref<10240x128xi16, #tpu.memory_space<vmem_shared>>)
        tpu.yield
      }) : () -> ()
      %mul3A_449 = arith.constant 625 : i32
      %mul3A_450 = arith.muli %arg1, %mul3A_449 : i32
      %add3A_451 = arith.constant 500 : i32
      %add3A_452 = arith.addi %mul3A_450, %add3A_451 : i32
      %iota3A_453 = tpu.iota {dimensions = array<i32: 0>} : vector<16xi32>
      %add3A_454 = arith.constant 0 : i32
      %add3A_455 = arith.addi %add3A_452, %add3A_454 : i32
      %add3A_456 = vector.broadcast %add3A_455 : i32 to vector<16xi32>
      %add3A_457 = arith.addi %iota3A_453, %add3A_456 : vector<16xi32>
      %swap3A_458 = arith.constant 0 : index
      %swap3A_459 = tpu.vector_load %arg13[%swap3A_458] {strides = array<i32>} : memref<125xi32, #tpu.memory_space<vmem>>, vector<16xi32>,
      %swap3A_460 = vector.shape_cast %swap3A_459 : vector<16xi32> to vector<16xi32>
      %swap3A_461 = vector.shape_cast %add3A_457 : vector<16xi32> to vector<16xi32>
      tpu.vector_store %arg13[%swap3A_458], %swap3A_461 {strides = array<i32>} : memref<125xi32, #tpu.memory_space<vmem>>, vector<16xi32>,
      %iota3A_462 = tpu.iota {dimensions = array<i32: 0>} : vector<16xi32>
      %add3A_463 = arith.constant 16 : i32
      %add3A_464 = arith.addi %add3A_452, %add3A_463 : i32
      %add3A_465 = vector.broadcast %add3A_464 : i32 to vector<16xi32>
      %add3A_466 = arith.addi %iota3A_462, %add3A_465 : vector<16xi32>
      %swap3A_467 = arith.constant 16 : index
      %swap3A_468 = tpu.vector_load %arg13[%swap3A_467] {strides = array<i32>} : memref<125xi32, #tpu.memory_space<vmem>>, vector<16xi32>,
      %swap3A_469 = vector.shape_cast %swap3A_468 : vector<16xi32> to vector<16xi32>
      %swap3A_470 = vector.shape_cast %add3A_466 : vector<16xi32> to vector<16xi32>
      tpu.vector_store %arg13[%swap3A_467], %swap3A_470 {strides = array<i32>} : memref<125xi32, #tpu.memory_space<vmem>>, vector<16xi32>,
      %iota3A_471 = tpu.iota {dimensions = array<i32: 0>} : vector<16xi32>
      %add3A_472 = arith.constant 32 : i32
      %add3A_473 = arith.addi %add3A_452, %add3A_472 : i32
      %add3A_474 = vector.broadcast %add3A_473 : i32 to vector<16xi32>
      %add3A_475 = arith.addi %iota3A_471, %add3A_474 : vector<16xi32>
      %swap3A_476 = arith.constant 32 : index
      %swap3A_477 = tpu.vector_load %arg13[%swap3A_476] {strides = array<i32>} : memref<125xi32, #tpu.memory_space<vmem>>, vector<16xi32>,
      %swap3A_478 = vector.shape_cast %swap3A_477 : vector<16xi32> to vector<16xi32>
      %swap3A_479 = vector.shape_cast %add3A_475 : vector<16xi32> to vector<16xi32>
      tpu.vector_store %arg13[%swap3A_476], %swap3A_479 {strides = array<i32>} : memref<125xi32, #tpu.memory_space<vmem>>, vector<16xi32>,
      %iota3A_480 = tpu.iota {dimensions = array<i32: 0>} : vector<16xi32>
      %add3A_481 = arith.constant 48 : i32
      %add3A_482 = arith.addi %add3A_452, %add3A_481 : i32
      %add3A_483 = vector.broadcast %add3A_482 : i32 to vector<16xi32>
      %add3A_484 = arith.addi %iota3A_480, %add3A_483 : vector<16xi32>
      %swap3A_485 = arith.constant 48 : index
      %swap3A_486 = tpu.vector_load %arg13[%swap3A_485] {strides = array<i32>} : memref<125xi32, #tpu.memory_space<vmem>>, vector<16xi32>,
      %swap3A_487 = vector.shape_cast %swap3A_486 : vector<16xi32> to vector<16xi32>
      %swap3A_488 = vector.shape_cast %add3A_484 : vector<16xi32> to vector<16xi32>
      tpu.vector_store %arg13[%swap3A_485], %swap3A_488 {strides = array<i32>} : memref<125xi32, #tpu.memory_space<vmem>>, vector<16xi32>,
      %iota3A_489 = tpu.iota {dimensions = array<i32: 0>} : vector<16xi32>
      %add3A_490 = arith.constant 64 : i32
      %add3A_491 = arith.addi %add3A_452, %add3A_490 : i32
      %add3A_492 = vector.broadcast %add3A_491 : i32 to vector<16xi32>
      %add3A_493 = arith.addi %iota3A_489, %add3A_492 : vector<16xi32>
      %swap3A_494 = arith.constant 64 : index
      %swap3A_495 = tpu.vector_load %arg13[%swap3A_494] {strides = array<i32>} : memref<125xi32, #tpu.memory_space<vmem>>, vector<16xi32>,
      %swap3A_496 = vector.shape_cast %swap3A_495 : vector<16xi32> to vector<16xi32>
      %swap3A_497 = vector.shape_cast %add3A_493 : vector<16xi32> to vector<16xi32>
      tpu.vector_store %arg13[%swap3A_494], %swap3A_497 {strides = array<i32>} : memref<125xi32, #tpu.memory_space<vmem>>, vector<16xi32>,
      %iota3A_498 = tpu.iota {dimensions = array<i32: 0>} : vector<16xi32>
      %add3A_499 = arith.constant 80 : i32
      %add3A_500 = arith.addi %add3A_452, %add3A_499 : i32
      %add3A_501 = vector.broadcast %add3A_500 : i32 to vector<16xi32>
      %add3A_502 = arith.addi %iota3A_498, %add3A_501 : vector<16xi32>
      %swap3A_503 = arith.constant 80 : index
      %swap3A_504 = tpu.vector_load %arg13[%swap3A_503] {strides = array<i32>} : memref<125xi32, #tpu.memory_space<vmem>>, vector<16xi32>,
      %swap3A_505 = vector.shape_cast %swap3A_504 : vector<16xi32> to vector<16xi32>
      %swap3A_506 = vector.shape_cast %add3A_502 : vector<16xi32> to vector<16xi32>
      tpu.vector_store %arg13[%swap3A_503], %swap3A_506 {strides = array<i32>} : memref<125xi32, #tpu.memory_space<vmem>>, vector<16xi32>,
      %iota3A_507 = tpu.iota {dimensions = array<i32: 0>} : vector<16xi32>
      %add3A_508 = arith.constant 96 : i32
      %add3A_509 = arith.addi %add3A_452, %add3A_508 : i32
      %add3A_510 = vector.broadcast %add3A_509 : i32 to vector<16xi32>
      %add3A_511 = arith.addi %iota3A_507, %add3A_510 : vector<16xi32>
      %swap3A_512 = arith.constant 96 : index
      %swap3A_513 = tpu.vector_load %arg13[%swap3A_512] {strides = array<i32>} : memref<125xi32, #tpu.memory_space<vmem>>, vector<16xi32>,
      %swap3A_514 = vector.shape_cast %swap3A_513 : vector<16xi32> to vector<16xi32>
      %swap3A_515 = vector.shape_cast %add3A_511 : vector<16xi32> to vector<16xi32>
      tpu.vector_store %arg13[%swap3A_512], %swap3A_515 {strides = array<i32>} : memref<125xi32, #tpu.memory_space<vmem>>, vector<16xi32>,
      %iota3A_516 = tpu.iota {dimensions = array<i32: 0>} : vector<16xi32>
      %add3A_517 = arith.constant 109 : i32
      %add3A_518 = arith.addi %add3A_452, %add3A_517 : i32
      %add3A_519 = vector.broadcast %add3A_518 : i32 to vector<16xi32>
      %add3A_520 = arith.addi %iota3A_516, %add3A_519 : vector<16xi32>
      %swap3A_521 = arith.constant 109 : index
      %swap3A_522 = tpu.vector_load %arg13[%swap3A_521] {strides = array<i32>} : memref<125xi32, #tpu.memory_space<vmem>>, vector<16xi32>,
      %swap3A_523 = vector.shape_cast %swap3A_522 : vector<16xi32> to vector<16xi32>
      %swap3A_524 = vector.shape_cast %add3A_520 : vector<16xi32> to vector<16xi32>
      tpu.vector_store %arg13[%swap3A_521], %swap3A_524 {strides = array<i32>} : memref<125xi32, #tpu.memory_space<vmem>>, vector<16xi32>,
      "tpu.region"() ({
        %run_scoped3A = tpu.sem_alloc : memref<!tpu.dma_semaphore, #tpu.memory_space<semaphore_mem>>
        %dma_start3A_525 = arith.constant 0 : i32
        %dma_start3A_526 = tpu.memref_slice %arg2[%add3A_452, %dma_start3A_525] : memref<10000x128xi16, #tpu.memory_space<hbm>> -> memref<125x128xi16, #tpu.memory_space<hbm>>
        %dma_start3A_527 = arith.constant 0 : i32
        %dma_start3A_528 = tpu.memref_slice %arg2[%add3A_452, %dma_start3A_527] : memref<10000x128xi16, #tpu.memory_space<hbm>> -> memref<125x128xi16, #tpu.memory_space<hbm>>
        tpu.enqueue_dma source(%dma_start3A_528 : memref<125x128xi16, #tpu.memory_space<hbm>>) target(%arg12 : memref<125x128xi16, #tpu.memory_space<vmem>>) target_semaphore(%run_scoped3A : memref<!tpu.dma_semaphore, #tpu.memory_space<semaphore_mem>>)
        %dma_wait3A_529 = arith.constant 0 : i32
        %dma_wait3A_530 = tpu.memref_slice %arg2[%add3A_452, %dma_wait3A_529] : memref<10000x128xi16, #tpu.memory_space<hbm>> -> memref<125x128xi16, #tpu.memory_space<hbm>>
        %dma_wait3A_531 = arith.constant 0 : i32
        %dma_wait3A_532 = tpu.memref_slice %arg2[%add3A_452, %dma_wait3A_531] : memref<10000x128xi16, #tpu.memory_space<hbm>> -> memref<125x128xi16, #tpu.memory_space<hbm>>
        tpu.wait_dma2 semaphore(%run_scoped3A : memref<!tpu.dma_semaphore, #tpu.memory_space<semaphore_mem>>) src(%dma_wait3A_532 : memref<125x128xi16, #tpu.memory_space<hbm>>) dst(%arg12 : memref<125x128xi16, #tpu.memory_space<vmem>>)
        tpu.yield
      }) : () -> ()
      "tpu.region"() ({
        %run_scoped3A = tpu.sem_alloc : memref<!tpu.dma_semaphore, #tpu.memory_space<semaphore_mem>>
        %dma_start3A_525 = arith.constant 0 : i32
        %dma_start3A_526 = arith.constant 0 : i32
        %dma_start3A_527 = tpu.memref_slice %arg5[%dma_start3A_525, %dma_start3A_526] : memref<10240x128xi16, #tpu.memory_space<vmem_shared>> -> memref<10240x128xi16, #tpu.memory_space<vmem_shared>>
        tpu.enqueue_indirect_dma source(%arg12 : memref<125x128xi16, #tpu.memory_space<vmem>>) target(%dma_start3A_527 : memref<10240x128xi16, #tpu.memory_space<vmem_shared>>) offsets(%arg13 : memref<125xi32, #tpu.memory_space<vmem>>) semaphore(%run_scoped3A : memref<!tpu.dma_semaphore, #tpu.memory_space<semaphore_mem>>) {add = true}
        %dma_wait3A_528 = arith.constant 0 : i32
        %dma_wait3A_529 = arith.constant 0 : i32
        %dma_wait3A_530 = tpu.memref_slice %arg5[%dma_wait3A_528, %dma_wait3A_529] : memref<10240x128xi16, #tpu.memory_space<vmem_shared>> -> memref<10240x128xi16, #tpu.memory_space<vmem_shared>>
        tpu.wait_indirect_dma semaphore(%run_scoped3A : memref<!tpu.dma_semaphore, #tpu.memory_space<semaphore_mem>>) src(%arg12 : memref<125x128xi16, #tpu.memory_space<vmem>>) dst(%dma_wait3A_530 : memref<10240x128xi16, #tpu.memory_space<vmem_shared>>)
        tpu.yield
      }) : () -> ()
    } else {
    }
    %dma_start3A = arith.constant 0 : i32
    %dma_start3A_49 = arith.constant 0 : i32
    %dma_start3A_50 = arith.constant 0 : i32
    %dma_start3A_51 = arith.constant 0 : i32
    %dma_start3A_52 = tpu.memref_slice %arg14[%dma_start3A_49, %dma_start3A_50, %dma_start3A_51] : memref<2x8x125xi32, #tpu.memory_space<vmem>> -> memref<1x8x125xi32, #tpu.memory_space<vmem>>
    %dma_start3A_53 = tpu.memref_squeeze %dma_start3A_52 : memref<1x8x125xi32, #tpu.memory_space<vmem>> -> memref<8x125xi32, #tpu.memory_space<vmem>>
    %dma_start3A_54 = arith.constant 0 : i32
    %dma_start3A_55 = arith.constant 0 : i32
    %dma_start3A_56 = tpu.memref_slice %arg3[%dma_start3A, %add3A, %dma_start3A_54, %dma_start3A_55] : memref<2x32x80x125xi32, #tpu.memory_space<hbm>> -> memref<1x1x8x125xi32, #tpu.memory_space<hbm>>
    %dma_start3A_57 = tpu.memref_squeeze %dma_start3A_56 : memref<1x1x8x125xi32, #tpu.memory_space<hbm>> -> memref<8x125xi32, #tpu.memory_space<hbm>>
    %dma_start3A_58 = arith.constant 0 : i32
    %dma_start3A_59 = arith.constant 0 : i32
    %dma_start3A_60 = tpu.memref_slice %arg14[%dma_start3A_49, %dma_start3A_58, %dma_start3A_59] : memref<2x8x125xi32, #tpu.memory_space<vmem>> -> memref<1x8x125xi32, #tpu.memory_space<vmem>>
    %dma_start3A_61 = tpu.memref_squeeze %dma_start3A_60 : memref<1x8x125xi32, #tpu.memory_space<vmem>> -> memref<8x125xi32, #tpu.memory_space<vmem>>
    %dma_start3A_62 = arith.constant 0 : i32
    %dma_start3A_63 = arith.constant 0 : i32
    %dma_start3A_64 = tpu.memref_slice %arg3[%dma_start3A, %add3A, %dma_start3A_62, %dma_start3A_63] : memref<2x32x80x125xi32, #tpu.memory_space<hbm>> -> memref<1x1x8x125xi32, #tpu.memory_space<hbm>>
    %dma_start3A_65 = tpu.memref_squeeze %dma_start3A_64 : memref<1x1x8x125xi32, #tpu.memory_space<hbm>> -> memref<8x125xi32, #tpu.memory_space<hbm>>
    tpu.enqueue_dma source(%dma_start3A_65 : memref<8x125xi32, #tpu.memory_space<hbm>>) target(%dma_start3A_61 : memref<8x125xi32, #tpu.memory_space<vmem>>) target_semaphore(%arg11 : memref<!tpu.dma_semaphore, #tpu.memory_space<semaphore_mem>>)
    %dma_start3A_66 = arith.constant 1 : i32
    %dma_start3A_67 = arith.constant 0 : i32
    %dma_start3A_68 = arith.constant 0 : i32
    %dma_start3A_69 = arith.constant 0 : i32
    %dma_start3A_70 = tpu.memref_slice %arg8[%dma_start3A_67, %dma_start3A_68, %dma_start3A_69] : memref<2x8x125xi32, #tpu.memory_space<vmem>> -> memref<1x8x125xi32, #tpu.memory_space<vmem>>
    %dma_start3A_71 = tpu.memref_squeeze %dma_start3A_70 : memref<1x8x125xi32, #tpu.memory_space<vmem>> -> memref<8x125xi32, #tpu.memory_space<vmem>>
    %dma_start3A_72 = arith.constant 0 : i32
    %dma_start3A_73 = arith.constant 0 : i32
    %dma_start3A_74 = tpu.memref_slice %arg3[%dma_start3A_66, %add3A, %dma_start3A_72, %dma_start3A_73] : memref<2x32x80x125xi32, #tpu.memory_space<hbm>> -> memref<1x1x8x125xi32, #tpu.memory_space<hbm>>
    %dma_start3A_75 = tpu.memref_squeeze %dma_start3A_74 : memref<1x1x8x125xi32, #tpu.memory_space<hbm>> -> memref<8x125xi32, #tpu.memory_space<hbm>>
    %dma_start3A_76 = arith.constant 0 : i32
    %dma_start3A_77 = arith.constant 0 : i32
    %dma_start3A_78 = tpu.memref_slice %arg8[%dma_start3A_67, %dma_start3A_76, %dma_start3A_77] : memref<2x8x125xi32, #tpu.memory_space<vmem>> -> memref<1x8x125xi32, #tpu.memory_space<vmem>>
    %dma_start3A_79 = tpu.memref_squeeze %dma_start3A_78 : memref<1x8x125xi32, #tpu.memory_space<vmem>> -> memref<8x125xi32, #tpu.memory_space<vmem>>
    %dma_start3A_80 = arith.constant 0 : i32
    %dma_start3A_81 = arith.constant 0 : i32
    %dma_start3A_82 = tpu.memref_slice %arg3[%dma_start3A_66, %add3A, %dma_start3A_80, %dma_start3A_81] : memref<2x32x80x125xi32, #tpu.memory_space<hbm>> -> memref<1x1x8x125xi32, #tpu.memory_space<hbm>>
    %dma_start3A_83 = tpu.memref_squeeze %dma_start3A_82 : memref<1x1x8x125xi32, #tpu.memory_space<hbm>> -> memref<8x125xi32, #tpu.memory_space<hbm>>
    tpu.enqueue_dma source(%dma_start3A_83 : memref<8x125xi32, #tpu.memory_space<hbm>>) target(%dma_start3A_79 : memref<8x125xi32, #tpu.memory_space<vmem>>) target_semaphore(%arg11 : memref<!tpu.dma_semaphore, #tpu.memory_space<semaphore_mem>>)
    %dma_wait3A = arith.constant 0 : i32
    %dma_wait3A_84 = arith.constant 0 : i32
    %dma_wait3A_85 = arith.constant 0 : i32
    %dma_wait3A_86 = arith.constant 0 : i32
    %dma_wait3A_87 = tpu.memref_slice %arg14[%dma_wait3A_84, %dma_wait3A_85, %dma_wait3A_86] : memref<2x8x125xi32, #tpu.memory_space<vmem>> -> memref<1x8x125xi32, #tpu.memory_space<vmem>>
    %dma_wait3A_88 = tpu.memref_squeeze %dma_wait3A_87 : memref<1x8x125xi32, #tpu.memory_space<vmem>> -> memref<8x125xi32, #tpu.memory_space<vmem>>
    %dma_wait3A_89 = arith.constant 0 : i32
    %dma_wait3A_90 = arith.constant 0 : i32
    %dma_wait3A_91 = tpu.memref_slice %arg3[%dma_wait3A, %add3A, %dma_wait3A_89, %dma_wait3A_90] : memref<2x32x80x125xi32, #tpu.memory_space<hbm>> -> memref<1x1x8x125xi32, #tpu.memory_space<hbm>>
    %dma_wait3A_92 = tpu.memref_squeeze %dma_wait3A_91 : memref<1x1x8x125xi32, #tpu.memory_space<hbm>> -> memref<8x125xi32, #tpu.memory_space<hbm>>
    %dma_wait3A_93 = arith.constant 0 : i32
    %dma_wait3A_94 = arith.constant 0 : i32
    %dma_wait3A_95 = tpu.memref_slice %arg14[%dma_wait3A_84, %dma_wait3A_93, %dma_wait3A_94] : memref<2x8x125xi32, #tpu.memory_space<vmem>> -> memref<1x8x125xi32, #tpu.memory_space<vmem>>
    %dma_wait3A_96 = tpu.memref_squeeze %dma_wait3A_95 : memref<1x8x125xi32, #tpu.memory_space<vmem>> -> memref<8x125xi32, #tpu.memory_space<vmem>>
    %dma_wait3A_97 = arith.constant 0 : i32
    %dma_wait3A_98 = arith.constant 0 : i32
    %dma_wait3A_99 = tpu.memref_slice %arg3[%dma_wait3A, %add3A, %dma_wait3A_97, %dma_wait3A_98] : memref<2x32x80x125xi32, #tpu.memory_space<hbm>> -> memref<1x1x8x125xi32, #tpu.memory_space<hbm>>
    %dma_wait3A_100 = tpu.memref_squeeze %dma_wait3A_99 : memref<1x1x8x125xi32, #tpu.memory_space<hbm>> -> memref<8x125xi32, #tpu.memory_space<hbm>>
    tpu.wait_dma2 semaphore(%arg11 : memref<!tpu.dma_semaphore, #tpu.memory_space<semaphore_mem>>) src(%dma_wait3A_100 : memref<8x125xi32, #tpu.memory_space<hbm>>) dst(%dma_wait3A_96 : memref<8x125xi32, #tpu.memory_space<vmem>>)
    %dma_wait3A_101 = arith.constant 1 : i32
    %dma_wait3A_102 = arith.constant 0 : i32
    %dma_wait3A_103 = arith.constant 0 : i32
    %dma_wait3A_104 = arith.constant 0 : i32
    %dma_wait3A_105 = tpu.memref_slice %arg8[%dma_wait3A_102, %dma_wait3A_103, %dma_wait3A_104] : memref<2x8x125xi32, #tpu.memory_space<vmem>> -> memref<1x8x125xi32, #tpu.memory_space<vmem>>
    %dma_wait3A_106 = tpu.memref_squeeze %dma_wait3A_105 : memref<1x8x125xi32, #tpu.memory_space<vmem>> -> memref<8x125xi32, #tpu.memory_space<vmem>>
    %dma_wait3A_107 = arith.constant 0 : i32
    %dma_wait3A_108 = arith.constant 0 : i32
    %dma_wait3A_109 = tpu.memref_slice %arg3[%dma_wait3A_101, %add3A, %dma_wait3A_107, %dma_wait3A_108] : memref<2x32x80x125xi32, #tpu.memory_space<hbm>> -> memref<1x1x8x125xi32, #tpu.memory_space<hbm>>
    %dma_wait3A_110 = tpu.memref_squeeze %dma_wait3A_109 : memref<1x1x8x125xi32, #tpu.memory_space<hbm>> -> memref<8x125xi32, #tpu.memory_space<hbm>>
    %dma_wait3A_111 = arith.constant 0 : i32
    %dma_wait3A_112 = arith.constant 0 : i32
    %dma_wait3A_113 = tpu.memref_slice %arg8[%dma_wait3A_102, %dma_wait3A_111, %dma_wait3A_112] : memref<2x8x125xi32, #tpu.memory_space<vmem>> -> memref<1x8x125xi32, #tpu.memory_space<vmem>>
    %dma_wait3A_114 = tpu.memref_squeeze %dma_wait3A_113 : memref<1x8x125xi32, #tpu.memory_space<vmem>> -> memref<8x125xi32, #tpu.memory_space<vmem>>
    %dma_wait3A_115 = arith.constant 0 : i32
    %dma_wait3A_116 = arith.constant 0 : i32
    %dma_wait3A_117 = tpu.memref_slice %arg3[%dma_wait3A_101, %add3A, %dma_wait3A_115, %dma_wait3A_116] : memref<2x32x80x125xi32, #tpu.memory_space<hbm>> -> memref<1x1x8x125xi32, #tpu.memory_space<hbm>>
    %dma_wait3A_118 = tpu.memref_squeeze %dma_wait3A_117 : memref<1x1x8x125xi32, #tpu.memory_space<hbm>> -> memref<8x125xi32, #tpu.memory_space<hbm>>
    tpu.wait_dma2 semaphore(%arg11 : memref<!tpu.dma_semaphore, #tpu.memory_space<semaphore_mem>>) src(%dma_wait3A_118 : memref<8x125xi32, #tpu.memory_space<hbm>>) dst(%dma_wait3A_114 : memref<8x125xi32, #tpu.memory_space<vmem>>)
    %dma_start3A_119 = arith.constant 0 : i32
    %dma_start3A_120 = arith.constant 0 : i32
    %dma_start3A_121 = arith.constant 0 : i32
    %dma_start3A_122 = tpu.memref_slice %arg14[%dma_start3A_119, %dma_start3A_120, %dma_start3A_121] : memref<2x8x125xi32, #tpu.memory_space<vmem>> -> memref<1x1x125xi32, #tpu.memory_space<vmem>>
    %dma_start3A_123 = tpu.memref_squeeze %dma_start3A_122 : memref<1x1x125xi32, #tpu.memory_space<vmem>> -> memref<125xi32, #tpu.memory_space<vmem>>
    %dma_start3A_124 = arith.constant 0 : i32
    %dma_start3A_125 = arith.constant 0 : i32
    %dma_start3A_126 = tpu.memref_slice %arg2[%dma_start3A_124, %dma_start3A_125] : memref<10000x128xi16, #tpu.memory_space<hbm>> -> memref<10000x128xi16, #tpu.memory_space<hbm>>
    tpu.enqueue_indirect_dma source(%dma_start3A_126 : memref<10000x128xi16, #tpu.memory_space<hbm>>) target(%arg6 : memref<125x128xi16, #tpu.memory_space<vmem>>) offsets(%dma_start3A_123 : memref<125xi32, #tpu.memory_space<vmem>>) semaphore(%arg9 : memref<!tpu.dma_semaphore, #tpu.memory_space<semaphore_mem>>)
    %scan3A_127 = arith.constant 0 : i32
    %scan3A_128 = arith.constant 0 : i32
    %scan3A_129 = arith.constant 10 : i32
    %scan3A_130 = arith.addi %scan3A_128, %scan3A_129 : i32
    %scan3A_131 = arith.constant 1 : i32
    %scan3A_132 = scf.for %scan3A_147 = %scan3A_128 to %scan3A_130 step %scan3A_131 iter_args(%scan3A_148 = %scan3A_127) -> (i32)  : i32 {
      %rem3A = arith.constant 2 : i32
      %rem3A_149 = arith.remsi %scan3A_147, %rem3A : i32
      %add3A_150 = arith.constant 1 : i32
      %add3A_151 = arith.addi %scan3A_147, %add3A_150 : i32
      %rem3A_152 = arith.constant 2 : i32
      %rem3A_153 = arith.remsi %add3A_151, %rem3A_152 : i32
      %dma_wait3A_154 = arith.constant 0 : i32
      %dma_wait3A_155 = arith.constant 0 : i32
      %dma_wait3A_156 = arith.constant 0 : i32
      %dma_wait3A_157 = tpu.memref_slice %arg14[%dma_wait3A_154, %dma_wait3A_155, %dma_wait3A_156] : memref<2x8x125xi32, #tpu.memory_space<vmem>> -> memref<1x1x125xi32, #tpu.memory_space<vmem>>
      %dma_wait3A_158 = tpu.memref_squeeze %dma_wait3A_157 : memref<1x1x125xi32, #tpu.memory_space<vmem>> -> memref<125xi32, #tpu.memory_space<vmem>>
      %dma_wait3A_159 = arith.constant 0 : i32
      %dma_wait3A_160 = arith.constant 0 : i32
      %dma_wait3A_161 = tpu.memref_slice %arg2[%dma_wait3A_159, %dma_wait3A_160] : memref<10000x128xi16, #tpu.memory_space<hbm>> -> memref<10000x128xi16, #tpu.memory_space<hbm>>
      tpu.wait_indirect_dma semaphore(%arg9 : memref<!tpu.dma_semaphore, #tpu.memory_space<semaphore_mem>>) src(%dma_wait3A_161 : memref<10000x128xi16, #tpu.memory_space<hbm>>) dst(%arg6 : memref<125x128xi16, #tpu.memory_space<vmem>>)
      %dma_start3A_162 = arith.constant 0 : i32
      %dma_start3A_163 = arith.constant 0 : i32
      %dma_start3A_164 = tpu.memref_slice %arg8[%rem3A_149, %dma_start3A_162, %dma_start3A_163] : memref<2x8x125xi32, #tpu.memory_space<vmem>> -> memref<1x1x125xi32, #tpu.memory_space<vmem>>
      %dma_start3A_165 = tpu.memref_squeeze %dma_start3A_164 : memref<1x1x125xi32, #tpu.memory_space<vmem>> -> memref<125xi32, #tpu.memory_space<vmem>>
      %dma_start3A_166 = arith.constant 0 : i32
      %dma_start3A_167 = arith.constant 0 : i32
      %dma_start3A_168 = tpu.memref_slice %arg5[%dma_start3A_166, %dma_start3A_167] : memref<10240x128xi16, #tpu.memory_space<vmem_shared>> -> memref<10240x128xi16, #tpu.memory_space<vmem_shared>>
      tpu.enqueue_indirect_dma source(%arg6 : memref<125x128xi16, #tpu.memory_space<vmem>>) target(%dma_start3A_168 : memref<10240x128xi16, #tpu.memory_space<vmem_shared>>) offsets(%dma_start3A_165 : memref<125xi32, #tpu.memory_space<vmem>>) semaphore(%arg15 : memref<!tpu.dma_semaphore, #tpu.memory_space<semaphore_mem>>) {add = true}
      %gt3A = arith.constant 0 : i32
      %gt3A_169 = arith.cmpi sgt, %scan3A_147, %gt3A : i32
      %convert_element_type3A_170 = arith.extui %gt3A_169 : i1 to i32
      %cond3A_171 = arith.constant 0 : i32
      %cond3A_172 = arith.cmpi ne, %convert_element_type3A_170, %cond3A_171 : i32
      scf.if %cond3A_172 {
        %dma_wait3A_393 = arith.constant 0 : i32
        %dma_wait3A_394 = arith.constant 0 : i32
        %dma_wait3A_395 = arith.constant 0 : i32
        %dma_wait3A_396 = tpu.memref_slice %arg8[%dma_wait3A_393, %dma_wait3A_394, %dma_wait3A_395] : memref<2x8x125xi32, #tpu.memory_space<vmem>> -> memref<1x1x125xi32, #tpu.memory_space<vmem>>
        %dma_wait3A_397 = tpu.memref_squeeze %dma_wait3A_396 : memref<1x1x125xi32, #tpu.memory_space<vmem>> -> memref<125xi32, #tpu.memory_space<vmem>>
        %dma_wait3A_398 = arith.constant 0 : i32
        %dma_wait3A_399 = arith.constant 0 : i32
        %dma_wait3A_400 = tpu.memref_slice %arg5[%dma_wait3A_398, %dma_wait3A_399] : memref<10240x128xi16, #tpu.memory_space<vmem_shared>> -> memref<10240x128xi16, #tpu.memory_space<vmem_shared>>
        tpu.wait_indirect_dma semaphore(%arg16 : memref<!tpu.dma_semaphore, #tpu.memory_space<semaphore_mem>>) src(%arg7 : memref<125x128xi16, #tpu.memory_space<vmem>>) dst(%dma_wait3A_400 : memref<10240x128xi16, #tpu.memory_space<vmem_shared>>)
      } else {
      }
      %lt3A = arith.constant 9 : i32
      %lt3A_173 = arith.cmpi slt, %scan3A_147, %lt3A : i32
      %convert_element_type3A_174 = arith.extui %lt3A_173 : i1 to i32
      %cond3A_175 = arith.constant 0 : i32
      %cond3A_176 = arith.cmpi ne, %convert_element_type3A_174, %cond3A_175 : i32
      scf.if %cond3A_176 {
        %add3A_393 = arith.constant 1 : i32
        %add3A_394 = arith.addi %scan3A_147, %add3A_393 : i32
        %mul3A_395 = arith.constant 8 : i32
        %mul3A_396 = arith.muli %add3A_394, %mul3A_395 : i32
        %dma_start3A_397 = arith.constant 0 : i32
        %dma_start3A_398 = arith.constant 0 : i32
        %dma_start3A_399 = arith.constant 0 : i32
        %dma_start3A_400 = tpu.memref_slice %arg14[%rem3A_153, %dma_start3A_398, %dma_start3A_399] : memref<2x8x125xi32, #tpu.memory_space<vmem>> -> memref<1x8x125xi32, #tpu.memory_space<vmem>>
        %dma_start3A_401 = tpu.memref_squeeze %dma_start3A_400 : memref<1x8x125xi32, #tpu.memory_space<vmem>> -> memref<8x125xi32, #tpu.memory_space<vmem>>
        %dma_start3A_402 = arith.constant 0 : i32
        %dma_start3A_403 = tpu.memref_slice %arg3[%dma_start3A_397, %add3A, %mul3A_396, %dma_start3A_402] : memref<2x32x80x125xi32, #tpu.memory_space<hbm>> -> memref<1x1x8x125xi32, #tpu.memory_space<hbm>>
        %dma_start3A_404 = tpu.memref_squeeze %dma_start3A_403 : memref<1x1x8x125xi32, #tpu.memory_space<hbm>> -> memref<8x125xi32, #tpu.memory_space<hbm>>
        %dma_start3A_405 = arith.constant 0 : i32
        %dma_start3A_406 = arith.constant 0 : i32
        %dma_start3A_407 = tpu.memref_slice %arg14[%rem3A_153, %dma_start3A_405, %dma_start3A_406] : memref<2x8x125xi32, #tpu.memory_space<vmem>> -> memref<1x8x125xi32, #tpu.memory_space<vmem>>
        %dma_start3A_408 = tpu.memref_squeeze %dma_start3A_407 : memref<1x8x125xi32, #tpu.memory_space<vmem>> -> memref<8x125xi32, #tpu.memory_space<vmem>>
        %dma_start3A_409 = arith.constant 0 : i32
        %dma_start3A_410 = tpu.memref_slice %arg3[%dma_start3A_397, %add3A, %mul3A_396, %dma_start3A_409] : memref<2x32x80x125xi32, #tpu.memory_space<hbm>> -> memref<1x1x8x125xi32, #tpu.memory_space<hbm>>
        %dma_start3A_411 = tpu.memref_squeeze %dma_start3A_410 : memref<1x1x8x125xi32, #tpu.memory_space<hbm>> -> memref<8x125xi32, #tpu.memory_space<hbm>>
        tpu.enqueue_dma source(%dma_start3A_411 : memref<8x125xi32, #tpu.memory_space<hbm>>) target(%dma_start3A_408 : memref<8x125xi32, #tpu.memory_space<vmem>>) target_semaphore(%arg11 : memref<!tpu.dma_semaphore, #tpu.memory_space<semaphore_mem>>)
        %mul3A_412 = arith.constant 8 : i32
        %mul3A_413 = arith.muli %add3A_394, %mul3A_412 : i32
        %dma_start3A_414 = arith.constant 1 : i32
        %dma_start3A_415 = arith.constant 0 : i32
        %dma_start3A_416 = arith.constant 0 : i32
        %dma_start3A_417 = tpu.memref_slice %arg8[%rem3A_153, %dma_start3A_415, %dma_start3A_416] : memref<2x8x125xi32, #tpu.memory_space<vmem>> -> memref<1x8x125xi32, #tpu.memory_space<vmem>>
        %dma_start3A_418 = tpu.memref_squeeze %dma_start3A_417 : memref<1x8x125xi32, #tpu.memory_space<vmem>> -> memref<8x125xi32, #tpu.memory_space<vmem>>
        %dma_start3A_419 = arith.constant 0 : i32
        %dma_start3A_420 = tpu.memref_slice %arg3[%dma_start3A_414, %add3A, %mul3A_413, %dma_start3A_419] : memref<2x32x80x125xi32, #tpu.memory_space<hbm>> -> memref<1x1x8x125xi32, #tpu.memory_space<hbm>>
        %dma_start3A_421 = tpu.memref_squeeze %dma_start3A_420 : memref<1x1x8x125xi32, #tpu.memory_space<hbm>> -> memref<8x125xi32, #tpu.memory_space<hbm>>
        %dma_start3A_422 = arith.constant 0 : i32
        %dma_start3A_423 = arith.constant 0 : i32
        %dma_start3A_424 = tpu.memref_slice %arg8[%rem3A_153, %dma_start3A_422, %dma_start3A_423] : memref<2x8x125xi32, #tpu.memory_space<vmem>> -> memref<1x8x125xi32, #tpu.memory_space<vmem>>
        %dma_start3A_425 = tpu.memref_squeeze %dma_start3A_424 : memref<1x8x125xi32, #tpu.memory_space<vmem>> -> memref<8x125xi32, #tpu.memory_space<vmem>>
        %dma_start3A_426 = arith.constant 0 : i32
        %dma_start3A_427 = tpu.memref_slice %arg3[%dma_start3A_414, %add3A, %mul3A_413, %dma_start3A_426] : memref<2x32x80x125xi32, #tpu.memory_space<hbm>> -> memref<1x1x8x125xi32, #tpu.memory_space<hbm>>
        %dma_start3A_428 = tpu.memref_squeeze %dma_start3A_427 : memref<1x1x8x125xi32, #tpu.memory_space<hbm>> -> memref<8x125xi32, #tpu.memory_space<hbm>>
        tpu.enqueue_dma source(%dma_start3A_428 : memref<8x125xi32, #tpu.memory_space<hbm>>) target(%dma_start3A_425 : memref<8x125xi32, #tpu.memory_space<vmem>>) target_semaphore(%arg11 : memref<!tpu.dma_semaphore, #tpu.memory_space<semaphore_mem>>)
      } else {
      }
      %dma_start3A_177 = arith.constant 1 : i32
      %dma_start3A_178 = arith.constant 0 : i32
      %dma_start3A_179 = tpu.memref_slice %arg14[%rem3A_149, %dma_start3A_177, %dma_start3A_178] : memref<2x8x125xi32, #tpu.memory_space<vmem>> -> memref<1x1x125xi32, #tpu.memory_space<vmem>>
      %dma_start3A_180 = tpu.memref_squeeze %dma_start3A_179 : memref<1x1x125xi32, #tpu.memory_space<vmem>> -> memref<125xi32, #tpu.memory_space<vmem>>
      %dma_start3A_181 = arith.constant 0 : i32
      %dma_start3A_182 = arith.constant 0 : i32
      %dma_start3A_183 = tpu.memref_slice %arg2[%dma_start3A_181, %dma_start3A_182] : memref<10000x128xi16, #tpu.memory_space<hbm>> -> memref<10000x128xi16, #tpu.memory_space<hbm>>
      tpu.enqueue_indirect_dma source(%dma_start3A_183 : memref<10000x128xi16, #tpu.memory_space<hbm>>) target(%arg7 : memref<125x128xi16, #tpu.memory_space<vmem>>) offsets(%dma_start3A_180 : memref<125xi32, #tpu.memory_space<vmem>>) semaphore(%arg10 : memref<!tpu.dma_semaphore, #tpu.memory_space<semaphore_mem>>)
      %dma_wait3A_184 = arith.constant 0 : i32
      %dma_wait3A_185 = arith.constant 0 : i32
      %dma_wait3A_186 = arith.constant 0 : i32
      %dma_wait3A_187 = tpu.memref_slice %arg14[%dma_wait3A_184, %dma_wait3A_185, %dma_wait3A_186] : memref<2x8x125xi32, #tpu.memory_space<vmem>> -> memref<1x1x125xi32, #tpu.memory_space<vmem>>
      %dma_wait3A_188 = tpu.memref_squeeze %dma_wait3A_187 : memref<1x1x125xi32, #tpu.memory_space<vmem>> -> memref<125xi32, #tpu.memory_space<vmem>>
      %dma_wait3A_189 = arith.constant 0 : i32
      %dma_wait3A_190 = arith.constant 0 : i32
      %dma_wait3A_191 = tpu.memref_slice %arg2[%dma_wait3A_189, %dma_wait3A_190] : memref<10000x128xi16, #tpu.memory_space<hbm>> -> memref<10000x128xi16, #tpu.memory_space<hbm>>
      tpu.wait_indirect_dma semaphore(%arg10 : memref<!tpu.dma_semaphore, #tpu.memory_space<semaphore_mem>>) src(%dma_wait3A_191 : memref<10000x128xi16, #tpu.memory_space<hbm>>) dst(%arg7 : memref<125x128xi16, #tpu.memory_space<vmem>>)
      %dma_start3A_192 = arith.constant 1 : i32
      %dma_start3A_193 = arith.constant 0 : i32
      %dma_start3A_194 = tpu.memref_slice %arg8[%rem3A_149, %dma_start3A_192, %dma_start3A_193] : memref<2x8x125xi32, #tpu.memory_space<vmem>> -> memref<1x1x125xi32, #tpu.memory_space<vmem>>
      %dma_start3A_195 = tpu.memref_squeeze %dma_start3A_194 : memref<1x1x125xi32, #tpu.memory_space<vmem>> -> memref<125xi32, #tpu.memory_space<vmem>>
      %dma_start3A_196 = arith.constant 0 : i32
      %dma_start3A_197 = arith.constant 0 : i32
      %dma_start3A_198 = tpu.memref_slice %arg5[%dma_start3A_196, %dma_start3A_197] : memref<10240x128xi16, #tpu.memory_space<vmem_shared>> -> memref<10240x128xi16, #tpu.memory_space<vmem_shared>>
      tpu.enqueue_indirect_dma source(%arg7 : memref<125x128xi16, #tpu.memory_space<vmem>>) target(%dma_start3A_198 : memref<10240x128xi16, #tpu.memory_space<vmem_shared>>) offsets(%dma_start3A_195 : memref<125xi32, #tpu.memory_space<vmem>>) semaphore(%arg16 : memref<!tpu.dma_semaphore, #tpu.memory_space<semaphore_mem>>) {add = true}
      %dma_wait3A_199 = arith.constant 0 : i32
      %dma_wait3A_200 = arith.constant 0 : i32
      %dma_wait3A_201 = arith.constant 0 : i32
      %dma_wait3A_202 = tpu.memref_slice %arg8[%dma_wait3A_199, %dma_wait3A_200, %dma_wait3A_201] : memref<2x8x125xi32, #tpu.memory_space<vmem>> -> memref<1x1x125xi32, #tpu.memory_space<vmem>>
      %dma_wait3A_203 = tpu.memref_squeeze %dma_wait3A_202 : memref<1x1x125xi32, #tpu.memory_space<vmem>> -> memref<125xi32, #tpu.memory_space<vmem>>
      %dma_wait3A_204 = arith.constant 0 : i32
      %dma_wait3A_205 = arith.constant 0 : i32
      %dma_wait3A_206 = tpu.memref_slice %arg5[%dma_wait3A_204, %dma_wait3A_205] : memref<10240x128xi16, #tpu.memory_space<vmem_shared>> -> memref<10240x128xi16, #tpu.memory_space<vmem_shared>>
      tpu.wait_indirect_dma semaphore(%arg15 : memref<!tpu.dma_semaphore, #tpu.memory_space<semaphore_mem>>) src(%arg6 : memref<125x128xi16, #tpu.memory_space<vmem>>) dst(%dma_wait3A_206 : memref<10240x128xi16, #tpu.memory_space<vmem_shared>>)
      %dma_start3A_207 = arith.constant 2 : i32
      %dma_start3A_208 = arith.constant 0 : i32
      %dma_start3A_209 = tpu.memref_slice %arg14[%rem3A_149, %dma_start3A_207, %dma_start3A_208] : memref<2x8x125xi32, #tpu.memory_space<vmem>> -> memref<1x1x125xi32, #tpu.memory_space<vmem>>
      %dma_start3A_210 = tpu.memref_squeeze %dma_start3A_209 : memref<1x1x125xi32, #tpu.memory_space<vmem>> -> memref<125xi32, #tpu.memory_space<vmem>>
      %dma_start3A_211 = arith.constant 0 : i32
      %dma_start3A_212 = arith.constant 0 : i32
      %dma_start3A_213 = tpu.memref_slice %arg2[%dma_start3A_211, %dma_start3A_212] : memref<10000x128xi16, #tpu.memory_space<hbm>> -> memref<10000x128xi16, #tpu.memory_space<hbm>>
      tpu.enqueue_indirect_dma source(%dma_start3A_213 : memref<10000x128xi16, #tpu.memory_space<hbm>>) target(%arg6 : memref<125x128xi16, #tpu.memory_space<vmem>>) offsets(%dma_start3A_210 : memref<125xi32, #tpu.memory_space<vmem>>) semaphore(%arg9 : memref<!tpu.dma_semaphore, #tpu.memory_space<semaphore_mem>>)
      %dma_wait3A_214 = arith.constant 0 : i32
      %dma_wait3A_215 = arith.constant 0 : i32
      %dma_wait3A_216 = arith.constant 0 : i32
      %dma_wait3A_217 = tpu.memref_slice %arg14[%dma_wait3A_214, %dma_wait3A_215, %dma_wait3A_216] : memref<2x8x125xi32, #tpu.memory_space<vmem>> -> memref<1x1x125xi32, #tpu.memory_space<vmem>>
      %dma_wait3A_218 = tpu.memref_squeeze %dma_wait3A_217 : memref<1x1x125xi32, #tpu.memory_space<vmem>> -> memref<125xi32, #tpu.memory_space<vmem>>
      %dma_wait3A_219 = arith.constant 0 : i32
      %dma_wait3A_220 = arith.constant 0 : i32
      %dma_wait3A_221 = tpu.memref_slice %arg2[%dma_wait3A_219, %dma_wait3A_220] : memref<10000x128xi16, #tpu.memory_space<hbm>> -> memref<10000x128xi16, #tpu.memory_space<hbm>>
      tpu.wait_indirect_dma semaphore(%arg9 : memref<!tpu.dma_semaphore, #tpu.memory_space<semaphore_mem>>) src(%dma_wait3A_221 : memref<10000x128xi16, #tpu.memory_space<hbm>>) dst(%arg6 : memref<125x128xi16, #tpu.memory_space<vmem>>)
      %dma_start3A_222 = arith.constant 2 : i32
      %dma_start3A_223 = arith.constant 0 : i32
      %dma_start3A_224 = tpu.memref_slice %arg8[%rem3A_149, %dma_start3A_222, %dma_start3A_223] : memref<2x8x125xi32, #tpu.memory_space<vmem>> -> memref<1x1x125xi32, #tpu.memory_space<vmem>>
      %dma_start3A_225 = tpu.memref_squeeze %dma_start3A_224 : memref<1x1x125xi32, #tpu.memory_space<vmem>> -> memref<125xi32, #tpu.memory_space<vmem>>
      %dma_start3A_226 = arith.constant 0 : i32
      %dma_start3A_227 = arith.constant 0 : i32
      %dma_start3A_228 = tpu.memref_slice %arg5[%dma_start3A_226, %dma_start3A_227] : memref<10240x128xi16, #tpu.memory_space<vmem_shared>> -> memref<10240x128xi16, #tpu.memory_space<vmem_shared>>
      tpu.enqueue_indirect_dma source(%arg6 : memref<125x128xi16, #tpu.memory_space<vmem>>) target(%dma_start3A_228 : memref<10240x128xi16, #tpu.memory_space<vmem_shared>>) offsets(%dma_start3A_225 : memref<125xi32, #tpu.memory_space<vmem>>) semaphore(%arg15 : memref<!tpu.dma_semaphore, #tpu.memory_space<semaphore_mem>>) {add = true}
      %dma_wait3A_229 = arith.constant 0 : i32
      %dma_wait3A_230 = arith.constant 0 : i32
      %dma_wait3A_231 = arith.constant 0 : i32
      %dma_wait3A_232 = tpu.memref_slice %arg8[%dma_wait3A_229, %dma_wait3A_230, %dma_wait3A_231] : memref<2x8x125xi32, #tpu.memory_space<vmem>> -> memref<1x1x125xi32, #tpu.memory_space<vmem>>
      %dma_wait3A_233 = tpu.memref_squeeze %dma_wait3A_232 : memref<1x1x125xi32, #tpu.memory_space<vmem>> -> memref<125xi32, #tpu.memory_space<vmem>>
      %dma_wait3A_234 = arith.constant 0 : i32
      %dma_wait3A_235 = arith.constant 0 : i32
      %dma_wait3A_236 = tpu.memref_slice %arg5[%dma_wait3A_234, %dma_wait3A_235] : memref<10240x128xi16, #tpu.memory_space<vmem_shared>> -> memref<10240x128xi16, #tpu.memory_space<vmem_shared>>
      tpu.wait_indirect_dma semaphore(%arg16 : memref<!tpu.dma_semaphore, #tpu.memory_space<semaphore_mem>>) src(%arg7 : memref<125x128xi16, #tpu.memory_space<vmem>>) dst(%dma_wait3A_236 : memref<10240x128xi16, #tpu.memory_space<vmem_shared>>)
      %dma_start3A_237 = arith.constant 3 : i32
      %dma_start3A_238 = arith.constant 0 : i32
      %dma_start3A_239 = tpu.memref_slice %arg14[%rem3A_149, %dma_start3A_237, %dma_start3A_238] : memref<2x8x125xi32, #tpu.memory_space<vmem>> -> memref<1x1x125xi32, #tpu.memory_space<vmem>>
      %dma_start3A_240 = tpu.memref_squeeze %dma_start3A_239 : memref<1x1x125xi32, #tpu.memory_space<vmem>> -> memref<125xi32, #tpu.memory_space<vmem>>
      %dma_start3A_241 = arith.constant 0 : i32
      %dma_start3A_242 = arith.constant 0 : i32
      %dma_start3A_243 = tpu.memref_slice %arg2[%dma_start3A_241, %dma_start3A_242] : memref<10000x128xi16, #tpu.memory_space<hbm>> -> memref<10000x128xi16, #tpu.memory_space<hbm>>
      tpu.enqueue_indirect_dma source(%dma_start3A_243 : memref<10000x128xi16, #tpu.memory_space<hbm>>) target(%arg7 : memref<125x128xi16, #tpu.memory_space<vmem>>) offsets(%dma_start3A_240 : memref<125xi32, #tpu.memory_space<vmem>>) semaphore(%arg10 : memref<!tpu.dma_semaphore, #tpu.memory_space<semaphore_mem>>)
      %dma_wait3A_244 = arith.constant 0 : i32
      %dma_wait3A_245 = arith.constant 0 : i32
      %dma_wait3A_246 = arith.constant 0 : i32
      %dma_wait3A_247 = tpu.memref_slice %arg14[%dma_wait3A_244, %dma_wait3A_245, %dma_wait3A_246] : memref<2x8x125xi32, #tpu.memory_space<vmem>> -> memref<1x1x125xi32, #tpu.memory_space<vmem>>
      %dma_wait3A_248 = tpu.memref_squeeze %dma_wait3A_247 : memref<1x1x125xi32, #tpu.memory_space<vmem>> -> memref<125xi32, #tpu.memory_space<vmem>>
      %dma_wait3A_249 = arith.constant 0 : i32
      %dma_wait3A_250 = arith.constant 0 : i32
      %dma_wait3A_251 = tpu.memref_slice %arg2[%dma_wait3A_249, %dma_wait3A_250] : memref<10000x128xi16, #tpu.memory_space<hbm>> -> memref<10000x128xi16, #tpu.memory_space<hbm>>
      tpu.wait_indirect_dma semaphore(%arg10 : memref<!tpu.dma_semaphore, #tpu.memory_space<semaphore_mem>>) src(%dma_wait3A_251 : memref<10000x128xi16, #tpu.memory_space<hbm>>) dst(%arg7 : memref<125x128xi16, #tpu.memory_space<vmem>>)
      %dma_start3A_252 = arith.constant 3 : i32
      %dma_start3A_253 = arith.constant 0 : i32
      %dma_start3A_254 = tpu.memref_slice %arg8[%rem3A_149, %dma_start3A_252, %dma_start3A_253] : memref<2x8x125xi32, #tpu.memory_space<vmem>> -> memref<1x1x125xi32, #tpu.memory_space<vmem>>
      %dma_start3A_255 = tpu.memref_squeeze %dma_start3A_254 : memref<1x1x125xi32, #tpu.memory_space<vmem>> -> memref<125xi32, #tpu.memory_space<vmem>>
      %dma_start3A_256 = arith.constant 0 : i32
      %dma_start3A_257 = arith.constant 0 : i32
      %dma_start3A_258 = tpu.memref_slice %arg5[%dma_start3A_256, %dma_start3A_257] : memref<10240x128xi16, #tpu.memory_space<vmem_shared>> -> memref<10240x128xi16, #tpu.memory_space<vmem_shared>>
      tpu.enqueue_indirect_dma source(%arg7 : memref<125x128xi16, #tpu.memory_space<vmem>>) target(%dma_start3A_258 : memref<10240x128xi16, #tpu.memory_space<vmem_shared>>) offsets(%dma_start3A_255 : memref<125xi32, #tpu.memory_space<vmem>>) semaphore(%arg16 : memref<!tpu.dma_semaphore, #tpu.memory_space<semaphore_mem>>) {add = true}
      %dma_wait3A_259 = arith.constant 0 : i32
      %dma_wait3A_260 = arith.constant 0 : i32
      %dma_wait3A_261 = arith.constant 0 : i32
      %dma_wait3A_262 = tpu.memref_slice %arg8[%dma_wait3A_259, %dma_wait3A_260, %dma_wait3A_261] : memref<2x8x125xi32, #tpu.memory_space<vmem>> -> memref<1x1x125xi32, #tpu.memory_space<vmem>>
      %dma_wait3A_263 = tpu.memref_squeeze %dma_wait3A_262 : memref<1x1x125xi32, #tpu.memory_space<vmem>> -> memref<125xi32, #tpu.memory_space<vmem>>
      %dma_wait3A_264 = arith.constant 0 : i32
      %dma_wait3A_265 = arith.constant 0 : i32
      %dma_wait3A_266 = tpu.memref_slice %arg5[%dma_wait3A_264, %dma_wait3A_265] : memref<10240x128xi16, #tpu.memory_space<vmem_shared>> -> memref<10240x128xi16, #tpu.memory_space<vmem_shared>>
      tpu.wait_indirect_dma semaphore(%arg15 : memref<!tpu.dma_semaphore, #tpu.memory_space<semaphore_mem>>) src(%arg6 : memref<125x128xi16, #tpu.memory_space<vmem>>) dst(%dma_wait3A_266 : memref<10240x128xi16, #tpu.memory_space<vmem_shared>>)
      %dma_start3A_267 = arith.constant 4 : i32
      %dma_start3A_268 = arith.constant 0 : i32
      %dma_start3A_269 = tpu.memref_slice %arg14[%rem3A_149, %dma_start3A_267, %dma_start3A_268] : memref<2x8x125xi32, #tpu.memory_space<vmem>> -> memref<1x1x125xi32, #tpu.memory_space<vmem>>
      %dma_start3A_270 = tpu.memref_squeeze %dma_start3A_269 : memref<1x1x125xi32, #tpu.memory_space<vmem>> -> memref<125xi32, #tpu.memory_space<vmem>>
      %dma_start3A_271 = arith.constant 0 : i32
      %dma_start3A_272 = arith.constant 0 : i32
      %dma_start3A_273 = tpu.memref_slice %arg2[%dma_start3A_271, %dma_start3A_272] : memref<10000x128xi16, #tpu.memory_space<hbm>> -> memref<10000x128xi16, #tpu.memory_space<hbm>>
      tpu.enqueue_indirect_dma source(%dma_start3A_273 : memref<10000x128xi16, #tpu.memory_space<hbm>>) target(%arg6 : memref<125x128xi16, #tpu.memory_space<vmem>>) offsets(%dma_start3A_270 : memref<125xi32, #tpu.memory_space<vmem>>) semaphore(%arg9 : memref<!tpu.dma_semaphore, #tpu.memory_space<semaphore_mem>>)
      %dma_wait3A_274 = arith.constant 0 : i32
      %dma_wait3A_275 = arith.constant 0 : i32
      %dma_wait3A_276 = arith.constant 0 : i32
      %dma_wait3A_277 = tpu.memref_slice %arg14[%dma_wait3A_274, %dma_wait3A_275, %dma_wait3A_276] : memref<2x8x125xi32, #tpu.memory_space<vmem>> -> memref<1x1x125xi32, #tpu.memory_space<vmem>>
      %dma_wait3A_278 = tpu.memref_squeeze %dma_wait3A_277 : memref<1x1x125xi32, #tpu.memory_space<vmem>> -> memref<125xi32, #tpu.memory_space<vmem>>
      %dma_wait3A_279 = arith.constant 0 : i32
      %dma_wait3A_280 = arith.constant 0 : i32
      %dma_wait3A_281 = tpu.memref_slice %arg2[%dma_wait3A_279, %dma_wait3A_280] : memref<10000x128xi16, #tpu.memory_space<hbm>> -> memref<10000x128xi16, #tpu.memory_space<hbm>>
      tpu.wait_indirect_dma semaphore(%arg9 : memref<!tpu.dma_semaphore, #tpu.memory_space<semaphore_mem>>) src(%dma_wait3A_281 : memref<10000x128xi16, #tpu.memory_space<hbm>>) dst(%arg6 : memref<125x128xi16, #tpu.memory_space<vmem>>)
      %dma_start3A_282 = arith.constant 4 : i32
      %dma_start3A_283 = arith.constant 0 : i32
      %dma_start3A_284 = tpu.memref_slice %arg8[%rem3A_149, %dma_start3A_282, %dma_start3A_283] : memref<2x8x125xi32, #tpu.memory_space<vmem>> -> memref<1x1x125xi32, #tpu.memory_space<vmem>>
      %dma_start3A_285 = tpu.memref_squeeze %dma_start3A_284 : memref<1x1x125xi32, #tpu.memory_space<vmem>> -> memref<125xi32, #tpu.memory_space<vmem>>
      %dma_start3A_286 = arith.constant 0 : i32
      %dma_start3A_287 = arith.constant 0 : i32
      %dma_start3A_288 = tpu.memref_slice %arg5[%dma_start3A_286, %dma_start3A_287] : memref<10240x128xi16, #tpu.memory_space<vmem_shared>> -> memref<10240x128xi16, #tpu.memory_space<vmem_shared>>
      tpu.enqueue_indirect_dma source(%arg6 : memref<125x128xi16, #tpu.memory_space<vmem>>) target(%dma_start3A_288 : memref<10240x128xi16, #tpu.memory_space<vmem_shared>>) offsets(%dma_start3A_285 : memref<125xi32, #tpu.memory_space<vmem>>) semaphore(%arg15 : memref<!tpu.dma_semaphore, #tpu.memory_space<semaphore_mem>>) {add = true}
      %dma_wait3A_289 = arith.constant 0 : i32
      %dma_wait3A_290 = arith.constant 0 : i32
      %dma_wait3A_291 = arith.constant 0 : i32
      %dma_wait3A_292 = tpu.memref_slice %arg8[%dma_wait3A_289, %dma_wait3A_290, %dma_wait3A_291] : memref<2x8x125xi32, #tpu.memory_space<vmem>> -> memref<1x1x125xi32, #tpu.memory_space<vmem>>
      %dma_wait3A_293 = tpu.memref_squeeze %dma_wait3A_292 : memref<1x1x125xi32, #tpu.memory_space<vmem>> -> memref<125xi32, #tpu.memory_space<vmem>>
      %dma_wait3A_294 = arith.constant 0 : i32
      %dma_wait3A_295 = arith.constant 0 : i32
      %dma_wait3A_296 = tpu.memref_slice %arg5[%dma_wait3A_294, %dma_wait3A_295] : memref<10240x128xi16, #tpu.memory_space<vmem_shared>> -> memref<10240x128xi16, #tpu.memory_space<vmem_shared>>
      tpu.wait_indirect_dma semaphore(%arg16 : memref<!tpu.dma_semaphore, #tpu.memory_space<semaphore_mem>>) src(%arg7 : memref<125x128xi16, #tpu.memory_space<vmem>>) dst(%dma_wait3A_296 : memref<10240x128xi16, #tpu.memory_space<vmem_shared>>)
      %dma_start3A_297 = arith.constant 5 : i32
      %dma_start3A_298 = arith.constant 0 : i32
      %dma_start3A_299 = tpu.memref_slice %arg14[%rem3A_149, %dma_start3A_297, %dma_start3A_298] : memref<2x8x125xi32, #tpu.memory_space<vmem>> -> memref<1x1x125xi32, #tpu.memory_space<vmem>>
      %dma_start3A_300 = tpu.memref_squeeze %dma_start3A_299 : memref<1x1x125xi32, #tpu.memory_space<vmem>> -> memref<125xi32, #tpu.memory_space<vmem>>
      %dma_start3A_301 = arith.constant 0 : i32
      %dma_start3A_302 = arith.constant 0 : i32
      %dma_start3A_303 = tpu.memref_slice %arg2[%dma_start3A_301, %dma_start3A_302] : memref<10000x128xi16, #tpu.memory_space<hbm>> -> memref<10000x128xi16, #tpu.memory_space<hbm>>
      tpu.enqueue_indirect_dma source(%dma_start3A_303 : memref<10000x128xi16, #tpu.memory_space<hbm>>) target(%arg7 : memref<125x128xi16, #tpu.memory_space<vmem>>) offsets(%dma_start3A_300 : memref<125xi32, #tpu.memory_space<vmem>>) semaphore(%arg10 : memref<!tpu.dma_semaphore, #tpu.memory_space<semaphore_mem>>)
      %dma_wait3A_304 = arith.constant 0 : i32
      %dma_wait3A_305 = arith.constant 0 : i32
      %dma_wait3A_306 = arith.constant 0 : i32
      %dma_wait3A_307 = tpu.memref_slice %arg14[%dma_wait3A_304, %dma_wait3A_305, %dma_wait3A_306] : memref<2x8x125xi32, #tpu.memory_space<vmem>> -> memref<1x1x125xi32, #tpu.memory_space<vmem>>
      %dma_wait3A_308 = tpu.memref_squeeze %dma_wait3A_307 : memref<1x1x125xi32, #tpu.memory_space<vmem>> -> memref<125xi32, #tpu.memory_space<vmem>>
      %dma_wait3A_309 = arith.constant 0 : i32
      %dma_wait3A_310 = arith.constant 0 : i32
      %dma_wait3A_311 = tpu.memref_slice %arg2[%dma_wait3A_309, %dma_wait3A_310] : memref<10000x128xi16, #tpu.memory_space<hbm>> -> memref<10000x128xi16, #tpu.memory_space<hbm>>
      tpu.wait_indirect_dma semaphore(%arg10 : memref<!tpu.dma_semaphore, #tpu.memory_space<semaphore_mem>>) src(%dma_wait3A_311 : memref<10000x128xi16, #tpu.memory_space<hbm>>) dst(%arg7 : memref<125x128xi16, #tpu.memory_space<vmem>>)
      %dma_start3A_312 = arith.constant 5 : i32
      %dma_start3A_313 = arith.constant 0 : i32
      %dma_start3A_314 = tpu.memref_slice %arg8[%rem3A_149, %dma_start3A_312, %dma_start3A_313] : memref<2x8x125xi32, #tpu.memory_space<vmem>> -> memref<1x1x125xi32, #tpu.memory_space<vmem>>
      %dma_start3A_315 = tpu.memref_squeeze %dma_start3A_314 : memref<1x1x125xi32, #tpu.memory_space<vmem>> -> memref<125xi32, #tpu.memory_space<vmem>>
      %dma_start3A_316 = arith.constant 0 : i32
      %dma_start3A_317 = arith.constant 0 : i32
      %dma_start3A_318 = tpu.memref_slice %arg5[%dma_start3A_316, %dma_start3A_317] : memref<10240x128xi16, #tpu.memory_space<vmem_shared>> -> memref<10240x128xi16, #tpu.memory_space<vmem_shared>>
      tpu.enqueue_indirect_dma source(%arg7 : memref<125x128xi16, #tpu.memory_space<vmem>>) target(%dma_start3A_318 : memref<10240x128xi16, #tpu.memory_space<vmem_shared>>) offsets(%dma_start3A_315 : memref<125xi32, #tpu.memory_space<vmem>>) semaphore(%arg16 : memref<!tpu.dma_semaphore, #tpu.memory_space<semaphore_mem>>) {add = true}
      %dma_wait3A_319 = arith.constant 0 : i32
      %dma_wait3A_320 = arith.constant 0 : i32
      %dma_wait3A_321 = arith.constant 0 : i32
      %dma_wait3A_322 = tpu.memref_slice %arg8[%dma_wait3A_319, %dma_wait3A_320, %dma_wait3A_321] : memref<2x8x125xi32, #tpu.memory_space<vmem>> -> memref<1x1x125xi32, #tpu.memory_space<vmem>>
      %dma_wait3A_323 = tpu.memref_squeeze %dma_wait3A_322 : memref<1x1x125xi32, #tpu.memory_space<vmem>> -> memref<125xi32, #tpu.memory_space<vmem>>
      %dma_wait3A_324 = arith.constant 0 : i32
      %dma_wait3A_325 = arith.constant 0 : i32
      %dma_wait3A_326 = tpu.memref_slice %arg5[%dma_wait3A_324, %dma_wait3A_325] : memref<10240x128xi16, #tpu.memory_space<vmem_shared>> -> memref<10240x128xi16, #tpu.memory_space<vmem_shared>>
      tpu.wait_indirect_dma semaphore(%arg15 : memref<!tpu.dma_semaphore, #tpu.memory_space<semaphore_mem>>) src(%arg6 : memref<125x128xi16, #tpu.memory_space<vmem>>) dst(%dma_wait3A_326 : memref<10240x128xi16, #tpu.memory_space<vmem_shared>>)
      %dma_start3A_327 = arith.constant 6 : i32
      %dma_start3A_328 = arith.constant 0 : i32
      %dma_start3A_329 = tpu.memref_slice %arg14[%rem3A_149, %dma_start3A_327, %dma_start3A_328] : memref<2x8x125xi32, #tpu.memory_space<vmem>> -> memref<1x1x125xi32, #tpu.memory_space<vmem>>
      %dma_start3A_330 = tpu.memref_squeeze %dma_start3A_329 : memref<1x1x125xi32, #tpu.memory_space<vmem>> -> memref<125xi32, #tpu.memory_space<vmem>>
      %dma_start3A_331 = arith.constant 0 : i32
      %dma_start3A_332 = arith.constant 0 : i32
      %dma_start3A_333 = tpu.memref_slice %arg2[%dma_start3A_331, %dma_start3A_332] : memref<10000x128xi16, #tpu.memory_space<hbm>> -> memref<10000x128xi16, #tpu.memory_space<hbm>>
      tpu.enqueue_indirect_dma source(%dma_start3A_333 : memref<10000x128xi16, #tpu.memory_space<hbm>>) target(%arg6 : memref<125x128xi16, #tpu.memory_space<vmem>>) offsets(%dma_start3A_330 : memref<125xi32, #tpu.memory_space<vmem>>) semaphore(%arg9 : memref<!tpu.dma_semaphore, #tpu.memory_space<semaphore_mem>>)
      %dma_wait3A_334 = arith.constant 0 : i32
      %dma_wait3A_335 = arith.constant 0 : i32
      %dma_wait3A_336 = arith.constant 0 : i32
      %dma_wait3A_337 = tpu.memref_slice %arg14[%dma_wait3A_334, %dma_wait3A_335, %dma_wait3A_336] : memref<2x8x125xi32, #tpu.memory_space<vmem>> -> memref<1x1x125xi32, #tpu.memory_space<vmem>>
      %dma_wait3A_338 = tpu.memref_squeeze %dma_wait3A_337 : memref<1x1x125xi32, #tpu.memory_space<vmem>> -> memref<125xi32, #tpu.memory_space<vmem>>
      %dma_wait3A_339 = arith.constant 0 : i32
      %dma_wait3A_340 = arith.constant 0 : i32
      %dma_wait3A_341 = tpu.memref_slice %arg2[%dma_wait3A_339, %dma_wait3A_340] : memref<10000x128xi16, #tpu.memory_space<hbm>> -> memref<10000x128xi16, #tpu.memory_space<hbm>>
      tpu.wait_indirect_dma semaphore(%arg9 : memref<!tpu.dma_semaphore, #tpu.memory_space<semaphore_mem>>) src(%dma_wait3A_341 : memref<10000x128xi16, #tpu.memory_space<hbm>>) dst(%arg6 : memref<125x128xi16, #tpu.memory_space<vmem>>)
      %dma_start3A_342 = arith.constant 6 : i32
      %dma_start3A_343 = arith.constant 0 : i32
      %dma_start3A_344 = tpu.memref_slice %arg8[%rem3A_149, %dma_start3A_342, %dma_start3A_343] : memref<2x8x125xi32, #tpu.memory_space<vmem>> -> memref<1x1x125xi32, #tpu.memory_space<vmem>>
      %dma_start3A_345 = tpu.memref_squeeze %dma_start3A_344 : memref<1x1x125xi32, #tpu.memory_space<vmem>> -> memref<125xi32, #tpu.memory_space<vmem>>
      %dma_start3A_346 = arith.constant 0 : i32
      %dma_start3A_347 = arith.constant 0 : i32
      %dma_start3A_348 = tpu.memref_slice %arg5[%dma_start3A_346, %dma_start3A_347] : memref<10240x128xi16, #tpu.memory_space<vmem_shared>> -> memref<10240x128xi16, #tpu.memory_space<vmem_shared>>
      tpu.enqueue_indirect_dma source(%arg6 : memref<125x128xi16, #tpu.memory_space<vmem>>) target(%dma_start3A_348 : memref<10240x128xi16, #tpu.memory_space<vmem_shared>>) offsets(%dma_start3A_345 : memref<125xi32, #tpu.memory_space<vmem>>) semaphore(%arg15 : memref<!tpu.dma_semaphore, #tpu.memory_space<semaphore_mem>>) {add = true}
      %dma_wait3A_349 = arith.constant 0 : i32
      %dma_wait3A_350 = arith.constant 0 : i32
      %dma_wait3A_351 = arith.constant 0 : i32
      %dma_wait3A_352 = tpu.memref_slice %arg8[%dma_wait3A_349, %dma_wait3A_350, %dma_wait3A_351] : memref<2x8x125xi32, #tpu.memory_space<vmem>> -> memref<1x1x125xi32, #tpu.memory_space<vmem>>
      %dma_wait3A_353 = tpu.memref_squeeze %dma_wait3A_352 : memref<1x1x125xi32, #tpu.memory_space<vmem>> -> memref<125xi32, #tpu.memory_space<vmem>>
      %dma_wait3A_354 = arith.constant 0 : i32
      %dma_wait3A_355 = arith.constant 0 : i32
      %dma_wait3A_356 = tpu.memref_slice %arg5[%dma_wait3A_354, %dma_wait3A_355] : memref<10240x128xi16, #tpu.memory_space<vmem_shared>> -> memref<10240x128xi16, #tpu.memory_space<vmem_shared>>
      tpu.wait_indirect_dma semaphore(%arg16 : memref<!tpu.dma_semaphore, #tpu.memory_space<semaphore_mem>>) src(%arg7 : memref<125x128xi16, #tpu.memory_space<vmem>>) dst(%dma_wait3A_356 : memref<10240x128xi16, #tpu.memory_space<vmem_shared>>)
      %dma_start3A_357 = arith.constant 7 : i32
      %dma_start3A_358 = arith.constant 0 : i32
      %dma_start3A_359 = tpu.memref_slice %arg14[%rem3A_149, %dma_start3A_357, %dma_start3A_358] : memref<2x8x125xi32, #tpu.memory_space<vmem>> -> memref<1x1x125xi32, #tpu.memory_space<vmem>>
      %dma_start3A_360 = tpu.memref_squeeze %dma_start3A_359 : memref<1x1x125xi32, #tpu.memory_space<vmem>> -> memref<125xi32, #tpu.memory_space<vmem>>
      %dma_start3A_361 = arith.constant 0 : i32
      %dma_start3A_362 = arith.constant 0 : i32
      %dma_start3A_363 = tpu.memref_slice %arg2[%dma_start3A_361, %dma_start3A_362] : memref<10000x128xi16, #tpu.memory_space<hbm>> -> memref<10000x128xi16, #tpu.memory_space<hbm>>
      tpu.enqueue_indirect_dma source(%dma_start3A_363 : memref<10000x128xi16, #tpu.memory_space<hbm>>) target(%arg7 : memref<125x128xi16, #tpu.memory_space<vmem>>) offsets(%dma_start3A_360 : memref<125xi32, #tpu.memory_space<vmem>>) semaphore(%arg10 : memref<!tpu.dma_semaphore, #tpu.memory_space<semaphore_mem>>)
      %dma_wait3A_364 = arith.constant 0 : i32
      %dma_wait3A_365 = arith.constant 0 : i32
      %dma_wait3A_366 = arith.constant 0 : i32
      %dma_wait3A_367 = tpu.memref_slice %arg14[%dma_wait3A_364, %dma_wait3A_365, %dma_wait3A_366] : memref<2x8x125xi32, #tpu.memory_space<vmem>> -> memref<1x1x125xi32, #tpu.memory_space<vmem>>
      %dma_wait3A_368 = tpu.memref_squeeze %dma_wait3A_367 : memref<1x1x125xi32, #tpu.memory_space<vmem>> -> memref<125xi32, #tpu.memory_space<vmem>>
      %dma_wait3A_369 = arith.constant 0 : i32
      %dma_wait3A_370 = arith.constant 0 : i32
      %dma_wait3A_371 = tpu.memref_slice %arg2[%dma_wait3A_369, %dma_wait3A_370] : memref<10000x128xi16, #tpu.memory_space<hbm>> -> memref<10000x128xi16, #tpu.memory_space<hbm>>
      tpu.wait_indirect_dma semaphore(%arg10 : memref<!tpu.dma_semaphore, #tpu.memory_space<semaphore_mem>>) src(%dma_wait3A_371 : memref<10000x128xi16, #tpu.memory_space<hbm>>) dst(%arg7 : memref<125x128xi16, #tpu.memory_space<vmem>>)
      %dma_start3A_372 = arith.constant 7 : i32
      %dma_start3A_373 = arith.constant 0 : i32
      %dma_start3A_374 = tpu.memref_slice %arg8[%rem3A_149, %dma_start3A_372, %dma_start3A_373] : memref<2x8x125xi32, #tpu.memory_space<vmem>> -> memref<1x1x125xi32, #tpu.memory_space<vmem>>
      %dma_start3A_375 = tpu.memref_squeeze %dma_start3A_374 : memref<1x1x125xi32, #tpu.memory_space<vmem>> -> memref<125xi32, #tpu.memory_space<vmem>>
      %dma_start3A_376 = arith.constant 0 : i32
      %dma_start3A_377 = arith.constant 0 : i32
      %dma_start3A_378 = tpu.memref_slice %arg5[%dma_start3A_376, %dma_start3A_377] : memref<10240x128xi16, #tpu.memory_space<vmem_shared>> -> memref<10240x128xi16, #tpu.memory_space<vmem_shared>>
      tpu.enqueue_indirect_dma source(%arg7 : memref<125x128xi16, #tpu.memory_space<vmem>>) target(%dma_start3A_378 : memref<10240x128xi16, #tpu.memory_space<vmem_shared>>) offsets(%dma_start3A_375 : memref<125xi32, #tpu.memory_space<vmem>>) semaphore(%arg16 : memref<!tpu.dma_semaphore, #tpu.memory_space<semaphore_mem>>) {add = true}
      %dma_wait3A_379 = arith.constant 0 : i32
      %dma_wait3A_380 = arith.constant 0 : i32
      %dma_wait3A_381 = arith.constant 0 : i32
      %dma_wait3A_382 = tpu.memref_slice %arg8[%dma_wait3A_379, %dma_wait3A_380, %dma_wait3A_381] : memref<2x8x125xi32, #tpu.memory_space<vmem>> -> memref<1x1x125xi32, #tpu.memory_space<vmem>>
      %dma_wait3A_383 = tpu.memref_squeeze %dma_wait3A_382 : memref<1x1x125xi32, #tpu.memory_space<vmem>> -> memref<125xi32, #tpu.memory_space<vmem>>
      %dma_wait3A_384 = arith.constant 0 : i32
      %dma_wait3A_385 = arith.constant 0 : i32
      %dma_wait3A_386 = tpu.memref_slice %arg5[%dma_wait3A_384, %dma_wait3A_385] : memref<10240x128xi16, #tpu.memory_space<vmem_shared>> -> memref<10240x128xi16, #tpu.memory_space<vmem_shared>>
      tpu.wait_indirect_dma semaphore(%arg15 : memref<!tpu.dma_semaphore, #tpu.memory_space<semaphore_mem>>) src(%arg6 : memref<125x128xi16, #tpu.memory_space<vmem>>) dst(%dma_wait3A_386 : memref<10240x128xi16, #tpu.memory_space<vmem_shared>>)
      %lt3A_387 = arith.constant 9 : i32
      %lt3A_388 = arith.cmpi slt, %scan3A_147, %lt3A_387 : i32
      %convert_element_type3A_389 = arith.extui %lt3A_388 : i1 to i32
      %cond3A_390 = arith.constant 0 : i32
      %cond3A_391 = arith.cmpi ne, %convert_element_type3A_389, %cond3A_390 : i32
      scf.if %cond3A_391 {
        %dma_wait3A_393 = arith.constant 0 : i32
        %dma_wait3A_394 = arith.constant 0 : i32
        %dma_wait3A_395 = arith.constant 0 : i32
        %dma_wait3A_396 = tpu.memref_slice %arg14[%rem3A_153, %dma_wait3A_394, %dma_wait3A_395] : memref<2x8x125xi32, #tpu.memory_space<vmem>> -> memref<1x8x125xi32, #tpu.memory_space<vmem>>
        %dma_wait3A_397 = tpu.memref_squeeze %dma_wait3A_396 : memref<1x8x125xi32, #tpu.memory_space<vmem>> -> memref<8x125xi32, #tpu.memory_space<vmem>>
        %dma_wait3A_398 = arith.constant 0 : i32
        %dma_wait3A_399 = arith.constant 0 : i32
        %dma_wait3A_400 = tpu.memref_slice %arg3[%dma_wait3A_393, %add3A, %dma_wait3A_398, %dma_wait3A_399] : memref<2x32x80x125xi32, #tpu.memory_space<hbm>> -> memref<1x1x8x125xi32, #tpu.memory_space<hbm>>
        %dma_wait3A_401 = tpu.memref_squeeze %dma_wait3A_400 : memref<1x1x8x125xi32, #tpu.memory_space<hbm>> -> memref<8x125xi32, #tpu.memory_space<hbm>>
        %dma_wait3A_402 = arith.constant 0 : i32
        %dma_wait3A_403 = arith.constant 0 : i32
        %dma_wait3A_404 = tpu.memref_slice %arg14[%rem3A_153, %dma_wait3A_402, %dma_wait3A_403] : memref<2x8x125xi32, #tpu.memory_space<vmem>> -> memref<1x8x125xi32, #tpu.memory_space<vmem>>
        %dma_wait3A_405 = tpu.memref_squeeze %dma_wait3A_404 : memref<1x8x125xi32, #tpu.memory_space<vmem>> -> memref<8x125xi32, #tpu.memory_space<vmem>>
        %dma_wait3A_406 = arith.constant 0 : i32
        %dma_wait3A_407 = arith.constant 0 : i32
        %dma_wait3A_408 = tpu.memref_slice %arg3[%dma_wait3A_393, %add3A, %dma_wait3A_406, %dma_wait3A_407] : memref<2x32x80x125xi32, #tpu.memory_space<hbm>> -> memref<1x1x8x125xi32, #tpu.memory_space<hbm>>
        %dma_wait3A_409 = tpu.memref_squeeze %dma_wait3A_408 : memref<1x1x8x125xi32, #tpu.memory_space<hbm>> -> memref<8x125xi32, #tpu.memory_space<hbm>>
        tpu.wait_dma2 semaphore(%arg11 : memref<!tpu.dma_semaphore, #tpu.memory_space<semaphore_mem>>) src(%dma_wait3A_409 : memref<8x125xi32, #tpu.memory_space<hbm>>) dst(%dma_wait3A_405 : memref<8x125xi32, #tpu.memory_space<vmem>>)
        %dma_wait3A_410 = arith.constant 1 : i32
        %dma_wait3A_411 = arith.constant 0 : i32
        %dma_wait3A_412 = arith.constant 0 : i32
        %dma_wait3A_413 = tpu.memref_slice %arg8[%rem3A_153, %dma_wait3A_411, %dma_wait3A_412] : memref<2x8x125xi32, #tpu.memory_space<vmem>> -> memref<1x8x125xi32, #tpu.memory_space<vmem>>
        %dma_wait3A_414 = tpu.memref_squeeze %dma_wait3A_413 : memref<1x8x125xi32, #tpu.memory_space<vmem>> -> memref<8x125xi32, #tpu.memory_space<vmem>>
        %dma_wait3A_415 = arith.constant 0 : i32
        %dma_wait3A_416 = arith.constant 0 : i32
        %dma_wait3A_417 = tpu.memref_slice %arg3[%dma_wait3A_410, %add3A, %dma_wait3A_415, %dma_wait3A_416] : memref<2x32x80x125xi32, #tpu.memory_space<hbm>> -> memref<1x1x8x125xi32, #tpu.memory_space<hbm>>
        %dma_wait3A_418 = tpu.memref_squeeze %dma_wait3A_417 : memref<1x1x8x125xi32, #tpu.memory_space<hbm>> -> memref<8x125xi32, #tpu.memory_space<hbm>>
        %dma_wait3A_419 = arith.constant 0 : i32
        %dma_wait3A_420 = arith.constant 0 : i32
        %dma_wait3A_421 = tpu.memref_slice %arg8[%rem3A_153, %dma_wait3A_419, %dma_wait3A_420] : memref<2x8x125xi32, #tpu.memory_space<vmem>> -> memref<1x8x125xi32, #tpu.memory_space<vmem>>
        %dma_wait3A_422 = tpu.memref_squeeze %dma_wait3A_421 : memref<1x8x125xi32, #tpu.memory_space<vmem>> -> memref<8x125xi32, #tpu.memory_space<vmem>>
        %dma_wait3A_423 = arith.constant 0 : i32
        %dma_wait3A_424 = arith.constant 0 : i32
        %dma_wait3A_425 = tpu.memref_slice %arg3[%dma_wait3A_410, %add3A, %dma_wait3A_423, %dma_wait3A_424] : memref<2x32x80x125xi32, #tpu.memory_space<hbm>> -> memref<1x1x8x125xi32, #tpu.memory_space<hbm>>
        %dma_wait3A_426 = tpu.memref_squeeze %dma_wait3A_425 : memref<1x1x8x125xi32, #tpu.memory_space<hbm>> -> memref<8x125xi32, #tpu.memory_space<hbm>>
        tpu.wait_dma2 semaphore(%arg11 : memref<!tpu.dma_semaphore, #tpu.memory_space<semaphore_mem>>) src(%dma_wait3A_426 : memref<8x125xi32, #tpu.memory_space<hbm>>) dst(%dma_wait3A_422 : memref<8x125xi32, #tpu.memory_space<vmem>>)
        %dma_start3A_427 = arith.constant 0 : i32
        %dma_start3A_428 = arith.constant 0 : i32
        %dma_start3A_429 = tpu.memref_slice %arg14[%rem3A_153, %dma_start3A_427, %dma_start3A_428] : memref<2x8x125xi32, #tpu.memory_space<vmem>> -> memref<1x1x125xi32, #tpu.memory_space<vmem>>
        %dma_start3A_430 = tpu.memref_squeeze %dma_start3A_429 : memref<1x1x125xi32, #tpu.memory_space<vmem>> -> memref<125xi32, #tpu.memory_space<vmem>>
        %dma_start3A_431 = arith.constant 0 : i32
        %dma_start3A_432 = arith.constant 0 : i32
        %dma_start3A_433 = tpu.memref_slice %arg2[%dma_start3A_431, %dma_start3A_432] : memref<10000x128xi16, #tpu.memory_space<hbm>> -> memref<10000x128xi16, #tpu.memory_space<hbm>>
        tpu.enqueue_indirect_dma source(%dma_start3A_433 : memref<10000x128xi16, #tpu.memory_space<hbm>>) target(%arg6 : memref<125x128xi16, #tpu.memory_space<vmem>>) offsets(%dma_start3A_430 : memref<125xi32, #tpu.memory_space<vmem>>) semaphore(%arg9 : memref<!tpu.dma_semaphore, #tpu.memory_space<semaphore_mem>>)
      } else {
      }
      %scan3A_392 = arith.constant 0 : i32
      scf.yield %scan3A_392 : i32
    }
    %scan3A_133 = arith.constant 10 : i32
    %dma_wait3A_134 = arith.constant 0 : i32
    %dma_wait3A_135 = arith.constant 0 : i32
    %dma_wait3A_136 = arith.constant 0 : i32
    %dma_wait3A_137 = tpu.memref_slice %arg8[%dma_wait3A_134, %dma_wait3A_135, %dma_wait3A_136] : memref<2x8x125xi32, #tpu.memory_space<vmem>> -> memref<1x1x125xi32, #tpu.memory_space<vmem>>
    %dma_wait3A_138 = tpu.memref_squeeze %dma_wait3A_137 : memref<1x1x125xi32, #tpu.memory_space<vmem>> -> memref<125xi32, #tpu.memory_space<vmem>>
    %dma_wait3A_139 = arith.constant 0 : i32
    %dma_wait3A_140 = arith.constant 0 : i32
    %dma_wait3A_141 = tpu.memref_slice %arg5[%dma_wait3A_139, %dma_wait3A_140] : memref<10240x128xi16, #tpu.memory_space<vmem_shared>> -> memref<10240x128xi16, #tpu.memory_space<vmem_shared>>
    tpu.wait_indirect_dma semaphore(%arg16 : memref<!tpu.dma_semaphore, #tpu.memory_space<semaphore_mem>>) src(%arg7 : memref<125x128xi16, #tpu.memory_space<vmem>>) dst(%dma_wait3A_141 : memref<10240x128xi16, #tpu.memory_space<vmem_shared>>)
    %barrier3A_142 = arith.constant 0 : index
    tpu.barrier barrier_id(%barrier3A_142)
    %mul3A_143 = arith.constant 640 : i32
    %mul3A_144 = arith.muli %arg1, %mul3A_143 : i32
    %mul3A_145 = arith.constant 640 : i32
    %mul3A_146 = arith.muli %arg1, %mul3A_145 : i32
    "tpu.region"() ({
      %run_scoped3A = tpu.sem_alloc : memref<!tpu.dma_semaphore, #tpu.memory_space<semaphore_mem>>
      %dma_start3A_147 = arith.constant 0 : i32
      %dma_start3A_148 = tpu.memref_slice %arg4[%arg0, %mul3A_146, %dma_start3A_147] : memref<2x10240x128xi16, #tpu.memory_space<hbm>> -> memref<1x640x128xi16, #tpu.memory_space<hbm>>
      %dma_start3A_149 = tpu.memref_squeeze %dma_start3A_148 : memref<1x640x128xi16, #tpu.memory_space<hbm>> -> memref<640x128xi16, #tpu.memory_space<hbm>>
      %dma_start3A_150 = arith.constant 0 : i32
      %dma_start3A_151 = tpu.memref_slice %arg5[%mul3A_144, %dma_start3A_150] : memref<10240x128xi16, #tpu.memory_space<vmem_shared>> -> memref<640x128xi16, #tpu.memory_space<vmem_shared>>
      tpu.enqueue_dma source(%dma_start3A_151 : memref<640x128xi16, #tpu.memory_space<vmem_shared>>) target(%dma_start3A_149 : memref<640x128xi16, #tpu.memory_space<hbm>>) target_semaphore(%run_scoped3A : memref<!tpu.dma_semaphore, #tpu.memory_space<semaphore_mem>>)
      %dma_wait3A_152 = arith.constant 0 : i32
      %dma_wait3A_153 = tpu.memref_slice %arg4[%arg0, %mul3A_146, %dma_wait3A_152] : memref<2x10240x128xi16, #tpu.memory_space<hbm>> -> memref<1x640x128xi16, #tpu.memory_space<hbm>>
      %dma_wait3A_154 = tpu.memref_squeeze %dma_wait3A_153 : memref<1x640x128xi16, #tpu.memory_space<hbm>> -> memref<640x128xi16, #tpu.memory_space<hbm>>
      %dma_wait3A_155 = arith.constant 0 : i32
      %dma_wait3A_156 = tpu.memref_slice %arg5[%mul3A_144, %dma_wait3A_155] : memref<10240x128xi16, #tpu.memory_space<vmem_shared>> -> memref<640x128xi16, #tpu.memory_space<vmem_shared>>
      tpu.wait_dma2 semaphore(%run_scoped3A : memref<!tpu.dma_semaphore, #tpu.memory_space<semaphore_mem>>) src(%dma_wait3A_156 : memref<640x128xi16, #tpu.memory_space<vmem_shared>>) dst(%dma_wait3A_154 : memref<640x128xi16, #tpu.memory_space<hbm>>)
      tpu.yield
    }) : () -> ()
    return
  }
}

module attributes {stable_mosaic.version = 14 : i64} {
  func.func @_tc1_body(%arg0: memref<2x10240xf32, #tpu.memory_space<vmem>>, %arg1: memref<10000x128xf32, #tpu.memory_space<vmem>>, %arg2: memref<128x128xf32, #tpu.memory_space<vmem>>, %arg3: memref<10000x128xf32, #tpu.memory_space<vmem>>, %arg4: memref<1x1xf32, #tpu.memory_space<vmem>>) attributes {dimension_semantics = [], scalar_prefetch = 0 : i64, scratch_operands = 0 : i64, tpu.core_type = #tpu.core_type<tc>} {
    %get3A = arith.constant 0 : index
    %get3A_0 = arith.constant 0 : index
    %get3A_1 = vector.load %arg0[%get3A, %get3A_0] : memref<2x10240xf32, #tpu.memory_space<vmem>>, vector<2x10240xf32>
    %reduce_sum3A = arith.constant dense<0.000000e+00> : vector<10240xf32>
    %reduce_sum3A_2 = vector.multi_reduction <add>, %get3A_1, %reduce_sum3A [0] : vector<2x10240xf32> to vector<10240xf32>
    %add3A = arith.constant 1.000000e+00 : f32
    %add3A_3 = vector.broadcast %add3A : f32 to vector<10240xf32>
    %add3A_4 = arith.addf %reduce_sum3A_2, %add3A_3 : vector<10240xf32>
    %rsqrt3A = math.rsqrt %add3A_4 : vector<10240xf32>
    %slice3A = vector.extract_strided_slice %rsqrt3A {offsets = [0], sizes = [10000], strides = [1]} : vector<10240xf32> to vector<10000xf32>
    %broadcast_in_dim3A = vector.shape_cast %slice3A : vector<10000xf32> to vector<10000x1xf32>
    %get3A_5 = arith.constant 0 : index
    %get3A_6 = arith.constant 0 : index
    %get3A_7 = vector.load %arg1[%get3A_5, %get3A_6] : memref<10000x128xf32, #tpu.memory_space<vmem>>, vector<10000x128xf32>
    %get3A_8 = arith.constant 0 : index
    %get3A_9 = arith.constant 0 : index
    %get3A_10 = vector.load %arg2[%get3A_8, %get3A_9] : memref<128x128xf32, #tpu.memory_space<vmem>>, vector<128x128xf32>
    %dot_general3A = arith.constant dense<0.000000e+00> : vector<10000x128xf32>
    %dot_general3A_11 = tpu.matmul %get3A_7, %get3A_10, %dot_general3A {dimension_numbers = #tpu.dot_dimension_numbers<[1], [0], [0], [1], [0, 0, 1, 1], [], []>, transpose_lhs_hint = false} : vector<10000x128xf32>, vector<128x128xf32>, vector<10000x128xf32> -> vector<10000x128xf32>
    %mul3A = vector.broadcast %broadcast_in_dim3A : vector<10000x1xf32> to vector<10000x128xf32>
    %mul3A_12 = arith.mulf %dot_general3A_11, %mul3A : vector<10000x128xf32>
    %swap3A = arith.constant 0 : index
    %swap3A_13 = arith.constant 0 : index
    %swap3A_14 = vector.load %arg3[%swap3A, %swap3A_13] : memref<10000x128xf32, #tpu.memory_space<vmem>>, vector<10000x128xf32>
    tpu.vector_store %arg3[%swap3A, %swap3A_13], %mul3A_12 {strides = array<i32>} : memref<10000x128xf32, #tpu.memory_space<vmem>>, vector<10000x128xf32>,
    %reduce_max3A = vector.shape_cast %reduce_sum3A_2 : vector<10240xf32> to vector<1x10240xf32>
    %reduce_max3A_15 = arith.constant dense<0xFF800000> : vector<1xf32>
    %reduce_max3A_16 = vector.multi_reduction <maximumf>, %reduce_max3A, %reduce_max3A_15 [1] : vector<1x10240xf32> to vector<1xf32>
    %reduce_max3A_17 = vector.shape_cast %reduce_max3A_16 : vector<1xf32> to vector<1x1xf32>
    %reduce_max3A_18 = vector.extract %reduce_max3A_17[0, 0] : f32 from vector<1x1xf32>
    %add3A_19 = arith.constant 1.000000e+00 : f32
    %add3A_20 = arith.addf %reduce_max3A_18, %add3A_19 : f32
    %abs3A = math.absf %mul3A_12 : vector<10000x128xf32>
    %reduce_max3A_21 = vector.shape_cast %abs3A : vector<10000x128xf32> to vector<1x10000x128xf32>
    %reduce_max3A_22 = arith.constant dense<0xFF800000> : vector<1xf32>
    %reduce_max3A_23 = vector.multi_reduction <maximumf>, %reduce_max3A_21, %reduce_max3A_22 [1, 2] : vector<1x10000x128xf32> to vector<1xf32>
    %reduce_max3A_24 = vector.shape_cast %reduce_max3A_23 : vector<1xf32> to vector<1x1x1xf32>
    %reduce_max3A_25 = vector.extract %reduce_max3A_24[0, 0, 0] : f32 from vector<1x1x1xf32>
    %mul3A_26 = arith.constant 5.000000e-01 : f32
    %mul3A_27 = arith.mulf %mul3A_26, %add3A_20 : f32
    %sub3A = arith.constant 3.276700e+04 : f32
    %sub3A_28 = arith.subf %sub3A, %mul3A_27 : f32
    %sub3A_29 = arith.constant 2.000000e+00 : f32
    %sub3A_30 = arith.subf %sub3A_28, %sub3A_29 : f32
    %mul3A_31 = arith.mulf %add3A_20, %reduce_max3A_25 : f32
    %max3A = arith.constant 9.99999968E-21 : f32
    %max3A_32 = arith.maximumf %mul3A_31, %max3A : f32
    %div3A = arith.divf %sub3A_30, %max3A_32 : f32
    %broadcast_in_dim3A_33 = vector.broadcast %div3A : f32 to vector<1x1xf32>
    %swap3A_34 = arith.constant 0 : index
    %swap3A_35 = arith.constant 0 : index
    %swap3A_36 = vector.load %arg4[%swap3A_34, %swap3A_35] : memref<1x1xf32, #tpu.memory_space<vmem>>, vector<1x1xf32>
    tpu.vector_store %arg4[%swap3A_34, %swap3A_35], %broadcast_in_dim3A_33 {strides = array<i32>} : memref<1x1xf32, #tpu.memory_space<vmem>>, vector<1x1xf32>,
    return
  }
}

module attributes {stable_mosaic.version = 14 : i64} {
  func.func @_tc2_body(%arg0: memref<10000x128xf32, #tpu.memory_space<vmem>>, %arg1: memref<2x10240xf32, #tpu.memory_space<vmem>>, %arg2: memref<1x128xf32, #tpu.memory_space<vmem>>, %arg3: memref<128x128xf32, #tpu.memory_space<vmem>>, %arg4: memref<10000x128xf32, #tpu.memory_space<vmem>>, %arg5: memref<1x1xf32, #tpu.memory_space<vmem>>) attributes {dimension_semantics = [], scalar_prefetch = 0 : i64, scratch_operands = 0 : i64, tpu.core_type = #tpu.core_type<tc>} {
    %get3A = arith.constant 0 : index
    %get3A_0 = arith.constant 0 : index
    %get3A_1 = vector.load %arg1[%get3A, %get3A_0] : memref<2x10240xf32, #tpu.memory_space<vmem>>, vector<2x10240xf32>
    %reduce_sum3A = arith.constant dense<0.000000e+00> : vector<10240xf32>
    %reduce_sum3A_2 = vector.multi_reduction <add>, %get3A_1, %reduce_sum3A [0] : vector<2x10240xf32> to vector<10240xf32>
    %add3A = arith.constant 1.000000e+00 : f32
    %add3A_3 = vector.broadcast %add3A : f32 to vector<10240xf32>
    %add3A_4 = arith.addf %reduce_sum3A_2, %add3A_3 : vector<10240xf32>
    %rsqrt3A = math.rsqrt %add3A_4 : vector<10240xf32>
    %slice3A = vector.extract_strided_slice %rsqrt3A {offsets = [0], sizes = [10000], strides = [1]} : vector<10240xf32> to vector<10000xf32>
    %broadcast_in_dim3A = vector.shape_cast %slice3A : vector<10000xf32> to vector<10000x1xf32>
    %get3A_5 = arith.constant 0 : index
    %get3A_6 = arith.constant 0 : index
    %get3A_7 = vector.load %arg0[%get3A_5, %get3A_6] : memref<10000x128xf32, #tpu.memory_space<vmem>>, vector<10000x128xf32>
    %mul3A = vector.broadcast %broadcast_in_dim3A : vector<10000x1xf32> to vector<10000x128xf32>
    %mul3A_8 = arith.mulf %mul3A, %get3A_7 : vector<10000x128xf32>
    %get3A_9 = arith.constant 0 : index
    %get3A_10 = arith.constant 0 : index
    %get3A_11 = vector.load %arg2[%get3A_9, %get3A_10] : memref<1x128xf32, #tpu.memory_space<vmem>>, vector<1x128xf32>
    %add3A_12 = vector.broadcast %get3A_11 : vector<1x128xf32> to vector<10000x128xf32>
    %add3A_13 = arith.addf %mul3A_8, %add3A_12 : vector<10000x128xf32>
    %max3A = arith.constant 0.000000e+00 : f32
    %max3A_14 = vector.broadcast %max3A : f32 to vector<10000x128xf32>
    %max3A_15 = arith.maximumf %add3A_13, %max3A_14 : vector<10000x128xf32>
    %get3A_16 = arith.constant 0 : index
    %get3A_17 = arith.constant 0 : index
    %get3A_18 = vector.load %arg3[%get3A_16, %get3A_17] : memref<128x128xf32, #tpu.memory_space<vmem>>, vector<128x128xf32>
    %dot_general3A = arith.constant dense<0.000000e+00> : vector<10000x128xf32>
    %dot_general3A_19 = tpu.matmul %max3A_15, %get3A_18, %dot_general3A {dimension_numbers = #tpu.dot_dimension_numbers<[1], [0], [0], [1], [0, 0, 1, 1], [], []>, transpose_lhs_hint = false} : vector<10000x128xf32>, vector<128x128xf32>, vector<10000x128xf32> -> vector<10000x128xf32>
    %mul3A_20 = vector.broadcast %broadcast_in_dim3A : vector<10000x1xf32> to vector<10000x128xf32>
    %mul3A_21 = arith.mulf %mul3A_20, %dot_general3A_19 : vector<10000x128xf32>
    %swap3A = arith.constant 0 : index
    %swap3A_22 = arith.constant 0 : index
    %swap3A_23 = vector.load %arg4[%swap3A, %swap3A_22] : memref<10000x128xf32, #tpu.memory_space<vmem>>, vector<10000x128xf32>
    tpu.vector_store %arg4[%swap3A, %swap3A_22], %mul3A_21 {strides = array<i32>} : memref<10000x128xf32, #tpu.memory_space<vmem>>, vector<10000x128xf32>,
    %reduce_max3A = vector.shape_cast %reduce_sum3A_2 : vector<10240xf32> to vector<1x10240xf32>
    %reduce_max3A_24 = arith.constant dense<0xFF800000> : vector<1xf32>
    %reduce_max3A_25 = vector.multi_reduction <maximumf>, %reduce_max3A, %reduce_max3A_24 [1] : vector<1x10240xf32> to vector<1xf32>
    %reduce_max3A_26 = vector.shape_cast %reduce_max3A_25 : vector<1xf32> to vector<1x1xf32>
    %reduce_max3A_27 = vector.extract %reduce_max3A_26[0, 0] : f32 from vector<1x1xf32>
    %add3A_28 = arith.constant 1.000000e+00 : f32
    %add3A_29 = arith.addf %reduce_max3A_27, %add3A_28 : f32
    %abs3A = math.absf %mul3A_21 : vector<10000x128xf32>
    %reduce_max3A_30 = vector.shape_cast %abs3A : vector<10000x128xf32> to vector<1x10000x128xf32>
    %reduce_max3A_31 = arith.constant dense<0xFF800000> : vector<1xf32>
    %reduce_max3A_32 = vector.multi_reduction <maximumf>, %reduce_max3A_30, %reduce_max3A_31 [1, 2] : vector<1x10000x128xf32> to vector<1xf32>
    %reduce_max3A_33 = vector.shape_cast %reduce_max3A_32 : vector<1xf32> to vector<1x1x1xf32>
    %reduce_max3A_34 = vector.extract %reduce_max3A_33[0, 0, 0] : f32 from vector<1x1x1xf32>
    %mul3A_35 = arith.constant 5.000000e-01 : f32
    %mul3A_36 = arith.mulf %mul3A_35, %add3A_29 : f32
    %sub3A = arith.constant 3.276700e+04 : f32
    %sub3A_37 = arith.subf %sub3A, %mul3A_36 : f32
    %sub3A_38 = arith.constant 2.000000e+00 : f32
    %sub3A_39 = arith.subf %sub3A_37, %sub3A_38 : f32
    %mul3A_40 = arith.mulf %add3A_29, %reduce_max3A_34 : f32
    %max3A_41 = arith.constant 9.99999968E-21 : f32
    %max3A_42 = arith.maximumf %mul3A_40, %max3A_41 : f32
    %div3A = arith.divf %sub3A_39, %max3A_42 : f32
    %broadcast_in_dim3A_43 = vector.broadcast %div3A : f32 to vector<1x1xf32>
    %swap3A_44 = arith.constant 0 : index
    %swap3A_45 = arith.constant 0 : index
    %swap3A_46 = vector.load %arg5[%swap3A_44, %swap3A_45] : memref<1x1xf32, #tpu.memory_space<vmem>>, vector<1x1xf32>
    tpu.vector_store %arg5[%swap3A_44, %swap3A_45], %broadcast_in_dim3A_43 {strides = array<i32>} : memref<1x1xf32, #tpu.memory_space<vmem>>, vector<1x1xf32>,
    return
  }
}

module attributes {stable_mosaic.version = 14 : i64} {
  func.func @_tc3_body(%arg0: memref<10000x128xf32, #tpu.memory_space<vmem>>, %arg1: memref<2x10240xf32, #tpu.memory_space<vmem>>, %arg2: memref<1x128xf32, #tpu.memory_space<vmem>>, %arg3: memref<10000x128xf32, #tpu.memory_space<vmem>>) attributes {dimension_semantics = [], scalar_prefetch = 0 : i64, scratch_operands = 0 : i64, tpu.core_type = #tpu.core_type<tc>} {
    %get3A = arith.constant 0 : index
    %get3A_0 = arith.constant 0 : index
    %get3A_1 = vector.load %arg1[%get3A, %get3A_0] : memref<2x10240xf32, #tpu.memory_space<vmem>>, vector<2x10240xf32>
    %reduce_sum3A = arith.constant dense<0.000000e+00> : vector<10240xf32>
    %reduce_sum3A_2 = vector.multi_reduction <add>, %get3A_1, %reduce_sum3A [0] : vector<2x10240xf32> to vector<10240xf32>
    %add3A = arith.constant 1.000000e+00 : f32
    %add3A_3 = vector.broadcast %add3A : f32 to vector<10240xf32>
    %add3A_4 = arith.addf %reduce_sum3A_2, %add3A_3 : vector<10240xf32>
    %rsqrt3A = math.rsqrt %add3A_4 : vector<10240xf32>
    %slice3A = vector.extract_strided_slice %rsqrt3A {offsets = [0], sizes = [10000], strides = [1]} : vector<10240xf32> to vector<10000xf32>
    %broadcast_in_dim3A = vector.shape_cast %slice3A : vector<10000xf32> to vector<10000x1xf32>
    %get3A_5 = arith.constant 0 : index
    %get3A_6 = arith.constant 0 : index
    %get3A_7 = vector.load %arg0[%get3A_5, %get3A_6] : memref<10000x128xf32, #tpu.memory_space<vmem>>, vector<10000x128xf32>
    %mul3A = vector.broadcast %broadcast_in_dim3A : vector<10000x1xf32> to vector<10000x128xf32>
    %mul3A_8 = arith.mulf %mul3A, %get3A_7 : vector<10000x128xf32>
    %get3A_9 = arith.constant 0 : index
    %get3A_10 = arith.constant 0 : index
    %get3A_11 = vector.load %arg2[%get3A_9, %get3A_10] : memref<1x128xf32, #tpu.memory_space<vmem>>, vector<1x128xf32>
    %add3A_12 = vector.broadcast %get3A_11 : vector<1x128xf32> to vector<10000x128xf32>
    %add3A_13 = arith.addf %mul3A_8, %add3A_12 : vector<10000x128xf32>
    %swap3A = arith.constant 0 : index
    %swap3A_14 = arith.constant 0 : index
    %swap3A_15 = vector.load %arg3[%swap3A, %swap3A_14] : memref<10000x128xf32, #tpu.memory_space<vmem>>, vector<10000x128xf32>
    tpu.vector_store %arg3[%swap3A, %swap3A_14], %add3A_13 {strides = array<i32>} : memref<10000x128xf32, #tpu.memory_space<vmem>>, vector<10000x128xf32>,
    return
  }
}

</mosaic_0001>

<sc_bundles>
// kernel: kernel.11.cloned.1.call-start
scs
__scs_entry_jumppad:
0x0: {  	(pc) =	sbr.rel $0x88, $3  }
0x1: {  	(tag) =	ssettag $0x0;
	lr =	simm.s32 $0x1  }
0x2: {  	[smem:$0x3F9B] =	sst lr;
	_ =	strace $0xD0000000  }
0x3: {  	_ = 	snop  }
0x4: {  	_ = 	snop  }
0x5: {  	_ = 	snop  }
0x6: {  	_ = 	snop  }
0x7: {  	_ = 	snop  }
__scs_overlays_trampoline_lowered:
0x8: {  	[smem:$0x3FAA] =	sst s0  }
0x9: {  	[smem:$0x3FAB] =	sst s1  }
0xa: {  	[smem:$0x3FAC] =	sst s2  }
0xb: {  	[smem:$0x3FAD] =	sst s3  }
0xc: {  	[smem:$0x3FAE] =	sst s4  }
0xd: {  	[smem:$0x3FAF] =	sst s5  }
0xe: {  	[smem:$0x3FB0] =	sst s6  }
0xf: {  	[smem:$0x3FB1] =	sst s7  }
0x10: {  	[smem:$0x3FB2] =	sst s8  }
0x11: {  	[smem:$0x3FB3] =	sst s9;
	s0 =	simm.s32 @!p0 $0x0  }
0x12: {  	s1 =	sld [smem:$0x3F99];
	s0 =	simm.s32 @p0 $0x1  }
0x13: {  	[smem:$0x3FB4] =	sst s0;
	s0 =	simm.s32 @!p1 $0x0  }
0x14: {  	s2 =	sld [smem:$0x3F98];
	s0 =	simm.s32 @p1 $0x1  }
0x15: {  	[smem:$0x3FB5] =	sst s0;
	s0 =	simm.s32 @!p2 $0x0  }
0x16: {  	s3 =	sld [smem:$0x3FDB];
	s0 =	simm.s32 @p2 $0x1  }
0x17: {  	s4 =	simm.s32 $0x1BF5;
	[smem:$0x3FB7] =	sst s0  }
0x18: {  	s0 =	sld [smem:$0x3F9A];
	_ =	swait.ge [sflag:s4], $0x0  }
0x19: {  	s7 =	sld [smem:$0x3F9B]  }
0x1a: {  	s8 =	sadd.s32 $0xFFFFE003, lr  }
0x1b: {  	s9 =	sadd.s32 $0xFFFFFEF7, lr;
	s5 =	simm.s32 $0xFFFFFFFF;
	p2 =	slt.u32 s8, $0xFFFFF086  }
0x1c: {  	p1 =	slt.u32 s9, $0xF7A;
	s5 =	simm.s32 @!p2 $0x0  }
0x1d: {  	s5 =	simm.s32 @p1 $0x1;
	p0 =	seq.s32 s7, s2  }
0x1e: {  	s7 =	smul.u32 @!p0 $0xF7A, s2;
	p2 =	seq.s32 @!p0 s5, $0x0  }
0x1f: {  	s9 =	smul.u32 $0xF7A, s1;
	s8 =	simm.s32 @!p0 $0x1BF5;
	p2 =	por !p2, p0  }
0x20: {  	[sflag:s8] =	ssyncset.s32 @!p0 $0xFFFFF086;
	s6 =	sadd.s32 @!p0 s3, s7;
	s7 =	simm.s32 @!p0 $0x108  }
0x21: {  	s3 =	sadd.s32 s3, s9;
	s6 =	sadd.s32 @!p0 $0x88, s6;
	s7 =	simm.s32 @p2 $0x1082  }
0x22: {  	[simem:s7], [sflag:s8] =	dma.local @!p0 [hbm:s6], $0xF7A  }
0x23: {  	s9 =	sor.u32 $0xD0000000, s2;
	s6 =	simm.s32 $0x108;
	_ =	swait.ge @!p0 [sflag:s8], $0x0  }
0x24: {  	s3 =	sadd.s32 $0x88, s3;
	s6 =	simm.s32 @!p1 $0x1082;
	[sflag:s4] =	ssyncset.s32 $0xFFFFF086  }
0x25: {  	[simem:s6], [sflag:s4] =	dma.local [hbm:s3], $0xF7A  }
0x26: {  	[smem:$0x3F9B] =	sst s1;
	(tag) =	ssettag s2;
	_ =	strace s9  }
0x27: {  	s1 =	sld [smem:$0x3FAB]  }
0x28: {  	s2 =	sld [smem:$0x3FAC]  }
0x29: {  	s4 =	sld [smem:$0x3FAE]  }
0x2a: {  	p0 =	seq.s32 s5, $0x0;
	s5 =	sld [smem:$0x3FAF]  }
0x2b: {  	s6 =	sld [smem:$0x3FB0]  }
0x2c: {  	s7 =	sld [smem:$0x3FB1]  }
0x2d: {  	s3 =	simm.s32 $0x108;
	s8 =	sld [smem:$0x3FB2]  }
0x2e: {  	s3 =	simm.s32 @!p0 $0x1082;
	s9 =	sld [smem:$0x3FB3]  }
0x2f: {  	lr =	sadd.s32 s0, s3;
	s0 =	sld [smem:$0x3FAA]  }
0x30: {  	s3 =	sld [smem:$0x3FAD]  }
0x31: {  	[smem:$0x3FB6] =	sst s10  }
0x32: {  	s10 =	sld [smem:$0x3FB4];
	_ =	sdelay $0x3  }
0x33: {  	p0 =	seq.s32 s10, $0x1;
	s10 =	sld [smem:$0x3FB6];
	_ =	sdelay $0x3  }
0x34: {  	[smem:$0x3FB6] =	sst s10  }
0x35: {  	s10 =	sld [smem:$0x3FB5];
	_ =	sdelay $0x3  }
0x36: {  	p1 =	seq.s32 s10, $0x1;
	s10 =	sld [smem:$0x3FB6];
	_ =	sdelay $0x3  }
0x37: {  	[smem:$0x3FB6] =	sst s10  }
0x38: {  	s10 =	sld [smem:$0x3FB7]  }
0x39: {  	_ = 	snop;
	(pc) =	sbr.ind lr, $3  }
0x3a: {  	_ = 	snop  }
0x3b: {  	_ = 	snop  }
0x3c: {  	p2 =	seq.s32 s10, $0x1;
	s10 =	sld [smem:$0x3FB6]  }
0x3d: {  	_ =	shalt  }
0x3e: {  	_ =	shalt  }
0x3f: {  	_ =	shalt  }
0x40: {  	_ =	shalt  }
0x41: {  	_ =	shalt  }
0x42: {  	_ =	shalt  }
0x43: {  	_ =	shalt  }
0x44: {  	_ =	shalt  }
0x45: {  	_ =	shalt  }
0x46: {  	_ =	shalt  }
0x47: {  	_ =	shalt  }
0x48: {  	_ =	shalt  }
0x49: {  	_ =	shalt  }
0x4a: {  	_ =	shalt  }
0x4b: {  	_ =	shalt  }
0x4c: {  	_ =	shalt  }
0x4d: {  	_ =	shalt  }
0x4e: {  	_ =	shalt  }
0x4f: {  	_ =	shalt  }
0x50: {  	_ =	shalt  }
0x51: {  	_ =	shalt  }
0x52: {  	_ =	shalt  }
0x53: {  	_ =	shalt  }
0x54: {  	_ =	shalt  }
0x55: {  	_ =	shalt  }
0x56: {  	_ =	shalt  }
0x57: {  	_ =	shalt  }
0x58: {  	_ =	shalt  }
0x59: {  	_ =	shalt  }
0x5a: {  	_ =	shalt  }
0x5b: {  	_ =	shalt  }
0x5c: {  	_ =	shalt  }
0x5d: {  	_ =	shalt  }
0x5e: {  	_ =	shalt  }
0x5f: {  	_ =	shalt  }
0x60: {  	_ =	shalt  }
0x61: {  	_ =	shalt  }
0x62: {  	_ =	shalt  }
0x63: {  	_ =	shalt  }
0x64: {  	_ =	shalt  }
0x65: {  	_ =	shalt  }
0x66: {  	_ =	shalt  }
0x67: {  	_ =	shalt  }
0x68: {  	_ =	shalt  }
0x69: {  	_ =	shalt  }
0x6a: {  	_ =	shalt  }
0x6b: {  	_ =	shalt  }
0x6c: {  	_ =	shalt  }
0x6d: {  	_ =	shalt  }
0x6e: {  	_ =	shalt  }
0x6f: {  	_ =	shalt  }
0x70: {  	_ =	shalt  }
0x71: {  	_ =	shalt  }
0x72: {  	_ =	shalt  }
0x73: {  	_ =	shalt  }
0x74: {  	_ =	shalt  }
0x75: {  	_ =	shalt  }
0x76: {  	_ =	shalt  }
0x77: {  	_ =	shalt  }
0x78: {  	_ =	shalt  }
0x79: {  	_ =	shalt  }
0x7a: {  	_ =	shalt  }
0x7b: {  	_ =	shalt  }
0x7c: {  	_ =	shalt  }
0x7d: {  	_ =	shalt  }
0x7e: {  	_ =	shalt  }
0x7f: {  	_ =	shalt  }
0x80: {  	_ =	shalt  }
0x81: {  	_ =	shalt  }
0x82: {  	_ =	shalt  }
0x83: {  	_ =	shalt  }
0x84: {  	_ =	shalt  }
0x85: {  	_ =	shalt  }
0x86: {  	_ =	shalt  }
0x87: {  	_ =	shalt  }
.Lfunc_end0:
.L_simem_size_0:
called_computation.1_lowered:
.L_overlay_start_0:
0x88: {  	s2 =	sld [smem:$0x3FD9]  }
0x89: {  	s3 =	sld [smem:$0x3FFE];
	_ =	sdelay $0x1  }
0x8a: {  	s1 =	srdreg.scid  }
0x8b: {  	s0 =	sand.u32 $0x1, s1  }
0x8c: {  	s17 =	sshll.u32 s0, $0xA;
	s2 =	sadd.s32 s3, s2  }
0x8d: {  	s2 =	sadd.s32 s2, s17  }
0x8e: {  	[smem:$0x3FC2] =	sst s2  }
0x8f: {  	_ = 	snop  }
0x90: {  	s2 =	sld [smem:$0x3FD0];
	(tm) =	ssettm $0x1  }
0x91: {  	s18 =	sld [smem:$0x3FFB];
	_ =	sdelay $0x3  }
0x92: {  	_ =	strace s18  }
0x93: {  	s3 =	sld [smem:$0x3FFC];
	_ =	sdelay $0x3  }
0x94: {  	_ =	strace s3  }
0x95: {  	s3 =	sld [smem:$0x3FFD];
	_ =	sdelay $0x3  }
0x96: {  	_ =	strace s3  }
0x97: {  	_ =	strace $0x8FFFFFFF  }
0x98: {  	s19 =	sld [smem:$0x3FDB];
	_ =	sdelay $0x1  }
0x99: {  	s4 =	simm.s32 $_scs_section_size  }
0x9a: {  	s5 =	simm.s32 $_size__tile_overlayer_lowered;
	s6 =	simm.s32 $_tile_overlayer_lowered  }
0x9b: {  	s22 =	simm.s32 $0x1BFF;
	s21 =	sshll.u32 s6, $0x1;
	s3 =	sadd.s32 s4, s19  }
0x9c: {  	s7 =	simm.s32 $0x0;
	s20 =	sshll.u32 s5, $0x1;
	s5 =	sadd.s32 s21, s3  }
0x9d: {  	[timem:s7], [sflag:s22] =	dma.local [hbm:s5], s20  }
0x9e: {  	_ =	swait.ge [sflag:s22], s20  }
0x9f: {  	s4 =	ssub.s32 $0x0, s20;
	[sflag:s22] =	ssyncset.done $0x0  }
0xa0: {  	[sflag:s22] =	ssyncadd.s32 s4;
	_ =	sdelay $0x1  }
0xa1: {  	s23 =	simm.s32 $0x1B8B  }
0xa2: {  	_ =	swait.ge [sflag:s23], $0x1  }
0xa3: {  	[sflag:s23] =	ssyncset.done $0x0  }
0xa4: {  	s25 =	simm.s32 $0x1B8E;
	s24 =	sld [smem:$0x3FFE];
	[sflag:s23] =	ssyncadd.s32 $0xFFFFFFFF  }
0xa5: {  	s26 =	simm.s32 $execute0_lowered;
	[smem:$0x3FD2] =	sst s25  }
0xa6: {  	s5 =	sshll.u32 s26, $0x1;
	_ =	strace $0x80000049;
	[dreg:$0x1] =	wrdreg $0xFFFFFFFF  }
0xa7: {  	s28 =	simm.s32 $_size_execute0_lowered;
	s3 =	sadd.s32 s3, s5;
	[dreg:$0x0] =	wrdreg $0x0  }
0xa8: {  	s5 =	sshll.u32 s28, $0x1;
	[dreg:$0x2] =	wrdreg s3  }
0xa9: {  	[dreg:$0x3] =	wrdreg s5  }
0xaa: {  	[dreg:$0x4] =	wrdreg $0xC0  }
0xab: {  	_ =	task [dreg:s7], $0x5FFFF  }
0xac: {  	[dreg:$0x1] =	wrdreg $0xFFFFFFFF  }
0xad: {  	[dreg:$0x0] =	wrdreg $0x60  }
0xae: {  	[dreg:$0x2] =	wrdreg s24  }
0xaf: {  	[dreg:$0x3] =	wrdreg s2  }
0xb0: {  	[dreg:$0x4] =	wrdreg $0x0  }
0xb1: {  	[dreg:$0x5] =	wrdreg $0x9  }
0xb2: {  	_ =	task.clear_ibuf [dreg:s7], $0x6FFFF;
	_ =	strace $0x90000049  }
0xb3: {  	s29 =	simm.s32 $0x9;
	_ =	strace $0x8000004B  }
0xb4: {  	_ =	swait.ge [sflag:s29], $0x1  }
0xb5: {  	[sflag:s29] =	ssyncadd.s32 $0xFFFFFFFF  }
0xb6: {  	_ =	strace $0x9000004B  }
0xb7: {  	_ =	sfence  }
0xb8: {  	s30 =	sld [smem:$0x0];
	_ =	sdelay $0x2  }
0xb9: {  	s31 =	sshll.u32 s1, $0xD;
	s1 =	sshrl.u32 s1, $0x2  }
0xba: {  	s3 =	sand.u32 $0x4000, s31;
	s1 =	sadd.s32 s1, s30  }
0xbb: {  	s0 =	sor.u32 s3, s0;
	s1 =	sshll.u32 s1, $0x11  }
0xbc: {  	s0 =	sor.u32 s1, s0  }
0xbd: {  	s0 =	sadd.s32 $0x8F2B, s0  }
0xbe: {  	[sflag:s0] =	ssyncadd.remote.s32 $0x1  }
0xbf: {  	_ =	sfence.sel $0xFFFF  }
0xc0: {  	[dreg:$0x0] =	wrdreg $0xFFFFFFFF;
	(pc) =	sbr.abs _section_cstart, $3  }
0xc1: {  	[dreg:$0x1] =	wrdreg $0xFFFFFFFF  }
0xc2: {  	_ =	task.clear_ibuf [dreg:s7], $0x2FFFF;
	_ =	strace $0x9FFFFFFF  }
0xc3: {  	(tm) =	ssettm $0x7FFFFFFF  }
tec
execute0_lowered:
.L_overlay_start_1:
0x0: {  	(tag) =	ssettag $0x1  }
0x1: {  	s0 =	rddreg [dreg:$0x0]  }
0x2: {  	s7 =	rddreg [dreg:$0x1]  }
0x3: {  	s1 =	srdreg.scid;
	s12 =	stileid.u32  }
0x4: {  	s2 =	rddreg [dreg:$0x2];
	s5 =	smul.u32 $0x14000, s12  }
0x5: {  	s3 =	simm.s32 $0x0;
	s8 =	sand.u32 $0x1, s1;
	s10 =	smul.u32 $0x28000, s12  }
0x6: {  	[smem:$0x7FF] =	sst s3;
	s11 =	sshll.u32 s12, $0x1;
	s1 =	smul.u32 $0x140000, s8  }
0x7: {  	s4 =	sadd.s32 $0x1E00, s0;
	s14 =	sor.u32 s8, s11;
	s11 =	smul.u32 $0x1388, s12  }
0x8: {  	_ =	strace $0x8000004A;
	s6 =	ssub.s32 $0x2, s8;
	s15 =	smul.u32 $0x2800, s8  }
0x9: {  	s9 =	sshrl.u32 s6, $0x1;
	s13 =	sshrl.u32 s10, $0x2;
	s10 =	smul.u32 $0x2800, s14  }
0xa: {  	p0 =	sne.s32 s8, $0x0;
	s9 =	ssub.s32 s6, s9;
	s6 =	smul.u32 $0x271, s12  }
0xb: {  	s1 =	sadd.s32 s5, s1;
	s5 =	sshrl.u32 s5, $0x1;
	s12 =	smul.u32 $0x5000, s12  }
0xc: {  	s25 =	sadd.s32 s4, s11;
	s1 =	sshrl.u32 s1, $0x4;
	[dreg:$0x13] =	wrdreg s9  }
0xd: {  	s5 =	sadd.s32 s5, s2;
	s9 =	sadd.s32 s13, s2;
	[dreg:$0xd] =	wrdreg s25  }
0xe: {  	s10 =	sshrl.u32 s10, $0x3;
	s0 =	sadd.s32 s1, s0;
	s16 =	sadd.s32 $0x1000, s9  }
0xf: {  	s17 =	sadd.s32 $0x2000, s9;
	s18 =	sadd.s32 $0x3000, s9;
	[dreg:$0x14] =	wrdreg s0  }
0x10: {  	s19 =	sadd.s32 $0x4000, s9;
	s20 =	sadd.s32 $0x5000, s9;
	[dreg:$0x4] =	wrdreg s16  }
0x11: {  	s21 =	sadd.s32 $0x6000, s9;
	s22 =	sadd.s32 $0x7000, s9;
	[dreg:$0x5] =	wrdreg s17  }
0x12: {  	s23 =	sadd.s32 $0x8000, s9;
	s24 =	sadd.s32 $0x9000, s9;
	[dreg:$0x6] =	wrdreg s18  }
0x13: {  	s9 =	sadd.s32 $0x7D, s6;
	s12 =	sadd.s32 s15, s12;
	[dreg:$0x7] =	wrdreg s19  }
0x14: {  	s13 =	sadd.s32 s7, s10;
	s10 =	sadd.s32 $0xFA, s6;
	[dreg:$0x8] =	wrdreg s20  }
0x15: {  	s25 =	sadd.s32 $0xBD, s6;
	s28 =	sadd.s32 $0xDD, s6;
	[dreg:$0x9] =	wrdreg s21  }
0x16: {  	s29 =	sadd.s32 $0xEA, s6;
	s30 =	sadd.s32 $0x12A, s6;
	[dreg:$0xa] =	wrdreg s22  }
0x17: {  	s31 =	sadd.s32 $0x1B7, s6;
	s8 =	sadd.s32 $0x204, s6;
	[dreg:$0xb] =	wrdreg s23  }
0x18: {  	[dreg:$0xc] =	wrdreg s24;
	s26 =	sshll.u32 s9, $0x3;
	s15 =	sadd.s32 $0x50400, s12  }
0x19: {  	s12 =	sor.u32 $0x400, s12;
	s1 =	sshll.u32 s10, $0x3;
	s16 =	sadd.s32 $0x177, s6  }
0x1a: {  	s19 =	sadd.s32 $0x50, s6;
	s20 =	sadd.s32 $0x60, s6;
	s21 =	sadd.s32 $0x6D, s6  }
0x1b: {  	v39 =	vlaneseq.u32;
	s22 =	sadd.s32 $0x8D, s6;
	s23 =	sadd.s32 $0x9D, s6;
	s24 =	sadd.s32 $0xAD, s6  }
0x1c: {  	v7 =	vadd.s32 s9, v39;
	s9 =	sadd.s32 $0x167, s6;
	v13 =	vadd.s32 s28, v39;
	v15 =	vadd.s32 s10, v39;
	s10 =	sadd.s32 $0x214, s6;
	s28 =	simm.s32 $0x6  }
0x1d: {  	v14 =	vadd.s32 s29, v39;
	v18 =	vadd.s32 s30, v39;
	v28 =	vadd.s32 s31, v39;
	s29 =	simm.s32 $0xE680;
	s30 =	simm.s32 $0x7D;
	s31 =	simm.s32 $0x105C0  }
0x1e: {  	s0 =	sshrl.u32 s15, $0x3;
	s12 =	sshrl.u32 s12, $0x3;
	s11 =	sadd.s32 s4, s1  }
0x1f: {  	s15 =	sadd.s32 $0x10, s6;
	s1 =	sadd.s32 $0x30, s6;
	v4 =	vadd.s32 s19, v39;
	s19 =	sadd.s32 $0x15A, s6  }
0x20: {  	v5 =	vadd.s32 s20, v39;
	v6 =	vadd.s32 s21, v39;
	s20 =	sadd.s32 $0x187, s6;
	s21 =	sadd.s32 $0x197, s6;
	v8 =	vadd.s32 s22, v39;
	s22 =	sadd.s32 $0x1A7, s6  }
0x21: {  	v9 =	vadd.s32 s23, v39;
	v10 =	vadd.s32 s24, v39;
	s24 =	sadd.s32 $0x1C7, s6;
	s23 =	smov.u32 s13;
	s17 =	sadd.s32 s0, s7  }
0x22: {  	s18 =	sadd.s32 s12, s7;
	s7 =	sadd.s32 s4, s26;
	[dreg:$0xf] =	wrdreg s11  }
0x23: {  	s12 =	sshll.u32 s16, $0x3;
	s0 =	sadd.s32 $0x20, s6;
	[dreg:$0x15] =	wrdreg s24  }
0x24: {  	s26 =	sadd.s32 $0xCD, s6;
	s11 =	sadd.s32 $0x11A, s6;
	v21 =	vadd.s32 s19, v39;
	s19 =	rddreg [dreg:$0x14]  }
0x25: {  	v0 =	vadd.s32 s15, v39;
	v2 =	vadd.s32 s1, v39;
	s15 =	sadd.s32 $0x14A, s6;
	s1 =	sadd.s32 $0x1E4, s6;
	v25 =	vadd.s32 s20, v39;
	s20 =	rddreg [dreg:$0x13]  }
0x26: {  	[dreg:$0xe] =	wrdreg s7;
	s14 =	sadd.s32 s4, s12;
	s7 =	sadd.s32 $0x40, s6  }
0x27: {  	v1 =	vadd.s32 s0, v39;
	s12 =	sadd.s32 $0x13A, s6;
	s0 =	sadd.s32 $0x1F4, s6;
	v17 =	vadd.s32 s11, v39;
	s11 =	sadd.s32 $0x234, s6  }
0x28: {  	v23 =	vadd.s32 s9, v39;
	v20 =	vadd.s32 s15, v39;
	s15 =	sadd.s32 $0x254, s6;
	s9 =	sadd.s32 $0x15800, s19;
	s24 =	smax.u32 s20, $0x1  }
0x29: {  	v26 =	vadd.s32 s21, v39;
	s21 =	rddreg [dreg:$0x15];
	v31 =	vadd.s32 s1, v39;
	s1 =	simm.s32 $0x10640;
	s19 =	simm.s32 $0x3  }
0x2a: {  	v40 =	vimm.s32 $0x0;
	s20 =	simm.s32 $0xA000;
	[dreg:$0x10] =	wrdreg s14;
	s14 =	sadd.s32 $0x10A, s6  }
0x2b: {  	v11 =	vadd.s32 s25, v39;
	v3 =	vadd.s32 s7, v39;
	s7 =	sadd.s32 $0x1D7, s6;
	v19 =	vadd.s32 s12, v39;
	s12 =	sadd.s32 $0x244, s6;
	s25 =	sshll.u32 s0, $0x3  }
0x2c: {  	v22 =	vadd.s32 s6, v39;
	[dreg:$0x12] =	wrdreg s9;
	v29 =	vadd.s32 s21, v39;
	s21 =	simm.s32 $0x1;
	v16 =	vadd.s32 s14, v39;
	s14 =	sadd.s32 $0x224, s6  }
0x2d: {  	v33 =	vadd.s32 s8, v39;
	v12 =	vadd.s32 s26, v39;
	v32 =	vadd.s32 s0, v39;
	s0 =	simm.s32 $0xBF40;
	s26 =	sadd.s32 s4, s25;
	[dreg:$0x16] =	wrdreg s14  }
0x2e: {  	v24 =	vadd.s32 s16, v39;
	v34 =	vadd.s32 s10, v39;
	v38 =	vadd.s32 s15, v39;
	s15 =	simm.s32 $0x4;
	s6 =	sadd.s32 $0x261, s6;
	[dreg:$0x11] =	wrdreg s26  }
0x2f: {  	v27 =	vadd.s32 s22, v39;
	v36 =	vadd.s32 s11, v39;
	s25 =	sadd.s32 $0xA000, s13;
	v30 =	vadd.s32 s7, v39;
	s7 =	simm.s32 $0x0;
	s22 =	rddreg [dreg:$0x16]  }
0x30: {  	v37 =	vadd.s32 s12, v39;
	s26 =	simm.s32 $0x10E40;
	v35 =	vadd.s32 s22, v39;
	s22 =	simm.s32 $0x2;
	v39 =	vadd.s32 s6, v39;
	s6 =	simm.s32 $0x5  }
.LBB2_1:
0x31: {  	s9 =	simm.s32 $0x100;
	s8 =	simm.s32 $0x0  }
.LBB2_2:
0x32: {  	p1 =	sne.s32 s9, $0x3F00;
	[tilespmem:s8+$0x10E70] =	vst v40;
	s10 =	smov.u32 s9;
	s9 =	sadd.s32 $0x100, s9  }
.Ltmp0:
0x33: {  	[tilespmem:s8+$0x10E60] =	vst v40;
	(pc) =	sbr.rel @p1 .LBB2_2-.Ltmp0, $3  }
0x34: {  	[tilespmem:s8+$0x10E40] =	vst v40  }
0x35: {  	[tilespmem:s8+$0x10E50] =	vst v40;
	_ =	sdelay $0x1  }
0x36: {  	s8 =	sshra.s32 s10, $0x2  }
0x37: {  	[tilespmem:s8+$0x10E70] =	vst v40  }
0x38: {  	[tilespmem:s8+$0x10E60] =	vst v40  }
0x39: {  	[tilespmem:s8+$0x10E40] =	vst v40  }
0x3a: {  	[tilespmem:s8+$0x10E50] =	vst v40  }
0x3b: {  	[spmem:s5] =	stream.linear.scatter [tilespmem:s26], [sflag:$0x6], $0x1000, $0x38;
	[tilespmem:$0x11E40] =	vst v63  }
0x3c: {  	_ =	swait.ge [sflag:s28], $0x1000  }
0x3d: {  	[sflag:s28] =	ssyncset.done $0x0  }
0x3e: {  	s14 =	rddreg [dreg:$0x4];
	[sflag:s28] =	ssyncadd.s32 $0xFFFFF000  }
0x3f: {  	[spmem:s14] =	stream.linear.scatter [tilespmem:s26], [sflag:$0x6], $0x1000, $0x38;
	[tilespmem:$0x11E40] =	vst v63  }
0x40: {  	_ =	swait.ge [sflag:s28], $0x1000  }
0x41: {  	[sflag:s28] =	ssyncset.done $0x0  }
0x42: {  	s16 =	rddreg [dreg:$0x5];
	[sflag:s28] =	ssyncadd.s32 $0xFFFFF000  }
0x43: {  	[spmem:s16] =	stream.linear.scatter [tilespmem:s26], [sflag:$0x6], $0x1000, $0x38;
	[tilespmem:$0x11E40] =	vst v63  }
0x44: {  	_ =	swait.ge [sflag:s28], $0x1000  }
0x45: {  	[sflag:s28] =	ssyncset.done $0x0  }
0x46: {  	s9 =	rddreg [dreg:$0x6];
	[sflag:s28] =	ssyncadd.s32 $0xFFFFF000  }
0x47: {  	[spmem:s9] =	stream.linear.scatter [tilespmem:s26], [sflag:$0x6], $0x1000, $0x38;
	[tilespmem:$0x11E40] =	vst v63  }
0x48: {  	_ =	swait.ge [sflag:s28], $0x1000  }
0x49: {  	[sflag:s28] =	ssyncset.done $0x0  }
0x4a: {  	s10 =	rddreg [dreg:$0x7];
	[sflag:s28] =	ssyncadd.s32 $0xFFFFF000  }
0x4b: {  	[spmem:s10] =	stream.linear.scatter [tilespmem:s26], [sflag:$0x6], $0x1000, $0x38;
	[tilespmem:$0x11E40] =	vst v63  }
0x4c: {  	_ =	swait.ge [sflag:s28], $0x1000  }
0x4d: {  	[sflag:s28] =	ssyncset.done $0x0  }
0x4e: {  	s11 =	rddreg [dreg:$0x8];
	[sflag:s28] =	ssyncadd.s32 $0xFFFFF000  }
0x4f: {  	[spmem:s11] =	stream.linear.scatter [tilespmem:s26], [sflag:$0x6], $0x1000, $0x38;
	[tilespmem:$0x11E40] =	vst v63  }
0x50: {  	_ =	swait.ge [sflag:s28], $0x1000  }
0x51: {  	[sflag:s28] =	ssyncset.done $0x0  }
0x52: {  	s12 =	rddreg [dreg:$0x9];
	[sflag:s28] =	ssyncadd.s32 $0xFFFFF000  }
0x53: {  	[spmem:s12] =	stream.linear.scatter [tilespmem:s26], [sflag:$0x6], $0x1000, $0x38;
	[tilespmem:$0x11E40] =	vst v63  }
0x54: {  	_ =	swait.ge [sflag:s28], $0x1000  }
0x55: {  	[sflag:s28] =	ssyncset.done $0x0  }
0x56: {  	s13 =	rddreg [dreg:$0xa];
	[sflag:s28] =	ssyncadd.s32 $0xFFFFF000  }
0x57: {  	[spmem:s13] =	stream.linear.scatter [tilespmem:s26], [sflag:$0x6], $0x1000, $0x38;
	[tilespmem:$0x11E40] =	vst v63  }
0x58: {  	_ =	swait.ge [sflag:s28], $0x1000  }
0x59: {  	[sflag:s28] =	ssyncset.done $0x0  }
0x5a: {  	s14 =	rddreg [dreg:$0xb];
	[sflag:s28] =	ssyncadd.s32 $0xFFFFF000  }
0x5b: {  	[spmem:s14] =	stream.linear.scatter [tilespmem:s26], [sflag:$0x6], $0x1000, $0x38;
	[tilespmem:$0x11E40] =	vst v63  }
0x5c: {  	_ =	swait.ge [sflag:s28], $0x1000  }
0x5d: {  	[sflag:s28] =	ssyncset.done $0x0  }
0x5e: {  	s16 =	rddreg [dreg:$0xc];
	[sflag:s28] =	ssyncadd.s32 $0xFFFFF000  }
0x5f: {  	[spmem:s16] =	stream.linear.scatter [tilespmem:s26], [sflag:$0x6], $0x1000, $0x38;
	[tilespmem:$0x11E40] =	vst v63  }
.Ltmp1:
0x60: {  	_ =	swait.ge [sflag:s28], $0x1000;
	(pc) =	sbr.rel @p0 .LBB2_5-.Ltmp1, $3  }
0x61: {  	[sflag:s28] =	ssyncset.done $0x0  }
0x62: {  	[sflag:s28] =	ssyncadd.s32 $0xFFFFF000  }
0x63: {  	[bflag:$0x0] =	sbarrier.arrive $0xFFFF;
	_ =	sdelay $0x1  }
0x64: {  	[tilespmem:$0x105C0] =	vst v22  }
0x65: {  	[tilespmem:$0x105D0] =	vst v0  }
0x66: {  	[tilespmem:$0x105E0] =	vst v1  }
0x67: {  	[tilespmem:$0x105F0] =	vst v2  }
0x68: {  	[tilespmem:$0x10600] =	vst v3  }
0x69: {  	[tilespmem:$0x10610] =	vst v4  }
0x6a: {  	[tilespmem:$0x10620] =	vst v5  }
0x6b: {  	s8 =	rddreg [dreg:$0xd];
	[tilespmem:$0x1062D] =	vst v6  }
0x6c: {  	[tilespmem:s29], [sflag:$0x6] =	stream.linear.gather [hbm4b:s8+s3], $0x1F40, $0x38;
	[tilespmem:$0x11E40] =	vst v63  }
0x6d: {  	_ =	swait.ge [sflag:s28], $0x1F40  }
0x6e: {  	[sflag:s28] =	ssyncset.done $0x0  }
0x6f: {  	[sflag:s28] =	ssyncadd.s32 $0xFFFFE0C0  }
0x70: {  	[spmem:s2] =	stream.indirect.scatter.add.s16 [tilespmem:s29], [sflag:$0x6], $0x40, s31, s30, $0xb8;
	[tilespmem:$0x11E40] =	vst v63  }
0x71: {  	_ =	swait.ge [sflag:s28], $0x1F40  }
0x72: {  	[sflag:s28] =	ssyncset.done $0x0  }
0x73: {  	[sflag:s28] =	ssyncadd.s32 $0xFFFFE0C0  }
0x74: {  	[tilespmem:$0x105C0] =	vst v7  }
0x75: {  	[tilespmem:$0x105D0] =	vst v8  }
0x76: {  	[tilespmem:$0x105E0] =	vst v9  }
0x77: {  	[tilespmem:$0x105F0] =	vst v10  }
0x78: {  	[tilespmem:$0x10600] =	vst v11  }
0x79: {  	[tilespmem:$0x10610] =	vst v12  }
0x7a: {  	[tilespmem:$0x10620] =	vst v13  }
0x7b: {  	s12 =	rddreg [dreg:$0xe];
	[tilespmem:$0x1062D] =	vst v14  }
0x7c: {  	[tilespmem:s29], [sflag:$0x6] =	stream.linear.gather [hbm4b:s12+s3], $0x1F40, $0x38;
	[tilespmem:$0x11E40] =	vst v63  }
0x7d: {  	_ =	swait.ge [sflag:s28], $0x1F40  }
0x7e: {  	[sflag:s28] =	ssyncset.done $0x0  }
0x7f: {  	[sflag:s28] =	ssyncadd.s32 $0xFFFFE0C0  }
0x80: {  	[spmem:s2] =	stream.indirect.scatter.add.s16 [tilespmem:s29], [sflag:$0x6], $0x40, s31, s30, $0xb8;
	[tilespmem:$0x11E40] =	vst v63  }
0x81: {  	_ =	swait.ge [sflag:s28], $0x1F40  }
0x82: {  	[sflag:s28] =	ssyncset.done $0x0  }
0x83: {  	[sflag:s28] =	ssyncadd.s32 $0xFFFFE0C0  }
0x84: {  	[tilespmem:$0x105C0] =	vst v15  }
0x85: {  	[tilespmem:$0x105D0] =	vst v16  }
0x86: {  	[tilespmem:$0x105E0] =	vst v17  }
0x87: {  	[tilespmem:$0x105F0] =	vst v18  }
0x88: {  	[tilespmem:$0x10600] =	vst v19  }
0x89: {  	[tilespmem:$0x10610] =	vst v20  }
0x8a: {  	[tilespmem:$0x10620] =	vst v21  }
0x8b: {  	s13 =	rddreg [dreg:$0xf];
	[tilespmem:$0x1062D] =	vst v23  }
0x8c: {  	[tilespmem:s29], [sflag:$0x6] =	stream.linear.gather [hbm4b:s13+s3], $0x1F40, $0x38;
	[tilespmem:$0x11E40] =	vst v63  }
0x8d: {  	_ =	swait.ge [sflag:s28], $0x1F40  }
0x8e: {  	[sflag:s28] =	ssyncset.done $0x0  }
0x8f: {  	[sflag:s28] =	ssyncadd.s32 $0xFFFFE0C0  }
0x90: {  	[spmem:s2] =	stream.indirect.scatter.add.s16 [tilespmem:s29], [sflag:$0x6], $0x40, s31, s30, $0xb8;
	[tilespmem:$0x11E40] =	vst v63  }
0x91: {  	_ =	swait.ge [sflag:s28], $0x1F40  }
0x92: {  	[sflag:s28] =	ssyncset.done $0x0  }
0x93: {  	[sflag:s28] =	ssyncadd.s32 $0xFFFFE0C0  }
0x94: {  	[tilespmem:$0x105C0] =	vst v24  }
0x95: {  	[tilespmem:$0x105D0] =	vst v25  }
0x96: {  	[tilespmem:$0x105E0] =	vst v26  }
0x97: {  	[tilespmem:$0x105F0] =	vst v27  }
0x98: {  	[tilespmem:$0x10600] =	vst v28  }
0x99: {  	[tilespmem:$0x10610] =	vst v29  }
0x9a: {  	[tilespmem:$0x10620] =	vst v30  }
0x9b: {  	s14 =	rddreg [dreg:$0x10];
	[tilespmem:$0x1062D] =	vst v31  }
0x9c: {  	[tilespmem:s29], [sflag:$0x6] =	stream.linear.gather [hbm4b:s14+s3], $0x1F40, $0x38;
	[tilespmem:$0x11E40] =	vst v63  }
0x9d: {  	_ =	swait.ge [sflag:s28], $0x1F40  }
0x9e: {  	[sflag:s28] =	ssyncset.done $0x0  }
0x9f: {  	[sflag:s28] =	ssyncadd.s32 $0xFFFFE0C0  }
0xa0: {  	[spmem:s2] =	stream.indirect.scatter.add.s16 [tilespmem:s29], [sflag:$0x6], $0x40, s31, s30, $0xb8;
	[tilespmem:$0x11E40] =	vst v63  }
0xa1: {  	_ =	swait.ge [sflag:s28], $0x1F40  }
0xa2: {  	[sflag:s28] =	ssyncset.done $0x0  }
0xa3: {  	[sflag:s28] =	ssyncadd.s32 $0xFFFFE0C0  }
0xa4: {  	[tilespmem:$0x105C0] =	vst v32  }
0xa5: {  	[tilespmem:$0x105D0] =	vst v33  }
0xa6: {  	[tilespmem:$0x105E0] =	vst v34  }
0xa7: {  	[tilespmem:$0x105F0] =	vst v35  }
0xa8: {  	[tilespmem:$0x10600] =	vst v36  }
0xa9: {  	[tilespmem:$0x10610] =	vst v37  }
0xaa: {  	[tilespmem:$0x10620] =	vst v38  }
0xab: {  	s16 =	rddreg [dreg:$0x11];
	[tilespmem:$0x1062D] =	vst v39  }
0xac: {  	[tilespmem:s29], [sflag:$0x6] =	stream.linear.gather [hbm4b:s16+s3], $0x1F40, $0x38;
	[tilespmem:$0x11E40] =	vst v63  }
0xad: {  	_ =	swait.ge [sflag:s28], $0x1F40  }
0xae: {  	[sflag:s28] =	ssyncset.done $0x0  }
0xaf: {  	[sflag:s28] =	ssyncadd.s32 $0xFFFFE0C0  }
0xb0: {  	[spmem:s2] =	stream.indirect.scatter.add.s16 [tilespmem:s29], [sflag:$0x6], $0x40, s31, s30, $0xb8;
	[tilespmem:$0x11E40] =	vst v63  }
0xb1: {  	_ =	swait.ge [sflag:s28], $0x1F40  }
0xb2: {  	[sflag:s28] =	ssyncset.done $0x0  }
0xb3: {  	[sflag:s28] =	ssyncadd.s32 $0xFFFFE0C0  }
.LBB2_5:
0xb4: {  	s8 =	simm.s32 $0x0  }
0xb5: {  	[tilespmem:s1], [sflag:$0x3] =	stream.linear.gather [hbm4b:s23+s8], $0x400, $0x38;
	[tilespmem:$0x11E40] =	vst v63  }
0xb6: {  	s9 =	simm.s32 $0xDE80  }
0xb7: {  	[tilespmem:s9], [sflag:$0x3] =	stream.linear.gather [hbm4b:s25+s8], $0x400, $0x38;
	[tilespmem:$0x11E40] =	vst v63  }
0xb8: {  	_ =	swait.ge [sflag:s19], $0x400  }
0xb9: {  	[sflag:s19] =	ssyncset.done $0x0  }
0xba: {  	[sflag:s19] =	ssyncadd.s32 $0xFFFFFC00  }
0xbb: {  	_ =	swait.ge [sflag:s19], $0x400  }
0xbc: {  	[sflag:s19] =	ssyncset.done $0x0  }
0xbd: {  	s10 =	simm.s32 $0x0;
	s9 =	simm.s32 $0x1;
	[sflag:s19] =	ssyncadd.s32 $0xFFFFFC00  }
0xbe: {  	[tilespmem:s20], [sflag:$0x1] =	stream.indirect.gather [hbm4b:s4+s30], $0x40, s1, s30, $0xb8;
	[tilespmem:$0x11E40] =	vst v63  }
.LBB2_6:
0xbf: {  	_ =	swait.ge [sflag:s21], $0x1F40  }
0xc0: {  	s12 =	sand.u32 $0x400, s8;
	p1 =	seq.s32 s10, $0x0;
	[sflag:s21] =	ssyncset.done $0x0  }
0xc1: {  	s11 =	sadd.s32 $0xDE80, s12;
	s13 =	simm.s32 @!p1 $0x5;
	[sflag:s21] =	ssyncadd.s32 $0xFFFFE0C0  }
0xc2: {  	[spmem:s2] =	stream.indirect.scatter.add.s16 [tilespmem:s20], [sflag:$0x4], $0x40, s11, s30, $0xb8;
	[tilespmem:$0x11E40] =	vst v63  }
0xc3: {  	p2 =	seq.s32 @!p1 s10, $0x480;
	_ =	swait.ge @!p1 [sflag:s13], $0x1F40  }
0xc4: {  	p2 =	por p1, !p2;
	s11 =	sand.u32 $0x1, s9;
	[sflag:s13] =	ssyncset.done @!p1 $0x0  }
0xc5: {  	[sflag:s13] =	ssyncadd.s32 @!p1 $0xFFFFE0C0;
	s13 =	sshll.u32 @p2 s11, $0xA  }
0xc6: {  	s16 =	sadd.s32 @p2 s10, s18;
	s14 =	sadd.s32 @p2 $0x10640, s13  }
0xc7: {  	[tilespmem:s14], [sflag:$0x3] =	stream.linear.gather @p2 [hbm4b:s16+s3], $0x400, $0x38;
	[tilespmem:$0x11E40] =	vst v63  }
0xc8: {  	s13 =	sadd.s32 @p2 $0xDE80, s13;
	s14 =	sadd.s32 @p2 s10, s17  }
0xc9: {  	[tilespmem:s13], [sflag:$0x3] =	stream.linear.gather @p2 [hbm4b:s14+s3], $0x400, $0x38;
	[tilespmem:$0x11E40] =	vst v63  }
0xca: {  	s16 =	sadd.s32 $0x106C0, s12  }
0xcb: {  	[tilespmem:s0], [sflag:$0x2] =	stream.indirect.gather [hbm4b:s4+s30], $0x40, s16, s30, $0xb8;
	[tilespmem:$0x11E40] =	vst v63  }
0xcc: {  	_ =	swait.ge [sflag:s22], $0x1F40  }
0xcd: {  	[sflag:s22] =	ssyncset.done $0x0  }
0xce: {  	s14 =	sadd.s32 $0xDF00, s12;
	[sflag:s22] =	ssyncadd.s32 $0xFFFFE0C0  }
0xcf: {  	[spmem:s2] =	stream.indirect.scatter.add.s16 [tilespmem:s0], [sflag:$0x5], $0x40, s14, s30, $0xb8;
	[tilespmem:$0x11E40] =	vst v63  }
0xd0: {  	_ =	swait.ge [sflag:s15], $0x1F40  }
0xd1: {  	[sflag:s15] =	ssyncset.done $0x0  }
0xd2: {  	s16 =	sadd.s32 $0x10740, s12;
	[sflag:s15] =	ssyncadd.s32 $0xFFFFE0C0  }
0xd3: {  	[tilespmem:s20], [sflag:$0x1] =	stream.indirect.gather [hbm4b:s4+s30], $0x40, s16, s30, $0xb8;
	[tilespmem:$0x11E40] =	vst v63  }
0xd4: {  	_ =	swait.ge [sflag:s21], $0x1F40  }
0xd5: {  	[sflag:s21] =	ssyncset.done $0x0  }
0xd6: {  	s14 =	sadd.s32 $0xDF80, s12;
	[sflag:s21] =	ssyncadd.s32 $0xFFFFE0C0  }
0xd7: {  	[spmem:s2] =	stream.indirect.scatter.add.s16 [tilespmem:s20], [sflag:$0x4], $0x40, s14, s30, $0xb8;
	[tilespmem:$0x11E40] =	vst v63  }
0xd8: {  	_ =	swait.ge [sflag:s6], $0x1F40  }
0xd9: {  	[sflag:s6] =	ssyncset.done $0x0  }
0xda: {  	s16 =	sadd.s32 $0x107C0, s12;
	[sflag:s6] =	ssyncadd.s32 $0xFFFFE0C0  }
0xdb: {  	[tilespmem:s0], [sflag:$0x2] =	stream.indirect.gather [hbm4b:s4+s30], $0x40, s16, s30, $0xb8;
	[tilespmem:$0x11E40] =	vst v63  }
0xdc: {  	_ =	swait.ge [sflag:s22], $0x1F40  }
0xdd: {  	[sflag:s22] =	ssyncset.done $0x0  }
0xde: {  	s14 =	sor.u32 $0xE000, s12;
	[sflag:s22] =	ssyncadd.s32 $0xFFFFE0C0  }
0xdf: {  	[spmem:s2] =	stream.indirect.scatter.add.s16 [tilespmem:s0], [sflag:$0x5], $0x40, s14, s30, $0xb8;
	[tilespmem:$0x11E40] =	vst v63  }
0xe0: {  	_ =	swait.ge [sflag:s15], $0x1F40  }
0xe1: {  	[sflag:s15] =	ssyncset.done $0x0  }
0xe2: {  	s16 =	sadd.s32 $0x10840, s12;
	[sflag:s15] =	ssyncadd.s32 $0xFFFFE0C0  }
0xe3: {  	[tilespmem:s20], [sflag:$0x1] =	stream.indirect.gather [hbm4b:s4+s30], $0x40, s16, s30, $0xb8;
	[tilespmem:$0x11E40] =	vst v63  }
0xe4: {  	_ =	swait.ge [sflag:s21], $0x1F40  }
0xe5: {  	[sflag:s21] =	ssyncset.done $0x0  }
0xe6: {  	s14 =	sadd.s32 $0xE080, s12;
	[sflag:s21] =	ssyncadd.s32 $0xFFFFE0C0  }
0xe7: {  	[spmem:s2] =	stream.indirect.scatter.add.s16 [tilespmem:s20], [sflag:$0x4], $0x40, s14, s30, $0xb8;
	[tilespmem:$0x11E40] =	vst v63  }
0xe8: {  	_ =	swait.ge [sflag:s6], $0x1F40  }
0xe9: {  	[sflag:s6] =	ssyncset.done $0x0  }
0xea: {  	s16 =	sadd.s32 $0x108C0, s12;
	[sflag:s6] =	ssyncadd.s32 $0xFFFFE0C0  }
0xeb: {  	[tilespmem:s0], [sflag:$0x2] =	stream.indirect.gather [hbm4b:s4+s30], $0x40, s16, s30, $0xb8;
	[tilespmem:$0x11E40] =	vst v63  }
0xec: {  	_ =	swait.ge [sflag:s22], $0x1F40  }
0xed: {  	[sflag:s22] =	ssyncset.done $0x0  }
0xee: {  	s14 =	sadd.s32 $0xE100, s12;
	[sflag:s22] =	ssyncadd.s32 $0xFFFFE0C0  }
0xef: {  	[spmem:s2] =	stream.indirect.scatter.add.s16 [tilespmem:s0], [sflag:$0x5], $0x40, s14, s30, $0xb8;
	[tilespmem:$0x11E40] =	vst v63  }
0xf0: {  	_ =	swait.ge [sflag:s15], $0x1F40  }
0xf1: {  	[sflag:s15] =	ssyncset.done $0x0  }
0xf2: {  	s16 =	sadd.s32 $0x10940, s12;
	[sflag:s15] =	ssyncadd.s32 $0xFFFFE0C0  }
0xf3: {  	[tilespmem:s20], [sflag:$0x1] =	stream.indirect.gather [hbm4b:s4+s30], $0x40, s16, s30, $0xb8;
	[tilespmem:$0x11E40] =	vst v63  }
0xf4: {  	_ =	swait.ge [sflag:s21], $0x1F40  }
0xf5: {  	[sflag:s21] =	ssyncset.done $0x0  }
0xf6: {  	s14 =	sadd.s32 $0xE180, s12;
	[sflag:s21] =	ssyncadd.s32 $0xFFFFE0C0  }
0xf7: {  	[spmem:s2] =	stream.indirect.scatter.add.s16 [tilespmem:s20], [sflag:$0x4], $0x40, s14, s30, $0xb8;
	[tilespmem:$0x11E40] =	vst v63  }
0xf8: {  	_ =	swait.ge [sflag:s6], $0x1F40  }
0xf9: {  	[sflag:s6] =	ssyncset.done $0x0  }
0xfa: {  	s16 =	sadd.s32 $0x109C0, s12;
	[sflag:s6] =	ssyncadd.s32 $0xFFFFE0C0  }
0xfb: {  	[tilespmem:s0], [sflag:$0x2] =	stream.indirect.gather [hbm4b:s4+s30], $0x40, s16, s30, $0xb8;
	[tilespmem:$0x11E40] =	vst v63  }
0xfc: {  	_ =	swait.ge [sflag:s22], $0x1F40  }
0xfd: {  	[sflag:s22] =	ssyncset.done $0x0  }
0xfe: {  	s12 =	sadd.s32 $0xE200, s12;
	[sflag:s22] =	ssyncadd.s32 $0xFFFFE0C0  }
0xff: {  	[spmem:s2] =	stream.indirect.scatter.add.s16 [tilespmem:s0], [sflag:$0x5], $0x40, s12, s30, $0xb8;
	[tilespmem:$0x11E40] =	vst v63  }
0x100: {  	p1 =	por @!p1 $0x1, $0x1;
	_ =	swait.ge [sflag:s15], $0x1F40  }
0x101: {  	p1 =	por @p2 $0x0, $0x0;
	[sflag:s15] =	ssyncset.done $0x0  }
0x102: {  	s12 =	simm.s32 @!p1 $0x3;
	[sflag:s15] =	ssyncadd.s32 $0xFFFFE0C0  }
0x103: {  	_ =	swait.ge @!p1 [sflag:s12], $0x400  }
0x104: {  	[sflag:s12] =	ssyncset.done @!p1 $0x0  }
0x105: {  	[sflag:s12] =	ssyncadd.s32 @!p1 $0xFFFFFC00  }
0x106: {  	s11 =	sshll.u32 @!p1 s11, $0xA;
	_ =	swait.ge @!p1 [sflag:s12], $0x400  }
0x107: {  	s10 =	sadd.s32 $0x80, s10;
	s11 =	sadd.s32 @!p1 $0x10640, s11;
	[sflag:s12] =	ssyncset.done @!p1 $0x0  }
0x108: {  	s13 =	simm.s32 @!p1 $0xA000;
	[sflag:s12] =	ssyncadd.s32 @!p1 $0xFFFFFC00;
	s12 =	simm.s32 @!p1 $0x7D  }
0x109: {  	[tilespmem:s13], [sflag:$0x1] =	stream.indirect.gather @!p1 [hbm4b:s4+s12], $0x40, s11, s12, $0xb8;
	[tilespmem:$0x11E40] =	vst v63  }
0x10a: {  	p1 =	sne.s32 s10, $0x500  }
.Ltmp2:
0x10b: {  	_ = 	snop;
	(pc) =	sbr.rel @p1 .LBB2_6-.Ltmp2, $2  }
0x10c: {  	_ =	sdelay $0x2  }
0x10d: {  	s8 =	sadd.s32 $0x400, s8;
	s9 =	sadd.s32 $0x1, s9  }
0x10e: {  	_ =	swait.ge [sflag:s6], $0x1F40  }
0x10f: {  	s8 =	stileid.u32;
	[sflag:s6] =	ssyncset.done $0x0  }
0x110: {  	s9 =	sshrl.u32 s5, $0x3;
	s7 =	sadd.s32 $0x1, s7;
	[sflag:s6] =	ssyncadd.s32 $0xFFFFE0C0  }
0x111: {  	s8 =	sshll.u32 s8, $0x6;
	p1 =	sne.s32 s7, s24;
	[bflag:$0x0] =	sbarrier.arrive $0xFFFF  }
.Ltmp3:
0x112: {  	s8 =	sor.u32 $0x1C06, s8;
	s10 =	rddreg [dreg:$0x12];
	(pc) =	sbr.rel @p1 .LBB2_1-.Ltmp3, $4  }
0x113: {  	[hbm:s10], [sflag:s8] =	dma.local [spmem:s9], $0x1400  }
0x114: {  	_ =	swait.ge [sflag:s28], $0x1400  }
0x115: {  	[sflag:s28] =	ssyncset.done $0x0  }
0x116: {  	[sflag:s28] =	ssyncadd.s32 $0xFFFFEC00  }
0x117: {  	_ =	sfence.sel $0x180000  }
0x118: {  	[bflag:$0x0] =	sbarrier.arrive $0xFFFF  }
0x119: {  	_ =	strace $0x9000004A  }
0x11a: {  	s0 =	stileid.u32;
	[bflag:$0x2] =	sbarrier.arrive $0xFFFF  }
0x11b: {  	p0 =	sne.s32 s0, $0x0;
	s0 =	rddreg [dreg:$0x3]  }
0x11c: {  	s0 =	sadd.s32 @!p0 $0x100000, s0  }
0x11d: {  	[sflag:s0] =	ssyncadd.tile.s32 @!p0 $0x1;
	_ =	shalt  }
.Lfunc_end2:
_tile_overlayer_lowered:
.L_overlay_start_2:
0x11e: {  	(tag) =	ssettag $0x2  }
0x11f: {  	s0 =	rddreg [dreg:$0x0];
	s2 =	stileid.u32  }
0x120: {  	s1 =	rddreg [dreg:$0x1];
	p0 =	sne.s32 s2, $0x0  }
0x121: {  	s3 =	rddreg [dreg:$0x2];
	[bflag:$0x3] =	sbarrier.arrive $0xFFFF;
	s2 =	simm.s32 @!p0 $0x1C06  }
0x122: {  	[timem:s3], [sflag:s2] =	dma.local @!p0 [hbm:s0], s1  }
0x123: {  	s0 =	simm.s32 @!p0 $0x6  }
0x124: {  	_ =	swait.ge @!p0 [sflag:s0], s1  }
0x125: {  	s1 =	ssub.s32 @!p0 $0x0, s1;
	[sflag:s0] =	ssyncset.done @!p0 $0x0  }
0x126: {  	[sflag:s0] =	ssyncadd.s32 @!p0 s1  }
0x127: {  	[bflag:$0x3] =	sbarrier.arrive $0xFFFF  }
0x128: {  	_ =	shalt  }

// kernel: kernel.14.cloned.1.call-start
scs
__scs_entry_jumppad:
0x0: {  	(pc) =	sbr.rel $0x88, $3  }
0x1: {  	(tag) =	ssettag $0x0;
	lr =	simm.s32 $0x1  }
0x2: {  	[smem:$0x3F9B] =	sst lr;
	_ =	strace $0xD0000000  }
0x3: {  	_ = 	snop  }
0x4: {  	_ = 	snop  }
0x5: {  	_ = 	snop  }
0x6: {  	_ = 	snop  }
0x7: {  	_ = 	snop  }
__scs_overlays_trampoline_lowered:
0x8: {  	[smem:$0x3FAA] =	sst s0  }
0x9: {  	[smem:$0x3FAB] =	sst s1  }
0xa: {  	[smem:$0x3FAC] =	sst s2  }
0xb: {  	[smem:$0x3FAD] =	sst s3  }
0xc: {  	[smem:$0x3FAE] =	sst s4  }
0xd: {  	[smem:$0x3FAF] =	sst s5  }
0xe: {  	[smem:$0x3FB0] =	sst s6  }
0xf: {  	[smem:$0x3FB1] =	sst s7  }
0x10: {  	[smem:$0x3FB2] =	sst s8  }
0x11: {  	[smem:$0x3FB3] =	sst s9;
	s0 =	simm.s32 @!p0 $0x0  }
0x12: {  	s1 =	sld [smem:$0x3F99];
	s0 =	simm.s32 @p0 $0x1  }
0x13: {  	[smem:$0x3FB4] =	sst s0;
	s0 =	simm.s32 @!p1 $0x0  }
0x14: {  	s2 =	sld [smem:$0x3F98];
	s0 =	simm.s32 @p1 $0x1  }
0x15: {  	[smem:$0x3FB5] =	sst s0;
	s0 =	simm.s32 @!p2 $0x0  }
0x16: {  	s3 =	sld [smem:$0x3FDB];
	s0 =	simm.s32 @p2 $0x1  }
0x17: {  	s4 =	simm.s32 $0x1BF5;
	[smem:$0x3FB7] =	sst s0  }
0x18: {  	s0 =	sld [smem:$0x3F9A];
	_ =	swait.ge [sflag:s4], $0x0  }
0x19: {  	s7 =	sld [smem:$0x3F9B]  }
0x1a: {  	s8 =	sadd.s32 $0xFFFFE003, lr  }
0x1b: {  	s9 =	sadd.s32 $0xFFFFFEF7, lr;
	s5 =	simm.s32 $0xFFFFFFFF;
	p2 =	slt.u32 s8, $0xFFFFF086  }
0x1c: {  	p1 =	slt.u32 s9, $0xF7A;
	s5 =	simm.s32 @!p2 $0x0  }
0x1d: {  	s5 =	simm.s32 @p1 $0x1;
	p0 =	seq.s32 s7, s2  }
0x1e: {  	s7 =	smul.u32 @!p0 $0xF7A, s2;
	p2 =	seq.s32 @!p0 s5, $0x0  }
0x1f: {  	s9 =	smul.u32 $0xF7A, s1;
	s8 =	simm.s32 @!p0 $0x1BF5;
	p2 =	por !p2, p0  }
0x20: {  	[sflag:s8] =	ssyncset.s32 @!p0 $0xFFFFF086;
	s6 =	sadd.s32 @!p0 s3, s7;
	s7 =	simm.s32 @!p0 $0x108  }
0x21: {  	s3 =	sadd.s32 s3, s9;
	s6 =	sadd.s32 @!p0 $0x88, s6;
	s7 =	simm.s32 @p2 $0x1082  }
0x22: {  	[simem:s7], [sflag:s8] =	dma.local @!p0 [hbm:s6], $0xF7A  }
0x23: {  	s9 =	sor.u32 $0xD0000000, s2;
	s6 =	simm.s32 $0x108;
	_ =	swait.ge @!p0 [sflag:s8], $0x0  }
0x24: {  	s3 =	sadd.s32 $0x88, s3;
	s6 =	simm.s32 @!p1 $0x1082;
	[sflag:s4] =	ssyncset.s32 $0xFFFFF086  }
0x25: {  	[simem:s6], [sflag:s4] =	dma.local [hbm:s3], $0xF7A  }
0x26: {  	[smem:$0x3F9B] =	sst s1;
	(tag) =	ssettag s2;
	_ =	strace s9  }
0x27: {  	s1 =	sld [smem:$0x3FAB]  }
0x28: {  	s2 =	sld [smem:$0x3FAC]  }
0x29: {  	s4 =	sld [smem:$0x3FAE]  }
0x2a: {  	p0 =	seq.s32 s5, $0x0;
	s5 =	sld [smem:$0x3FAF]  }
0x2b: {  	s6 =	sld [smem:$0x3FB0]  }
0x2c: {  	s7 =	sld [smem:$0x3FB1]  }
0x2d: {  	s3 =	simm.s32 $0x108;
	s8 =	sld [smem:$0x3FB2]  }
0x2e: {  	s3 =	simm.s32 @!p0 $0x1082;
	s9 =	sld [smem:$0x3FB3]  }
0x2f: {  	lr =	sadd.s32 s0, s3;
	s0 =	sld [smem:$0x3FAA]  }
0x30: {  	s3 =	sld [smem:$0x3FAD]  }
0x31: {  	[smem:$0x3FB6] =	sst s10  }
0x32: {  	s10 =	sld [smem:$0x3FB4];
	_ =	sdelay $0x3  }
0x33: {  	p0 =	seq.s32 s10, $0x1;
	s10 =	sld [smem:$0x3FB6];
	_ =	sdelay $0x3  }
0x34: {  	[smem:$0x3FB6] =	sst s10  }
0x35: {  	s10 =	sld [smem:$0x3FB5];
	_ =	sdelay $0x3  }
0x36: {  	p1 =	seq.s32 s10, $0x1;
	s10 =	sld [smem:$0x3FB6];
	_ =	sdelay $0x3  }
0x37: {  	[smem:$0x3FB6] =	sst s10  }
0x38: {  	s10 =	sld [smem:$0x3FB7]  }
0x39: {  	_ = 	snop;
	(pc) =	sbr.ind lr, $3  }
0x3a: {  	_ = 	snop  }
0x3b: {  	_ = 	snop  }
0x3c: {  	p2 =	seq.s32 s10, $0x1;
	s10 =	sld [smem:$0x3FB6]  }
0x3d: {  	_ =	shalt  }
0x3e: {  	_ =	shalt  }
0x3f: {  	_ =	shalt  }
0x40: {  	_ =	shalt  }
0x41: {  	_ =	shalt  }
0x42: {  	_ =	shalt  }
0x43: {  	_ =	shalt  }
0x44: {  	_ =	shalt  }
0x45: {  	_ =	shalt  }
0x46: {  	_ =	shalt  }
0x47: {  	_ =	shalt  }
0x48: {  	_ =	shalt  }
0x49: {  	_ =	shalt  }
0x4a: {  	_ =	shalt  }
0x4b: {  	_ =	shalt  }
0x4c: {  	_ =	shalt  }
0x4d: {  	_ =	shalt  }
0x4e: {  	_ =	shalt  }
0x4f: {  	_ =	shalt  }
0x50: {  	_ =	shalt  }
0x51: {  	_ =	shalt  }
0x52: {  	_ =	shalt  }
0x53: {  	_ =	shalt  }
0x54: {  	_ =	shalt  }
0x55: {  	_ =	shalt  }
0x56: {  	_ =	shalt  }
0x57: {  	_ =	shalt  }
0x58: {  	_ =	shalt  }
0x59: {  	_ =	shalt  }
0x5a: {  	_ =	shalt  }
0x5b: {  	_ =	shalt  }
0x5c: {  	_ =	shalt  }
0x5d: {  	_ =	shalt  }
0x5e: {  	_ =	shalt  }
0x5f: {  	_ =	shalt  }
0x60: {  	_ =	shalt  }
0x61: {  	_ =	shalt  }
0x62: {  	_ =	shalt  }
0x63: {  	_ =	shalt  }
0x64: {  	_ =	shalt  }
0x65: {  	_ =	shalt  }
0x66: {  	_ =	shalt  }
0x67: {  	_ =	shalt  }
0x68: {  	_ =	shalt  }
0x69: {  	_ =	shalt  }
0x6a: {  	_ =	shalt  }
0x6b: {  	_ =	shalt  }
0x6c: {  	_ =	shalt  }
0x6d: {  	_ =	shalt  }
0x6e: {  	_ =	shalt  }
0x6f: {  	_ =	shalt  }
0x70: {  	_ =	shalt  }
0x71: {  	_ =	shalt  }
0x72: {  	_ =	shalt  }
0x73: {  	_ =	shalt  }
0x74: {  	_ =	shalt  }
0x75: {  	_ =	shalt  }
0x76: {  	_ =	shalt  }
0x77: {  	_ =	shalt  }
0x78: {  	_ =	shalt  }
0x79: {  	_ =	shalt  }
0x7a: {  	_ =	shalt  }
0x7b: {  	_ =	shalt  }
0x7c: {  	_ =	shalt  }
0x7d: {  	_ =	shalt  }
0x7e: {  	_ =	shalt  }
0x7f: {  	_ =	shalt  }
0x80: {  	_ =	shalt  }
0x81: {  	_ =	shalt  }
0x82: {  	_ =	shalt  }
0x83: {  	_ =	shalt  }
0x84: {  	_ =	shalt  }
0x85: {  	_ =	shalt  }
0x86: {  	_ =	shalt  }
0x87: {  	_ =	shalt  }
.Lfunc_end0:
.L_simem_size_0:
called_computation.2_lowered:
.L_overlay_start_0:
0x88: {  	s2 =	sld [smem:$0x3FD9]  }
0x89: {  	s3 =	sld [smem:$0x3FFE];
	_ =	sdelay $0x1  }
0x8a: {  	s1 =	srdreg.scid  }
0x8b: {  	s0 =	sand.u32 $0x1, s1  }
0x8c: {  	s17 =	sshll.u32 s0, $0xA;
	s2 =	sadd.s32 s3, s2  }
0x8d: {  	s2 =	sadd.s32 s2, s17  }
0x8e: {  	[smem:$0x3FC2] =	sst s2  }
0x8f: {  	_ = 	snop  }
0x90: {  	s2 =	sld [smem:$0x3FD0];
	(tm) =	ssettm $0x1  }
0x91: {  	s18 =	sld [smem:$0x3FFB];
	_ =	sdelay $0x3  }
0x92: {  	_ =	strace s18  }
0x93: {  	s3 =	sld [smem:$0x3FFC];
	_ =	sdelay $0x3  }
0x94: {  	_ =	strace s3  }
0x95: {  	s3 =	sld [smem:$0x3FFD];
	_ =	sdelay $0x3  }
0x96: {  	_ =	strace s3  }
0x97: {  	_ =	strace $0x8FFFFFFF  }
0x98: {  	s19 =	sld [smem:$0x3FDB];
	_ =	sdelay $0x1  }
0x99: {  	s4 =	simm.s32 $_scs_section_size  }
0x9a: {  	s5 =	simm.s32 $_size__tile_overlayer_lowered;
	s6 =	simm.s32 $_tile_overlayer_lowered  }
0x9b: {  	s22 =	simm.s32 $0x1BFF;
	s21 =	sshll.u32 s6, $0x1;
	s3 =	sadd.s32 s4, s19  }
0x9c: {  	s7 =	simm.s32 $0x0;
	s20 =	sshll.u32 s5, $0x1;
	s5 =	sadd.s32 s21, s3  }
0x9d: {  	[timem:s7], [sflag:s22] =	dma.local [hbm:s5], s20  }
0x9e: {  	_ =	swait.ge [sflag:s22], s20  }
0x9f: {  	s4 =	ssub.s32 $0x0, s20;
	[sflag:s22] =	ssyncset.done $0x0  }
0xa0: {  	[sflag:s22] =	ssyncadd.s32 s4;
	_ =	sdelay $0x1  }
0xa1: {  	s23 =	simm.s32 $0x1B8B  }
0xa2: {  	_ =	swait.ge [sflag:s23], $0x1  }
0xa3: {  	[sflag:s23] =	ssyncset.done $0x0  }
0xa4: {  	s25 =	simm.s32 $0x1B8E;
	s24 =	sld [smem:$0x3FFE];
	[sflag:s23] =	ssyncadd.s32 $0xFFFFFFFF  }
0xa5: {  	s26 =	simm.s32 $execute0_lowered;
	[smem:$0x3FD2] =	sst s25  }
0xa6: {  	s5 =	sshll.u32 s26, $0x1;
	_ =	strace $0x8000004C;
	[dreg:$0x1] =	wrdreg $0xFFFFFFFF  }
0xa7: {  	s28 =	simm.s32 $_size_execute0_lowered;
	s3 =	sadd.s32 s3, s5;
	[dreg:$0x0] =	wrdreg $0x0  }
0xa8: {  	s5 =	sshll.u32 s28, $0x1;
	[dreg:$0x2] =	wrdreg s3  }
0xa9: {  	[dreg:$0x3] =	wrdreg s5  }
0xaa: {  	[dreg:$0x4] =	wrdreg $0xC0  }
0xab: {  	_ =	task [dreg:s7], $0x5FFFF  }
0xac: {  	[dreg:$0x1] =	wrdreg $0xFFFFFFFF  }
0xad: {  	[dreg:$0x0] =	wrdreg $0x60  }
0xae: {  	[dreg:$0x2] =	wrdreg s24  }
0xaf: {  	[dreg:$0x3] =	wrdreg s2  }
0xb0: {  	[dreg:$0x4] =	wrdreg $0x0  }
0xb1: {  	[dreg:$0x5] =	wrdreg $0x9  }
0xb2: {  	_ =	task.clear_ibuf [dreg:s7], $0x6FFFF;
	_ =	strace $0x9000004C  }
0xb3: {  	s29 =	simm.s32 $0x9;
	_ =	strace $0x8000004E  }
0xb4: {  	_ =	swait.ge [sflag:s29], $0x1  }
0xb5: {  	[sflag:s29] =	ssyncadd.s32 $0xFFFFFFFF  }
0xb6: {  	_ =	strace $0x9000004E  }
0xb7: {  	_ =	sfence  }
0xb8: {  	s30 =	sld [smem:$0x0];
	_ =	sdelay $0x2  }
0xb9: {  	s31 =	sshll.u32 s1, $0xD;
	s1 =	sshrl.u32 s1, $0x2  }
0xba: {  	s3 =	sand.u32 $0x4000, s31;
	s1 =	sadd.s32 s1, s30  }
0xbb: {  	s0 =	sor.u32 s3, s0;
	s1 =	sshll.u32 s1, $0x11  }
0xbc: {  	s0 =	sor.u32 s1, s0  }
0xbd: {  	s0 =	sadd.s32 $0x8F2B, s0  }
0xbe: {  	[sflag:s0] =	ssyncadd.remote.s32 $0x1  }
0xbf: {  	_ =	sfence.sel $0xFFFF  }
0xc0: {  	[dreg:$0x0] =	wrdreg $0xFFFFFFFF;
	(pc) =	sbr.abs _section_cstart, $3  }
0xc1: {  	[dreg:$0x1] =	wrdreg $0xFFFFFFFF  }
0xc2: {  	_ =	task.clear_ibuf [dreg:s7], $0x2FFFF;
	_ =	strace $0x9FFFFFFF  }
0xc3: {  	(tm) =	ssettm $0x7FFFFFFF  }
tec
execute0_lowered:
.L_overlay_start_1:
0x0: {  	(tag) =	ssettag $0x1  }
0x1: {  	s0 =	rddreg [dreg:$0x0]  }
0x2: {  	s7 =	rddreg [dreg:$0x1]  }
0x3: {  	s1 =	srdreg.scid;
	s12 =	stileid.u32  }
0x4: {  	s2 =	rddreg [dreg:$0x2];
	s5 =	smul.u32 $0x14000, s12  }
0x5: {  	s3 =	simm.s32 $0x0;
	s8 =	sand.u32 $0x1, s1;
	s10 =	smul.u32 $0x28000, s12  }
0x6: {  	[smem:$0x7FF] =	sst s3;
	s11 =	sshll.u32 s12, $0x1;
	s1 =	smul.u32 $0x140000, s8  }
0x7: {  	s4 =	sadd.s32 $0x1E00, s0;
	s14 =	sor.u32 s8, s11;
	s11 =	smul.u32 $0x1388, s12  }
0x8: {  	_ =	strace $0x8000004D;
	s6 =	ssub.s32 $0x2, s8;
	s15 =	smul.u32 $0x2800, s8  }
0x9: {  	s9 =	sshrl.u32 s6, $0x1;
	s13 =	sshrl.u32 s10, $0x2;
	s10 =	smul.u32 $0x2800, s14  }
0xa: {  	p0 =	sne.s32 s8, $0x0;
	s9 =	ssub.s32 s6, s9;
	s6 =	smul.u32 $0x271, s12  }
0xb: {  	s1 =	sadd.s32 s5, s1;
	s5 =	sshrl.u32 s5, $0x1;
	s12 =	smul.u32 $0x5000, s12  }
0xc: {  	s25 =	sadd.s32 s4, s11;
	s1 =	sshrl.u32 s1, $0x4;
	[dreg:$0x13] =	wrdreg s9  }
0xd: {  	s5 =	sadd.s32 s5, s2;
	s9 =	sadd.s32 s13, s2;
	[dreg:$0xd] =	wrdreg s25  }
0xe: {  	s10 =	sshrl.u32 s10, $0x3;
	s0 =	sadd.s32 s1, s0;
	s16 =	sadd.s32 $0x1000, s9  }
0xf: {  	s17 =	sadd.s32 $0x2000, s9;
	s18 =	sadd.s32 $0x3000, s9;
	[dreg:$0x14] =	wrdreg s0  }
0x10: {  	s19 =	sadd.s32 $0x4000, s9;
	s20 =	sadd.s32 $0x5000, s9;
	[dreg:$0x4] =	wrdreg s16  }
0x11: {  	s21 =	sadd.s32 $0x6000, s9;
	s22 =	sadd.s32 $0x7000, s9;
	[dreg:$0x5] =	wrdreg s17  }
0x12: {  	s23 =	sadd.s32 $0x8000, s9;
	s24 =	sadd.s32 $0x9000, s9;
	[dreg:$0x6] =	wrdreg s18  }
0x13: {  	s9 =	sadd.s32 $0x7D, s6;
	s12 =	sadd.s32 s15, s12;
	[dreg:$0x7] =	wrdreg s19  }
0x14: {  	s13 =	sadd.s32 s7, s10;
	s10 =	sadd.s32 $0xFA, s6;
	[dreg:$0x8] =	wrdreg s20  }
0x15: {  	s25 =	sadd.s32 $0xBD, s6;
	s28 =	sadd.s32 $0xDD, s6;
	[dreg:$0x9] =	wrdreg s21  }
0x16: {  	s29 =	sadd.s32 $0xEA, s6;
	s30 =	sadd.s32 $0x12A, s6;
	[dreg:$0xa] =	wrdreg s22  }
0x17: {  	s31 =	sadd.s32 $0x1B7, s6;
	s8 =	sadd.s32 $0x204, s6;
	[dreg:$0xb] =	wrdreg s23  }
0x18: {  	[dreg:$0xc] =	wrdreg s24;
	s26 =	sshll.u32 s9, $0x3;
	s15 =	sadd.s32 $0x50400, s12  }
0x19: {  	s12 =	sor.u32 $0x400, s12;
	s1 =	sshll.u32 s10, $0x3;
	s16 =	sadd.s32 $0x177, s6  }
0x1a: {  	s19 =	sadd.s32 $0x50, s6;
	s20 =	sadd.s32 $0x60, s6;
	s21 =	sadd.s32 $0x6D, s6  }
0x1b: {  	v39 =	vlaneseq.u32;
	s22 =	sadd.s32 $0x8D, s6;
	s23 =	sadd.s32 $0x9D, s6;
	s24 =	sadd.s32 $0xAD, s6  }
0x1c: {  	v7 =	vadd.s32 s9, v39;
	s9 =	sadd.s32 $0x167, s6;
	v13 =	vadd.s32 s28, v39;
	v15 =	vadd.s32 s10, v39;
	s10 =	sadd.s32 $0x214, s6;
	s28 =	simm.s32 $0x6  }
0x1d: {  	v14 =	vadd.s32 s29, v39;
	v18 =	vadd.s32 s30, v39;
	v28 =	vadd.s32 s31, v39;
	s29 =	simm.s32 $0xE680;
	s30 =	simm.s32 $0x7D;
	s31 =	simm.s32 $0x105C0  }
0x1e: {  	s0 =	sshrl.u32 s15, $0x3;
	s12 =	sshrl.u32 s12, $0x3;
	s11 =	sadd.s32 s4, s1  }
0x1f: {  	s15 =	sadd.s32 $0x10, s6;
	s1 =	sadd.s32 $0x30, s6;
	v4 =	vadd.s32 s19, v39;
	s19 =	sadd.s32 $0x15A, s6  }
0x20: {  	v5 =	vadd.s32 s20, v39;
	v6 =	vadd.s32 s21, v39;
	s20 =	sadd.s32 $0x187, s6;
	s21 =	sadd.s32 $0x197, s6;
	v8 =	vadd.s32 s22, v39;
	s22 =	sadd.s32 $0x1A7, s6  }
0x21: {  	v9 =	vadd.s32 s23, v39;
	v10 =	vadd.s32 s24, v39;
	s24 =	sadd.s32 $0x1C7, s6;
	s23 =	smov.u32 s13;
	s17 =	sadd.s32 s0, s7  }
0x22: {  	s18 =	sadd.s32 s12, s7;
	s7 =	sadd.s32 s4, s26;
	[dreg:$0xf] =	wrdreg s11  }
0x23: {  	s12 =	sshll.u32 s16, $0x3;
	s0 =	sadd.s32 $0x20, s6;
	[dreg:$0x15] =	wrdreg s24  }
0x24: {  	s26 =	sadd.s32 $0xCD, s6;
	s11 =	sadd.s32 $0x11A, s6;
	v21 =	vadd.s32 s19, v39;
	s19 =	rddreg [dreg:$0x14]  }
0x25: {  	v0 =	vadd.s32 s15, v39;
	v2 =	vadd.s32 s1, v39;
	s15 =	sadd.s32 $0x14A, s6;
	s1 =	sadd.s32 $0x1E4, s6;
	v25 =	vadd.s32 s20, v39;
	s20 =	rddreg [dreg:$0x13]  }
0x26: {  	[dreg:$0xe] =	wrdreg s7;
	s14 =	sadd.s32 s4, s12;
	s7 =	sadd.s32 $0x40, s6  }
0x27: {  	v1 =	vadd.s32 s0, v39;
	s12 =	sadd.s32 $0x13A, s6;
	s0 =	sadd.s32 $0x1F4, s6;
	v17 =	vadd.s32 s11, v39;
	s11 =	sadd.s32 $0x234, s6  }
0x28: {  	v23 =	vadd.s32 s9, v39;
	v20 =	vadd.s32 s15, v39;
	s15 =	sadd.s32 $0x254, s6;
	s9 =	sadd.s32 $0x15800, s19;
	s24 =	smax.u32 s20, $0x1  }
0x29: {  	v26 =	vadd.s32 s21, v39;
	s21 =	rddreg [dreg:$0x15];
	v31 =	vadd.s32 s1, v39;
	s1 =	simm.s32 $0x10640;
	s19 =	simm.s32 $0x3  }
0x2a: {  	v40 =	vimm.s32 $0x0;
	s20 =	simm.s32 $0xA000;
	[dreg:$0x10] =	wrdreg s14;
	s14 =	sadd.s32 $0x10A, s6  }
0x2b: {  	v11 =	vadd.s32 s25, v39;
	v3 =	vadd.s32 s7, v39;
	s7 =	sadd.s32 $0x1D7, s6;
	v19 =	vadd.s32 s12, v39;
	s12 =	sadd.s32 $0x244, s6;
	s25 =	sshll.u32 s0, $0x3  }
0x2c: {  	v22 =	vadd.s32 s6, v39;
	[dreg:$0x12] =	wrdreg s9;
	v29 =	vadd.s32 s21, v39;
	s21 =	simm.s32 $0x1;
	v16 =	vadd.s32 s14, v39;
	s14 =	sadd.s32 $0x224, s6  }
0x2d: {  	v33 =	vadd.s32 s8, v39;
	v12 =	vadd.s32 s26, v39;
	v32 =	vadd.s32 s0, v39;
	s0 =	simm.s32 $0xBF40;
	s26 =	sadd.s32 s4, s25;
	[dreg:$0x16] =	wrdreg s14  }
0x2e: {  	v24 =	vadd.s32 s16, v39;
	v34 =	vadd.s32 s10, v39;
	v38 =	vadd.s32 s15, v39;
	s15 =	simm.s32 $0x4;
	s6 =	sadd.s32 $0x261, s6;
	[dreg:$0x11] =	wrdreg s26  }
0x2f: {  	v27 =	vadd.s32 s22, v39;
	v36 =	vadd.s32 s11, v39;
	s25 =	sadd.s32 $0xA000, s13;
	v30 =	vadd.s32 s7, v39;
	s7 =	simm.s32 $0x0;
	s22 =	rddreg [dreg:$0x16]  }
0x30: {  	v37 =	vadd.s32 s12, v39;
	s26 =	simm.s32 $0x10E40;
	v35 =	vadd.s32 s22, v39;
	s22 =	simm.s32 $0x2;
	v39 =	vadd.s32 s6, v39;
	s6 =	simm.s32 $0x5  }
.LBB2_1:
0x31: {  	s9 =	simm.s32 $0x100;
	s8 =	simm.s32 $0x0  }
.LBB2_2:
0x32: {  	p1 =	sne.s32 s9, $0x3F00;
	[tilespmem:s8+$0x10E70] =	vst v40;
	s10 =	smov.u32 s9;
	s9 =	sadd.s32 $0x100, s9  }
.Ltmp0:
0x33: {  	[tilespmem:s8+$0x10E60] =	vst v40;
	(pc) =	sbr.rel @p1 .LBB2_2-.Ltmp0, $3  }
0x34: {  	[tilespmem:s8+$0x10E40] =	vst v40  }
0x35: {  	[tilespmem:s8+$0x10E50] =	vst v40;
	_ =	sdelay $0x1  }
0x36: {  	s8 =	sshra.s32 s10, $0x2  }
0x37: {  	[tilespmem:s8+$0x10E70] =	vst v40  }
0x38: {  	[tilespmem:s8+$0x10E60] =	vst v40  }
0x39: {  	[tilespmem:s8+$0x10E40] =	vst v40  }
0x3a: {  	[tilespmem:s8+$0x10E50] =	vst v40  }
0x3b: {  	[spmem:s5] =	stream.linear.scatter [tilespmem:s26], [sflag:$0x6], $0x1000, $0x38;
	[tilespmem:$0x11E40] =	vst v63  }
0x3c: {  	_ =	swait.ge [sflag:s28], $0x1000  }
0x3d: {  	[sflag:s28] =	ssyncset.done $0x0  }
0x3e: {  	s14 =	rddreg [dreg:$0x4];
	[sflag:s28] =	ssyncadd.s32 $0xFFFFF000  }
0x3f: {  	[spmem:s14] =	stream.linear.scatter [tilespmem:s26], [sflag:$0x6], $0x1000, $0x38;
	[tilespmem:$0x11E40] =	vst v63  }
0x40: {  	_ =	swait.ge [sflag:s28], $0x1000  }
0x41: {  	[sflag:s28] =	ssyncset.done $0x0  }
0x42: {  	s16 =	rddreg [dreg:$0x5];
	[sflag:s28] =	ssyncadd.s32 $0xFFFFF000  }
0x43: {  	[spmem:s16] =	stream.linear.scatter [tilespmem:s26], [sflag:$0x6], $0x1000, $0x38;
	[tilespmem:$0x11E40] =	vst v63  }
0x44: {  	_ =	swait.ge [sflag:s28], $0x1000  }
0x45: {  	[sflag:s28] =	ssyncset.done $0x0  }
0x46: {  	s9 =	rddreg [dreg:$0x6];
	[sflag:s28] =	ssyncadd.s32 $0xFFFFF000  }
0x47: {  	[spmem:s9] =	stream.linear.scatter [tilespmem:s26], [sflag:$0x6], $0x1000, $0x38;
	[tilespmem:$0x11E40] =	vst v63  }
0x48: {  	_ =	swait.ge [sflag:s28], $0x1000  }
0x49: {  	[sflag:s28] =	ssyncset.done $0x0  }
0x4a: {  	s10 =	rddreg [dreg:$0x7];
	[sflag:s28] =	ssyncadd.s32 $0xFFFFF000  }
0x4b: {  	[spmem:s10] =	stream.linear.scatter [tilespmem:s26], [sflag:$0x6], $0x1000, $0x38;
	[tilespmem:$0x11E40] =	vst v63  }
0x4c: {  	_ =	swait.ge [sflag:s28], $0x1000  }
0x4d: {  	[sflag:s28] =	ssyncset.done $0x0  }
0x4e: {  	s11 =	rddreg [dreg:$0x8];
	[sflag:s28] =	ssyncadd.s32 $0xFFFFF000  }
0x4f: {  	[spmem:s11] =	stream.linear.scatter [tilespmem:s26], [sflag:$0x6], $0x1000, $0x38;
	[tilespmem:$0x11E40] =	vst v63  }
0x50: {  	_ =	swait.ge [sflag:s28], $0x1000  }
0x51: {  	[sflag:s28] =	ssyncset.done $0x0  }
0x52: {  	s12 =	rddreg [dreg:$0x9];
	[sflag:s28] =	ssyncadd.s32 $0xFFFFF000  }
0x53: {  	[spmem:s12] =	stream.linear.scatter [tilespmem:s26], [sflag:$0x6], $0x1000, $0x38;
	[tilespmem:$0x11E40] =	vst v63  }
0x54: {  	_ =	swait.ge [sflag:s28], $0x1000  }
0x55: {  	[sflag:s28] =	ssyncset.done $0x0  }
0x56: {  	s13 =	rddreg [dreg:$0xa];
	[sflag:s28] =	ssyncadd.s32 $0xFFFFF000  }
0x57: {  	[spmem:s13] =	stream.linear.scatter [tilespmem:s26], [sflag:$0x6], $0x1000, $0x38;
	[tilespmem:$0x11E40] =	vst v63  }
0x58: {  	_ =	swait.ge [sflag:s28], $0x1000  }
0x59: {  	[sflag:s28] =	ssyncset.done $0x0  }
0x5a: {  	s14 =	rddreg [dreg:$0xb];
	[sflag:s28] =	ssyncadd.s32 $0xFFFFF000  }
0x5b: {  	[spmem:s14] =	stream.linear.scatter [tilespmem:s26], [sflag:$0x6], $0x1000, $0x38;
	[tilespmem:$0x11E40] =	vst v63  }
0x5c: {  	_ =	swait.ge [sflag:s28], $0x1000  }
0x5d: {  	[sflag:s28] =	ssyncset.done $0x0  }
0x5e: {  	s16 =	rddreg [dreg:$0xc];
	[sflag:s28] =	ssyncadd.s32 $0xFFFFF000  }
0x5f: {  	[spmem:s16] =	stream.linear.scatter [tilespmem:s26], [sflag:$0x6], $0x1000, $0x38;
	[tilespmem:$0x11E40] =	vst v63  }
.Ltmp1:
0x60: {  	_ =	swait.ge [sflag:s28], $0x1000;
	(pc) =	sbr.rel @p0 .LBB2_5-.Ltmp1, $3  }
0x61: {  	[sflag:s28] =	ssyncset.done $0x0  }
0x62: {  	[sflag:s28] =	ssyncadd.s32 $0xFFFFF000  }
0x63: {  	[bflag:$0x0] =	sbarrier.arrive $0xFFFF;
	_ =	sdelay $0x1  }
0x64: {  	[tilespmem:$0x105C0] =	vst v22  }
0x65: {  	[tilespmem:$0x105D0] =	vst v0  }
0x66: {  	[tilespmem:$0x105E0] =	vst v1  }
0x67: {  	[tilespmem:$0x105F0] =	vst v2  }
0x68: {  	[tilespmem:$0x10600] =	vst v3  }
0x69: {  	[tilespmem:$0x10610] =	vst v4  }
0x6a: {  	[tilespmem:$0x10620] =	vst v5  }
0x6b: {  	s8 =	rddreg [dreg:$0xd];
	[tilespmem:$0x1062D] =	vst v6  }
0x6c: {  	[tilespmem:s29], [sflag:$0x6] =	stream.linear.gather [hbm4b:s8+s3], $0x1F40, $0x38;
	[tilespmem:$0x11E40] =	vst v63  }
0x6d: {  	_ =	swait.ge [sflag:s28], $0x1F40  }
0x6e: {  	[sflag:s28] =	ssyncset.done $0x0  }
0x6f: {  	[sflag:s28] =	ssyncadd.s32 $0xFFFFE0C0  }
0x70: {  	[spmem:s2] =	stream.indirect.scatter.add.s16 [tilespmem:s29], [sflag:$0x6], $0x40, s31, s30, $0xb8;
	[tilespmem:$0x11E40] =	vst v63  }
0x71: {  	_ =	swait.ge [sflag:s28], $0x1F40  }
0x72: {  	[sflag:s28] =	ssyncset.done $0x0  }
0x73: {  	[sflag:s28] =	ssyncadd.s32 $0xFFFFE0C0  }
0x74: {  	[tilespmem:$0x105C0] =	vst v7  }
0x75: {  	[tilespmem:$0x105D0] =	vst v8  }
0x76: {  	[tilespmem:$0x105E0] =	vst v9  }
0x77: {  	[tilespmem:$0x105F0] =	vst v10  }
0x78: {  	[tilespmem:$0x10600] =	vst v11  }
0x79: {  	[tilespmem:$0x10610] =	vst v12  }
0x7a: {  	[tilespmem:$0x10620] =	vst v13  }
0x7b: {  	s12 =	rddreg [dreg:$0xe];
	[tilespmem:$0x1062D] =	vst v14  }
0x7c: {  	[tilespmem:s29], [sflag:$0x6] =	stream.linear.gather [hbm4b:s12+s3], $0x1F40, $0x38;
	[tilespmem:$0x11E40] =	vst v63  }
0x7d: {  	_ =	swait.ge [sflag:s28], $0x1F40  }
0x7e: {  	[sflag:s28] =	ssyncset.done $0x0  }
0x7f: {  	[sflag:s28] =	ssyncadd.s32 $0xFFFFE0C0  }
0x80: {  	[spmem:s2] =	stream.indirect.scatter.add.s16 [tilespmem:s29], [sflag:$0x6], $0x40, s31, s30, $0xb8;
	[tilespmem:$0x11E40] =	vst v63  }
0x81: {  	_ =	swait.ge [sflag:s28], $0x1F40  }
0x82: {  	[sflag:s28] =	ssyncset.done $0x0  }
0x83: {  	[sflag:s28] =	ssyncadd.s32 $0xFFFFE0C0  }
0x84: {  	[tilespmem:$0x105C0] =	vst v15  }
0x85: {  	[tilespmem:$0x105D0] =	vst v16  }
0x86: {  	[tilespmem:$0x105E0] =	vst v17  }
0x87: {  	[tilespmem:$0x105F0] =	vst v18  }
0x88: {  	[tilespmem:$0x10600] =	vst v19  }
0x89: {  	[tilespmem:$0x10610] =	vst v20  }
0x8a: {  	[tilespmem:$0x10620] =	vst v21  }
0x8b: {  	s13 =	rddreg [dreg:$0xf];
	[tilespmem:$0x1062D] =	vst v23  }
0x8c: {  	[tilespmem:s29], [sflag:$0x6] =	stream.linear.gather [hbm4b:s13+s3], $0x1F40, $0x38;
	[tilespmem:$0x11E40] =	vst v63  }
0x8d: {  	_ =	swait.ge [sflag:s28], $0x1F40  }
0x8e: {  	[sflag:s28] =	ssyncset.done $0x0  }
0x8f: {  	[sflag:s28] =	ssyncadd.s32 $0xFFFFE0C0  }
0x90: {  	[spmem:s2] =	stream.indirect.scatter.add.s16 [tilespmem:s29], [sflag:$0x6], $0x40, s31, s30, $0xb8;
	[tilespmem:$0x11E40] =	vst v63  }
0x91: {  	_ =	swait.ge [sflag:s28], $0x1F40  }
0x92: {  	[sflag:s28] =	ssyncset.done $0x0  }
0x93: {  	[sflag:s28] =	ssyncadd.s32 $0xFFFFE0C0  }
0x94: {  	[tilespmem:$0x105C0] =	vst v24  }
0x95: {  	[tilespmem:$0x105D0] =	vst v25  }
0x96: {  	[tilespmem:$0x105E0] =	vst v26  }
0x97: {  	[tilespmem:$0x105F0] =	vst v27  }
0x98: {  	[tilespmem:$0x10600] =	vst v28  }
0x99: {  	[tilespmem:$0x10610] =	vst v29  }
0x9a: {  	[tilespmem:$0x10620] =	vst v30  }
0x9b: {  	s14 =	rddreg [dreg:$0x10];
	[tilespmem:$0x1062D] =	vst v31  }
0x9c: {  	[tilespmem:s29], [sflag:$0x6] =	stream.linear.gather [hbm4b:s14+s3], $0x1F40, $0x38;
	[tilespmem:$0x11E40] =	vst v63  }
0x9d: {  	_ =	swait.ge [sflag:s28], $0x1F40  }
0x9e: {  	[sflag:s28] =	ssyncset.done $0x0  }
0x9f: {  	[sflag:s28] =	ssyncadd.s32 $0xFFFFE0C0  }
0xa0: {  	[spmem:s2] =	stream.indirect.scatter.add.s16 [tilespmem:s29], [sflag:$0x6], $0x40, s31, s30, $0xb8;
	[tilespmem:$0x11E40] =	vst v63  }
0xa1: {  	_ =	swait.ge [sflag:s28], $0x1F40  }
0xa2: {  	[sflag:s28] =	ssyncset.done $0x0  }
0xa3: {  	[sflag:s28] =	ssyncadd.s32 $0xFFFFE0C0  }
0xa4: {  	[tilespmem:$0x105C0] =	vst v32  }
0xa5: {  	[tilespmem:$0x105D0] =	vst v33  }
0xa6: {  	[tilespmem:$0x105E0] =	vst v34  }
0xa7: {  	[tilespmem:$0x105F0] =	vst v35  }
0xa8: {  	[tilespmem:$0x10600] =	vst v36  }
0xa9: {  	[tilespmem:$0x10610] =	vst v37  }
0xaa: {  	[tilespmem:$0x10620] =	vst v38  }
0xab: {  	s16 =	rddreg [dreg:$0x11];
	[tilespmem:$0x1062D] =	vst v39  }
0xac: {  	[tilespmem:s29], [sflag:$0x6] =	stream.linear.gather [hbm4b:s16+s3], $0x1F40, $0x38;
	[tilespmem:$0x11E40] =	vst v63  }
0xad: {  	_ =	swait.ge [sflag:s28], $0x1F40  }
0xae: {  	[sflag:s28] =	ssyncset.done $0x0  }
0xaf: {  	[sflag:s28] =	ssyncadd.s32 $0xFFFFE0C0  }
0xb0: {  	[spmem:s2] =	stream.indirect.scatter.add.s16 [tilespmem:s29], [sflag:$0x6], $0x40, s31, s30, $0xb8;
	[tilespmem:$0x11E40] =	vst v63  }
0xb1: {  	_ =	swait.ge [sflag:s28], $0x1F40  }
0xb2: {  	[sflag:s28] =	ssyncset.done $0x0  }
0xb3: {  	[sflag:s28] =	ssyncadd.s32 $0xFFFFE0C0  }
.LBB2_5:
0xb4: {  	s8 =	simm.s32 $0x0  }
0xb5: {  	[tilespmem:s1], [sflag:$0x3] =	stream.linear.gather [hbm4b:s23+s8], $0x400, $0x38;
	[tilespmem:$0x11E40] =	vst v63  }
0xb6: {  	s9 =	simm.s32 $0xDE80  }
0xb7: {  	[tilespmem:s9], [sflag:$0x3] =	stream.linear.gather [hbm4b:s25+s8], $0x400, $0x38;
	[tilespmem:$0x11E40] =	vst v63  }
0xb8: {  	_ =	swait.ge [sflag:s19], $0x400  }
0xb9: {  	[sflag:s19] =	ssyncset.done $0x0  }
0xba: {  	[sflag:s19] =	ssyncadd.s32 $0xFFFFFC00  }
0xbb: {  	_ =	swait.ge [sflag:s19], $0x400  }
0xbc: {  	[sflag:s19] =	ssyncset.done $0x0  }
0xbd: {  	s10 =	simm.s32 $0x0;
	s9 =	simm.s32 $0x1;
	[sflag:s19] =	ssyncadd.s32 $0xFFFFFC00  }
0xbe: {  	[tilespmem:s20], [sflag:$0x1] =	stream.indirect.gather [hbm4b:s4+s30], $0x40, s1, s30, $0xb8;
	[tilespmem:$0x11E40] =	vst v63  }
.LBB2_6:
0xbf: {  	_ =	swait.ge [sflag:s21], $0x1F40  }
0xc0: {  	s12 =	sand.u32 $0x400, s8;
	p1 =	seq.s32 s10, $0x0;
	[sflag:s21] =	ssyncset.done $0x0  }
0xc1: {  	s11 =	sadd.s32 $0xDE80, s12;
	s13 =	simm.s32 @!p1 $0x5;
	[sflag:s21] =	ssyncadd.s32 $0xFFFFE0C0  }
0xc2: {  	[spmem:s2] =	stream.indirect.scatter.add.s16 [tilespmem:s20], [sflag:$0x4], $0x40, s11, s30, $0xb8;
	[tilespmem:$0x11E40] =	vst v63  }
0xc3: {  	p2 =	seq.s32 @!p1 s10, $0x480;
	_ =	swait.ge @!p1 [sflag:s13], $0x1F40  }
0xc4: {  	p2 =	por p1, !p2;
	s11 =	sand.u32 $0x1, s9;
	[sflag:s13] =	ssyncset.done @!p1 $0x0  }
0xc5: {  	[sflag:s13] =	ssyncadd.s32 @!p1 $0xFFFFE0C0;
	s13 =	sshll.u32 @p2 s11, $0xA  }
0xc6: {  	s16 =	sadd.s32 @p2 s10, s18;
	s14 =	sadd.s32 @p2 $0x10640, s13  }
0xc7: {  	[tilespmem:s14], [sflag:$0x3] =	stream.linear.gather @p2 [hbm4b:s16+s3], $0x400, $0x38;
	[tilespmem:$0x11E40] =	vst v63  }
0xc8: {  	s13 =	sadd.s32 @p2 $0xDE80, s13;
	s14 =	sadd.s32 @p2 s10, s17  }
0xc9: {  	[tilespmem:s13], [sflag:$0x3] =	stream.linear.gather @p2 [hbm4b:s14+s3], $0x400, $0x38;
	[tilespmem:$0x11E40] =	vst v63  }
0xca: {  	s16 =	sadd.s32 $0x106C0, s12  }
0xcb: {  	[tilespmem:s0], [sflag:$0x2] =	stream.indirect.gather [hbm4b:s4+s30], $0x40, s16, s30, $0xb8;
	[tilespmem:$0x11E40] =	vst v63  }
0xcc: {  	_ =	swait.ge [sflag:s22], $0x1F40  }
0xcd: {  	[sflag:s22] =	ssyncset.done $0x0  }
0xce: {  	s14 =	sadd.s32 $0xDF00, s12;
	[sflag:s22] =	ssyncadd.s32 $0xFFFFE0C0  }
0xcf: {  	[spmem:s2] =	stream.indirect.scatter.add.s16 [tilespmem:s0], [sflag:$0x5], $0x40, s14, s30, $0xb8;
	[tilespmem:$0x11E40] =	vst v63  }
0xd0: {  	_ =	swait.ge [sflag:s15], $0x1F40  }
0xd1: {  	[sflag:s15] =	ssyncset.done $0x0  }
0xd2: {  	s16 =	sadd.s32 $0x10740, s12;
	[sflag:s15] =	ssyncadd.s32 $0xFFFFE0C0  }
0xd3: {  	[tilespmem:s20], [sflag:$0x1] =	stream.indirect.gather [hbm4b:s4+s30], $0x40, s16, s30, $0xb8;
	[tilespmem:$0x11E40] =	vst v63  }
0xd4: {  	_ =	swait.ge [sflag:s21], $0x1F40  }
0xd5: {  	[sflag:s21] =	ssyncset.done $0x0  }
0xd6: {  	s14 =	sadd.s32 $0xDF80, s12;
	[sflag:s21] =	ssyncadd.s32 $0xFFFFE0C0  }
0xd7: {  	[spmem:s2] =	stream.indirect.scatter.add.s16 [tilespmem:s20], [sflag:$0x4], $0x40, s14, s30, $0xb8;
	[tilespmem:$0x11E40] =	vst v63  }
0xd8: {  	_ =	swait.ge [sflag:s6], $0x1F40  }
0xd9: {  	[sflag:s6] =	ssyncset.done $0x0  }
0xda: {  	s16 =	sadd.s32 $0x107C0, s12;
	[sflag:s6] =	ssyncadd.s32 $0xFFFFE0C0  }
0xdb: {  	[tilespmem:s0], [sflag:$0x2] =	stream.indirect.gather [hbm4b:s4+s30], $0x40, s16, s30, $0xb8;
	[tilespmem:$0x11E40] =	vst v63  }
0xdc: {  	_ =	swait.ge [sflag:s22], $0x1F40  }
0xdd: {  	[sflag:s22] =	ssyncset.done $0x0  }
0xde: {  	s14 =	sor.u32 $0xE000, s12;
	[sflag:s22] =	ssyncadd.s32 $0xFFFFE0C0  }
0xdf: {  	[spmem:s2] =	stream.indirect.scatter.add.s16 [tilespmem:s0], [sflag:$0x5], $0x40, s14, s30, $0xb8;
	[tilespmem:$0x11E40] =	vst v63  }
0xe0: {  	_ =	swait.ge [sflag:s15], $0x1F40  }
0xe1: {  	[sflag:s15] =	ssyncset.done $0x0  }
0xe2: {  	s16 =	sadd.s32 $0x10840, s12;
	[sflag:s15] =	ssyncadd.s32 $0xFFFFE0C0  }
0xe3: {  	[tilespmem:s20], [sflag:$0x1] =	stream.indirect.gather [hbm4b:s4+s30], $0x40, s16, s30, $0xb8;
	[tilespmem:$0x11E40] =	vst v63  }
0xe4: {  	_ =	swait.ge [sflag:s21], $0x1F40  }
0xe5: {  	[sflag:s21] =	ssyncset.done $0x0  }
0xe6: {  	s14 =	sadd.s32 $0xE080, s12;
	[sflag:s21] =	ssyncadd.s32 $0xFFFFE0C0  }
0xe7: {  	[spmem:s2] =	stream.indirect.scatter.add.s16 [tilespmem:s20], [sflag:$0x4], $0x40, s14, s30, $0xb8;
	[tilespmem:$0x11E40] =	vst v63  }
0xe8: {  	_ =	swait.ge [sflag:s6], $0x1F40  }
0xe9: {  	[sflag:s6] =	ssyncset.done $0x0  }
0xea: {  	s16 =	sadd.s32 $0x108C0, s12;
	[sflag:s6] =	ssyncadd.s32 $0xFFFFE0C0  }
0xeb: {  	[tilespmem:s0], [sflag:$0x2] =	stream.indirect.gather [hbm4b:s4+s30], $0x40, s16, s30, $0xb8;
	[tilespmem:$0x11E40] =	vst v63  }
0xec: {  	_ =	swait.ge [sflag:s22], $0x1F40  }
0xed: {  	[sflag:s22] =	ssyncset.done $0x0  }
0xee: {  	s14 =	sadd.s32 $0xE100, s12;
	[sflag:s22] =	ssyncadd.s32 $0xFFFFE0C0  }
0xef: {  	[spmem:s2] =	stream.indirect.scatter.add.s16 [tilespmem:s0], [sflag:$0x5], $0x40, s14, s30, $0xb8;
	[tilespmem:$0x11E40] =	vst v63  }
0xf0: {  	_ =	swait.ge [sflag:s15], $0x1F40  }
0xf1: {  	[sflag:s15] =	ssyncset.done $0x0  }
0xf2: {  	s16 =	sadd.s32 $0x10940, s12;
	[sflag:s15] =	ssyncadd.s32 $0xFFFFE0C0  }
0xf3: {  	[tilespmem:s20], [sflag:$0x1] =	stream.indirect.gather [hbm4b:s4+s30], $0x40, s16, s30, $0xb8;
	[tilespmem:$0x11E40] =	vst v63  }
0xf4: {  	_ =	swait.ge [sflag:s21], $0x1F40  }
0xf5: {  	[sflag:s21] =	ssyncset.done $0x0  }
0xf6: {  	s14 =	sadd.s32 $0xE180, s12;
	[sflag:s21] =	ssyncadd.s32 $0xFFFFE0C0  }
0xf7: {  	[spmem:s2] =	stream.indirect.scatter.add.s16 [tilespmem:s20], [sflag:$0x4], $0x40, s14, s30, $0xb8;
	[tilespmem:$0x11E40] =	vst v63  }
0xf8: {  	_ =	swait.ge [sflag:s6], $0x1F40  }
0xf9: {  	[sflag:s6] =	ssyncset.done $0x0  }
0xfa: {  	s16 =	sadd.s32 $0x109C0, s12;
	[sflag:s6] =	ssyncadd.s32 $0xFFFFE0C0  }
0xfb: {  	[tilespmem:s0], [sflag:$0x2] =	stream.indirect.gather [hbm4b:s4+s30], $0x40, s16, s30, $0xb8;
	[tilespmem:$0x11E40] =	vst v63  }
0xfc: {  	_ =	swait.ge [sflag:s22], $0x1F40  }
0xfd: {  	[sflag:s22] =	ssyncset.done $0x0  }
0xfe: {  	s12 =	sadd.s32 $0xE200, s12;
	[sflag:s22] =	ssyncadd.s32 $0xFFFFE0C0  }
0xff: {  	[spmem:s2] =	stream.indirect.scatter.add.s16 [tilespmem:s0], [sflag:$0x5], $0x40, s12, s30, $0xb8;
	[tilespmem:$0x11E40] =	vst v63  }
0x100: {  	p1 =	por @!p1 $0x1, $0x1;
	_ =	swait.ge [sflag:s15], $0x1F40  }
0x101: {  	p1 =	por @p2 $0x0, $0x0;
	[sflag:s15] =	ssyncset.done $0x0  }
0x102: {  	s12 =	simm.s32 @!p1 $0x3;
	[sflag:s15] =	ssyncadd.s32 $0xFFFFE0C0  }
0x103: {  	_ =	swait.ge @!p1 [sflag:s12], $0x400  }
0x104: {  	[sflag:s12] =	ssyncset.done @!p1 $0x0  }
0x105: {  	[sflag:s12] =	ssyncadd.s32 @!p1 $0xFFFFFC00  }
0x106: {  	s11 =	sshll.u32 @!p1 s11, $0xA;
	_ =	swait.ge @!p1 [sflag:s12], $0x400  }
0x107: {  	s10 =	sadd.s32 $0x80, s10;
	s11 =	sadd.s32 @!p1 $0x10640, s11;
	[sflag:s12] =	ssyncset.done @!p1 $0x0  }
0x108: {  	s13 =	simm.s32 @!p1 $0xA000;
	[sflag:s12] =	ssyncadd.s32 @!p1 $0xFFFFFC00;
	s12 =	simm.s32 @!p1 $0x7D  }
0x109: {  	[tilespmem:s13], [sflag:$0x1] =	stream.indirect.gather @!p1 [hbm4b:s4+s12], $0x40, s11, s12, $0xb8;
	[tilespmem:$0x11E40] =	vst v63  }
0x10a: {  	p1 =	sne.s32 s10, $0x500  }
.Ltmp2:
0x10b: {  	_ = 	snop;
	(pc) =	sbr.rel @p1 .LBB2_6-.Ltmp2, $2  }
0x10c: {  	_ =	sdelay $0x2  }
0x10d: {  	s8 =	sadd.s32 $0x400, s8;
	s9 =	sadd.s32 $0x1, s9  }
0x10e: {  	_ =	swait.ge [sflag:s6], $0x1F40  }
0x10f: {  	s8 =	stileid.u32;
	[sflag:s6] =	ssyncset.done $0x0  }
0x110: {  	s9 =	sshrl.u32 s5, $0x3;
	s7 =	sadd.s32 $0x1, s7;
	[sflag:s6] =	ssyncadd.s32 $0xFFFFE0C0  }
0x111: {  	s8 =	sshll.u32 s8, $0x6;
	p1 =	sne.s32 s7, s24;
	[bflag:$0x0] =	sbarrier.arrive $0xFFFF  }
.Ltmp3:
0x112: {  	s8 =	sor.u32 $0x1C06, s8;
	s10 =	rddreg [dreg:$0x12];
	(pc) =	sbr.rel @p1 .LBB2_1-.Ltmp3, $4  }
0x113: {  	[hbm:s10], [sflag:s8] =	dma.local [spmem:s9], $0x1400  }
0x114: {  	_ =	swait.ge [sflag:s28], $0x1400  }
0x115: {  	[sflag:s28] =	ssyncset.done $0x0  }
0x116: {  	[sflag:s28] =	ssyncadd.s32 $0xFFFFEC00  }
0x117: {  	_ =	sfence.sel $0x180000  }
0x118: {  	[bflag:$0x0] =	sbarrier.arrive $0xFFFF  }
0x119: {  	_ =	strace $0x9000004D  }
0x11a: {  	s0 =	stileid.u32;
	[bflag:$0x2] =	sbarrier.arrive $0xFFFF  }
0x11b: {  	p0 =	sne.s32 s0, $0x0;
	s0 =	rddreg [dreg:$0x3]  }
0x11c: {  	s0 =	sadd.s32 @!p0 $0x100000, s0  }
0x11d: {  	[sflag:s0] =	ssyncadd.tile.s32 @!p0 $0x1;
	_ =	shalt  }
.Lfunc_end2:
_tile_overlayer_lowered:
.L_overlay_start_2:
0x11e: {  	(tag) =	ssettag $0x2  }
0x11f: {  	s0 =	rddreg [dreg:$0x0];
	s2 =	stileid.u32  }
0x120: {  	s1 =	rddreg [dreg:$0x1];
	p0 =	sne.s32 s2, $0x0  }
0x121: {  	s3 =	rddreg [dreg:$0x2];
	[bflag:$0x3] =	sbarrier.arrive $0xFFFF;
	s2 =	simm.s32 @!p0 $0x1C06  }
0x122: {  	[timem:s3], [sflag:s2] =	dma.local @!p0 [hbm:s0], s1  }
0x123: {  	s0 =	simm.s32 @!p0 $0x6  }
0x124: {  	_ =	swait.ge @!p0 [sflag:s0], s1  }
0x125: {  	s1 =	ssub.s32 @!p0 $0x0, s1;
	[sflag:s0] =	ssyncset.done @!p0 $0x0  }
0x126: {  	[sflag:s0] =	ssyncadd.s32 @!p0 s1  }
0x127: {  	[bflag:$0x3] =	sbarrier.arrive $0xFFFF  }
0x128: {  	_ =	shalt  }

// kernel: kernel.8.cloned.1.call-start
scs
__scs_entry_jumppad:
0x0: {  	(pc) =	sbr.rel $0x88, $3  }
0x1: {  	(tag) =	ssettag $0x0;
	lr =	simm.s32 $0x1  }
0x2: {  	[smem:$0x3F9B] =	sst lr;
	_ =	strace $0xD0000000  }
0x3: {  	_ = 	snop  }
0x4: {  	_ = 	snop  }
0x5: {  	_ = 	snop  }
0x6: {  	_ = 	snop  }
0x7: {  	_ = 	snop  }
__scs_overlays_trampoline_lowered:
0x8: {  	[smem:$0x3FAA] =	sst s0  }
0x9: {  	[smem:$0x3FAB] =	sst s1  }
0xa: {  	[smem:$0x3FAC] =	sst s2  }
0xb: {  	[smem:$0x3FAD] =	sst s3  }
0xc: {  	[smem:$0x3FAE] =	sst s4  }
0xd: {  	[smem:$0x3FAF] =	sst s5  }
0xe: {  	[smem:$0x3FB0] =	sst s6  }
0xf: {  	[smem:$0x3FB1] =	sst s7  }
0x10: {  	[smem:$0x3FB2] =	sst s8  }
0x11: {  	[smem:$0x3FB3] =	sst s9;
	s0 =	simm.s32 @!p0 $0x0  }
0x12: {  	s1 =	sld [smem:$0x3F99];
	s0 =	simm.s32 @p0 $0x1  }
0x13: {  	[smem:$0x3FB4] =	sst s0;
	s0 =	simm.s32 @!p1 $0x0  }
0x14: {  	s2 =	sld [smem:$0x3F98];
	s0 =	simm.s32 @p1 $0x1  }
0x15: {  	[smem:$0x3FB5] =	sst s0;
	s0 =	simm.s32 @!p2 $0x0  }
0x16: {  	s3 =	sld [smem:$0x3FDB];
	s0 =	simm.s32 @p2 $0x1  }
0x17: {  	s4 =	simm.s32 $0x1BF5;
	[smem:$0x3FB7] =	sst s0  }
0x18: {  	s0 =	sld [smem:$0x3F9A];
	_ =	swait.ge [sflag:s4], $0x0  }
0x19: {  	s7 =	sld [smem:$0x3F9B]  }
0x1a: {  	s8 =	sadd.s32 $0xFFFFE003, lr  }
0x1b: {  	s9 =	sadd.s32 $0xFFFFFEF7, lr;
	s5 =	simm.s32 $0xFFFFFFFF;
	p2 =	slt.u32 s8, $0xFFFFF086  }
0x1c: {  	p1 =	slt.u32 s9, $0xF7A;
	s5 =	simm.s32 @!p2 $0x0  }
0x1d: {  	s5 =	simm.s32 @p1 $0x1;
	p0 =	seq.s32 s7, s2  }
0x1e: {  	s7 =	smul.u32 @!p0 $0xF7A, s2;
	p2 =	seq.s32 @!p0 s5, $0x0  }
0x1f: {  	s9 =	smul.u32 $0xF7A, s1;
	s8 =	simm.s32 @!p0 $0x1BF5;
	p2 =	por !p2, p0  }
0x20: {  	[sflag:s8] =	ssyncset.s32 @!p0 $0xFFFFF086;
	s6 =	sadd.s32 @!p0 s3, s7;
	s7 =	simm.s32 @!p0 $0x108  }
0x21: {  	s3 =	sadd.s32 s3, s9;
	s6 =	sadd.s32 @!p0 $0x88, s6;
	s7 =	simm.s32 @p2 $0x1082  }
0x22: {  	[simem:s7], [sflag:s8] =	dma.local @!p0 [hbm:s6], $0xF7A  }
0x23: {  	s9 =	sor.u32 $0xD0000000, s2;
	s6 =	simm.s32 $0x108;
	_ =	swait.ge @!p0 [sflag:s8], $0x0  }
0x24: {  	s3 =	sadd.s32 $0x88, s3;
	s6 =	simm.s32 @!p1 $0x1082;
	[sflag:s4] =	ssyncset.s32 $0xFFFFF086  }
0x25: {  	[simem:s6], [sflag:s4] =	dma.local [hbm:s3], $0xF7A  }
0x26: {  	[smem:$0x3F9B] =	sst s1;
	(tag) =	ssettag s2;
	_ =	strace s9  }
0x27: {  	s1 =	sld [smem:$0x3FAB]  }
0x28: {  	s2 =	sld [smem:$0x3FAC]  }
0x29: {  	s4 =	sld [smem:$0x3FAE]  }
0x2a: {  	p0 =	seq.s32 s5, $0x0;
	s5 =	sld [smem:$0x3FAF]  }
0x2b: {  	s6 =	sld [smem:$0x3FB0]  }
0x2c: {  	s7 =	sld [smem:$0x3FB1]  }
0x2d: {  	s3 =	simm.s32 $0x108;
	s8 =	sld [smem:$0x3FB2]  }
0x2e: {  	s3 =	simm.s32 @!p0 $0x1082;
	s9 =	sld [smem:$0x3FB3]  }
0x2f: {  	lr =	sadd.s32 s0, s3;
	s0 =	sld [smem:$0x3FAA]  }
0x30: {  	s3 =	sld [smem:$0x3FAD]  }
0x31: {  	[smem:$0x3FB6] =	sst s10  }
0x32: {  	s10 =	sld [smem:$0x3FB4];
	_ =	sdelay $0x3  }
0x33: {  	p0 =	seq.s32 s10, $0x1;
	s10 =	sld [smem:$0x3FB6];
	_ =	sdelay $0x3  }
0x34: {  	[smem:$0x3FB6] =	sst s10  }
0x35: {  	s10 =	sld [smem:$0x3FB5];
	_ =	sdelay $0x3  }
0x36: {  	p1 =	seq.s32 s10, $0x1;
	s10 =	sld [smem:$0x3FB6];
	_ =	sdelay $0x3  }
0x37: {  	[smem:$0x3FB6] =	sst s10  }
0x38: {  	s10 =	sld [smem:$0x3FB7]  }
0x39: {  	_ = 	snop;
	(pc) =	sbr.ind lr, $3  }
0x3a: {  	_ = 	snop  }
0x3b: {  	_ = 	snop  }
0x3c: {  	p2 =	seq.s32 s10, $0x1;
	s10 =	sld [smem:$0x3FB6]  }
0x3d: {  	_ =	shalt  }
0x3e: {  	_ =	shalt  }
0x3f: {  	_ =	shalt  }
0x40: {  	_ =	shalt  }
0x41: {  	_ =	shalt  }
0x42: {  	_ =	shalt  }
0x43: {  	_ =	shalt  }
0x44: {  	_ =	shalt  }
0x45: {  	_ =	shalt  }
0x46: {  	_ =	shalt  }
0x47: {  	_ =	shalt  }
0x48: {  	_ =	shalt  }
0x49: {  	_ =	shalt  }
0x4a: {  	_ =	shalt  }
0x4b: {  	_ =	shalt  }
0x4c: {  	_ =	shalt  }
0x4d: {  	_ =	shalt  }
0x4e: {  	_ =	shalt  }
0x4f: {  	_ =	shalt  }
0x50: {  	_ =	shalt  }
0x51: {  	_ =	shalt  }
0x52: {  	_ =	shalt  }
0x53: {  	_ =	shalt  }
0x54: {  	_ =	shalt  }
0x55: {  	_ =	shalt  }
0x56: {  	_ =	shalt  }
0x57: {  	_ =	shalt  }
0x58: {  	_ =	shalt  }
0x59: {  	_ =	shalt  }
0x5a: {  	_ =	shalt  }
0x5b: {  	_ =	shalt  }
0x5c: {  	_ =	shalt  }
0x5d: {  	_ =	shalt  }
0x5e: {  	_ =	shalt  }
0x5f: {  	_ =	shalt  }
0x60: {  	_ =	shalt  }
0x61: {  	_ =	shalt  }
0x62: {  	_ =	shalt  }
0x63: {  	_ =	shalt  }
0x64: {  	_ =	shalt  }
0x65: {  	_ =	shalt  }
0x66: {  	_ =	shalt  }
0x67: {  	_ =	shalt  }
0x68: {  	_ =	shalt  }
0x69: {  	_ =	shalt  }
0x6a: {  	_ =	shalt  }
0x6b: {  	_ =	shalt  }
0x6c: {  	_ =	shalt  }
0x6d: {  	_ =	shalt  }
0x6e: {  	_ =	shalt  }
0x6f: {  	_ =	shalt  }
0x70: {  	_ =	shalt  }
0x71: {  	_ =	shalt  }
0x72: {  	_ =	shalt  }
0x73: {  	_ =	shalt  }
0x74: {  	_ =	shalt  }
0x75: {  	_ =	shalt  }
0x76: {  	_ =	shalt  }
0x77: {  	_ =	shalt  }
0x78: {  	_ =	shalt  }
0x79: {  	_ =	shalt  }
0x7a: {  	_ =	shalt  }
0x7b: {  	_ =	shalt  }
0x7c: {  	_ =	shalt  }
0x7d: {  	_ =	shalt  }
0x7e: {  	_ =	shalt  }
0x7f: {  	_ =	shalt  }
0x80: {  	_ =	shalt  }
0x81: {  	_ =	shalt  }
0x82: {  	_ =	shalt  }
0x83: {  	_ =	shalt  }
0x84: {  	_ =	shalt  }
0x85: {  	_ =	shalt  }
0x86: {  	_ =	shalt  }
0x87: {  	_ =	shalt  }
.Lfunc_end0:
.L_simem_size_0:
called_computation_lowered:
.L_overlay_start_0:
0x88: {  	s2 =	sld [smem:$0x3FD9]  }
0x89: {  	s3 =	sld [smem:$0x3FFE];
	_ =	sdelay $0x1  }
0x8a: {  	s1 =	srdreg.scid  }
0x8b: {  	s0 =	sand.u32 $0x1, s1  }
0x8c: {  	s17 =	sshll.u32 s0, $0xA;
	s2 =	sadd.s32 s3, s2  }
0x8d: {  	s2 =	sadd.s32 s2, s17  }
0x8e: {  	[smem:$0x3FC2] =	sst s2  }
0x8f: {  	_ = 	snop  }
0x90: {  	s2 =	sld [smem:$0x3FD0];
	(tm) =	ssettm $0x1  }
0x91: {  	s18 =	sld [smem:$0x3FFB];
	_ =	sdelay $0x3  }
0x92: {  	_ =	strace s18  }
0x93: {  	s3 =	sld [smem:$0x3FFC];
	_ =	sdelay $0x3  }
0x94: {  	_ =	strace s3  }
0x95: {  	s3 =	sld [smem:$0x3FFD];
	_ =	sdelay $0x3  }
0x96: {  	_ =	strace s3  }
0x97: {  	_ =	strace $0x8FFFFFFF  }
0x98: {  	s19 =	sld [smem:$0x3FDB];
	_ =	sdelay $0x1  }
0x99: {  	s4 =	simm.s32 $_scs_section_size  }
0x9a: {  	s5 =	simm.s32 $_size__tile_overlayer_lowered;
	s6 =	simm.s32 $_tile_overlayer_lowered  }
0x9b: {  	s22 =	simm.s32 $0x1BFF;
	s21 =	sshll.u32 s6, $0x1;
	s3 =	sadd.s32 s4, s19  }
0x9c: {  	s7 =	simm.s32 $0x0;
	s20 =	sshll.u32 s5, $0x1;
	s5 =	sadd.s32 s21, s3  }
0x9d: {  	[timem:s7], [sflag:s22] =	dma.local [hbm:s5], s20  }
0x9e: {  	_ =	swait.ge [sflag:s22], s20  }
0x9f: {  	s4 =	ssub.s32 $0x0, s20;
	[sflag:s22] =	ssyncset.done $0x0  }
0xa0: {  	[sflag:s22] =	ssyncadd.s32 s4;
	_ =	sdelay $0x1  }
0xa1: {  	s23 =	simm.s32 $0x1B8B  }
0xa2: {  	_ =	swait.ge [sflag:s23], $0x1  }
0xa3: {  	[sflag:s23] =	ssyncset.done $0x0  }
0xa4: {  	s25 =	simm.s32 $0x1B8E;
	s24 =	sld [smem:$0x3FFE];
	[sflag:s23] =	ssyncadd.s32 $0xFFFFFFFF  }
0xa5: {  	s26 =	simm.s32 $execute0_lowered;
	[smem:$0x3FD2] =	sst s25  }
0xa6: {  	s5 =	sshll.u32 s26, $0x1;
	_ =	strace $0x80000046;
	[dreg:$0x1] =	wrdreg $0xFFFFFFFF  }
0xa7: {  	s28 =	simm.s32 $_size_execute0_lowered;
	s3 =	sadd.s32 s3, s5;
	[dreg:$0x0] =	wrdreg $0x0  }
0xa8: {  	s5 =	sshll.u32 s28, $0x1;
	[dreg:$0x2] =	wrdreg s3  }
0xa9: {  	[dreg:$0x3] =	wrdreg s5  }
0xaa: {  	[dreg:$0x4] =	wrdreg $0xC0  }
0xab: {  	_ =	task [dreg:s7], $0x5FFFF  }
0xac: {  	[dreg:$0x1] =	wrdreg $0xFFFFFFFF  }
0xad: {  	[dreg:$0x0] =	wrdreg $0x60  }
0xae: {  	[dreg:$0x2] =	wrdreg s2  }
0xaf: {  	[dreg:$0x3] =	wrdreg s24  }
0xb0: {  	[dreg:$0x4] =	wrdreg $0x0  }
0xb1: {  	[dreg:$0x5] =	wrdreg $0x9  }
0xb2: {  	_ =	task.clear_ibuf [dreg:s7], $0x6FFFF;
	_ =	strace $0x90000046  }
0xb3: {  	s29 =	simm.s32 $0x9;
	_ =	strace $0x80000048  }
0xb4: {  	_ =	swait.ge [sflag:s29], $0x1  }
0xb5: {  	[sflag:s29] =	ssyncadd.s32 $0xFFFFFFFF  }
0xb6: {  	_ =	strace $0x90000048  }
0xb7: {  	_ =	sfence  }
0xb8: {  	s30 =	sld [smem:$0x0];
	_ =	sdelay $0x2  }
0xb9: {  	s31 =	sshll.u32 s1, $0xD;
	s1 =	sshrl.u32 s1, $0x2  }
0xba: {  	s3 =	sand.u32 $0x4000, s31;
	s1 =	sadd.s32 s1, s30  }
0xbb: {  	s0 =	sor.u32 s3, s0;
	s1 =	sshll.u32 s1, $0x11  }
0xbc: {  	s0 =	sor.u32 s1, s0  }
0xbd: {  	s0 =	sadd.s32 $0x8F2B, s0  }
0xbe: {  	[sflag:s0] =	ssyncadd.remote.s32 $0x1  }
0xbf: {  	_ =	sfence.sel $0xFFFF  }
0xc0: {  	[dreg:$0x0] =	wrdreg $0xFFFFFFFF;
	(pc) =	sbr.abs _section_cstart, $3  }
0xc1: {  	[dreg:$0x1] =	wrdreg $0xFFFFFFFF  }
0xc2: {  	_ =	task.clear_ibuf [dreg:s7], $0x2FFFF;
	_ =	strace $0x9FFFFFFF  }
0xc3: {  	(tm) =	ssettm $0x7FFFFFFF  }
tec
execute0_lowered:
.L_overlay_start_1:
0x0: {  	(tag) =	ssettag $0x1  }
0x1: {  	s5 =	rddreg [dreg:$0x0]  }
0x2: {  	s1 =	srdreg.scid;
	s4 =	rddreg [dreg:$0x1]  }
0x3: {  	s0 =	stileid.u32;
	s2 =	rddreg [dreg:$0x2];
	s3 =	simm.s32 $0x0  }
0x4: {  	s11 =	simm.s32 $0x7D;
	s12 =	simm.s32 $0x2A80;
	s15 =	simm.s32 $0x0  }
0x5: {  	s6 =	sand.u32 $0x1, s1;
	s7 =	smul.u32 $0x280, s0;
	s1 =	rddreg [dreg:$0x3]  }
0x6: {  	s9 =	sshll.u32 s0, $0x1;
	[smem:$0x7FF] =	sst s3;
	s8 =	smul.u32 $0x2800, s6  }
0x7: {  	s13 =	sshll.u32 s0, $0x6;
	s9 =	sor.u32 s6, s9;
	_ =	strace $0x80000047  }
0x8: {  	s6 =	ssub.s32 $0x2, s6;
	s9 =	smul.u32 $0x2800, s9;
	s8 =	sadd.s32 s7, s8  }
0x9: {  	s13 =	sor.u32 $0x1C01, s13;
	s31 =	sshrl.u32 s6, $0x1;
	s8 =	sshrl.u32 s8, $0x3  }
0xa: {  	s10 =	ssub.s32 s6, s31;
	s9 =	sshrl.u32 s9, $0x3;
	s8 =	sadd.s32 s8, s4  }
0xb: {  	s4 =	sadd.s32 s7, s2;
	s5 =	sadd.s32 s5, s9;
	s7 =	smax.u32 s10, $0x1  }
0xc: {  	s9 =	simm.s32 $0x1;
	s10 =	simm.s32 $0x280;
	s5 =	sadd.s32 $0xA000, s5  }
0xd: {  	v0 =	vimm.f32 $0.0e+00;
	v1 =	vimm.f32 $1.000000000e+00;
	s6 =	sadd.s32 $0x1C00, s8;
	s8 =	simm.s32 $0x2B00;
	s14 =	sshrl.u32 s4, $0x3  }
.LBB2_1:
0xe: {  	[tilespmem:$0x2B00] =	vst v0  }
0xf: {  	[tilespmem:$0x2B10] =	vst v0  }
0x10: {  	[tilespmem:$0x2B20] =	vst v0  }
0x11: {  	[tilespmem:$0x2B30] =	vst v0  }
0x12: {  	[tilespmem:$0x2B40] =	vst v0  }
0x13: {  	[tilespmem:$0x2B50] =	vst v0  }
0x14: {  	[tilespmem:$0x2B60] =	vst v0  }
0x15: {  	[tilespmem:$0x2B70] =	vst v0  }
0x16: {  	[tilespmem:$0x2B80] =	vst v0  }
0x17: {  	[tilespmem:$0x2B90] =	vst v0  }
0x18: {  	[tilespmem:$0x2BA0] =	vst v0  }
0x19: {  	[tilespmem:$0x2BB0] =	vst v0  }
0x1a: {  	[tilespmem:$0x2BC0] =	vst v0  }
0x1b: {  	[tilespmem:$0x2BD0] =	vst v0  }
0x1c: {  	[tilespmem:$0x2BE0] =	vst v0  }
0x1d: {  	[tilespmem:$0x2BF0] =	vst v0  }
0x1e: {  	[tilespmem:$0x2C00] =	vst v0  }
0x1f: {  	[tilespmem:$0x2C10] =	vst v0  }
0x20: {  	[tilespmem:$0x2C20] =	vst v0  }
0x21: {  	[tilespmem:$0x2C30] =	vst v0  }
0x22: {  	[tilespmem:$0x2C40] =	vst v0  }
0x23: {  	[tilespmem:$0x2C50] =	vst v0  }
0x24: {  	[tilespmem:$0x2C60] =	vst v0  }
0x25: {  	[tilespmem:$0x2C70] =	vst v0  }
0x26: {  	[tilespmem:$0x2C80] =	vst v0  }
0x27: {  	[tilespmem:$0x2C90] =	vst v0  }
0x28: {  	[tilespmem:$0x2CA0] =	vst v0  }
0x29: {  	[tilespmem:$0x2CB0] =	vst v0  }
0x2a: {  	[tilespmem:$0x2CC0] =	vst v0  }
0x2b: {  	[tilespmem:$0x2CD0] =	vst v0  }
0x2c: {  	[tilespmem:$0x2CE0] =	vst v0  }
0x2d: {  	[tilespmem:$0x2CF0] =	vst v0  }
0x2e: {  	[tilespmem:$0x2D00] =	vst v0  }
0x2f: {  	[tilespmem:$0x2D10] =	vst v0  }
0x30: {  	[tilespmem:$0x2D20] =	vst v0  }
0x31: {  	[tilespmem:$0x2D30] =	vst v0  }
0x32: {  	[tilespmem:$0x2D40] =	vst v0  }
0x33: {  	[tilespmem:$0x2D50] =	vst v0  }
0x34: {  	[tilespmem:$0x2D60] =	vst v0  }
0x35: {  	[tilespmem:$0x2D70] =	vst v0  }
0x36: {  	[spmem:s4] =	stream.linear.scatter [tilespmem:s8], [sflag:$0x1], $0x280, $0x38;
	[tilespmem:$0x2D80] =	vst v63  }
0x37: {  	_ =	swait.ge [sflag:s9], $0x280  }
0x38: {  	[sflag:s9] =	ssyncset.done $0x0  }
0x39: {  	[sflag:s9] =	ssyncadd.s32 $0xFFFFFD80  }
0x3a: {  	[tilespmem:$0x2A80] =	vst v1  }
0x3b: {  	[tilespmem:$0x2A90] =	vst v1  }
0x3c: {  	[tilespmem:$0x2AA0] =	vst v1  }
0x3d: {  	[tilespmem:$0x2AB0] =	vst v1  }
0x3e: {  	[tilespmem:$0x2AC0] =	vst v1  }
0x3f: {  	[tilespmem:$0x2AD0] =	vst v1  }
0x40: {  	[tilespmem:$0x2AE0] =	vst v1  }
0x41: {  	[tilespmem:$0x2AED] =	vst v1  }
0x42: {  	[tilespmem:s10], [sflag:$0x1] =	stream.linear.gather [hbm4b:s5+s3], $0x2800, $0x38;
	[tilespmem:$0x2D80] =	vst v63  }
0x43: {  	_ =	swait.ge [sflag:s9], $0x2800  }
0x44: {  	[sflag:s9] =	ssyncset.done $0x0  }
0x45: {  	[sflag:s9] =	ssyncadd.s32 $0xFFFFD800  }
0x46: {  	s16 =	simm.s32 $0x280;
	[bflag:$0x0] =	sbarrier.arrive $0xFFFF  }
0x47: {  	[spmem:s2] =	stream.indirect.scatter.add.f32 [tilespmem:s12], [sflag:$0x1], $0x1, s16, s11, $0xb8;
	[tilespmem:$0x2D80] =	vst v63  }
0x48: {  	s16 =	simm.s32 $0x200;
	_ =	swait.ge [sflag:s9], $0x7D  }
.LBB2_2:
0x49: {  	s17 =	sshra.s32 s16, $0x2;
	[sflag:s9] =	ssyncset.done $0x0;
	p0 =	sne.s32 s16, $0x9E00  }
.Ltmp0:
0x4a: {  	s17 =	sadd.s32 $0x280, s17;
	[sflag:s9] =	ssyncadd.s32 $0xFFFFFF83;
	(pc) =	sbr.rel @p0 .LBB2_2-.Ltmp0, $3  }
0x4b: {  	[spmem:s2] =	stream.indirect.scatter.add.f32 [tilespmem:s12], [sflag:$0x1], $0x1, s17, s11, $0xb8;
	[tilespmem:$0x2D80] =	vst v63  }
0x4c: {  	s16 =	sadd.s32 $0x200, s16;
	_ =	sdelay $0x1  }
0x4d: {  	_ =	swait.ge [sflag:s9], $0x7D  }
0x4e: {  	[sflag:s9] =	ssyncset.done $0x0;
	s15 =	sadd.s32 $0x1, s15  }
0x4f: {  	[sflag:s9] =	ssyncadd.s32 $0xFFFFFF83;
	p0 =	sne.s32 s15, s7  }
.Ltmp1:
0x50: {  	[bflag:$0x0] =	sbarrier.arrive $0xFFFF;
	(pc) =	sbr.rel @p0 .LBB2_1-.Ltmp1, $4  }
0x51: {  	[hbm:s6], [sflag:s13] =	dma.local [spmem:s14], $0x50  }
0x52: {  	_ =	swait.ge [sflag:s9], $0x50  }
0x53: {  	[sflag:s9] =	ssyncset.done $0x0  }
0x54: {  	[sflag:s9] =	ssyncadd.s32 $0xFFFFFFB0  }
0x55: {  	_ =	sfence.sel $0x180000  }
0x56: {  	[bflag:$0x0] =	sbarrier.arrive $0xFFFF  }
0x57: {  	p0 =	sne.s32 s0, $0x0;
	_ =	strace $0x90000047  }
0x58: {  	s0 =	sadd.s32 @!p0 $0x100000, s1;
	[bflag:$0x2] =	sbarrier.arrive $0xFFFF  }
0x59: {  	[sflag:s0] =	ssyncadd.tile.s32 @!p0 $0x1;
	_ =	shalt  }
.Lfunc_end2:
_tile_overlayer_lowered:
.L_overlay_start_2:
0x5a: {  	(tag) =	ssettag $0x2  }
0x5b: {  	s0 =	rddreg [dreg:$0x0];
	s2 =	stileid.u32  }
0x5c: {  	s1 =	rddreg [dreg:$0x1];
	p0 =	sne.s32 s2, $0x0  }
0x5d: {  	s3 =	rddreg [dreg:$0x2];
	[bflag:$0x3] =	sbarrier.arrive $0xFFFF;
	s2 =	simm.s32 @!p0 $0x1C01  }
0x5e: {  	[timem:s3], [sflag:s2] =	dma.local @!p0 [hbm:s0], s1  }
0x5f: {  	s0 =	simm.s32 @!p0 $0x1  }
0x60: {  	_ =	swait.ge @!p0 [sflag:s0], s1  }
0x61: {  	s1 =	ssub.s32 @!p0 $0x0, s1;
	[sflag:s0] =	ssyncset.done @!p0 $0x0  }
0x62: {  	[sflag:s0] =	ssyncadd.s32 @!p0 s1  }
0x63: {  	[bflag:$0x3] =	sbarrier.arrive $0xFFFF  }
0x64: {  	_ =	shalt  }

</sc_bundles>
